<compile_context>
chip_gen: v7x
topology: tpu7x:2x2x1
jax: 0.10.2.dev20260603
libtpu: 0.0.44.dev20260713+nightly
codegen_flags: <defaults>
</compile_context>

<pallas_src>
import dataclasses

import jax
import jax.numpy as jnp
from jax import lax
from jax.experimental import pallas as pl
from jax.experimental.pallas import tpu as pltpu
from jax.experimental.pallas import tpu_sc as plsc

N_NODES_ = 10000
N_EDGES_ = 320000
D_ = 128

NC_ = 2
NS_ = 16
L_ = 16
NW_ = NC_ * NS_
PER_W_ = N_EDGES_ // NW_
W_ = 400
NCHUNK_ = PER_W_ // W_
NBATCH_ = W_ // L_
D32_ = D_ // 2


def _issue_gathers(h_hbm, sidx, didx, u_buf, v_buf, sem, chunk):
  off = pl.multiple_of(chunk * W_, 8)
  pltpu.make_async_copy(h_hbm.at[sidx.at[pl.ds(off, W_)]], u_buf, sem).start()
  pltpu.make_async_copy(h_hbm.at[didx.at[pl.ds(off, W_)]], v_buf, sem).start()


def _wait_gathers(h_hbm, sidx, didx, u_buf, v_buf, sem, chunk):
  off = pl.multiple_of(chunk * W_, 8)
  pltpu.make_async_copy(h_hbm.at[sidx.at[pl.ds(off, W_)]], u_buf, sem).wait()
  pltpu.make_async_copy(h_hbm.at[didx.at[pl.ds(off, W_)]], v_buf, sem).wait()


def _compute_chunk(u_buf, v_buf, acc, s_buf):
  row_iota = lax.iota(jnp.int32, L_)

  @plsc.parallel_loop(0, NBATCH_)
  def _(t):
    r0 = t * L_
    for e in range(L_):
      row = r0 + e
      def _bf(buf, k):
        return plsc.bitcast(buf[row, pl.ds(k * L_, L_)], jnp.bfloat16)

      p = _bf(u_buf, 0) * _bf(v_buf, 0)
      for k in range(1, D32_ // L_):
        p += _bf(u_buf, k) * _bf(v_buf, k)
      pa, pb = plsc.unpack(p, format=plsc.PackFormat.INTERLEAVED)
      acc[row, :] = pa + pb
    ridx = row_iota + r0
    tot = plsc.load_gather(acc, [ridx, jnp.zeros((L_,), jnp.int32)])
    for c in range(1, L_):
      tot += plsc.load_gather(acc, [ridx, jnp.full((L_,), c, jnp.int32)])
    s_buf[pl.ds(r0, L_)] = tot


def _sc_body(h_hbm, edge_hbm, out_hbm,
             sidx, didx, u0, u1, v0, v1, acc, s0, s1, sem0, sem1, ssem0, ssem1):
  wid = lax.axis_index("s") * NC_ + lax.axis_index("c")
  base = pl.multiple_of(wid * PER_W_, 8)

  pltpu.sync_copy(edge_hbm.at[0, pl.ds(base, PER_W_)], sidx)
  pltpu.sync_copy(edge_hbm.at[1, pl.ds(base, PER_W_)], didx)

  ubufs = (u0, u1)
  vbufs = (v0, v1)
  sbufs = (s0, s1)
  gsems = (sem0, sem1)
  ssems = (ssem0, ssem1)

  def _store(b, chunk):
    off = pl.multiple_of(base + chunk * W_, 8)
    return pltpu.make_async_copy(sbufs[b], out_hbm.at[pl.ds(off, W_)],
                                 ssems[b])

  _issue_gathers(h_hbm, sidx, didx, u0, v0, sem0, 0)
  _issue_gathers(h_hbm, sidx, didx, u1, v1, sem1, 1)

  @pl.loop(0, NCHUNK_ // 2)
  def _(i):
    for b in range(2):
      chunk = i * 2 + b
      _wait_gathers(h_hbm, sidx, didx, ubufs[b], vbufs[b], gsems[b], chunk)

      @pl.when(chunk >= 2)
      def _():
        _store(b, chunk - 2).wait()

      _compute_chunk(ubufs[b], vbufs[b], acc, sbufs[b])
      _store(b, chunk).start()

      @pl.when(chunk + 2 < NCHUNK_)
      def _():
        _issue_gathers(h_hbm, sidx, didx, ubufs[b], vbufs[b], gsems[b],
                       chunk + 2)

  last = NCHUNK_ - 1
  _wait_gathers(h_hbm, sidx, didx, u0, v0, sem0, last)
  _store(0, last - 2).wait()
  _compute_chunk(u0, v0, acc, s0)
  _store(0, last).start()

  _store(1, last - 1).wait()
  _store(0, last).wait()


@jax.jit
def _score_sc(h, edge_index):
  mesh = plsc.VectorSubcoreMesh(core_axis_name="c", subcore_axis_name="s")
  cp = pltpu.CompilerParams()
  if "needs_layout_passes" in pltpu.CompilerParams.__dataclass_fields__:
    cp = dataclasses.replace(cp, needs_layout_passes=False)
  if "use_tc_tiling_on_sc" in pltpu.CompilerParams.__dataclass_fields__:
    cp = dataclasses.replace(cp, use_tc_tiling_on_sc=False)
  kfn = pl.kernel(
      _sc_body,
      out_type=jax.ShapeDtypeStruct((N_EDGES_,), jnp.float32),
      mesh=mesh,
      scratch_types=[
          pltpu.VMEM((PER_W_,), jnp.int32),
          pltpu.VMEM((PER_W_,), jnp.int32),
          pltpu.VMEM((W_, D32_), jnp.int32),
          pltpu.VMEM((W_, D32_), jnp.int32),
          pltpu.VMEM((W_, D32_), jnp.int32),
          pltpu.VMEM((W_, D32_), jnp.int32),
          pltpu.VMEM((W_, L_), jnp.float32),
          pltpu.VMEM((W_,), jnp.float32),
          pltpu.VMEM((W_,), jnp.float32),
          pltpu.SemaphoreType.DMA,
          pltpu.SemaphoreType.DMA,
          pltpu.SemaphoreType.DMA,
          pltpu.SemaphoreType.DMA,
      ],
      compiler_params=cp,
  )
  return kfn(h, edge_index)


def kernel(h, edge_index):
  ui = lax.bitcast_convert_type(h, jnp.uint32)
  r = (ui + jnp.uint32(0x7FFF) + ((ui >> 16) & jnp.uint32(1))) >> 16
  h32 = lax.bitcast_convert_type(
      r[:, :D32_] | (r[:, D32_:] << 16), jnp.int32)
  scores = _score_sc(h32, edge_index.astype(jnp.int32))
  return scores.reshape(N_EDGES_, 1)

# --- scband reference (transcript-rebuilt; emitter-appended) ---
"""Pipeline reference for scband-score-predictor-16604343566601 (READ-ONLY COPY).

The authoritative reference and input builder live on the scoring server;
editing this copy changes nothing except your own understanding.
"""

import jax, jax.numpy as jnp
import numpy as np

N_NODES = 10000
N_EDGES = 320000
D_FEAT = 128

def setup_inputs(seed: int = 0) -> dict:
    key = jax.random.key(seed)
    k1, k2 = jax.random.split(key)
    h = jax.random.normal(k1, (N_NODES, D_FEAT), dtype=jnp.float32)
    edge_index = jax.random.randint(k2, (2, N_EDGES), 0, N_NODES, dtype=jnp.int64)
    return {"h": h, "edge_index": edge_index}

def reference(h, edge_index):
    # DGL ScorePredictor: for each edge (u, v), score = dot(h[u], h[v]).
    # fn.u_dot_v('h', 'h', 'score') produces shape [E, 1] (keepdims on reduced feat dim).
    src = edge_index[0]
    dst = edge_index[1]
    h_u = jnp.take(h, src, axis=0)  # gather src node features [E, d]
    h_v = jnp.take(h, dst, axis=0)  # gather dst node features [E, d]
    score = jnp.sum(h_u * h_v, axis=-1, keepdims=True)  # [E, 1]
    return score

if __name__ == "__main__":
    import jax
    _d = setup_inputs()
    print(jax.jit(kernel)(*tuple(_d.values())))

</pallas_src>

<mosaic_0001>
#map = affine_map<(d0, d1) -> (0, 0)>
#map1 = affine_map<(d0, d1) -> (0)>
module attributes {stable_mosaic.version = 14 : i64} {
  func.func @_sc_body(%arg0: i32, %arg1: i32, %arg2: memref<10000x64xi32, #tpu.memory_space<hbm>>, %arg3: memref<2x320000xi32, #tpu.memory_space<hbm>>, %arg4: memref<320000xf32, #tpu.memory_space<hbm>>, %arg5: memref<10000xi32, #tpu.memory_space<vmem>>, %arg6: memref<10000xi32, #tpu.memory_space<vmem>>, %arg7: memref<400x64xi32, #tpu.memory_space<vmem>>, %arg8: memref<400x64xi32, #tpu.memory_space<vmem>>, %arg9: memref<400x64xi32, #tpu.memory_space<vmem>>, %arg10: memref<400x64xi32, #tpu.memory_space<vmem>>, %arg11: memref<400x16xf32, #tpu.memory_space<vmem>>, %arg12: memref<400xf32, #tpu.memory_space<vmem>>, %arg13: memref<400xf32, #tpu.memory_space<vmem>>, %arg14: memref<!tpu.dma_semaphore, #tpu.memory_space<semaphore_mem>>, %arg15: memref<!tpu.dma_semaphore, #tpu.memory_space<semaphore_mem>>, %arg16: memref<!tpu.dma_semaphore, #tpu.memory_space<semaphore_mem>>, %arg17: memref<!tpu.dma_semaphore, #tpu.memory_space<semaphore_mem>>) attributes {dimension_semantics = [#tpu.dimension_semantics<core_parallel>, #tpu.dimension_semantics<subcore_parallel>], iteration_bounds = array<i64: 2, 16>, scalar_prefetch = 0 : i64, scratch_operands = 13 : i64, tpu.core_type = #tpu.core_type<sc_vector_subcore>, window_params = [{transform_indices = #map}, {transform_indices = #map}, {transform_indices = #map1}]} {
    %mul3A = arith.constant 2 : i32
    %mul3A_0 = arith.muli %arg1, %mul3A : i32
    %add3A = arith.addi %mul3A_0, %arg0 : i32
    %mul3A_1 = arith.constant 10000 : i32
    %mul3A_2 = arith.muli %add3A, %mul3A_1 : i32
    %multiple_of3A = tpu.assume_multiple %mul3A_2, 8 : i32
    %run_scoped3A = arith.constant 0 : i32
    "tpu.region"() ({
      %run_scoped3A_58 = tpu.sem_alloc : memref<!tpu.dma_semaphore, #tpu.memory_space<semaphore_mem>>
      %dma_start3A_59 = tpu.memref_slice %arg3[%run_scoped3A, %multiple_of3A] : memref<2x320000xi32, #tpu.memory_space<hbm>> -> memref<1x10000xi32, #tpu.memory_space<hbm>>
      %dma_start3A_60 = tpu.memref_squeeze %dma_start3A_59 : memref<1x10000xi32, #tpu.memory_space<hbm>> -> memref<10000xi32, #tpu.memory_space<hbm>>
      %dma_start3A_61 = tpu.memref_slice %arg3[%run_scoped3A, %multiple_of3A] : memref<2x320000xi32, #tpu.memory_space<hbm>> -> memref<1x10000xi32, #tpu.memory_space<hbm>>
      %dma_start3A_62 = tpu.memref_squeeze %dma_start3A_61 : memref<1x10000xi32, #tpu.memory_space<hbm>> -> memref<10000xi32, #tpu.memory_space<hbm>>
      tpu.enqueue_dma source(%dma_start3A_62 : memref<10000xi32, #tpu.memory_space<hbm>>) target(%arg5 : memref<10000xi32, #tpu.memory_space<vmem>>) target_semaphore(%run_scoped3A_58 : memref<!tpu.dma_semaphore, #tpu.memory_space<semaphore_mem>>)
      %dma_wait3A_63 = tpu.memref_slice %arg3[%run_scoped3A, %multiple_of3A] : memref<2x320000xi32, #tpu.memory_space<hbm>> -> memref<1x10000xi32, #tpu.memory_space<hbm>>
      %dma_wait3A_64 = tpu.memref_squeeze %dma_wait3A_63 : memref<1x10000xi32, #tpu.memory_space<hbm>> -> memref<10000xi32, #tpu.memory_space<hbm>>
      %dma_wait3A_65 = tpu.memref_slice %arg3[%run_scoped3A, %multiple_of3A] : memref<2x320000xi32, #tpu.memory_space<hbm>> -> memref<1x10000xi32, #tpu.memory_space<hbm>>
      %dma_wait3A_66 = tpu.memref_squeeze %dma_wait3A_65 : memref<1x10000xi32, #tpu.memory_space<hbm>> -> memref<10000xi32, #tpu.memory_space<hbm>>
      tpu.wait_dma2 semaphore(%run_scoped3A_58 : memref<!tpu.dma_semaphore, #tpu.memory_space<semaphore_mem>>) src(%dma_wait3A_66 : memref<10000xi32, #tpu.memory_space<hbm>>) dst(%arg5 : memref<10000xi32, #tpu.memory_space<vmem>>)
      tpu.yield
    }) : () -> ()
    %run_scoped3A_3 = arith.constant 1 : i32
    "tpu.region"() ({
      %run_scoped3A_58 = tpu.sem_alloc : memref<!tpu.dma_semaphore, #tpu.memory_space<semaphore_mem>>
      %dma_start3A_59 = tpu.memref_slice %arg3[%run_scoped3A_3, %multiple_of3A] : memref<2x320000xi32, #tpu.memory_space<hbm>> -> memref<1x10000xi32, #tpu.memory_space<hbm>>
      %dma_start3A_60 = tpu.memref_squeeze %dma_start3A_59 : memref<1x10000xi32, #tpu.memory_space<hbm>> -> memref<10000xi32, #tpu.memory_space<hbm>>
      %dma_start3A_61 = tpu.memref_slice %arg3[%run_scoped3A_3, %multiple_of3A] : memref<2x320000xi32, #tpu.memory_space<hbm>> -> memref<1x10000xi32, #tpu.memory_space<hbm>>
      %dma_start3A_62 = tpu.memref_squeeze %dma_start3A_61 : memref<1x10000xi32, #tpu.memory_space<hbm>> -> memref<10000xi32, #tpu.memory_space<hbm>>
      tpu.enqueue_dma source(%dma_start3A_62 : memref<10000xi32, #tpu.memory_space<hbm>>) target(%arg6 : memref<10000xi32, #tpu.memory_space<vmem>>) target_semaphore(%run_scoped3A_58 : memref<!tpu.dma_semaphore, #tpu.memory_space<semaphore_mem>>)
      %dma_wait3A_63 = tpu.memref_slice %arg3[%run_scoped3A_3, %multiple_of3A] : memref<2x320000xi32, #tpu.memory_space<hbm>> -> memref<1x10000xi32, #tpu.memory_space<hbm>>
      %dma_wait3A_64 = tpu.memref_squeeze %dma_wait3A_63 : memref<1x10000xi32, #tpu.memory_space<hbm>> -> memref<10000xi32, #tpu.memory_space<hbm>>
      %dma_wait3A_65 = tpu.memref_slice %arg3[%run_scoped3A_3, %multiple_of3A] : memref<2x320000xi32, #tpu.memory_space<hbm>> -> memref<1x10000xi32, #tpu.memory_space<hbm>>
      %dma_wait3A_66 = tpu.memref_squeeze %dma_wait3A_65 : memref<1x10000xi32, #tpu.memory_space<hbm>> -> memref<10000xi32, #tpu.memory_space<hbm>>
      tpu.wait_dma2 semaphore(%run_scoped3A_58 : memref<!tpu.dma_semaphore, #tpu.memory_space<semaphore_mem>>) src(%dma_wait3A_66 : memref<10000xi32, #tpu.memory_space<hbm>>) dst(%arg6 : memref<10000xi32, #tpu.memory_space<vmem>>)
      tpu.yield
    }) : () -> ()
    %multiple_of3A_4 = arith.constant 0 : i32
    %multiple_of3A_5 = tpu.assume_multiple %multiple_of3A_4, 8 : i32
    %dma_start3A = tpu.memref_slice %arg5[%multiple_of3A_5] : memref<10000xi32, #tpu.memory_space<vmem>> -> memref<400xi32, #tpu.memory_space<vmem>>
    %dma_start3A_6 = arith.constant 0 : i32
    %dma_start3A_7 = arith.constant 0 : i32
    %dma_start3A_8 = tpu.memref_slice %arg2[%dma_start3A_6, %dma_start3A_7] : memref<10000x64xi32, #tpu.memory_space<hbm>> -> memref<10000x64xi32, #tpu.memory_space<hbm>>
    tpu.enqueue_indirect_dma source(%dma_start3A_8 : memref<10000x64xi32, #tpu.memory_space<hbm>>) target(%arg7 : memref<400x64xi32, #tpu.memory_space<vmem>>) offsets(%dma_start3A : memref<400xi32, #tpu.memory_space<vmem>>) semaphore(%arg14 : memref<!tpu.dma_semaphore, #tpu.memory_space<semaphore_mem>>)
    %dma_start3A_9 = tpu.memref_slice %arg6[%multiple_of3A_5] : memref<10000xi32, #tpu.memory_space<vmem>> -> memref<400xi32, #tpu.memory_space<vmem>>
    %dma_start3A_10 = arith.constant 0 : i32
    %dma_start3A_11 = arith.constant 0 : i32
    %dma_start3A_12 = tpu.memref_slice %arg2[%dma_start3A_10, %dma_start3A_11] : memref<10000x64xi32, #tpu.memory_space<hbm>> -> memref<10000x64xi32, #tpu.memory_space<hbm>>
    tpu.enqueue_indirect_dma source(%dma_start3A_12 : memref<10000x64xi32, #tpu.memory_space<hbm>>) target(%arg9 : memref<400x64xi32, #tpu.memory_space<vmem>>) offsets(%dma_start3A_9 : memref<400xi32, #tpu.memory_space<vmem>>) semaphore(%arg14 : memref<!tpu.dma_semaphore, #tpu.memory_space<semaphore_mem>>)
    %multiple_of3A_13 = arith.constant 400 : i32
    %multiple_of3A_14 = tpu.assume_multiple %multiple_of3A_13, 8 : i32
    %dma_start3A_15 = tpu.memref_slice %arg5[%multiple_of3A_14] : memref<10000xi32, #tpu.memory_space<vmem>> -> memref<400xi32, #tpu.memory_space<vmem>>
    %dma_start3A_16 = arith.constant 0 : i32
    %dma_start3A_17 = arith.constant 0 : i32
    %dma_start3A_18 = tpu.memref_slice %arg2[%dma_start3A_16, %dma_start3A_17] : memref<10000x64xi32, #tpu.memory_space<hbm>> -> memref<10000x64xi32, #tpu.memory_space<hbm>>
    tpu.enqueue_indirect_dma source(%dma_start3A_18 : memref<10000x64xi32, #tpu.memory_space<hbm>>) target(%arg8 : memref<400x64xi32, #tpu.memory_space<vmem>>) offsets(%dma_start3A_15 : memref<400xi32, #tpu.memory_space<vmem>>) semaphore(%arg15 : memref<!tpu.dma_semaphore, #tpu.memory_space<semaphore_mem>>)
    %dma_start3A_19 = tpu.memref_slice %arg6[%multiple_of3A_14] : memref<10000xi32, #tpu.memory_space<vmem>> -> memref<400xi32, #tpu.memory_space<vmem>>
    %dma_start3A_20 = arith.constant 0 : i32
    %dma_start3A_21 = arith.constant 0 : i32
    %dma_start3A_22 = tpu.memref_slice %arg2[%dma_start3A_20, %dma_start3A_21] : memref<10000x64xi32, #tpu.memory_space<hbm>> -> memref<10000x64xi32, #tpu.memory_space<hbm>>
    tpu.enqueue_indirect_dma source(%dma_start3A_22 : memref<10000x64xi32, #tpu.memory_space<hbm>>) target(%arg10 : memref<400x64xi32, #tpu.memory_space<vmem>>) offsets(%dma_start3A_19 : memref<400xi32, #tpu.memory_space<vmem>>) semaphore(%arg15 : memref<!tpu.dma_semaphore, #tpu.memory_space<semaphore_mem>>)
    %scan3A = arith.constant 0 : i32
    %scan3A_23 = arith.constant 12 : i32
    %scan3A_24 = arith.addi %scan3A, %scan3A_23 : i32
    %scan3A_25 = arith.constant 1 : i32
    scf.for %scan3A_58 = %scan3A to %scan3A_24 step %scan3A_25  : i32 {
      %mul3A_59 = arith.constant 1 : i32
      %mul3A_60 = arith.muli %scan3A_58, %mul3A_59 : i32
      %add3A_61 = arith.constant 0 : i32
      %add3A_62 = arith.addi %add3A_61, %mul3A_60 : i32
      %mul3A_63 = arith.constant 2 : i32
      %mul3A_64 = arith.muli %add3A_62, %mul3A_63 : i32
      %add3A_65 = arith.constant 0 : i32
      %add3A_66 = arith.addi %mul3A_64, %add3A_65 : i32
      %mul3A_67 = arith.constant 400 : i32
      %mul3A_68 = arith.muli %add3A_66, %mul3A_67 : i32
      %multiple_of3A_69 = tpu.assume_multiple %mul3A_68, 8 : i32
      %dma_wait3A_70 = tpu.memref_slice %arg5[%multiple_of3A_69] : memref<10000xi32, #tpu.memory_space<vmem>> -> memref<400xi32, #tpu.memory_space<vmem>>
      %dma_wait3A_71 = arith.constant 0 : i32
      %dma_wait3A_72 = arith.constant 0 : i32
      %dma_wait3A_73 = tpu.memref_slice %arg2[%dma_wait3A_71, %dma_wait3A_72] : memref<10000x64xi32, #tpu.memory_space<hbm>> -> memref<10000x64xi32, #tpu.memory_space<hbm>>
      tpu.wait_indirect_dma semaphore(%arg14 : memref<!tpu.dma_semaphore, #tpu.memory_space<semaphore_mem>>) src(%dma_wait3A_73 : memref<10000x64xi32, #tpu.memory_space<hbm>>) dst(%arg7 : memref<400x64xi32, #tpu.memory_space<vmem>>)
      %dma_wait3A_74 = tpu.memref_slice %arg6[%multiple_of3A_69] : memref<10000xi32, #tpu.memory_space<vmem>> -> memref<400xi32, #tpu.memory_space<vmem>>
      %dma_wait3A_75 = arith.constant 0 : i32
      %dma_wait3A_76 = arith.constant 0 : i32
      %dma_wait3A_77 = tpu.memref_slice %arg2[%dma_wait3A_75, %dma_wait3A_76] : memref<10000x64xi32, #tpu.memory_space<hbm>> -> memref<10000x64xi32, #tpu.memory_space<hbm>>
      tpu.wait_indirect_dma semaphore(%arg14 : memref<!tpu.dma_semaphore, #tpu.memory_space<semaphore_mem>>) src(%dma_wait3A_77 : memref<10000x64xi32, #tpu.memory_space<hbm>>) dst(%arg9 : memref<400x64xi32, #tpu.memory_space<vmem>>)
      %ge3A = arith.constant 2 : i32
      %ge3A_78 = arith.cmpi sge, %add3A_66, %ge3A : i32
      %convert_element_type3A = arith.extui %ge3A_78 : i1 to i32
      %cond3A = arith.constant 0 : i32
      %cond3A_79 = arith.cmpi ne, %convert_element_type3A, %cond3A : i32
      scf.if %cond3A_79 {
        %sub3A = arith.constant 2 : i32
        %sub3A_133 = arith.subi %add3A_66, %sub3A : i32
        %mul3A_134 = arith.constant 400 : i32
        %mul3A_135 = arith.muli %sub3A_133, %mul3A_134 : i32
        %add3A_136 = arith.addi %multiple_of3A, %mul3A_135 : i32
        %multiple_of3A_137 = tpu.assume_multiple %add3A_136, 8 : i32
        %dma_wait3A_138 = tpu.memref_slice %arg4[%multiple_of3A_137] : memref<320000xf32, #tpu.memory_space<hbm>> -> memref<400xf32, #tpu.memory_space<hbm>>
        %dma_wait3A_139 = tpu.memref_slice %arg4[%multiple_of3A_137] : memref<320000xf32, #tpu.memory_space<hbm>> -> memref<400xf32, #tpu.memory_space<hbm>>
        tpu.wait_dma2 semaphore(%arg16 : memref<!tpu.dma_semaphore, #tpu.memory_space<semaphore_mem>>) src(%arg12 : memref<400xf32, #tpu.memory_space<vmem>>) dst(%dma_wait3A_139 : memref<400xf32, #tpu.memory_space<hbm>>)
      } else {
      }
      %iota3A_80 = tpu.iota {dimensions = array<i32: 0>} : vector<16xi32>
      %parallel_loop3A_81 = arith.constant 0 : i32
      %parallel_loop3A_82 = arith.constant 25 : i32
      %parallel_loop3A_83 = arith.constant 1 : i32
      scf.for %parallel_loop3A_133 = %parallel_loop3A_81 to %parallel_loop3A_82 step %parallel_loop3A_83  : i32 {
        %parallel_loop3A_134 = arith.constant 16 : i32
        %parallel_loop3A_135 = arith.muli %parallel_loop3A_133, %parallel_loop3A_134 : i32
        %parallel_loop3A_136 = arith.constant 0 : i32
        %parallel_loop3A_137 = arith.addi %parallel_loop3A_135, %parallel_loop3A_136 : i32
        %parallel_loop3A_138 = arith.index_cast %parallel_loop3A_137 : i32 to index
        %parallel_loop3A_139 = arith.constant 0 : index
        %parallel_loop3A_140 = tpu.vector_load %arg7[%parallel_loop3A_138, %parallel_loop3A_139] {strides = array<i32>} : memref<400x64xi32, #tpu.memory_space<vmem>>, vector<16xi32>,
        %parallel_loop3A_141 = vector.bitcast %parallel_loop3A_140 : vector<16xi32> to vector<32xbf16>
        %parallel_loop3A_142 = arith.index_cast %parallel_loop3A_137 : i32 to index
        %parallel_loop3A_143 = arith.constant 0 : index
        %parallel_loop3A_144 = tpu.vector_load %arg9[%parallel_loop3A_142, %parallel_loop3A_143] {strides = array<i32>} : memref<400x64xi32, #tpu.memory_space<vmem>>, vector<16xi32>,
        %parallel_loop3A_145 = vector.bitcast %parallel_loop3A_144 : vector<16xi32> to vector<32xbf16>
        %parallel_loop3A_146 = arith.mulf %parallel_loop3A_141, %parallel_loop3A_145 : vector<32xbf16>
        %parallel_loop3A_147 = arith.index_cast %parallel_loop3A_137 : i32 to index
        %parallel_loop3A_148 = arith.constant 16 : index
        %parallel_loop3A_149 = tpu.vector_load %arg7[%parallel_loop3A_147, %parallel_loop3A_148] {strides = array<i32>} : memref<400x64xi32, #tpu.memory_space<vmem>>, vector<16xi32>,
        %parallel_loop3A_150 = vector.bitcast %parallel_loop3A_149 : vector<16xi32> to vector<32xbf16>
        %parallel_loop3A_151 = arith.index_cast %parallel_loop3A_137 : i32 to index
        %parallel_loop3A_152 = arith.constant 16 : index
        %parallel_loop3A_153 = tpu.vector_load %arg9[%parallel_loop3A_151, %parallel_loop3A_152] {strides = array<i32>} : memref<400x64xi32, #tpu.memory_space<vmem>>, vector<16xi32>,
        %parallel_loop3A_154 = vector.bitcast %parallel_loop3A_153 : vector<16xi32> to vector<32xbf16>
        %parallel_loop3A_155 = arith.mulf %parallel_loop3A_150, %parallel_loop3A_154 : vector<32xbf16>
        %parallel_loop3A_156 = arith.addf %parallel_loop3A_146, %parallel_loop3A_155 : vector<32xbf16>
        %parallel_loop3A_157 = arith.index_cast %parallel_loop3A_137 : i32 to index
        %parallel_loop3A_158 = arith.constant 32 : index
        %parallel_loop3A_159 = tpu.vector_load %arg7[%parallel_loop3A_157, %parallel_loop3A_158] {strides = array<i32>} : memref<400x64xi32, #tpu.memory_space<vmem>>, vector<16xi32>,
        %parallel_loop3A_160 = vector.bitcast %parallel_loop3A_159 : vector<16xi32> to vector<32xbf16>
        %parallel_loop3A_161 = arith.index_cast %parallel_loop3A_137 : i32 to index
        %parallel_loop3A_162 = arith.constant 32 : index
        %parallel_loop3A_163 = tpu.vector_load %arg9[%parallel_loop3A_161, %parallel_loop3A_162] {strides = array<i32>} : memref<400x64xi32, #tpu.memory_space<vmem>>, vector<16xi32>,
        %parallel_loop3A_164 = vector.bitcast %parallel_loop3A_163 : vector<16xi32> to vector<32xbf16>
        %parallel_loop3A_165 = arith.mulf %parallel_loop3A_160, %parallel_loop3A_164 : vector<32xbf16>
        %parallel_loop3A_166 = arith.addf %parallel_loop3A_156, %parallel_loop3A_165 : vector<32xbf16>
        %parallel_loop3A_167 = arith.index_cast %parallel_loop3A_137 : i32 to index
        %parallel_loop3A_168 = arith.constant 48 : index
        %parallel_loop3A_169 = tpu.vector_load %arg7[%parallel_loop3A_167, %parallel_loop3A_168] {strides = array<i32>} : memref<400x64xi32, #tpu.memory_space<vmem>>, vector<16xi32>,
        %parallel_loop3A_170 = vector.bitcast %parallel_loop3A_169 : vector<16xi32> to vector<32xbf16>
        %parallel_loop3A_171 = arith.index_cast %parallel_loop3A_137 : i32 to index
        %parallel_loop3A_172 = arith.constant 48 : index
        %parallel_loop3A_173 = tpu.vector_load %arg9[%parallel_loop3A_171, %parallel_loop3A_172] {strides = array<i32>} : memref<400x64xi32, #tpu.memory_space<vmem>>, vector<16xi32>,
        %parallel_loop3A_174 = vector.bitcast %parallel_loop3A_173 : vector<16xi32> to vector<32xbf16>
        %parallel_loop3A_175 = arith.mulf %parallel_loop3A_170, %parallel_loop3A_174 : vector<32xbf16>
        %parallel_loop3A_176 = arith.addf %parallel_loop3A_166, %parallel_loop3A_175 : vector<32xbf16>
        %parallel_loop3A_177 = tpu.unpack_subelements %parallel_loop3A_176, 0 {pack_format = #tpu.pack_format<interleaved>} : vector<32xbf16> -> vector<16xf32>
        %parallel_loop3A_178 = tpu.unpack_subelements %parallel_loop3A_176, 1 {pack_format = #tpu.pack_format<interleaved>} : vector<32xbf16> -> vector<16xf32>
        %parallel_loop3A_179 = arith.addf %parallel_loop3A_177, %parallel_loop3A_178 : vector<16xf32>
        %parallel_loop3A_180 = arith.index_cast %parallel_loop3A_137 : i32 to index
        %parallel_loop3A_181 = arith.constant 0 : index
        %parallel_loop3A_182 = tpu.vector_load %arg11[%parallel_loop3A_180, %parallel_loop3A_181] {strides = array<i32>} : memref<400x16xf32, #tpu.memory_space<vmem>>, vector<16xf32>,
        tpu.vector_store %arg11[%parallel_loop3A_180, %parallel_loop3A_181], %parallel_loop3A_179 {strides = array<i32>} : memref<400x16xf32, #tpu.memory_space<vmem>>, vector<16xf32>,
        %parallel_loop3A_183 = arith.constant 1 : i32
        %parallel_loop3A_184 = arith.addi %parallel_loop3A_135, %parallel_loop3A_183 : i32
        %parallel_loop3A_185 = arith.index_cast %parallel_loop3A_184 : i32 to index
        %parallel_loop3A_186 = arith.constant 0 : index
        %parallel_loop3A_187 = tpu.vector_load %arg7[%parallel_loop3A_185, %parallel_loop3A_186] {strides = array<i32>} : memref<400x64xi32, #tpu.memory_space<vmem>>, vector<16xi32>,
        %parallel_loop3A_188 = vector.bitcast %parallel_loop3A_187 : vector<16xi32> to vector<32xbf16>
        %parallel_loop3A_189 = arith.index_cast %parallel_loop3A_184 : i32 to index
        %parallel_loop3A_190 = arith.constant 0 : index
        %parallel_loop3A_191 = tpu.vector_load %arg9[%parallel_loop3A_189, %parallel_loop3A_190] {strides = array<i32>} : memref<400x64xi32, #tpu.memory_space<vmem>>, vector<16xi32>,
        %parallel_loop3A_192 = vector.bitcast %parallel_loop3A_191 : vector<16xi32> to vector<32xbf16>
        %parallel_loop3A_193 = arith.mulf %parallel_loop3A_188, %parallel_loop3A_192 : vector<32xbf16>
        %parallel_loop3A_194 = arith.index_cast %parallel_loop3A_184 : i32 to index
        %parallel_loop3A_195 = arith.constant 16 : index
        %parallel_loop3A_196 = tpu.vector_load %arg7[%parallel_loop3A_194, %parallel_loop3A_195] {strides = array<i32>} : memref<400x64xi32, #tpu.memory_space<vmem>>, vector<16xi32>,
        %parallel_loop3A_197 = vector.bitcast %parallel_loop3A_196 : vector<16xi32> to vector<32xbf16>
        %parallel_loop3A_198 = arith.index_cast %parallel_loop3A_184 : i32 to index
        %parallel_loop3A_199 = arith.constant 16 : index
        %parallel_loop3A_200 = tpu.vector_load %arg9[%parallel_loop3A_198, %parallel_loop3A_199] {strides = array<i32>} : memref<400x64xi32, #tpu.memory_space<vmem>>, vector<16xi32>,
        %parallel_loop3A_201 = vector.bitcast %parallel_loop3A_200 : vector<16xi32> to vector<32xbf16>
        %parallel_loop3A_202 = arith.mulf %parallel_loop3A_197, %parallel_loop3A_201 : vector<32xbf16>
        %parallel_loop3A_203 = arith.addf %parallel_loop3A_193, %parallel_loop3A_202 : vector<32xbf16>
        %parallel_loop3A_204 = arith.index_cast %parallel_loop3A_184 : i32 to index
        %parallel_loop3A_205 = arith.constant 32 : index
        %parallel_loop3A_206 = tpu.vector_load %arg7[%parallel_loop3A_204, %parallel_loop3A_205] {strides = array<i32>} : memref<400x64xi32, #tpu.memory_space<vmem>>, vector<16xi32>,
        %parallel_loop3A_207 = vector.bitcast %parallel_loop3A_206 : vector<16xi32> to vector<32xbf16>
        %parallel_loop3A_208 = arith.index_cast %parallel_loop3A_184 : i32 to index
        %parallel_loop3A_209 = arith.constant 32 : index
        %parallel_loop3A_210 = tpu.vector_load %arg9[%parallel_loop3A_208, %parallel_loop3A_209] {strides = array<i32>} : memref<400x64xi32, #tpu.memory_space<vmem>>, vector<16xi32>,
        %parallel_loop3A_211 = vector.bitcast %parallel_loop3A_210 : vector<16xi32> to vector<32xbf16>
        %parallel_loop3A_212 = arith.mulf %parallel_loop3A_207, %parallel_loop3A_211 : vector<32xbf16>
        %parallel_loop3A_213 = arith.addf %parallel_loop3A_203, %parallel_loop3A_212 : vector<32xbf16>
        %parallel_loop3A_214 = arith.index_cast %parallel_loop3A_184 : i32 to index
        %parallel_loop3A_215 = arith.constant 48 : index
        %parallel_loop3A_216 = tpu.vector_load %arg7[%parallel_loop3A_214, %parallel_loop3A_215] {strides = array<i32>} : memref<400x64xi32, #tpu.memory_space<vmem>>, vector<16xi32>,
        %parallel_loop3A_217 = vector.bitcast %parallel_loop3A_216 : vector<16xi32> to vector<32xbf16>
        %parallel_loop3A_218 = arith.index_cast %parallel_loop3A_184 : i32 to index
        %parallel_loop3A_219 = arith.constant 48 : index
        %parallel_loop3A_220 = tpu.vector_load %arg9[%parallel_loop3A_218, %parallel_loop3A_219] {strides = array<i32>} : memref<400x64xi32, #tpu.memory_space<vmem>>, vector<16xi32>,
        %parallel_loop3A_221 = vector.bitcast %parallel_loop3A_220 : vector<16xi32> to vector<32xbf16>
        %parallel_loop3A_222 = arith.mulf %parallel_loop3A_217, %parallel_loop3A_221 : vector<32xbf16>
        %parallel_loop3A_223 = arith.addf %parallel_loop3A_213, %parallel_loop3A_222 : vector<32xbf16>
        %parallel_loop3A_224 = tpu.unpack_subelements %parallel_loop3A_223, 0 {pack_format = #tpu.pack_format<interleaved>} : vector<32xbf16> -> vector<16xf32>
        %parallel_loop3A_225 = tpu.unpack_subelements %parallel_loop3A_223, 1 {pack_format = #tpu.pack_format<interleaved>} : vector<32xbf16> -> vector<16xf32>
        %parallel_loop3A_226 = arith.addf %parallel_loop3A_224, %parallel_loop3A_225 : vector<16xf32>
        %parallel_loop3A_227 = arith.index_cast %parallel_loop3A_184 : i32 to index
        %parallel_loop3A_228 = arith.constant 0 : index
        %parallel_loop3A_229 = tpu.vector_load %arg11[%parallel_loop3A_227, %parallel_loop3A_228] {strides = array<i32>} : memref<400x16xf32, #tpu.memory_space<vmem>>, vector<16xf32>,
        tpu.vector_store %arg11[%parallel_loop3A_227, %parallel_loop3A_228], %parallel_loop3A_226 {strides = array<i32>} : memref<400x16xf32, #tpu.memory_space<vmem>>, vector<16xf32>,
        %parallel_loop3A_230 = arith.constant 2 : i32
        %parallel_loop3A_231 = arith.addi %parallel_loop3A_135, %parallel_loop3A_230 : i32
        %parallel_loop3A_232 = arith.index_cast %parallel_loop3A_231 : i32 to index
        %parallel_loop3A_233 = arith.constant 0 : index
        %parallel_loop3A_234 = tpu.vector_load %arg7[%parallel_loop3A_232, %parallel_loop3A_233] {strides = array<i32>} : memref<400x64xi32, #tpu.memory_space<vmem>>, vector<16xi32>,
        %parallel_loop3A_235 = vector.bitcast %parallel_loop3A_234 : vector<16xi32> to vector<32xbf16>
        %parallel_loop3A_236 = arith.index_cast %parallel_loop3A_231 : i32 to index
        %parallel_loop3A_237 = arith.constant 0 : index
        %parallel_loop3A_238 = tpu.vector_load %arg9[%parallel_loop3A_236, %parallel_loop3A_237] {strides = array<i32>} : memref<400x64xi32, #tpu.memory_space<vmem>>, vector<16xi32>,
        %parallel_loop3A_239 = vector.bitcast %parallel_loop3A_238 : vector<16xi32> to vector<32xbf16>
        %parallel_loop3A_240 = arith.mulf %parallel_loop3A_235, %parallel_loop3A_239 : vector<32xbf16>
        %parallel_loop3A_241 = arith.index_cast %parallel_loop3A_231 : i32 to index
        %parallel_loop3A_242 = arith.constant 16 : index
        %parallel_loop3A_243 = tpu.vector_load %arg7[%parallel_loop3A_241, %parallel_loop3A_242] {strides = array<i32>} : memref<400x64xi32, #tpu.memory_space<vmem>>, vector<16xi32>,
        %parallel_loop3A_244 = vector.bitcast %parallel_loop3A_243 : vector<16xi32> to vector<32xbf16>
        %parallel_loop3A_245 = arith.index_cast %parallel_loop3A_231 : i32 to index
        %parallel_loop3A_246 = arith.constant 16 : index
        %parallel_loop3A_247 = tpu.vector_load %arg9[%parallel_loop3A_245, %parallel_loop3A_246] {strides = array<i32>} : memref<400x64xi32, #tpu.memory_space<vmem>>, vector<16xi32>,
        %parallel_loop3A_248 = vector.bitcast %parallel_loop3A_247 : vector<16xi32> to vector<32xbf16>
        %parallel_loop3A_249 = arith.mulf %parallel_loop3A_244, %parallel_loop3A_248 : vector<32xbf16>
        %parallel_loop3A_250 = arith.addf %parallel_loop3A_240, %parallel_loop3A_249 : vector<32xbf16>
        %parallel_loop3A_251 = arith.index_cast %parallel_loop3A_231 : i32 to index
        %parallel_loop3A_252 = arith.constant 32 : index
        %parallel_loop3A_253 = tpu.vector_load %arg7[%parallel_loop3A_251, %parallel_loop3A_252] {strides = array<i32>} : memref<400x64xi32, #tpu.memory_space<vmem>>, vector<16xi32>,
        %parallel_loop3A_254 = vector.bitcast %parallel_loop3A_253 : vector<16xi32> to vector<32xbf16>
        %parallel_loop3A_255 = arith.index_cast %parallel_loop3A_231 : i32 to index
        %parallel_loop3A_256 = arith.constant 32 : index
        %parallel_loop3A_257 = tpu.vector_load %arg9[%parallel_loop3A_255, %parallel_loop3A_256] {strides = array<i32>} : memref<400x64xi32, #tpu.memory_space<vmem>>, vector<16xi32>,
        %parallel_loop3A_258 = vector.bitcast %parallel_loop3A_257 : vector<16xi32> to vector<32xbf16>
        %parallel_loop3A_259 = arith.mulf %parallel_loop3A_254, %parallel_loop3A_258 : vector<32xbf16>
        %parallel_loop3A_260 = arith.addf %parallel_loop3A_250, %parallel_loop3A_259 : vector<32xbf16>
        %parallel_loop3A_261 = arith.index_cast %parallel_loop3A_231 : i32 to index
        %parallel_loop3A_262 = arith.constant 48 : index
        %parallel_loop3A_263 = tpu.vector_load %arg7[%parallel_loop3A_261, %parallel_loop3A_262] {strides = array<i32>} : memref<400x64xi32, #tpu.memory_space<vmem>>, vector<16xi32>,
        %parallel_loop3A_264 = vector.bitcast %parallel_loop3A_263 : vector<16xi32> to vector<32xbf16>
        %parallel_loop3A_265 = arith.index_cast %parallel_loop3A_231 : i32 to index
        %parallel_loop3A_266 = arith.constant 48 : index
        %parallel_loop3A_267 = tpu.vector_load %arg9[%parallel_loop3A_265, %parallel_loop3A_266] {strides = array<i32>} : memref<400x64xi32, #tpu.memory_space<vmem>>, vector<16xi32>,
        %parallel_loop3A_268 = vector.bitcast %parallel_loop3A_267 : vector<16xi32> to vector<32xbf16>
        %parallel_loop3A_269 = arith.mulf %parallel_loop3A_264, %parallel_loop3A_268 : vector<32xbf16>
        %parallel_loop3A_270 = arith.addf %parallel_loop3A_260, %parallel_loop3A_269 : vector<32xbf16>
        %parallel_loop3A_271 = tpu.unpack_subelements %parallel_loop3A_270, 0 {pack_format = #tpu.pack_format<interleaved>} : vector<32xbf16> -> vector<16xf32>
        %parallel_loop3A_272 = tpu.unpack_subelements %parallel_loop3A_270, 1 {pack_format = #tpu.pack_format<interleaved>} : vector<32xbf16> -> vector<16xf32>
        %parallel_loop3A_273 = arith.addf %parallel_loop3A_271, %parallel_loop3A_272 : vector<16xf32>
        %parallel_loop3A_274 = arith.index_cast %parallel_loop3A_231 : i32 to index
        %parallel_loop3A_275 = arith.constant 0 : index
        %parallel_loop3A_276 = tpu.vector_load %arg11[%parallel_loop3A_274, %parallel_loop3A_275] {strides = array<i32>} : memref<400x16xf32, #tpu.memory_space<vmem>>, vector<16xf32>,
        tpu.vector_store %arg11[%parallel_loop3A_274, %parallel_loop3A_275], %parallel_loop3A_273 {strides = array<i32>} : memref<400x16xf32, #tpu.memory_space<vmem>>, vector<16xf32>,
        %parallel_loop3A_277 = arith.constant 3 : i32
        %parallel_loop3A_278 = arith.addi %parallel_loop3A_135, %parallel_loop3A_277 : i32
        %parallel_loop3A_279 = arith.index_cast %parallel_loop3A_278 : i32 to index
        %parallel_loop3A_280 = arith.constant 0 : index
        %parallel_loop3A_281 = tpu.vector_load %arg7[%parallel_loop3A_279, %parallel_loop3A_280] {strides = array<i32>} : memref<400x64xi32, #tpu.memory_space<vmem>>, vector<16xi32>,
        %parallel_loop3A_282 = vector.bitcast %parallel_loop3A_281 : vector<16xi32> to vector<32xbf16>
        %parallel_loop3A_283 = arith.index_cast %parallel_loop3A_278 : i32 to index
        %parallel_loop3A_284 = arith.constant 0 : index
        %parallel_loop3A_285 = tpu.vector_load %arg9[%parallel_loop3A_283, %parallel_loop3A_284] {strides = array<i32>} : memref<400x64xi32, #tpu.memory_space<vmem>>, vector<16xi32>,
        %parallel_loop3A_286 = vector.bitcast %parallel_loop3A_285 : vector<16xi32> to vector<32xbf16>
        %parallel_loop3A_287 = arith.mulf %parallel_loop3A_282, %parallel_loop3A_286 : vector<32xbf16>
        %parallel_loop3A_288 = arith.index_cast %parallel_loop3A_278 : i32 to index
        %parallel_loop3A_289 = arith.constant 16 : index
        %parallel_loop3A_290 = tpu.vector_load %arg7[%parallel_loop3A_288, %parallel_loop3A_289] {strides = array<i32>} : memref<400x64xi32, #tpu.memory_space<vmem>>, vector<16xi32>,
        %parallel_loop3A_291 = vector.bitcast %parallel_loop3A_290 : vector<16xi32> to vector<32xbf16>
        %parallel_loop3A_292 = arith.index_cast %parallel_loop3A_278 : i32 to index
        %parallel_loop3A_293 = arith.constant 16 : index
        %parallel_loop3A_294 = tpu.vector_load %arg9[%parallel_loop3A_292, %parallel_loop3A_293] {strides = array<i32>} : memref<400x64xi32, #tpu.memory_space<vmem>>, vector<16xi32>,
        %parallel_loop3A_295 = vector.bitcast %parallel_loop3A_294 : vector<16xi32> to vector<32xbf16>
        %parallel_loop3A_296 = arith.mulf %parallel_loop3A_291, %parallel_loop3A_295 : vector<32xbf16>
        %parallel_loop3A_297 = arith.addf %parallel_loop3A_287, %parallel_loop3A_296 : vector<32xbf16>
        %parallel_loop3A_298 = arith.index_cast %parallel_loop3A_278 : i32 to index
        %parallel_loop3A_299 = arith.constant 32 : index
        %parallel_loop3A_300 = tpu.vector_load %arg7[%parallel_loop3A_298, %parallel_loop3A_299] {strides = array<i32>} : memref<400x64xi32, #tpu.memory_space<vmem>>, vector<16xi32>,
        %parallel_loop3A_301 = vector.bitcast %parallel_loop3A_300 : vector<16xi32> to vector<32xbf16>
        %parallel_loop3A_302 = arith.index_cast %parallel_loop3A_278 : i32 to index
        %parallel_loop3A_303 = arith.constant 32 : index
        %parallel_loop3A_304 = tpu.vector_load %arg9[%parallel_loop3A_302, %parallel_loop3A_303] {strides = array<i32>} : memref<400x64xi32, #tpu.memory_space<vmem>>, vector<16xi32>,
        %parallel_loop3A_305 = vector.bitcast %parallel_loop3A_304 : vector<16xi32> to vector<32xbf16>
        %parallel_loop3A_306 = arith.mulf %parallel_loop3A_301, %parallel_loop3A_305 : vector<32xbf16>
        %parallel_loop3A_307 = arith.addf %parallel_loop3A_297, %parallel_loop3A_306 : vector<32xbf16>
        %parallel_loop3A_308 = arith.index_cast %parallel_loop3A_278 : i32 to index
        %parallel_loop3A_309 = arith.constant 48 : index
        %parallel_loop3A_310 = tpu.vector_load %arg7[%parallel_loop3A_308, %parallel_loop3A_309] {strides = array<i32>} : memref<400x64xi32, #tpu.memory_space<vmem>>, vector<16xi32>,
        %parallel_loop3A_311 = vector.bitcast %parallel_loop3A_310 : vector<16xi32> to vector<32xbf16>
        %parallel_loop3A_312 = arith.index_cast %parallel_loop3A_278 : i32 to index
        %parallel_loop3A_313 = arith.constant 48 : index
        %parallel_loop3A_314 = tpu.vector_load %arg9[%parallel_loop3A_312, %parallel_loop3A_313] {strides = array<i32>} : memref<400x64xi32, #tpu.memory_space<vmem>>, vector<16xi32>,
        %parallel_loop3A_315 = vector.bitcast %parallel_loop3A_314 : vector<16xi32> to vector<32xbf16>
        %parallel_loop3A_316 = arith.mulf %parallel_loop3A_311, %parallel_loop3A_315 : vector<32xbf16>
        %parallel_loop3A_317 = arith.addf %parallel_loop3A_307, %parallel_loop3A_316 : vector<32xbf16>
        %parallel_loop3A_318 = tpu.unpack_subelements %parallel_loop3A_317, 0 {pack_format = #tpu.pack_format<interleaved>} : vector<32xbf16> -> vector<16xf32>
        %parallel_loop3A_319 = tpu.unpack_subelements %parallel_loop3A_317, 1 {pack_format = #tpu.pack_format<interleaved>} : vector<32xbf16> -> vector<16xf32>
        %parallel_loop3A_320 = arith.addf %parallel_loop3A_318, %parallel_loop3A_319 : vector<16xf32>
        %parallel_loop3A_321 = arith.index_cast %parallel_loop3A_278 : i32 to index
        %parallel_loop3A_322 = arith.constant 0 : index
        %parallel_loop3A_323 = tpu.vector_load %arg11[%parallel_loop3A_321, %parallel_loop3A_322] {strides = array<i32>} : memref<400x16xf32, #tpu.memory_space<vmem>>, vector<16xf32>,
        tpu.vector_store %arg11[%parallel_loop3A_321, %parallel_loop3A_322], %parallel_loop3A_320 {strides = array<i32>} : memref<400x16xf32, #tpu.memory_space<vmem>>, vector<16xf32>,
        %parallel_loop3A_324 = arith.constant 4 : i32
        %parallel_loop3A_325 = arith.addi %parallel_loop3A_135, %parallel_loop3A_324 : i32
        %parallel_loop3A_326 = arith.index_cast %parallel_loop3A_325 : i32 to index
        %parallel_loop3A_327 = arith.constant 0 : index
        %parallel_loop3A_328 = tpu.vector_load %arg7[%parallel_loop3A_326, %parallel_loop3A_327] {strides = array<i32>} : memref<400x64xi32, #tpu.memory_space<vmem>>, vector<16xi32>,
        %parallel_loop3A_329 = vector.bitcast %parallel_loop3A_328 : vector<16xi32> to vector<32xbf16>
        %parallel_loop3A_330 = arith.index_cast %parallel_loop3A_325 : i32 to index
        %parallel_loop3A_331 = arith.constant 0 : index
        %parallel_loop3A_332 = tpu.vector_load %arg9[%parallel_loop3A_330, %parallel_loop3A_331] {strides = array<i32>} : memref<400x64xi32, #tpu.memory_space<vmem>>, vector<16xi32>,
        %parallel_loop3A_333 = vector.bitcast %parallel_loop3A_332 : vector<16xi32> to vector<32xbf16>
        %parallel_loop3A_334 = arith.mulf %parallel_loop3A_329, %parallel_loop3A_333 : vector<32xbf16>
        %parallel_loop3A_335 = arith.index_cast %parallel_loop3A_325 : i32 to index
        %parallel_loop3A_336 = arith.constant 16 : index
        %parallel_loop3A_337 = tpu.vector_load %arg7[%parallel_loop3A_335, %parallel_loop3A_336] {strides = array<i32>} : memref<400x64xi32, #tpu.memory_space<vmem>>, vector<16xi32>,
        %parallel_loop3A_338 = vector.bitcast %parallel_loop3A_337 : vector<16xi32> to vector<32xbf16>
        %parallel_loop3A_339 = arith.index_cast %parallel_loop3A_325 : i32 to index
        %parallel_loop3A_340 = arith.constant 16 : index
        %parallel_loop3A_341 = tpu.vector_load %arg9[%parallel_loop3A_339, %parallel_loop3A_340] {strides = array<i32>} : memref<400x64xi32, #tpu.memory_space<vmem>>, vector<16xi32>,
        %parallel_loop3A_342 = vector.bitcast %parallel_loop3A_341 : vector<16xi32> to vector<32xbf16>
        %parallel_loop3A_343 = arith.mulf %parallel_loop3A_338, %parallel_loop3A_342 : vector<32xbf16>
        %parallel_loop3A_344 = arith.addf %parallel_loop3A_334, %parallel_loop3A_343 : vector<32xbf16>
        %parallel_loop3A_345 = arith.index_cast %parallel_loop3A_325 : i32 to index
        %parallel_loop3A_346 = arith.constant 32 : index
        %parallel_loop3A_347 = tpu.vector_load %arg7[%parallel_loop3A_345, %parallel_loop3A_346] {strides = array<i32>} : memref<400x64xi32, #tpu.memory_space<vmem>>, vector<16xi32>,
        %parallel_loop3A_348 = vector.bitcast %parallel_loop3A_347 : vector<16xi32> to vector<32xbf16>
        %parallel_loop3A_349 = arith.index_cast %parallel_loop3A_325 : i32 to index
        %parallel_loop3A_350 = arith.constant 32 : index
        %parallel_loop3A_351 = tpu.vector_load %arg9[%parallel_loop3A_349, %parallel_loop3A_350] {strides = array<i32>} : memref<400x64xi32, #tpu.memory_space<vmem>>, vector<16xi32>,
        %parallel_loop3A_352 = vector.bitcast %parallel_loop3A_351 : vector<16xi32> to vector<32xbf16>
        %parallel_loop3A_353 = arith.mulf %parallel_loop3A_348, %parallel_loop3A_352 : vector<32xbf16>
        %parallel_loop3A_354 = arith.addf %parallel_loop3A_344, %parallel_loop3A_353 : vector<32xbf16>
        %parallel_loop3A_355 = arith.index_cast %parallel_loop3A_325 : i32 to index
        %parallel_loop3A_356 = arith.constant 48 : index
        %parallel_loop3A_357 = tpu.vector_load %arg7[%parallel_loop3A_355, %parallel_loop3A_356] {strides = array<i32>} : memref<400x64xi32, #tpu.memory_space<vmem>>, vector<16xi32>,
        %parallel_loop3A_358 = vector.bitcast %parallel_loop3A_357 : vector<16xi32> to vector<32xbf16>
        %parallel_loop3A_359 = arith.index_cast %parallel_loop3A_325 : i32 to index
        %parallel_loop3A_360 = arith.constant 48 : index
        %parallel_loop3A_361 = tpu.vector_load %arg9[%parallel_loop3A_359, %parallel_loop3A_360] {strides = array<i32>} : memref<400x64xi32, #tpu.memory_space<vmem>>, vector<16xi32>,
        %parallel_loop3A_362 = vector.bitcast %parallel_loop3A_361 : vector<16xi32> to vector<32xbf16>
        %parallel_loop3A_363 = arith.mulf %parallel_loop3A_358, %parallel_loop3A_362 : vector<32xbf16>
        %parallel_loop3A_364 = arith.addf %parallel_loop3A_354, %parallel_loop3A_363 : vector<32xbf16>
        %parallel_loop3A_365 = tpu.unpack_subelements %parallel_loop3A_364, 0 {pack_format = #tpu.pack_format<interleaved>} : vector<32xbf16> -> vector<16xf32>
        %parallel_loop3A_366 = tpu.unpack_subelements %parallel_loop3A_364, 1 {pack_format = #tpu.pack_format<interleaved>} : vector<32xbf16> -> vector<16xf32>
        %parallel_loop3A_367 = arith.addf %parallel_loop3A_365, %parallel_loop3A_366 : vector<16xf32>
        %parallel_loop3A_368 = arith.index_cast %parallel_loop3A_325 : i32 to index
        %parallel_loop3A_369 = arith.constant 0 : index
        %parallel_loop3A_370 = tpu.vector_load %arg11[%parallel_loop3A_368, %parallel_loop3A_369] {strides = array<i32>} : memref<400x16xf32, #tpu.memory_space<vmem>>, vector<16xf32>,
        tpu.vector_store %arg11[%parallel_loop3A_368, %parallel_loop3A_369], %parallel_loop3A_367 {strides = array<i32>} : memref<400x16xf32, #tpu.memory_space<vmem>>, vector<16xf32>,
        %parallel_loop3A_371 = arith.constant 5 : i32
        %parallel_loop3A_372 = arith.addi %parallel_loop3A_135, %parallel_loop3A_371 : i32
        %parallel_loop3A_373 = arith.index_cast %parallel_loop3A_372 : i32 to index
        %parallel_loop3A_374 = arith.constant 0 : index
        %parallel_loop3A_375 = tpu.vector_load %arg7[%parallel_loop3A_373, %parallel_loop3A_374] {strides = array<i32>} : memref<400x64xi32, #tpu.memory_space<vmem>>, vector<16xi32>,
        %parallel_loop3A_376 = vector.bitcast %parallel_loop3A_375 : vector<16xi32> to vector<32xbf16>
        %parallel_loop3A_377 = arith.index_cast %parallel_loop3A_372 : i32 to index
        %parallel_loop3A_378 = arith.constant 0 : index
        %parallel_loop3A_379 = tpu.vector_load %arg9[%parallel_loop3A_377, %parallel_loop3A_378] {strides = array<i32>} : memref<400x64xi32, #tpu.memory_space<vmem>>, vector<16xi32>,
        %parallel_loop3A_380 = vector.bitcast %parallel_loop3A_379 : vector<16xi32> to vector<32xbf16>
        %parallel_loop3A_381 = arith.mulf %parallel_loop3A_376, %parallel_loop3A_380 : vector<32xbf16>
        %parallel_loop3A_382 = arith.index_cast %parallel_loop3A_372 : i32 to index
        %parallel_loop3A_383 = arith.constant 16 : index
        %parallel_loop3A_384 = tpu.vector_load %arg7[%parallel_loop3A_382, %parallel_loop3A_383] {strides = array<i32>} : memref<400x64xi32, #tpu.memory_space<vmem>>, vector<16xi32>,
        %parallel_loop3A_385 = vector.bitcast %parallel_loop3A_384 : vector<16xi32> to vector<32xbf16>
        %parallel_loop3A_386 = arith.index_cast %parallel_loop3A_372 : i32 to index
        %parallel_loop3A_387 = arith.constant 16 : index
        %parallel_loop3A_388 = tpu.vector_load %arg9[%parallel_loop3A_386, %parallel_loop3A_387] {strides = array<i32>} : memref<400x64xi32, #tpu.memory_space<vmem>>, vector<16xi32>,
        %parallel_loop3A_389 = vector.bitcast %parallel_loop3A_388 : vector<16xi32> to vector<32xbf16>
        %parallel_loop3A_390 = arith.mulf %parallel_loop3A_385, %parallel_loop3A_389 : vector<32xbf16>
        %parallel_loop3A_391 = arith.addf %parallel_loop3A_381, %parallel_loop3A_390 : vector<32xbf16>
        %parallel_loop3A_392 = arith.index_cast %parallel_loop3A_372 : i32 to index
        %parallel_loop3A_393 = arith.constant 32 : index
        %parallel_loop3A_394 = tpu.vector_load %arg7[%parallel_loop3A_392, %parallel_loop3A_393] {strides = array<i32>} : memref<400x64xi32, #tpu.memory_space<vmem>>, vector<16xi32>,
        %parallel_loop3A_395 = vector.bitcast %parallel_loop3A_394 : vector<16xi32> to vector<32xbf16>
        %parallel_loop3A_396 = arith.index_cast %parallel_loop3A_372 : i32 to index
        %parallel_loop3A_397 = arith.constant 32 : index
        %parallel_loop3A_398 = tpu.vector_load %arg9[%parallel_loop3A_396, %parallel_loop3A_397] {strides = array<i32>} : memref<400x64xi32, #tpu.memory_space<vmem>>, vector<16xi32>,
        %parallel_loop3A_399 = vector.bitcast %parallel_loop3A_398 : vector<16xi32> to vector<32xbf16>
        %parallel_loop3A_400 = arith.mulf %parallel_loop3A_395, %parallel_loop3A_399 : vector<32xbf16>
        %parallel_loop3A_401 = arith.addf %parallel_loop3A_391, %parallel_loop3A_400 : vector<32xbf16>
        %parallel_loop3A_402 = arith.index_cast %parallel_loop3A_372 : i32 to index
        %parallel_loop3A_403 = arith.constant 48 : index
        %parallel_loop3A_404 = tpu.vector_load %arg7[%parallel_loop3A_402, %parallel_loop3A_403] {strides = array<i32>} : memref<400x64xi32, #tpu.memory_space<vmem>>, vector<16xi32>,
        %parallel_loop3A_405 = vector.bitcast %parallel_loop3A_404 : vector<16xi32> to vector<32xbf16>
        %parallel_loop3A_406 = arith.index_cast %parallel_loop3A_372 : i32 to index
        %parallel_loop3A_407 = arith.constant 48 : index
        %parallel_loop3A_408 = tpu.vector_load %arg9[%parallel_loop3A_406, %parallel_loop3A_407] {strides = array<i32>} : memref<400x64xi32, #tpu.memory_space<vmem>>, vector<16xi32>,
        %parallel_loop3A_409 = vector.bitcast %parallel_loop3A_408 : vector<16xi32> to vector<32xbf16>
        %parallel_loop3A_410 = arith.mulf %parallel_loop3A_405, %parallel_loop3A_409 : vector<32xbf16>
        %parallel_loop3A_411 = arith.addf %parallel_loop3A_401, %parallel_loop3A_410 : vector<32xbf16>
        %parallel_loop3A_412 = tpu.unpack_subelements %parallel_loop3A_411, 0 {pack_format = #tpu.pack_format<interleaved>} : vector<32xbf16> -> vector<16xf32>
        %parallel_loop3A_413 = tpu.unpack_subelements %parallel_loop3A_411, 1 {pack_format = #tpu.pack_format<interleaved>} : vector<32xbf16> -> vector<16xf32>
        %parallel_loop3A_414 = arith.addf %parallel_loop3A_412, %parallel_loop3A_413 : vector<16xf32>
        %parallel_loop3A_415 = arith.index_cast %parallel_loop3A_372 : i32 to index
        %parallel_loop3A_416 = arith.constant 0 : index
        %parallel_loop3A_417 = tpu.vector_load %arg11[%parallel_loop3A_415, %parallel_loop3A_416] {strides = array<i32>} : memref<400x16xf32, #tpu.memory_space<vmem>>, vector<16xf32>,
        tpu.vector_store %arg11[%parallel_loop3A_415, %parallel_loop3A_416], %parallel_loop3A_414 {strides = array<i32>} : memref<400x16xf32, #tpu.memory_space<vmem>>, vector<16xf32>,
        %parallel_loop3A_418 = arith.constant 6 : i32
        %parallel_loop3A_419 = arith.addi %parallel_loop3A_135, %parallel_loop3A_418 : i32
        %parallel_loop3A_420 = arith.index_cast %parallel_loop3A_419 : i32 to index
        %parallel_loop3A_421 = arith.constant 0 : index
        %parallel_loop3A_422 = tpu.vector_load %arg7[%parallel_loop3A_420, %parallel_loop3A_421] {strides = array<i32>} : memref<400x64xi32, #tpu.memory_space<vmem>>, vector<16xi32>,
        %parallel_loop3A_423 = vector.bitcast %parallel_loop3A_422 : vector<16xi32> to vector<32xbf16>
        %parallel_loop3A_424 = arith.index_cast %parallel_loop3A_419 : i32 to index
        %parallel_loop3A_425 = arith.constant 0 : index
        %parallel_loop3A_426 = tpu.vector_load %arg9[%parallel_loop3A_424, %parallel_loop3A_425] {strides = array<i32>} : memref<400x64xi32, #tpu.memory_space<vmem>>, vector<16xi32>,
        %parallel_loop3A_427 = vector.bitcast %parallel_loop3A_426 : vector<16xi32> to vector<32xbf16>
        %parallel_loop3A_428 = arith.mulf %parallel_loop3A_423, %parallel_loop3A_427 : vector<32xbf16>
        %parallel_loop3A_429 = arith.index_cast %parallel_loop3A_419 : i32 to index
        %parallel_loop3A_430 = arith.constant 16 : index
        %parallel_loop3A_431 = tpu.vector_load %arg7[%parallel_loop3A_429, %parallel_loop3A_430] {strides = array<i32>} : memref<400x64xi32, #tpu.memory_space<vmem>>, vector<16xi32>,
        %parallel_loop3A_432 = vector.bitcast %parallel_loop3A_431 : vector<16xi32> to vector<32xbf16>
        %parallel_loop3A_433 = arith.index_cast %parallel_loop3A_419 : i32 to index
        %parallel_loop3A_434 = arith.constant 16 : index
        %parallel_loop3A_435 = tpu.vector_load %arg9[%parallel_loop3A_433, %parallel_loop3A_434] {strides = array<i32>} : memref<400x64xi32, #tpu.memory_space<vmem>>, vector<16xi32>,
        %parallel_loop3A_436 = vector.bitcast %parallel_loop3A_435 : vector<16xi32> to vector<32xbf16>
        %parallel_loop3A_437 = arith.mulf %parallel_loop3A_432, %parallel_loop3A_436 : vector<32xbf16>
        %parallel_loop3A_438 = arith.addf %parallel_loop3A_428, %parallel_loop3A_437 : vector<32xbf16>
        %parallel_loop3A_439 = arith.index_cast %parallel_loop3A_419 : i32 to index
        %parallel_loop3A_440 = arith.constant 32 : index
        %parallel_loop3A_441 = tpu.vector_load %arg7[%parallel_loop3A_439, %parallel_loop3A_440] {strides = array<i32>} : memref<400x64xi32, #tpu.memory_space<vmem>>, vector<16xi32>,
        %parallel_loop3A_442 = vector.bitcast %parallel_loop3A_441 : vector<16xi32> to vector<32xbf16>
        %parallel_loop3A_443 = arith.index_cast %parallel_loop3A_419 : i32 to index
        %parallel_loop3A_444 = arith.constant 32 : index
        %parallel_loop3A_445 = tpu.vector_load %arg9[%parallel_loop3A_443, %parallel_loop3A_444] {strides = array<i32>} : memref<400x64xi32, #tpu.memory_space<vmem>>, vector<16xi32>,
        %parallel_loop3A_446 = vector.bitcast %parallel_loop3A_445 : vector<16xi32> to vector<32xbf16>
        %parallel_loop3A_447 = arith.mulf %parallel_loop3A_442, %parallel_loop3A_446 : vector<32xbf16>
        %parallel_loop3A_448 = arith.addf %parallel_loop3A_438, %parallel_loop3A_447 : vector<32xbf16>
        %parallel_loop3A_449 = arith.index_cast %parallel_loop3A_419 : i32 to index
        %parallel_loop3A_450 = arith.constant 48 : index
        %parallel_loop3A_451 = tpu.vector_load %arg7[%parallel_loop3A_449, %parallel_loop3A_450] {strides = array<i32>} : memref<400x64xi32, #tpu.memory_space<vmem>>, vector<16xi32>,
        %parallel_loop3A_452 = vector.bitcast %parallel_loop3A_451 : vector<16xi32> to vector<32xbf16>
        %parallel_loop3A_453 = arith.index_cast %parallel_loop3A_419 : i32 to index
        %parallel_loop3A_454 = arith.constant 48 : index
        %parallel_loop3A_455 = tpu.vector_load %arg9[%parallel_loop3A_453, %parallel_loop3A_454] {strides = array<i32>} : memref<400x64xi32, #tpu.memory_space<vmem>>, vector<16xi32>,
        %parallel_loop3A_456 = vector.bitcast %parallel_loop3A_455 : vector<16xi32> to vector<32xbf16>
        %parallel_loop3A_457 = arith.mulf %parallel_loop3A_452, %parallel_loop3A_456 : vector<32xbf16>
        %parallel_loop3A_458 = arith.addf %parallel_loop3A_448, %parallel_loop3A_457 : vector<32xbf16>
        %parallel_loop3A_459 = tpu.unpack_subelements %parallel_loop3A_458, 0 {pack_format = #tpu.pack_format<interleaved>} : vector<32xbf16> -> vector<16xf32>
        %parallel_loop3A_460 = tpu.unpack_subelements %parallel_loop3A_458, 1 {pack_format = #tpu.pack_format<interleaved>} : vector<32xbf16> -> vector<16xf32>
        %parallel_loop3A_461 = arith.addf %parallel_loop3A_459, %parallel_loop3A_460 : vector<16xf32>
        %parallel_loop3A_462 = arith.index_cast %parallel_loop3A_419 : i32 to index
        %parallel_loop3A_463 = arith.constant 0 : index
        %parallel_loop3A_464 = tpu.vector_load %arg11[%parallel_loop3A_462, %parallel_loop3A_463] {strides = array<i32>} : memref<400x16xf32, #tpu.memory_space<vmem>>, vector<16xf32>,
        tpu.vector_store %arg11[%parallel_loop3A_462, %parallel_loop3A_463], %parallel_loop3A_461 {strides = array<i32>} : memref<400x16xf32, #tpu.memory_space<vmem>>, vector<16xf32>,
        %parallel_loop3A_465 = arith.constant 7 : i32
        %parallel_loop3A_466 = arith.addi %parallel_loop3A_135, %parallel_loop3A_465 : i32
        %parallel_loop3A_467 = arith.index_cast %parallel_loop3A_466 : i32 to index
        %parallel_loop3A_468 = arith.constant 0 : index
        %parallel_loop3A_469 = tpu.vector_load %arg7[%parallel_loop3A_467, %parallel_loop3A_468] {strides = array<i32>} : memref<400x64xi32, #tpu.memory_space<vmem>>, vector<16xi32>,
        %parallel_loop3A_470 = vector.bitcast %parallel_loop3A_469 : vector<16xi32> to vector<32xbf16>
        %parallel_loop3A_471 = arith.index_cast %parallel_loop3A_466 : i32 to index
        %parallel_loop3A_472 = arith.constant 0 : index
        %parallel_loop3A_473 = tpu.vector_load %arg9[%parallel_loop3A_471, %parallel_loop3A_472] {strides = array<i32>} : memref<400x64xi32, #tpu.memory_space<vmem>>, vector<16xi32>,
        %parallel_loop3A_474 = vector.bitcast %parallel_loop3A_473 : vector<16xi32> to vector<32xbf16>
        %parallel_loop3A_475 = arith.mulf %parallel_loop3A_470, %parallel_loop3A_474 : vector<32xbf16>
        %parallel_loop3A_476 = arith.index_cast %parallel_loop3A_466 : i32 to index
        %parallel_loop3A_477 = arith.constant 16 : index
        %parallel_loop3A_478 = tpu.vector_load %arg7[%parallel_loop3A_476, %parallel_loop3A_477] {strides = array<i32>} : memref<400x64xi32, #tpu.memory_space<vmem>>, vector<16xi32>,
        %parallel_loop3A_479 = vector.bitcast %parallel_loop3A_478 : vector<16xi32> to vector<32xbf16>
        %parallel_loop3A_480 = arith.index_cast %parallel_loop3A_466 : i32 to index
        %parallel_loop3A_481 = arith.constant 16 : index
        %parallel_loop3A_482 = tpu.vector_load %arg9[%parallel_loop3A_480, %parallel_loop3A_481] {strides = array<i32>} : memref<400x64xi32, #tpu.memory_space<vmem>>, vector<16xi32>,
        %parallel_loop3A_483 = vector.bitcast %parallel_loop3A_482 : vector<16xi32> to vector<32xbf16>
        %parallel_loop3A_484 = arith.mulf %parallel_loop3A_479, %parallel_loop3A_483 : vector<32xbf16>
        %parallel_loop3A_485 = arith.addf %parallel_loop3A_475, %parallel_loop3A_484 : vector<32xbf16>
        %parallel_loop3A_486 = arith.index_cast %parallel_loop3A_466 : i32 to index
        %parallel_loop3A_487 = arith.constant 32 : index
        %parallel_loop3A_488 = tpu.vector_load %arg7[%parallel_loop3A_486, %parallel_loop3A_487] {strides = array<i32>} : memref<400x64xi32, #tpu.memory_space<vmem>>, vector<16xi32>,
        %parallel_loop3A_489 = vector.bitcast %parallel_loop3A_488 : vector<16xi32> to vector<32xbf16>
        %parallel_loop3A_490 = arith.index_cast %parallel_loop3A_466 : i32 to index
        %parallel_loop3A_491 = arith.constant 32 : index
        %parallel_loop3A_492 = tpu.vector_load %arg9[%parallel_loop3A_490, %parallel_loop3A_491] {strides = array<i32>} : memref<400x64xi32, #tpu.memory_space<vmem>>, vector<16xi32>,
        %parallel_loop3A_493 = vector.bitcast %parallel_loop3A_492 : vector<16xi32> to vector<32xbf16>
        %parallel_loop3A_494 = arith.mulf %parallel_loop3A_489, %parallel_loop3A_493 : vector<32xbf16>
        %parallel_loop3A_495 = arith.addf %parallel_loop3A_485, %parallel_loop3A_494 : vector<32xbf16>
        %parallel_loop3A_496 = arith.index_cast %parallel_loop3A_466 : i32 to index
        %parallel_loop3A_497 = arith.constant 48 : index
        %parallel_loop3A_498 = tpu.vector_load %arg7[%parallel_loop3A_496, %parallel_loop3A_497] {strides = array<i32>} : memref<400x64xi32, #tpu.memory_space<vmem>>, vector<16xi32>,
        %parallel_loop3A_499 = vector.bitcast %parallel_loop3A_498 : vector<16xi32> to vector<32xbf16>
        %parallel_loop3A_500 = arith.index_cast %parallel_loop3A_466 : i32 to index
        %parallel_loop3A_501 = arith.constant 48 : index
        %parallel_loop3A_502 = tpu.vector_load %arg9[%parallel_loop3A_500, %parallel_loop3A_501] {strides = array<i32>} : memref<400x64xi32, #tpu.memory_space<vmem>>, vector<16xi32>,
        %parallel_loop3A_503 = vector.bitcast %parallel_loop3A_502 : vector<16xi32> to vector<32xbf16>
        %parallel_loop3A_504 = arith.mulf %parallel_loop3A_499, %parallel_loop3A_503 : vector<32xbf16>
        %parallel_loop3A_505 = arith.addf %parallel_loop3A_495, %parallel_loop3A_504 : vector<32xbf16>
        %parallel_loop3A_506 = tpu.unpack_subelements %parallel_loop3A_505, 0 {pack_format = #tpu.pack_format<interleaved>} : vector<32xbf16> -> vector<16xf32>
        %parallel_loop3A_507 = tpu.unpack_subelements %parallel_loop3A_505, 1 {pack_format = #tpu.pack_format<interleaved>} : vector<32xbf16> -> vector<16xf32>
        %parallel_loop3A_508 = arith.addf %parallel_loop3A_506, %parallel_loop3A_507 : vector<16xf32>
        %parallel_loop3A_509 = arith.index_cast %parallel_loop3A_466 : i32 to index
        %parallel_loop3A_510 = arith.constant 0 : index
        %parallel_loop3A_511 = tpu.vector_load %arg11[%parallel_loop3A_509, %parallel_loop3A_510] {strides = array<i32>} : memref<400x16xf32, #tpu.memory_space<vmem>>, vector<16xf32>,
        tpu.vector_store %arg11[%parallel_loop3A_509, %parallel_loop3A_510], %parallel_loop3A_508 {strides = array<i32>} : memref<400x16xf32, #tpu.memory_space<vmem>>, vector<16xf32>,
        %parallel_loop3A_512 = arith.constant 8 : i32
        %parallel_loop3A_513 = arith.addi %parallel_loop3A_135, %parallel_loop3A_512 : i32
        %parallel_loop3A_514 = arith.index_cast %parallel_loop3A_513 : i32 to index
        %parallel_loop3A_515 = arith.constant 0 : index
        %parallel_loop3A_516 = tpu.vector_load %arg7[%parallel_loop3A_514, %parallel_loop3A_515] {strides = array<i32>} : memref<400x64xi32, #tpu.memory_space<vmem>>, vector<16xi32>,
        %parallel_loop3A_517 = vector.bitcast %parallel_loop3A_516 : vector<16xi32> to vector<32xbf16>
        %parallel_loop3A_518 = arith.index_cast %parallel_loop3A_513 : i32 to index
        %parallel_loop3A_519 = arith.constant 0 : index
        %parallel_loop3A_520 = tpu.vector_load %arg9[%parallel_loop3A_518, %parallel_loop3A_519] {strides = array<i32>} : memref<400x64xi32, #tpu.memory_space<vmem>>, vector<16xi32>,
        %parallel_loop3A_521 = vector.bitcast %parallel_loop3A_520 : vector<16xi32> to vector<32xbf16>
        %parallel_loop3A_522 = arith.mulf %parallel_loop3A_517, %parallel_loop3A_521 : vector<32xbf16>
        %parallel_loop3A_523 = arith.index_cast %parallel_loop3A_513 : i32 to index
        %parallel_loop3A_524 = arith.constant 16 : index
        %parallel_loop3A_525 = tpu.vector_load %arg7[%parallel_loop3A_523, %parallel_loop3A_524] {strides = array<i32>} : memref<400x64xi32, #tpu.memory_space<vmem>>, vector<16xi32>,
        %parallel_loop3A_526 = vector.bitcast %parallel_loop3A_525 : vector<16xi32> to vector<32xbf16>
        %parallel_loop3A_527 = arith.index_cast %parallel_loop3A_513 : i32 to index
        %parallel_loop3A_528 = arith.constant 16 : index
        %parallel_loop3A_529 = tpu.vector_load %arg9[%parallel_loop3A_527, %parallel_loop3A_528] {strides = array<i32>} : memref<400x64xi32, #tpu.memory_space<vmem>>, vector<16xi32>,
        %parallel_loop3A_530 = vector.bitcast %parallel_loop3A_529 : vector<16xi32> to vector<32xbf16>
        %parallel_loop3A_531 = arith.mulf %parallel_loop3A_526, %parallel_loop3A_530 : vector<32xbf16>
        %parallel_loop3A_532 = arith.addf %parallel_loop3A_522, %parallel_loop3A_531 : vector<32xbf16>
        %parallel_loop3A_533 = arith.index_cast %parallel_loop3A_513 : i32 to index
        %parallel_loop3A_534 = arith.constant 32 : index
        %parallel_loop3A_535 = tpu.vector_load %arg7[%parallel_loop3A_533, %parallel_loop3A_534] {strides = array<i32>} : memref<400x64xi32, #tpu.memory_space<vmem>>, vector<16xi32>,
        %parallel_loop3A_536 = vector.bitcast %parallel_loop3A_535 : vector<16xi32> to vector<32xbf16>
        %parallel_loop3A_537 = arith.index_cast %parallel_loop3A_513 : i32 to index
        %parallel_loop3A_538 = arith.constant 32 : index
        %parallel_loop3A_539 = tpu.vector_load %arg9[%parallel_loop3A_537, %parallel_loop3A_538] {strides = array<i32>} : memref<400x64xi32, #tpu.memory_space<vmem>>, vector<16xi32>,
        %parallel_loop3A_540 = vector.bitcast %parallel_loop3A_539 : vector<16xi32> to vector<32xbf16>
        %parallel_loop3A_541 = arith.mulf %parallel_loop3A_536, %parallel_loop3A_540 : vector<32xbf16>
        %parallel_loop3A_542 = arith.addf %parallel_loop3A_532, %parallel_loop3A_541 : vector<32xbf16>
        %parallel_loop3A_543 = arith.index_cast %parallel_loop3A_513 : i32 to index
        %parallel_loop3A_544 = arith.constant 48 : index
        %parallel_loop3A_545 = tpu.vector_load %arg7[%parallel_loop3A_543, %parallel_loop3A_544] {strides = array<i32>} : memref<400x64xi32, #tpu.memory_space<vmem>>, vector<16xi32>,
        %parallel_loop3A_546 = vector.bitcast %parallel_loop3A_545 : vector<16xi32> to vector<32xbf16>
        %parallel_loop3A_547 = arith.index_cast %parallel_loop3A_513 : i32 to index
        %parallel_loop3A_548 = arith.constant 48 : index
        %parallel_loop3A_549 = tpu.vector_load %arg9[%parallel_loop3A_547, %parallel_loop3A_548] {strides = array<i32>} : memref<400x64xi32, #tpu.memory_space<vmem>>, vector<16xi32>,
        %parallel_loop3A_550 = vector.bitcast %parallel_loop3A_549 : vector<16xi32> to vector<32xbf16>
        %parallel_loop3A_551 = arith.mulf %parallel_loop3A_546, %parallel_loop3A_550 : vector<32xbf16>
        %parallel_loop3A_552 = arith.addf %parallel_loop3A_542, %parallel_loop3A_551 : vector<32xbf16>
        %parallel_loop3A_553 = tpu.unpack_subelements %parallel_loop3A_552, 0 {pack_format = #tpu.pack_format<interleaved>} : vector<32xbf16> -> vector<16xf32>
        %parallel_loop3A_554 = tpu.unpack_subelements %parallel_loop3A_552, 1 {pack_format = #tpu.pack_format<interleaved>} : vector<32xbf16> -> vector<16xf32>
        %parallel_loop3A_555 = arith.addf %parallel_loop3A_553, %parallel_loop3A_554 : vector<16xf32>
        %parallel_loop3A_556 = arith.index_cast %parallel_loop3A_513 : i32 to index
        %parallel_loop3A_557 = arith.constant 0 : index
        %parallel_loop3A_558 = tpu.vector_load %arg11[%parallel_loop3A_556, %parallel_loop3A_557] {strides = array<i32>} : memref<400x16xf32, #tpu.memory_space<vmem>>, vector<16xf32>,
        tpu.vector_store %arg11[%parallel_loop3A_556, %parallel_loop3A_557], %parallel_loop3A_555 {strides = array<i32>} : memref<400x16xf32, #tpu.memory_space<vmem>>, vector<16xf32>,
        %parallel_loop3A_559 = arith.constant 9 : i32
        %parallel_loop3A_560 = arith.addi %parallel_loop3A_135, %parallel_loop3A_559 : i32
        %parallel_loop3A_561 = arith.index_cast %parallel_loop3A_560 : i32 to index
        %parallel_loop3A_562 = arith.constant 0 : index
        %parallel_loop3A_563 = tpu.vector_load %arg7[%parallel_loop3A_561, %parallel_loop3A_562] {strides = array<i32>} : memref<400x64xi32, #tpu.memory_space<vmem>>, vector<16xi32>,
        %parallel_loop3A_564 = vector.bitcast %parallel_loop3A_563 : vector<16xi32> to vector<32xbf16>
        %parallel_loop3A_565 = arith.index_cast %parallel_loop3A_560 : i32 to index
        %parallel_loop3A_566 = arith.constant 0 : index
        %parallel_loop3A_567 = tpu.vector_load %arg9[%parallel_loop3A_565, %parallel_loop3A_566] {strides = array<i32>} : memref<400x64xi32, #tpu.memory_space<vmem>>, vector<16xi32>,
        %parallel_loop3A_568 = vector.bitcast %parallel_loop3A_567 : vector<16xi32> to vector<32xbf16>
        %parallel_loop3A_569 = arith.mulf %parallel_loop3A_564, %parallel_loop3A_568 : vector<32xbf16>
        %parallel_loop3A_570 = arith.index_cast %parallel_loop3A_560 : i32 to index
        %parallel_loop3A_571 = arith.constant 16 : index
        %parallel_loop3A_572 = tpu.vector_load %arg7[%parallel_loop3A_570, %parallel_loop3A_571] {strides = array<i32>} : memref<400x64xi32, #tpu.memory_space<vmem>>, vector<16xi32>,
        %parallel_loop3A_573 = vector.bitcast %parallel_loop3A_572 : vector<16xi32> to vector<32xbf16>
        %parallel_loop3A_574 = arith.index_cast %parallel_loop3A_560 : i32 to index
        %parallel_loop3A_575 = arith.constant 16 : index
        %parallel_loop3A_576 = tpu.vector_load %arg9[%parallel_loop3A_574, %parallel_loop3A_575] {strides = array<i32>} : memref<400x64xi32, #tpu.memory_space<vmem>>, vector<16xi32>,
        %parallel_loop3A_577 = vector.bitcast %parallel_loop3A_576 : vector<16xi32> to vector<32xbf16>
        %parallel_loop3A_578 = arith.mulf %parallel_loop3A_573, %parallel_loop3A_577 : vector<32xbf16>
        %parallel_loop3A_579 = arith.addf %parallel_loop3A_569, %parallel_loop3A_578 : vector<32xbf16>
        %parallel_loop3A_580 = arith.index_cast %parallel_loop3A_560 : i32 to index
        %parallel_loop3A_581 = arith.constant 32 : index
        %parallel_loop3A_582 = tpu.vector_load %arg7[%parallel_loop3A_580, %parallel_loop3A_581] {strides = array<i32>} : memref<400x64xi32, #tpu.memory_space<vmem>>, vector<16xi32>,
        %parallel_loop3A_583 = vector.bitcast %parallel_loop3A_582 : vector<16xi32> to vector<32xbf16>
        %parallel_loop3A_584 = arith.index_cast %parallel_loop3A_560 : i32 to index
        %parallel_loop3A_585 = arith.constant 32 : index
        %parallel_loop3A_586 = tpu.vector_load %arg9[%parallel_loop3A_584, %parallel_loop3A_585] {strides = array<i32>} : memref<400x64xi32, #tpu.memory_space<vmem>>, vector<16xi32>,
        %parallel_loop3A_587 = vector.bitcast %parallel_loop3A_586 : vector<16xi32> to vector<32xbf16>
        %parallel_loop3A_588 = arith.mulf %parallel_loop3A_583, %parallel_loop3A_587 : vector<32xbf16>
        %parallel_loop3A_589 = arith.addf %parallel_loop3A_579, %parallel_loop3A_588 : vector<32xbf16>
        %parallel_loop3A_590 = arith.index_cast %parallel_loop3A_560 : i32 to index
        %parallel_loop3A_591 = arith.constant 48 : index
        %parallel_loop3A_592 = tpu.vector_load %arg7[%parallel_loop3A_590, %parallel_loop3A_591] {strides = array<i32>} : memref<400x64xi32, #tpu.memory_space<vmem>>, vector<16xi32>,
        %parallel_loop3A_593 = vector.bitcast %parallel_loop3A_592 : vector<16xi32> to vector<32xbf16>
        %parallel_loop3A_594 = arith.index_cast %parallel_loop3A_560 : i32 to index
        %parallel_loop3A_595 = arith.constant 48 : index
        %parallel_loop3A_596 = tpu.vector_load %arg9[%parallel_loop3A_594, %parallel_loop3A_595] {strides = array<i32>} : memref<400x64xi32, #tpu.memory_space<vmem>>, vector<16xi32>,
        %parallel_loop3A_597 = vector.bitcast %parallel_loop3A_596 : vector<16xi32> to vector<32xbf16>
        %parallel_loop3A_598 = arith.mulf %parallel_loop3A_593, %parallel_loop3A_597 : vector<32xbf16>
        %parallel_loop3A_599 = arith.addf %parallel_loop3A_589, %parallel_loop3A_598 : vector<32xbf16>
        %parallel_loop3A_600 = tpu.unpack_subelements %parallel_loop3A_599, 0 {pack_format = #tpu.pack_format<interleaved>} : vector<32xbf16> -> vector<16xf32>
        %parallel_loop3A_601 = tpu.unpack_subelements %parallel_loop3A_599, 1 {pack_format = #tpu.pack_format<interleaved>} : vector<32xbf16> -> vector<16xf32>
        %parallel_loop3A_602 = arith.addf %parallel_loop3A_600, %parallel_loop3A_601 : vector<16xf32>
        %parallel_loop3A_603 = arith.index_cast %parallel_loop3A_560 : i32 to index
        %parallel_loop3A_604 = arith.constant 0 : index
        %parallel_loop3A_605 = tpu.vector_load %arg11[%parallel_loop3A_603, %parallel_loop3A_604] {strides = array<i32>} : memref<400x16xf32, #tpu.memory_space<vmem>>, vector<16xf32>,
        tpu.vector_store %arg11[%parallel_loop3A_603, %parallel_loop3A_604], %parallel_loop3A_602 {strides = array<i32>} : memref<400x16xf32, #tpu.memory_space<vmem>>, vector<16xf32>,
        %parallel_loop3A_606 = arith.constant 10 : i32
        %parallel_loop3A_607 = arith.addi %parallel_loop3A_135, %parallel_loop3A_606 : i32
        %parallel_loop3A_608 = arith.index_cast %parallel_loop3A_607 : i32 to index
        %parallel_loop3A_609 = arith.constant 0 : index
        %parallel_loop3A_610 = tpu.vector_load %arg7[%parallel_loop3A_608, %parallel_loop3A_609] {strides = array<i32>} : memref<400x64xi32, #tpu.memory_space<vmem>>, vector<16xi32>,
        %parallel_loop3A_611 = vector.bitcast %parallel_loop3A_610 : vector<16xi32> to vector<32xbf16>
        %parallel_loop3A_612 = arith.index_cast %parallel_loop3A_607 : i32 to index
        %parallel_loop3A_613 = arith.constant 0 : index
        %parallel_loop3A_614 = tpu.vector_load %arg9[%parallel_loop3A_612, %parallel_loop3A_613] {strides = array<i32>} : memref<400x64xi32, #tpu.memory_space<vmem>>, vector<16xi32>,
        %parallel_loop3A_615 = vector.bitcast %parallel_loop3A_614 : vector<16xi32> to vector<32xbf16>
        %parallel_loop3A_616 = arith.mulf %parallel_loop3A_611, %parallel_loop3A_615 : vector<32xbf16>
        %parallel_loop3A_617 = arith.index_cast %parallel_loop3A_607 : i32 to index
        %parallel_loop3A_618 = arith.constant 16 : index
        %parallel_loop3A_619 = tpu.vector_load %arg7[%parallel_loop3A_617, %parallel_loop3A_618] {strides = array<i32>} : memref<400x64xi32, #tpu.memory_space<vmem>>, vector<16xi32>,
        %parallel_loop3A_620 = vector.bitcast %parallel_loop3A_619 : vector<16xi32> to vector<32xbf16>
        %parallel_loop3A_621 = arith.index_cast %parallel_loop3A_607 : i32 to index
        %parallel_loop3A_622 = arith.constant 16 : index
        %parallel_loop3A_623 = tpu.vector_load %arg9[%parallel_loop3A_621, %parallel_loop3A_622] {strides = array<i32>} : memref<400x64xi32, #tpu.memory_space<vmem>>, vector<16xi32>,
        %parallel_loop3A_624 = vector.bitcast %parallel_loop3A_623 : vector<16xi32> to vector<32xbf16>
        %parallel_loop3A_625 = arith.mulf %parallel_loop3A_620, %parallel_loop3A_624 : vector<32xbf16>
        %parallel_loop3A_626 = arith.addf %parallel_loop3A_616, %parallel_loop3A_625 : vector<32xbf16>
        %parallel_loop3A_627 = arith.index_cast %parallel_loop3A_607 : i32 to index
        %parallel_loop3A_628 = arith.constant 32 : index
        %parallel_loop3A_629 = tpu.vector_load %arg7[%parallel_loop3A_627, %parallel_loop3A_628] {strides = array<i32>} : memref<400x64xi32, #tpu.memory_space<vmem>>, vector<16xi32>,
        %parallel_loop3A_630 = vector.bitcast %parallel_loop3A_629 : vector<16xi32> to vector<32xbf16>
        %parallel_loop3A_631 = arith.index_cast %parallel_loop3A_607 : i32 to index
        %parallel_loop3A_632 = arith.constant 32 : index
        %parallel_loop3A_633 = tpu.vector_load %arg9[%parallel_loop3A_631, %parallel_loop3A_632] {strides = array<i32>} : memref<400x64xi32, #tpu.memory_space<vmem>>, vector<16xi32>,
        %parallel_loop3A_634 = vector.bitcast %parallel_loop3A_633 : vector<16xi32> to vector<32xbf16>
        %parallel_loop3A_635 = arith.mulf %parallel_loop3A_630, %parallel_loop3A_634 : vector<32xbf16>
        %parallel_loop3A_636 = arith.addf %parallel_loop3A_626, %parallel_loop3A_635 : vector<32xbf16>
        %parallel_loop3A_637 = arith.index_cast %parallel_loop3A_607 : i32 to index
        %parallel_loop3A_638 = arith.constant 48 : index
        %parallel_loop3A_639 = tpu.vector_load %arg7[%parallel_loop3A_637, %parallel_loop3A_638] {strides = array<i32>} : memref<400x64xi32, #tpu.memory_space<vmem>>, vector<16xi32>,
        %parallel_loop3A_640 = vector.bitcast %parallel_loop3A_639 : vector<16xi32> to vector<32xbf16>
        %parallel_loop3A_641 = arith.index_cast %parallel_loop3A_607 : i32 to index
        %parallel_loop3A_642 = arith.constant 48 : index
        %parallel_loop3A_643 = tpu.vector_load %arg9[%parallel_loop3A_641, %parallel_loop3A_642] {strides = array<i32>} : memref<400x64xi32, #tpu.memory_space<vmem>>, vector<16xi32>,
        %parallel_loop3A_644 = vector.bitcast %parallel_loop3A_643 : vector<16xi32> to vector<32xbf16>
        %parallel_loop3A_645 = arith.mulf %parallel_loop3A_640, %parallel_loop3A_644 : vector<32xbf16>
        %parallel_loop3A_646 = arith.addf %parallel_loop3A_636, %parallel_loop3A_645 : vector<32xbf16>
        %parallel_loop3A_647 = tpu.unpack_subelements %parallel_loop3A_646, 0 {pack_format = #tpu.pack_format<interleaved>} : vector<32xbf16> -> vector<16xf32>
        %parallel_loop3A_648 = tpu.unpack_subelements %parallel_loop3A_646, 1 {pack_format = #tpu.pack_format<interleaved>} : vector<32xbf16> -> vector<16xf32>
        %parallel_loop3A_649 = arith.addf %parallel_loop3A_647, %parallel_loop3A_648 : vector<16xf32>
        %parallel_loop3A_650 = arith.index_cast %parallel_loop3A_607 : i32 to index
        %parallel_loop3A_651 = arith.constant 0 : index
        %parallel_loop3A_652 = tpu.vector_load %arg11[%parallel_loop3A_650, %parallel_loop3A_651] {strides = array<i32>} : memref<400x16xf32, #tpu.memory_space<vmem>>, vector<16xf32>,
        tpu.vector_store %arg11[%parallel_loop3A_650, %parallel_loop3A_651], %parallel_loop3A_649 {strides = array<i32>} : memref<400x16xf32, #tpu.memory_space<vmem>>, vector<16xf32>,
        %parallel_loop3A_653 = arith.constant 11 : i32
        %parallel_loop3A_654 = arith.addi %parallel_loop3A_135, %parallel_loop3A_653 : i32
        %parallel_loop3A_655 = arith.index_cast %parallel_loop3A_654 : i32 to index
        %parallel_loop3A_656 = arith.constant 0 : index
        %parallel_loop3A_657 = tpu.vector_load %arg7[%parallel_loop3A_655, %parallel_loop3A_656] {strides = array<i32>} : memref<400x64xi32, #tpu.memory_space<vmem>>, vector<16xi32>,
        %parallel_loop3A_658 = vector.bitcast %parallel_loop3A_657 : vector<16xi32> to vector<32xbf16>
        %parallel_loop3A_659 = arith.index_cast %parallel_loop3A_654 : i32 to index
        %parallel_loop3A_660 = arith.constant 0 : index
        %parallel_loop3A_661 = tpu.vector_load %arg9[%parallel_loop3A_659, %parallel_loop3A_660] {strides = array<i32>} : memref<400x64xi32, #tpu.memory_space<vmem>>, vector<16xi32>,
        %parallel_loop3A_662 = vector.bitcast %parallel_loop3A_661 : vector<16xi32> to vector<32xbf16>
        %parallel_loop3A_663 = arith.mulf %parallel_loop3A_658, %parallel_loop3A_662 : vector<32xbf16>
        %parallel_loop3A_664 = arith.index_cast %parallel_loop3A_654 : i32 to index
        %parallel_loop3A_665 = arith.constant 16 : index
        %parallel_loop3A_666 = tpu.vector_load %arg7[%parallel_loop3A_664, %parallel_loop3A_665] {strides = array<i32>} : memref<400x64xi32, #tpu.memory_space<vmem>>, vector<16xi32>,
        %parallel_loop3A_667 = vector.bitcast %parallel_loop3A_666 : vector<16xi32> to vector<32xbf16>
        %parallel_loop3A_668 = arith.index_cast %parallel_loop3A_654 : i32 to index
        %parallel_loop3A_669 = arith.constant 16 : index
        %parallel_loop3A_670 = tpu.vector_load %arg9[%parallel_loop3A_668, %parallel_loop3A_669] {strides = array<i32>} : memref<400x64xi32, #tpu.memory_space<vmem>>, vector<16xi32>,
        %parallel_loop3A_671 = vector.bitcast %parallel_loop3A_670 : vector<16xi32> to vector<32xbf16>
        %parallel_loop3A_672 = arith.mulf %parallel_loop3A_667, %parallel_loop3A_671 : vector<32xbf16>
        %parallel_loop3A_673 = arith.addf %parallel_loop3A_663, %parallel_loop3A_672 : vector<32xbf16>
        %parallel_loop3A_674 = arith.index_cast %parallel_loop3A_654 : i32 to index
        %parallel_loop3A_675 = arith.constant 32 : index
        %parallel_loop3A_676 = tpu.vector_load %arg7[%parallel_loop3A_674, %parallel_loop3A_675] {strides = array<i32>} : memref<400x64xi32, #tpu.memory_space<vmem>>, vector<16xi32>,
        %parallel_loop3A_677 = vector.bitcast %parallel_loop3A_676 : vector<16xi32> to vector<32xbf16>
        %parallel_loop3A_678 = arith.index_cast %parallel_loop3A_654 : i32 to index
        %parallel_loop3A_679 = arith.constant 32 : index
        %parallel_loop3A_680 = tpu.vector_load %arg9[%parallel_loop3A_678, %parallel_loop3A_679] {strides = array<i32>} : memref<400x64xi32, #tpu.memory_space<vmem>>, vector<16xi32>,
        %parallel_loop3A_681 = vector.bitcast %parallel_loop3A_680 : vector<16xi32> to vector<32xbf16>
        %parallel_loop3A_682 = arith.mulf %parallel_loop3A_677, %parallel_loop3A_681 : vector<32xbf16>
        %parallel_loop3A_683 = arith.addf %parallel_loop3A_673, %parallel_loop3A_682 : vector<32xbf16>
        %parallel_loop3A_684 = arith.index_cast %parallel_loop3A_654 : i32 to index
        %parallel_loop3A_685 = arith.constant 48 : index
        %parallel_loop3A_686 = tpu.vector_load %arg7[%parallel_loop3A_684, %parallel_loop3A_685] {strides = array<i32>} : memref<400x64xi32, #tpu.memory_space<vmem>>, vector<16xi32>,
        %parallel_loop3A_687 = vector.bitcast %parallel_loop3A_686 : vector<16xi32> to vector<32xbf16>
        %parallel_loop3A_688 = arith.index_cast %parallel_loop3A_654 : i32 to index
        %parallel_loop3A_689 = arith.constant 48 : index
        %parallel_loop3A_690 = tpu.vector_load %arg9[%parallel_loop3A_688, %parallel_loop3A_689] {strides = array<i32>} : memref<400x64xi32, #tpu.memory_space<vmem>>, vector<16xi32>,
        %parallel_loop3A_691 = vector.bitcast %parallel_loop3A_690 : vector<16xi32> to vector<32xbf16>
        %parallel_loop3A_692 = arith.mulf %parallel_loop3A_687, %parallel_loop3A_691 : vector<32xbf16>
        %parallel_loop3A_693 = arith.addf %parallel_loop3A_683, %parallel_loop3A_692 : vector<32xbf16>
        %parallel_loop3A_694 = tpu.unpack_subelements %parallel_loop3A_693, 0 {pack_format = #tpu.pack_format<interleaved>} : vector<32xbf16> -> vector<16xf32>
        %parallel_loop3A_695 = tpu.unpack_subelements %parallel_loop3A_693, 1 {pack_format = #tpu.pack_format<interleaved>} : vector<32xbf16> -> vector<16xf32>
        %parallel_loop3A_696 = arith.addf %parallel_loop3A_694, %parallel_loop3A_695 : vector<16xf32>
        %parallel_loop3A_697 = arith.index_cast %parallel_loop3A_654 : i32 to index
        %parallel_loop3A_698 = arith.constant 0 : index
        %parallel_loop3A_699 = tpu.vector_load %arg11[%parallel_loop3A_697, %parallel_loop3A_698] {strides = array<i32>} : memref<400x16xf32, #tpu.memory_space<vmem>>, vector<16xf32>,
        tpu.vector_store %arg11[%parallel_loop3A_697, %parallel_loop3A_698], %parallel_loop3A_696 {strides = array<i32>} : memref<400x16xf32, #tpu.memory_space<vmem>>, vector<16xf32>,
        %parallel_loop3A_700 = arith.constant 12 : i32
        %parallel_loop3A_701 = arith.addi %parallel_loop3A_135, %parallel_loop3A_700 : i32
        %parallel_loop3A_702 = arith.index_cast %parallel_loop3A_701 : i32 to index
        %parallel_loop3A_703 = arith.constant 0 : index
        %parallel_loop3A_704 = tpu.vector_load %arg7[%parallel_loop3A_702, %parallel_loop3A_703] {strides = array<i32>} : memref<400x64xi32, #tpu.memory_space<vmem>>, vector<16xi32>,
        %parallel_loop3A_705 = vector.bitcast %parallel_loop3A_704 : vector<16xi32> to vector<32xbf16>
        %parallel_loop3A_706 = arith.index_cast %parallel_loop3A_701 : i32 to index
        %parallel_loop3A_707 = arith.constant 0 : index
        %parallel_loop3A_708 = tpu.vector_load %arg9[%parallel_loop3A_706, %parallel_loop3A_707] {strides = array<i32>} : memref<400x64xi32, #tpu.memory_space<vmem>>, vector<16xi32>,
        %parallel_loop3A_709 = vector.bitcast %parallel_loop3A_708 : vector<16xi32> to vector<32xbf16>
        %parallel_loop3A_710 = arith.mulf %parallel_loop3A_705, %parallel_loop3A_709 : vector<32xbf16>
        %parallel_loop3A_711 = arith.index_cast %parallel_loop3A_701 : i32 to index
        %parallel_loop3A_712 = arith.constant 16 : index
        %parallel_loop3A_713 = tpu.vector_load %arg7[%parallel_loop3A_711, %parallel_loop3A_712] {strides = array<i32>} : memref<400x64xi32, #tpu.memory_space<vmem>>, vector<16xi32>,
        %parallel_loop3A_714 = vector.bitcast %parallel_loop3A_713 : vector<16xi32> to vector<32xbf16>
        %parallel_loop3A_715 = arith.index_cast %parallel_loop3A_701 : i32 to index
        %parallel_loop3A_716 = arith.constant 16 : index
        %parallel_loop3A_717 = tpu.vector_load %arg9[%parallel_loop3A_715, %parallel_loop3A_716] {strides = array<i32>} : memref<400x64xi32, #tpu.memory_space<vmem>>, vector<16xi32>,
        %parallel_loop3A_718 = vector.bitcast %parallel_loop3A_717 : vector<16xi32> to vector<32xbf16>
        %parallel_loop3A_719 = arith.mulf %parallel_loop3A_714, %parallel_loop3A_718 : vector<32xbf16>
        %parallel_loop3A_720 = arith.addf %parallel_loop3A_710, %parallel_loop3A_719 : vector<32xbf16>
        %parallel_loop3A_721 = arith.index_cast %parallel_loop3A_701 : i32 to index
        %parallel_loop3A_722 = arith.constant 32 : index
        %parallel_loop3A_723 = tpu.vector_load %arg7[%parallel_loop3A_721, %parallel_loop3A_722] {strides = array<i32>} : memref<400x64xi32, #tpu.memory_space<vmem>>, vector<16xi32>,
        %parallel_loop3A_724 = vector.bitcast %parallel_loop3A_723 : vector<16xi32> to vector<32xbf16>
        %parallel_loop3A_725 = arith.index_cast %parallel_loop3A_701 : i32 to index
        %parallel_loop3A_726 = arith.constant 32 : index
        %parallel_loop3A_727 = tpu.vector_load %arg9[%parallel_loop3A_725, %parallel_loop3A_726] {strides = array<i32>} : memref<400x64xi32, #tpu.memory_space<vmem>>, vector<16xi32>,
        %parallel_loop3A_728 = vector.bitcast %parallel_loop3A_727 : vector<16xi32> to vector<32xbf16>
        %parallel_loop3A_729 = arith.mulf %parallel_loop3A_724, %parallel_loop3A_728 : vector<32xbf16>
        %parallel_loop3A_730 = arith.addf %parallel_loop3A_720, %parallel_loop3A_729 : vector<32xbf16>
        %parallel_loop3A_731 = arith.index_cast %parallel_loop3A_701 : i32 to index
        %parallel_loop3A_732 = arith.constant 48 : index
        %parallel_loop3A_733 = tpu.vector_load %arg7[%parallel_loop3A_731, %parallel_loop3A_732] {strides = array<i32>} : memref<400x64xi32, #tpu.memory_space<vmem>>, vector<16xi32>,
        %parallel_loop3A_734 = vector.bitcast %parallel_loop3A_733 : vector<16xi32> to vector<32xbf16>
        %parallel_loop3A_735 = arith.index_cast %parallel_loop3A_701 : i32 to index
        %parallel_loop3A_736 = arith.constant 48 : index
        %parallel_loop3A_737 = tpu.vector_load %arg9[%parallel_loop3A_735, %parallel_loop3A_736] {strides = array<i32>} : memref<400x64xi32, #tpu.memory_space<vmem>>, vector<16xi32>,
        %parallel_loop3A_738 = vector.bitcast %parallel_loop3A_737 : vector<16xi32> to vector<32xbf16>
        %parallel_loop3A_739 = arith.mulf %parallel_loop3A_734, %parallel_loop3A_738 : vector<32xbf16>
        %parallel_loop3A_740 = arith.addf %parallel_loop3A_730, %parallel_loop3A_739 : vector<32xbf16>
        %parallel_loop3A_741 = tpu.unpack_subelements %parallel_loop3A_740, 0 {pack_format = #tpu.pack_format<interleaved>} : vector<32xbf16> -> vector<16xf32>
        %parallel_loop3A_742 = tpu.unpack_subelements %parallel_loop3A_740, 1 {pack_format = #tpu.pack_format<interleaved>} : vector<32xbf16> -> vector<16xf32>
        %parallel_loop3A_743 = arith.addf %parallel_loop3A_741, %parallel_loop3A_742 : vector<16xf32>
        %parallel_loop3A_744 = arith.index_cast %parallel_loop3A_701 : i32 to index
        %parallel_loop3A_745 = arith.constant 0 : index
        %parallel_loop3A_746 = tpu.vector_load %arg11[%parallel_loop3A_744, %parallel_loop3A_745] {strides = array<i32>} : memref<400x16xf32, #tpu.memory_space<vmem>>, vector<16xf32>,
        tpu.vector_store %arg11[%parallel_loop3A_744, %parallel_loop3A_745], %parallel_loop3A_743 {strides = array<i32>} : memref<400x16xf32, #tpu.memory_space<vmem>>, vector<16xf32>,
        %parallel_loop3A_747 = arith.constant 13 : i32
        %parallel_loop3A_748 = arith.addi %parallel_loop3A_135, %parallel_loop3A_747 : i32
        %parallel_loop3A_749 = arith.index_cast %parallel_loop3A_748 : i32 to index
        %parallel_loop3A_750 = arith.constant 0 : index
        %parallel_loop3A_751 = tpu.vector_load %arg7[%parallel_loop3A_749, %parallel_loop3A_750] {strides = array<i32>} : memref<400x64xi32, #tpu.memory_space<vmem>>, vector<16xi32>,
        %parallel_loop3A_752 = vector.bitcast %parallel_loop3A_751 : vector<16xi32> to vector<32xbf16>
        %parallel_loop3A_753 = arith.index_cast %parallel_loop3A_748 : i32 to index
        %parallel_loop3A_754 = arith.constant 0 : index
        %parallel_loop3A_755 = tpu.vector_load %arg9[%parallel_loop3A_753, %parallel_loop3A_754] {strides = array<i32>} : memref<400x64xi32, #tpu.memory_space<vmem>>, vector<16xi32>,
        %parallel_loop3A_756 = vector.bitcast %parallel_loop3A_755 : vector<16xi32> to vector<32xbf16>
        %parallel_loop3A_757 = arith.mulf %parallel_loop3A_752, %parallel_loop3A_756 : vector<32xbf16>
        %parallel_loop3A_758 = arith.index_cast %parallel_loop3A_748 : i32 to index
        %parallel_loop3A_759 = arith.constant 16 : index
        %parallel_loop3A_760 = tpu.vector_load %arg7[%parallel_loop3A_758, %parallel_loop3A_759] {strides = array<i32>} : memref<400x64xi32, #tpu.memory_space<vmem>>, vector<16xi32>,
        %parallel_loop3A_761 = vector.bitcast %parallel_loop3A_760 : vector<16xi32> to vector<32xbf16>
        %parallel_loop3A_762 = arith.index_cast %parallel_loop3A_748 : i32 to index
        %parallel_loop3A_763 = arith.constant 16 : index
        %parallel_loop3A_764 = tpu.vector_load %arg9[%parallel_loop3A_762, %parallel_loop3A_763] {strides = array<i32>} : memref<400x64xi32, #tpu.memory_space<vmem>>, vector<16xi32>,
        %parallel_loop3A_765 = vector.bitcast %parallel_loop3A_764 : vector<16xi32> to vector<32xbf16>
        %parallel_loop3A_766 = arith.mulf %parallel_loop3A_761, %parallel_loop3A_765 : vector<32xbf16>
        %parallel_loop3A_767 = arith.addf %parallel_loop3A_757, %parallel_loop3A_766 : vector<32xbf16>
        %parallel_loop3A_768 = arith.index_cast %parallel_loop3A_748 : i32 to index
        %parallel_loop3A_769 = arith.constant 32 : index
        %parallel_loop3A_770 = tpu.vector_load %arg7[%parallel_loop3A_768, %parallel_loop3A_769] {strides = array<i32>} : memref<400x64xi32, #tpu.memory_space<vmem>>, vector<16xi32>,
        %parallel_loop3A_771 = vector.bitcast %parallel_loop3A_770 : vector<16xi32> to vector<32xbf16>
        %parallel_loop3A_772 = arith.index_cast %parallel_loop3A_748 : i32 to index
        %parallel_loop3A_773 = arith.constant 32 : index
        %parallel_loop3A_774 = tpu.vector_load %arg9[%parallel_loop3A_772, %parallel_loop3A_773] {strides = array<i32>} : memref<400x64xi32, #tpu.memory_space<vmem>>, vector<16xi32>,
        %parallel_loop3A_775 = vector.bitcast %parallel_loop3A_774 : vector<16xi32> to vector<32xbf16>
        %parallel_loop3A_776 = arith.mulf %parallel_loop3A_771, %parallel_loop3A_775 : vector<32xbf16>
        %parallel_loop3A_777 = arith.addf %parallel_loop3A_767, %parallel_loop3A_776 : vector<32xbf16>
        %parallel_loop3A_778 = arith.index_cast %parallel_loop3A_748 : i32 to index
        %parallel_loop3A_779 = arith.constant 48 : index
        %parallel_loop3A_780 = tpu.vector_load %arg7[%parallel_loop3A_778, %parallel_loop3A_779] {strides = array<i32>} : memref<400x64xi32, #tpu.memory_space<vmem>>, vector<16xi32>,
        %parallel_loop3A_781 = vector.bitcast %parallel_loop3A_780 : vector<16xi32> to vector<32xbf16>
        %parallel_loop3A_782 = arith.index_cast %parallel_loop3A_748 : i32 to index
        %parallel_loop3A_783 = arith.constant 48 : index
        %parallel_loop3A_784 = tpu.vector_load %arg9[%parallel_loop3A_782, %parallel_loop3A_783] {strides = array<i32>} : memref<400x64xi32, #tpu.memory_space<vmem>>, vector<16xi32>,
        %parallel_loop3A_785 = vector.bitcast %parallel_loop3A_784 : vector<16xi32> to vector<32xbf16>
        %parallel_loop3A_786 = arith.mulf %parallel_loop3A_781, %parallel_loop3A_785 : vector<32xbf16>
        %parallel_loop3A_787 = arith.addf %parallel_loop3A_777, %parallel_loop3A_786 : vector<32xbf16>
        %parallel_loop3A_788 = tpu.unpack_subelements %parallel_loop3A_787, 0 {pack_format = #tpu.pack_format<interleaved>} : vector<32xbf16> -> vector<16xf32>
        %parallel_loop3A_789 = tpu.unpack_subelements %parallel_loop3A_787, 1 {pack_format = #tpu.pack_format<interleaved>} : vector<32xbf16> -> vector<16xf32>
        %parallel_loop3A_790 = arith.addf %parallel_loop3A_788, %parallel_loop3A_789 : vector<16xf32>
        %parallel_loop3A_791 = arith.index_cast %parallel_loop3A_748 : i32 to index
        %parallel_loop3A_792 = arith.constant 0 : index
        %parallel_loop3A_793 = tpu.vector_load %arg11[%parallel_loop3A_791, %parallel_loop3A_792] {strides = array<i32>} : memref<400x16xf32, #tpu.memory_space<vmem>>, vector<16xf32>,
        tpu.vector_store %arg11[%parallel_loop3A_791, %parallel_loop3A_792], %parallel_loop3A_790 {strides = array<i32>} : memref<400x16xf32, #tpu.memory_space<vmem>>, vector<16xf32>,
        %parallel_loop3A_794 = arith.constant 14 : i32
        %parallel_loop3A_795 = arith.addi %parallel_loop3A_135, %parallel_loop3A_794 : i32
        %parallel_loop3A_796 = arith.index_cast %parallel_loop3A_795 : i32 to index
        %parallel_loop3A_797 = arith.constant 0 : index
        %parallel_loop3A_798 = tpu.vector_load %arg7[%parallel_loop3A_796, %parallel_loop3A_797] {strides = array<i32>} : memref<400x64xi32, #tpu.memory_space<vmem>>, vector<16xi32>,
        %parallel_loop3A_799 = vector.bitcast %parallel_loop3A_798 : vector<16xi32> to vector<32xbf16>
        %parallel_loop3A_800 = arith.index_cast %parallel_loop3A_795 : i32 to index
        %parallel_loop3A_801 = arith.constant 0 : index
        %parallel_loop3A_802 = tpu.vector_load %arg9[%parallel_loop3A_800, %parallel_loop3A_801] {strides = array<i32>} : memref<400x64xi32, #tpu.memory_space<vmem>>, vector<16xi32>,
        %parallel_loop3A_803 = vector.bitcast %parallel_loop3A_802 : vector<16xi32> to vector<32xbf16>
        %parallel_loop3A_804 = arith.mulf %parallel_loop3A_799, %parallel_loop3A_803 : vector<32xbf16>
        %parallel_loop3A_805 = arith.index_cast %parallel_loop3A_795 : i32 to index
        %parallel_loop3A_806 = arith.constant 16 : index
        %parallel_loop3A_807 = tpu.vector_load %arg7[%parallel_loop3A_805, %parallel_loop3A_806] {strides = array<i32>} : memref<400x64xi32, #tpu.memory_space<vmem>>, vector<16xi32>,
        %parallel_loop3A_808 = vector.bitcast %parallel_loop3A_807 : vector<16xi32> to vector<32xbf16>
        %parallel_loop3A_809 = arith.index_cast %parallel_loop3A_795 : i32 to index
        %parallel_loop3A_810 = arith.constant 16 : index
        %parallel_loop3A_811 = tpu.vector_load %arg9[%parallel_loop3A_809, %parallel_loop3A_810] {strides = array<i32>} : memref<400x64xi32, #tpu.memory_space<vmem>>, vector<16xi32>,
        %parallel_loop3A_812 = vector.bitcast %parallel_loop3A_811 : vector<16xi32> to vector<32xbf16>
        %parallel_loop3A_813 = arith.mulf %parallel_loop3A_808, %parallel_loop3A_812 : vector<32xbf16>
        %parallel_loop3A_814 = arith.addf %parallel_loop3A_804, %parallel_loop3A_813 : vector<32xbf16>
        %parallel_loop3A_815 = arith.index_cast %parallel_loop3A_795 : i32 to index
        %parallel_loop3A_816 = arith.constant 32 : index
        %parallel_loop3A_817 = tpu.vector_load %arg7[%parallel_loop3A_815, %parallel_loop3A_816] {strides = array<i32>} : memref<400x64xi32, #tpu.memory_space<vmem>>, vector<16xi32>,
        %parallel_loop3A_818 = vector.bitcast %parallel_loop3A_817 : vector<16xi32> to vector<32xbf16>
        %parallel_loop3A_819 = arith.index_cast %parallel_loop3A_795 : i32 to index
        %parallel_loop3A_820 = arith.constant 32 : index
        %parallel_loop3A_821 = tpu.vector_load %arg9[%parallel_loop3A_819, %parallel_loop3A_820] {strides = array<i32>} : memref<400x64xi32, #tpu.memory_space<vmem>>, vector<16xi32>,
        %parallel_loop3A_822 = vector.bitcast %parallel_loop3A_821 : vector<16xi32> to vector<32xbf16>
        %parallel_loop3A_823 = arith.mulf %parallel_loop3A_818, %parallel_loop3A_822 : vector<32xbf16>
        %parallel_loop3A_824 = arith.addf %parallel_loop3A_814, %parallel_loop3A_823 : vector<32xbf16>
        %parallel_loop3A_825 = arith.index_cast %parallel_loop3A_795 : i32 to index
        %parallel_loop3A_826 = arith.constant 48 : index
        %parallel_loop3A_827 = tpu.vector_load %arg7[%parallel_loop3A_825, %parallel_loop3A_826] {strides = array<i32>} : memref<400x64xi32, #tpu.memory_space<vmem>>, vector<16xi32>,
        %parallel_loop3A_828 = vector.bitcast %parallel_loop3A_827 : vector<16xi32> to vector<32xbf16>
        %parallel_loop3A_829 = arith.index_cast %parallel_loop3A_795 : i32 to index
        %parallel_loop3A_830 = arith.constant 48 : index
        %parallel_loop3A_831 = tpu.vector_load %arg9[%parallel_loop3A_829, %parallel_loop3A_830] {strides = array<i32>} : memref<400x64xi32, #tpu.memory_space<vmem>>, vector<16xi32>,
        %parallel_loop3A_832 = vector.bitcast %parallel_loop3A_831 : vector<16xi32> to vector<32xbf16>
        %parallel_loop3A_833 = arith.mulf %parallel_loop3A_828, %parallel_loop3A_832 : vector<32xbf16>
        %parallel_loop3A_834 = arith.addf %parallel_loop3A_824, %parallel_loop3A_833 : vector<32xbf16>
        %parallel_loop3A_835 = tpu.unpack_subelements %parallel_loop3A_834, 0 {pack_format = #tpu.pack_format<interleaved>} : vector<32xbf16> -> vector<16xf32>
        %parallel_loop3A_836 = tpu.unpack_subelements %parallel_loop3A_834, 1 {pack_format = #tpu.pack_format<interleaved>} : vector<32xbf16> -> vector<16xf32>
        %parallel_loop3A_837 = arith.addf %parallel_loop3A_835, %parallel_loop3A_836 : vector<16xf32>
        %parallel_loop3A_838 = arith.index_cast %parallel_loop3A_795 : i32 to index
        %parallel_loop3A_839 = arith.constant 0 : index
        %parallel_loop3A_840 = tpu.vector_load %arg11[%parallel_loop3A_838, %parallel_loop3A_839] {strides = array<i32>} : memref<400x16xf32, #tpu.memory_space<vmem>>, vector<16xf32>,
        tpu.vector_store %arg11[%parallel_loop3A_838, %parallel_loop3A_839], %parallel_loop3A_837 {strides = array<i32>} : memref<400x16xf32, #tpu.memory_space<vmem>>, vector<16xf32>,
        %parallel_loop3A_841 = arith.constant 15 : i32
        %parallel_loop3A_842 = arith.addi %parallel_loop3A_135, %parallel_loop3A_841 : i32
        %parallel_loop3A_843 = arith.index_cast %parallel_loop3A_842 : i32 to index
        %parallel_loop3A_844 = arith.constant 0 : index
        %parallel_loop3A_845 = tpu.vector_load %arg7[%parallel_loop3A_843, %parallel_loop3A_844] {strides = array<i32>} : memref<400x64xi32, #tpu.memory_space<vmem>>, vector<16xi32>,
        %parallel_loop3A_846 = vector.bitcast %parallel_loop3A_845 : vector<16xi32> to vector<32xbf16>
        %parallel_loop3A_847 = arith.index_cast %parallel_loop3A_842 : i32 to index
        %parallel_loop3A_848 = arith.constant 0 : index
        %parallel_loop3A_849 = tpu.vector_load %arg9[%parallel_loop3A_847, %parallel_loop3A_848] {strides = array<i32>} : memref<400x64xi32, #tpu.memory_space<vmem>>, vector<16xi32>,
        %parallel_loop3A_850 = vector.bitcast %parallel_loop3A_849 : vector<16xi32> to vector<32xbf16>
        %parallel_loop3A_851 = arith.mulf %parallel_loop3A_846, %parallel_loop3A_850 : vector<32xbf16>
        %parallel_loop3A_852 = arith.index_cast %parallel_loop3A_842 : i32 to index
        %parallel_loop3A_853 = arith.constant 16 : index
        %parallel_loop3A_854 = tpu.vector_load %arg7[%parallel_loop3A_852, %parallel_loop3A_853] {strides = array<i32>} : memref<400x64xi32, #tpu.memory_space<vmem>>, vector<16xi32>,
        %parallel_loop3A_855 = vector.bitcast %parallel_loop3A_854 : vector<16xi32> to vector<32xbf16>
        %parallel_loop3A_856 = arith.index_cast %parallel_loop3A_842 : i32 to index
        %parallel_loop3A_857 = arith.constant 16 : index
        %parallel_loop3A_858 = tpu.vector_load %arg9[%parallel_loop3A_856, %parallel_loop3A_857] {strides = array<i32>} : memref<400x64xi32, #tpu.memory_space<vmem>>, vector<16xi32>,
        %parallel_loop3A_859 = vector.bitcast %parallel_loop3A_858 : vector<16xi32> to vector<32xbf16>
        %parallel_loop3A_860 = arith.mulf %parallel_loop3A_855, %parallel_loop3A_859 : vector<32xbf16>
        %parallel_loop3A_861 = arith.addf %parallel_loop3A_851, %parallel_loop3A_860 : vector<32xbf16>
        %parallel_loop3A_862 = arith.index_cast %parallel_loop3A_842 : i32 to index
        %parallel_loop3A_863 = arith.constant 32 : index
        %parallel_loop3A_864 = tpu.vector_load %arg7[%parallel_loop3A_862, %parallel_loop3A_863] {strides = array<i32>} : memref<400x64xi32, #tpu.memory_space<vmem>>, vector<16xi32>,
        %parallel_loop3A_865 = vector.bitcast %parallel_loop3A_864 : vector<16xi32> to vector<32xbf16>
        %parallel_loop3A_866 = arith.index_cast %parallel_loop3A_842 : i32 to index
        %parallel_loop3A_867 = arith.constant 32 : index
        %parallel_loop3A_868 = tpu.vector_load %arg9[%parallel_loop3A_866, %parallel_loop3A_867] {strides = array<i32>} : memref<400x64xi32, #tpu.memory_space<vmem>>, vector<16xi32>,
        %parallel_loop3A_869 = vector.bitcast %parallel_loop3A_868 : vector<16xi32> to vector<32xbf16>
        %parallel_loop3A_870 = arith.mulf %parallel_loop3A_865, %parallel_loop3A_869 : vector<32xbf16>
        %parallel_loop3A_871 = arith.addf %parallel_loop3A_861, %parallel_loop3A_870 : vector<32xbf16>
        %parallel_loop3A_872 = arith.index_cast %parallel_loop3A_842 : i32 to index
        %parallel_loop3A_873 = arith.constant 48 : index
        %parallel_loop3A_874 = tpu.vector_load %arg7[%parallel_loop3A_872, %parallel_loop3A_873] {strides = array<i32>} : memref<400x64xi32, #tpu.memory_space<vmem>>, vector<16xi32>,
        %parallel_loop3A_875 = vector.bitcast %parallel_loop3A_874 : vector<16xi32> to vector<32xbf16>
        %parallel_loop3A_876 = arith.index_cast %parallel_loop3A_842 : i32 to index
        %parallel_loop3A_877 = arith.constant 48 : index
        %parallel_loop3A_878 = tpu.vector_load %arg9[%parallel_loop3A_876, %parallel_loop3A_877] {strides = array<i32>} : memref<400x64xi32, #tpu.memory_space<vmem>>, vector<16xi32>,
        %parallel_loop3A_879 = vector.bitcast %parallel_loop3A_878 : vector<16xi32> to vector<32xbf16>
        %parallel_loop3A_880 = arith.mulf %parallel_loop3A_875, %parallel_loop3A_879 : vector<32xbf16>
        %parallel_loop3A_881 = arith.addf %parallel_loop3A_871, %parallel_loop3A_880 : vector<32xbf16>
        %parallel_loop3A_882 = tpu.unpack_subelements %parallel_loop3A_881, 0 {pack_format = #tpu.pack_format<interleaved>} : vector<32xbf16> -> vector<16xf32>
        %parallel_loop3A_883 = tpu.unpack_subelements %parallel_loop3A_881, 1 {pack_format = #tpu.pack_format<interleaved>} : vector<32xbf16> -> vector<16xf32>
        %parallel_loop3A_884 = arith.addf %parallel_loop3A_882, %parallel_loop3A_883 : vector<16xf32>
        %parallel_loop3A_885 = arith.index_cast %parallel_loop3A_842 : i32 to index
        %parallel_loop3A_886 = arith.constant 0 : index
        %parallel_loop3A_887 = tpu.vector_load %arg11[%parallel_loop3A_885, %parallel_loop3A_886] {strides = array<i32>} : memref<400x16xf32, #tpu.memory_space<vmem>>, vector<16xf32>,
        tpu.vector_store %arg11[%parallel_loop3A_885, %parallel_loop3A_886], %parallel_loop3A_884 {strides = array<i32>} : memref<400x16xf32, #tpu.memory_space<vmem>>, vector<16xf32>,
        %parallel_loop3A_888 = vector.broadcast %parallel_loop3A_135 : i32 to vector<16xi32>
        %parallel_loop3A_889 = arith.addi %iota3A_80, %parallel_loop3A_888 : vector<16xi32>
        %parallel_loop3A_890 = arith.constant 0 : i32
        %parallel_loop3A_891 = vector.broadcast %parallel_loop3A_890 : i32 to vector<16xi32>
        %parallel_loop3A_892 = tpu.vector_load_idx %arg11[%parallel_loop3A_889, %parallel_loop3A_891] : memref<400x16xf32, #tpu.memory_space<vmem>>[vector<16xi32>, vector<16xi32>], vector<16xf32>,
        %parallel_loop3A_893 = arith.constant 1 : i32
        %parallel_loop3A_894 = vector.broadcast %parallel_loop3A_893 : i32 to vector<16xi32>
        %parallel_loop3A_895 = tpu.vector_load_idx %arg11[%parallel_loop3A_889, %parallel_loop3A_894] : memref<400x16xf32, #tpu.memory_space<vmem>>[vector<16xi32>, vector<16xi32>], vector<16xf32>,
        %parallel_loop3A_896 = arith.addf %parallel_loop3A_892, %parallel_loop3A_895 : vector<16xf32>
        %parallel_loop3A_897 = arith.constant 2 : i32
        %parallel_loop3A_898 = vector.broadcast %parallel_loop3A_897 : i32 to vector<16xi32>
        %parallel_loop3A_899 = tpu.vector_load_idx %arg11[%parallel_loop3A_889, %parallel_loop3A_898] : memref<400x16xf32, #tpu.memory_space<vmem>>[vector<16xi32>, vector<16xi32>], vector<16xf32>,
        %parallel_loop3A_900 = arith.addf %parallel_loop3A_896, %parallel_loop3A_899 : vector<16xf32>
        %parallel_loop3A_901 = arith.constant 3 : i32
        %parallel_loop3A_902 = vector.broadcast %parallel_loop3A_901 : i32 to vector<16xi32>
        %parallel_loop3A_903 = tpu.vector_load_idx %arg11[%parallel_loop3A_889, %parallel_loop3A_902] : memref<400x16xf32, #tpu.memory_space<vmem>>[vector<16xi32>, vector<16xi32>], vector<16xf32>,
        %parallel_loop3A_904 = arith.addf %parallel_loop3A_900, %parallel_loop3A_903 : vector<16xf32>
        %parallel_loop3A_905 = arith.constant 4 : i32
        %parallel_loop3A_906 = vector.broadcast %parallel_loop3A_905 : i32 to vector<16xi32>
        %parallel_loop3A_907 = tpu.vector_load_idx %arg11[%parallel_loop3A_889, %parallel_loop3A_906] : memref<400x16xf32, #tpu.memory_space<vmem>>[vector<16xi32>, vector<16xi32>], vector<16xf32>,
        %parallel_loop3A_908 = arith.addf %parallel_loop3A_904, %parallel_loop3A_907 : vector<16xf32>
        %parallel_loop3A_909 = arith.constant 5 : i32
        %parallel_loop3A_910 = vector.broadcast %parallel_loop3A_909 : i32 to vector<16xi32>
        %parallel_loop3A_911 = tpu.vector_load_idx %arg11[%parallel_loop3A_889, %parallel_loop3A_910] : memref<400x16xf32, #tpu.memory_space<vmem>>[vector<16xi32>, vector<16xi32>], vector<16xf32>,
        %parallel_loop3A_912 = arith.addf %parallel_loop3A_908, %parallel_loop3A_911 : vector<16xf32>
        %parallel_loop3A_913 = arith.constant 6 : i32
        %parallel_loop3A_914 = vector.broadcast %parallel_loop3A_913 : i32 to vector<16xi32>
        %parallel_loop3A_915 = tpu.vector_load_idx %arg11[%parallel_loop3A_889, %parallel_loop3A_914] : memref<400x16xf32, #tpu.memory_space<vmem>>[vector<16xi32>, vector<16xi32>], vector<16xf32>,
        %parallel_loop3A_916 = arith.addf %parallel_loop3A_912, %parallel_loop3A_915 : vector<16xf32>
        %parallel_loop3A_917 = arith.constant 7 : i32
        %parallel_loop3A_918 = vector.broadcast %parallel_loop3A_917 : i32 to vector<16xi32>
        %parallel_loop3A_919 = tpu.vector_load_idx %arg11[%parallel_loop3A_889, %parallel_loop3A_918] : memref<400x16xf32, #tpu.memory_space<vmem>>[vector<16xi32>, vector<16xi32>], vector<16xf32>,
        %parallel_loop3A_920 = arith.addf %parallel_loop3A_916, %parallel_loop3A_919 : vector<16xf32>
        %parallel_loop3A_921 = arith.constant 8 : i32
        %parallel_loop3A_922 = vector.broadcast %parallel_loop3A_921 : i32 to vector<16xi32>
        %parallel_loop3A_923 = tpu.vector_load_idx %arg11[%parallel_loop3A_889, %parallel_loop3A_922] : memref<400x16xf32, #tpu.memory_space<vmem>>[vector<16xi32>, vector<16xi32>], vector<16xf32>,
        %parallel_loop3A_924 = arith.addf %parallel_loop3A_920, %parallel_loop3A_923 : vector<16xf32>
        %parallel_loop3A_925 = arith.constant 9 : i32
        %parallel_loop3A_926 = vector.broadcast %parallel_loop3A_925 : i32 to vector<16xi32>
        %parallel_loop3A_927 = tpu.vector_load_idx %arg11[%parallel_loop3A_889, %parallel_loop3A_926] : memref<400x16xf32, #tpu.memory_space<vmem>>[vector<16xi32>, vector<16xi32>], vector<16xf32>,
        %parallel_loop3A_928 = arith.addf %parallel_loop3A_924, %parallel_loop3A_927 : vector<16xf32>
        %parallel_loop3A_929 = arith.constant 10 : i32
        %parallel_loop3A_930 = vector.broadcast %parallel_loop3A_929 : i32 to vector<16xi32>
        %parallel_loop3A_931 = tpu.vector_load_idx %arg11[%parallel_loop3A_889, %parallel_loop3A_930] : memref<400x16xf32, #tpu.memory_space<vmem>>[vector<16xi32>, vector<16xi32>], vector<16xf32>,
        %parallel_loop3A_932 = arith.addf %parallel_loop3A_928, %parallel_loop3A_931 : vector<16xf32>
        %parallel_loop3A_933 = arith.constant 11 : i32
        %parallel_loop3A_934 = vector.broadcast %parallel_loop3A_933 : i32 to vector<16xi32>
        %parallel_loop3A_935 = tpu.vector_load_idx %arg11[%parallel_loop3A_889, %parallel_loop3A_934] : memref<400x16xf32, #tpu.memory_space<vmem>>[vector<16xi32>, vector<16xi32>], vector<16xf32>,
        %parallel_loop3A_936 = arith.addf %parallel_loop3A_932, %parallel_loop3A_935 : vector<16xf32>
        %parallel_loop3A_937 = arith.constant 12 : i32
        %parallel_loop3A_938 = vector.broadcast %parallel_loop3A_937 : i32 to vector<16xi32>
        %parallel_loop3A_939 = tpu.vector_load_idx %arg11[%parallel_loop3A_889, %parallel_loop3A_938] : memref<400x16xf32, #tpu.memory_space<vmem>>[vector<16xi32>, vector<16xi32>], vector<16xf32>,
        %parallel_loop3A_940 = arith.addf %parallel_loop3A_936, %parallel_loop3A_939 : vector<16xf32>
        %parallel_loop3A_941 = arith.constant 13 : i32
        %parallel_loop3A_942 = vector.broadcast %parallel_loop3A_941 : i32 to vector<16xi32>
        %parallel_loop3A_943 = tpu.vector_load_idx %arg11[%parallel_loop3A_889, %parallel_loop3A_942] : memref<400x16xf32, #tpu.memory_space<vmem>>[vector<16xi32>, vector<16xi32>], vector<16xf32>,
        %parallel_loop3A_944 = arith.addf %parallel_loop3A_940, %parallel_loop3A_943 : vector<16xf32>
        %parallel_loop3A_945 = arith.constant 14 : i32
        %parallel_loop3A_946 = vector.broadcast %parallel_loop3A_945 : i32 to vector<16xi32>
        %parallel_loop3A_947 = tpu.vector_load_idx %arg11[%parallel_loop3A_889, %parallel_loop3A_946] : memref<400x16xf32, #tpu.memory_space<vmem>>[vector<16xi32>, vector<16xi32>], vector<16xf32>,
        %parallel_loop3A_948 = arith.addf %parallel_loop3A_944, %parallel_loop3A_947 : vector<16xf32>
        %parallel_loop3A_949 = arith.constant 15 : i32
        %parallel_loop3A_950 = vector.broadcast %parallel_loop3A_949 : i32 to vector<16xi32>
        %parallel_loop3A_951 = tpu.vector_load_idx %arg11[%parallel_loop3A_889, %parallel_loop3A_950] : memref<400x16xf32, #tpu.memory_space<vmem>>[vector<16xi32>, vector<16xi32>], vector<16xf32>,
        %parallel_loop3A_952 = arith.addf %parallel_loop3A_948, %parallel_loop3A_951 : vector<16xf32>
        %parallel_loop3A_953 = arith.index_cast %parallel_loop3A_135 : i32 to index
        %parallel_loop3A_954 = tpu.vector_load %arg12[%parallel_loop3A_953] {strides = array<i32>} : memref<400xf32, #tpu.memory_space<vmem>>, vector<16xf32>,
        tpu.vector_store %arg12[%parallel_loop3A_953], %parallel_loop3A_952 {strides = array<i32>} : memref<400xf32, #tpu.memory_space<vmem>>, vector<16xf32>,
      } {sc.loop_unroll_factor = 1 : i64, sc.parallel_access}
      %mul3A_84 = arith.constant 400 : i32
      %mul3A_85 = arith.muli %add3A_66, %mul3A_84 : i32
      %add3A_86 = arith.addi %multiple_of3A, %mul3A_85 : i32
      %multiple_of3A_87 = tpu.assume_multiple %add3A_86, 8 : i32
      %dma_start3A_88 = tpu.memref_slice %arg4[%multiple_of3A_87] : memref<320000xf32, #tpu.memory_space<hbm>> -> memref<400xf32, #tpu.memory_space<hbm>>
      %dma_start3A_89 = tpu.memref_slice %arg4[%multiple_of3A_87] : memref<320000xf32, #tpu.memory_space<hbm>> -> memref<400xf32, #tpu.memory_space<hbm>>
      tpu.enqueue_dma source(%arg12 : memref<400xf32, #tpu.memory_space<vmem>>) target(%dma_start3A_89 : memref<400xf32, #tpu.memory_space<hbm>>) target_semaphore(%arg16 : memref<!tpu.dma_semaphore, #tpu.memory_space<semaphore_mem>>)
      %add3A_90 = arith.constant 2 : i32
      %add3A_91 = arith.addi %add3A_66, %add3A_90 : i32
      %lt3A = arith.constant 25 : i32
      %lt3A_92 = arith.cmpi slt, %add3A_91, %lt3A : i32
      %convert_element_type3A_93 = arith.extui %lt3A_92 : i1 to i32
      %cond3A_94 = arith.constant 0 : i32
      %cond3A_95 = arith.cmpi ne, %convert_element_type3A_93, %cond3A_94 : i32
      scf.if %cond3A_95 {
        %add3A_133 = arith.constant 2 : i32
        %add3A_134 = arith.addi %add3A_66, %add3A_133 : i32
        %mul3A_135 = arith.constant 400 : i32
        %mul3A_136 = arith.muli %add3A_134, %mul3A_135 : i32
        %multiple_of3A_137 = tpu.assume_multiple %mul3A_136, 8 : i32
        %dma_start3A_138 = tpu.memref_slice %arg5[%multiple_of3A_137] : memref<10000xi32, #tpu.memory_space<vmem>> -> memref<400xi32, #tpu.memory_space<vmem>>
        %dma_start3A_139 = arith.constant 0 : i32
        %dma_start3A_140 = arith.constant 0 : i32
        %dma_start3A_141 = tpu.memref_slice %arg2[%dma_start3A_139, %dma_start3A_140] : memref<10000x64xi32, #tpu.memory_space<hbm>> -> memref<10000x64xi32, #tpu.memory_space<hbm>>
        tpu.enqueue_indirect_dma source(%dma_start3A_141 : memref<10000x64xi32, #tpu.memory_space<hbm>>) target(%arg7 : memref<400x64xi32, #tpu.memory_space<vmem>>) offsets(%dma_start3A_138 : memref<400xi32, #tpu.memory_space<vmem>>) semaphore(%arg14 : memref<!tpu.dma_semaphore, #tpu.memory_space<semaphore_mem>>)
        %dma_start3A_142 = tpu.memref_slice %arg6[%multiple_of3A_137] : memref<10000xi32, #tpu.memory_space<vmem>> -> memref<400xi32, #tpu.memory_space<vmem>>
        %dma_start3A_143 = arith.constant 0 : i32
        %dma_start3A_144 = arith.constant 0 : i32
        %dma_start3A_145 = tpu.memref_slice %arg2[%dma_start3A_143, %dma_start3A_144] : memref<10000x64xi32, #tpu.memory_space<hbm>> -> memref<10000x64xi32, #tpu.memory_space<hbm>>
        tpu.enqueue_indirect_dma source(%dma_start3A_145 : memref<10000x64xi32, #tpu.memory_space<hbm>>) target(%arg9 : memref<400x64xi32, #tpu.memory_space<vmem>>) offsets(%dma_start3A_142 : memref<400xi32, #tpu.memory_space<vmem>>) semaphore(%arg14 : memref<!tpu.dma_semaphore, #tpu.memory_space<semaphore_mem>>)
      } else {
      }
      %mul3A_96 = arith.constant 2 : i32
      %mul3A_97 = arith.muli %add3A_62, %mul3A_96 : i32
      %add3A_98 = arith.constant 1 : i32
      %add3A_99 = arith.addi %mul3A_97, %add3A_98 : i32
      %mul3A_100 = arith.constant 400 : i32
      %mul3A_101 = arith.muli %add3A_99, %mul3A_100 : i32
      %multiple_of3A_102 = tpu.assume_multiple %mul3A_101, 8 : i32
      %dma_wait3A_103 = tpu.memref_slice %arg5[%multiple_of3A_102] : memref<10000xi32, #tpu.memory_space<vmem>> -> memref<400xi32, #tpu.memory_space<vmem>>
      %dma_wait3A_104 = arith.constant 0 : i32
      %dma_wait3A_105 = arith.constant 0 : i32
      %dma_wait3A_106 = tpu.memref_slice %arg2[%dma_wait3A_104, %dma_wait3A_105] : memref<10000x64xi32, #tpu.memory_space<hbm>> -> memref<10000x64xi32, #tpu.memory_space<hbm>>
      tpu.wait_indirect_dma semaphore(%arg15 : memref<!tpu.dma_semaphore, #tpu.memory_space<semaphore_mem>>) src(%dma_wait3A_106 : memref<10000x64xi32, #tpu.memory_space<hbm>>) dst(%arg8 : memref<400x64xi32, #tpu.memory_space<vmem>>)
      %dma_wait3A_107 = tpu.memref_slice %arg6[%multiple_of3A_102] : memref<10000xi32, #tpu.memory_space<vmem>> -> memref<400xi32, #tpu.memory_space<vmem>>
      %dma_wait3A_108 = arith.constant 0 : i32
      %dma_wait3A_109 = arith.constant 0 : i32
      %dma_wait3A_110 = tpu.memref_slice %arg2[%dma_wait3A_108, %dma_wait3A_109] : memref<10000x64xi32, #tpu.memory_space<hbm>> -> memref<10000x64xi32, #tpu.memory_space<hbm>>
      tpu.wait_indirect_dma semaphore(%arg15 : memref<!tpu.dma_semaphore, #tpu.memory_space<semaphore_mem>>) src(%dma_wait3A_110 : memref<10000x64xi32, #tpu.memory_space<hbm>>) dst(%arg10 : memref<400x64xi32, #tpu.memory_space<vmem>>)
      %ge3A_111 = arith.constant 2 : i32
      %ge3A_112 = arith.cmpi sge, %add3A_99, %ge3A_111 : i32
      %convert_element_type3A_113 = arith.extui %ge3A_112 : i1 to i32
      %cond3A_114 = arith.constant 0 : i32
      %cond3A_115 = arith.cmpi ne, %convert_element_type3A_113, %cond3A_114 : i32
      scf.if %cond3A_115 {
        %sub3A = arith.constant 2 : i32
        %sub3A_133 = arith.subi %add3A_99, %sub3A : i32
        %mul3A_134 = arith.constant 400 : i32
        %mul3A_135 = arith.muli %sub3A_133, %mul3A_134 : i32
        %add3A_136 = arith.addi %multiple_of3A, %mul3A_135 : i32
        %multiple_of3A_137 = tpu.assume_multiple %add3A_136, 8 : i32
        %dma_wait3A_138 = tpu.memref_slice %arg4[%multiple_of3A_137] : memref<320000xf32, #tpu.memory_space<hbm>> -> memref<400xf32, #tpu.memory_space<hbm>>
        %dma_wait3A_139 = tpu.memref_slice %arg4[%multiple_of3A_137] : memref<320000xf32, #tpu.memory_space<hbm>> -> memref<400xf32, #tpu.memory_space<hbm>>
        tpu.wait_dma2 semaphore(%arg17 : memref<!tpu.dma_semaphore, #tpu.memory_space<semaphore_mem>>) src(%arg13 : memref<400xf32, #tpu.memory_space<vmem>>) dst(%dma_wait3A_139 : memref<400xf32, #tpu.memory_space<hbm>>)
      } else {
      }
      %iota3A_116 = tpu.iota {dimensions = array<i32: 0>} : vector<16xi32>
      %parallel_loop3A_117 = arith.constant 0 : i32
      %parallel_loop3A_118 = arith.constant 25 : i32
      %parallel_loop3A_119 = arith.constant 1 : i32
      scf.for %parallel_loop3A_133 = %parallel_loop3A_117 to %parallel_loop3A_118 step %parallel_loop3A_119  : i32 {
        %parallel_loop3A_134 = arith.constant 16 : i32
        %parallel_loop3A_135 = arith.muli %parallel_loop3A_133, %parallel_loop3A_134 : i32
        %parallel_loop3A_136 = arith.constant 0 : i32
        %parallel_loop3A_137 = arith.addi %parallel_loop3A_135, %parallel_loop3A_136 : i32
        %parallel_loop3A_138 = arith.index_cast %parallel_loop3A_137 : i32 to index
        %parallel_loop3A_139 = arith.constant 0 : index
        %parallel_loop3A_140 = tpu.vector_load %arg8[%parallel_loop3A_138, %parallel_loop3A_139] {strides = array<i32>} : memref<400x64xi32, #tpu.memory_space<vmem>>, vector<16xi32>,
        %parallel_loop3A_141 = vector.bitcast %parallel_loop3A_140 : vector<16xi32> to vector<32xbf16>
        %parallel_loop3A_142 = arith.index_cast %parallel_loop3A_137 : i32 to index
        %parallel_loop3A_143 = arith.constant 0 : index
        %parallel_loop3A_144 = tpu.vector_load %arg10[%parallel_loop3A_142, %parallel_loop3A_143] {strides = array<i32>} : memref<400x64xi32, #tpu.memory_space<vmem>>, vector<16xi32>,
        %parallel_loop3A_145 = vector.bitcast %parallel_loop3A_144 : vector<16xi32> to vector<32xbf16>
        %parallel_loop3A_146 = arith.mulf %parallel_loop3A_141, %parallel_loop3A_145 : vector<32xbf16>
        %parallel_loop3A_147 = arith.index_cast %parallel_loop3A_137 : i32 to index
        %parallel_loop3A_148 = arith.constant 16 : index
        %parallel_loop3A_149 = tpu.vector_load %arg8[%parallel_loop3A_147, %parallel_loop3A_148] {strides = array<i32>} : memref<400x64xi32, #tpu.memory_space<vmem>>, vector<16xi32>,
        %parallel_loop3A_150 = vector.bitcast %parallel_loop3A_149 : vector<16xi32> to vector<32xbf16>
        %parallel_loop3A_151 = arith.index_cast %parallel_loop3A_137 : i32 to index
        %parallel_loop3A_152 = arith.constant 16 : index
        %parallel_loop3A_153 = tpu.vector_load %arg10[%parallel_loop3A_151, %parallel_loop3A_152] {strides = array<i32>} : memref<400x64xi32, #tpu.memory_space<vmem>>, vector<16xi32>,
        %parallel_loop3A_154 = vector.bitcast %parallel_loop3A_153 : vector<16xi32> to vector<32xbf16>
        %parallel_loop3A_155 = arith.mulf %parallel_loop3A_150, %parallel_loop3A_154 : vector<32xbf16>
        %parallel_loop3A_156 = arith.addf %parallel_loop3A_146, %parallel_loop3A_155 : vector<32xbf16>
        %parallel_loop3A_157 = arith.index_cast %parallel_loop3A_137 : i32 to index
        %parallel_loop3A_158 = arith.constant 32 : index
        %parallel_loop3A_159 = tpu.vector_load %arg8[%parallel_loop3A_157, %parallel_loop3A_158] {strides = array<i32>} : memref<400x64xi32, #tpu.memory_space<vmem>>, vector<16xi32>,
        %parallel_loop3A_160 = vector.bitcast %parallel_loop3A_159 : vector<16xi32> to vector<32xbf16>
        %parallel_loop3A_161 = arith.index_cast %parallel_loop3A_137 : i32 to index
        %parallel_loop3A_162 = arith.constant 32 : index
        %parallel_loop3A_163 = tpu.vector_load %arg10[%parallel_loop3A_161, %parallel_loop3A_162] {strides = array<i32>} : memref<400x64xi32, #tpu.memory_space<vmem>>, vector<16xi32>,
        %parallel_loop3A_164 = vector.bitcast %parallel_loop3A_163 : vector<16xi32> to vector<32xbf16>
        %parallel_loop3A_165 = arith.mulf %parallel_loop3A_160, %parallel_loop3A_164 : vector<32xbf16>
        %parallel_loop3A_166 = arith.addf %parallel_loop3A_156, %parallel_loop3A_165 : vector<32xbf16>
        %parallel_loop3A_167 = arith.index_cast %parallel_loop3A_137 : i32 to index
        %parallel_loop3A_168 = arith.constant 48 : index
        %parallel_loop3A_169 = tpu.vector_load %arg8[%parallel_loop3A_167, %parallel_loop3A_168] {strides = array<i32>} : memref<400x64xi32, #tpu.memory_space<vmem>>, vector<16xi32>,
        %parallel_loop3A_170 = vector.bitcast %parallel_loop3A_169 : vector<16xi32> to vector<32xbf16>
        %parallel_loop3A_171 = arith.index_cast %parallel_loop3A_137 : i32 to index
        %parallel_loop3A_172 = arith.constant 48 : index
        %parallel_loop3A_173 = tpu.vector_load %arg10[%parallel_loop3A_171, %parallel_loop3A_172] {strides = array<i32>} : memref<400x64xi32, #tpu.memory_space<vmem>>, vector<16xi32>,
        %parallel_loop3A_174 = vector.bitcast %parallel_loop3A_173 : vector<16xi32> to vector<32xbf16>
        %parallel_loop3A_175 = arith.mulf %parallel_loop3A_170, %parallel_loop3A_174 : vector<32xbf16>
        %parallel_loop3A_176 = arith.addf %parallel_loop3A_166, %parallel_loop3A_175 : vector<32xbf16>
        %parallel_loop3A_177 = tpu.unpack_subelements %parallel_loop3A_176, 0 {pack_format = #tpu.pack_format<interleaved>} : vector<32xbf16> -> vector<16xf32>
        %parallel_loop3A_178 = tpu.unpack_subelements %parallel_loop3A_176, 1 {pack_format = #tpu.pack_format<interleaved>} : vector<32xbf16> -> vector<16xf32>
        %parallel_loop3A_179 = arith.addf %parallel_loop3A_177, %parallel_loop3A_178 : vector<16xf32>
        %parallel_loop3A_180 = arith.index_cast %parallel_loop3A_137 : i32 to index
        %parallel_loop3A_181 = arith.constant 0 : index
        %parallel_loop3A_182 = tpu.vector_load %arg11[%parallel_loop3A_180, %parallel_loop3A_181] {strides = array<i32>} : memref<400x16xf32, #tpu.memory_space<vmem>>, vector<16xf32>,
        tpu.vector_store %arg11[%parallel_loop3A_180, %parallel_loop3A_181], %parallel_loop3A_179 {strides = array<i32>} : memref<400x16xf32, #tpu.memory_space<vmem>>, vector<16xf32>,
        %parallel_loop3A_183 = arith.constant 1 : i32
        %parallel_loop3A_184 = arith.addi %parallel_loop3A_135, %parallel_loop3A_183 : i32
        %parallel_loop3A_185 = arith.index_cast %parallel_loop3A_184 : i32 to index
        %parallel_loop3A_186 = arith.constant 0 : index
        %parallel_loop3A_187 = tpu.vector_load %arg8[%parallel_loop3A_185, %parallel_loop3A_186] {strides = array<i32>} : memref<400x64xi32, #tpu.memory_space<vmem>>, vector<16xi32>,
        %parallel_loop3A_188 = vector.bitcast %parallel_loop3A_187 : vector<16xi32> to vector<32xbf16>
        %parallel_loop3A_189 = arith.index_cast %parallel_loop3A_184 : i32 to index
        %parallel_loop3A_190 = arith.constant 0 : index
        %parallel_loop3A_191 = tpu.vector_load %arg10[%parallel_loop3A_189, %parallel_loop3A_190] {strides = array<i32>} : memref<400x64xi32, #tpu.memory_space<vmem>>, vector<16xi32>,
        %parallel_loop3A_192 = vector.bitcast %parallel_loop3A_191 : vector<16xi32> to vector<32xbf16>
        %parallel_loop3A_193 = arith.mulf %parallel_loop3A_188, %parallel_loop3A_192 : vector<32xbf16>
        %parallel_loop3A_194 = arith.index_cast %parallel_loop3A_184 : i32 to index
        %parallel_loop3A_195 = arith.constant 16 : index
        %parallel_loop3A_196 = tpu.vector_load %arg8[%parallel_loop3A_194, %parallel_loop3A_195] {strides = array<i32>} : memref<400x64xi32, #tpu.memory_space<vmem>>, vector<16xi32>,
        %parallel_loop3A_197 = vector.bitcast %parallel_loop3A_196 : vector<16xi32> to vector<32xbf16>
        %parallel_loop3A_198 = arith.index_cast %parallel_loop3A_184 : i32 to index
        %parallel_loop3A_199 = arith.constant 16 : index
        %parallel_loop3A_200 = tpu.vector_load %arg10[%parallel_loop3A_198, %parallel_loop3A_199] {strides = array<i32>} : memref<400x64xi32, #tpu.memory_space<vmem>>, vector<16xi32>,
        %parallel_loop3A_201 = vector.bitcast %parallel_loop3A_200 : vector<16xi32> to vector<32xbf16>
        %parallel_loop3A_202 = arith.mulf %parallel_loop3A_197, %parallel_loop3A_201 : vector<32xbf16>
        %parallel_loop3A_203 = arith.addf %parallel_loop3A_193, %parallel_loop3A_202 : vector<32xbf16>
        %parallel_loop3A_204 = arith.index_cast %parallel_loop3A_184 : i32 to index
        %parallel_loop3A_205 = arith.constant 32 : index
        %parallel_loop3A_206 = tpu.vector_load %arg8[%parallel_loop3A_204, %parallel_loop3A_205] {strides = array<i32>} : memref<400x64xi32, #tpu.memory_space<vmem>>, vector<16xi32>,
        %parallel_loop3A_207 = vector.bitcast %parallel_loop3A_206 : vector<16xi32> to vector<32xbf16>
        %parallel_loop3A_208 = arith.index_cast %parallel_loop3A_184 : i32 to index
        %parallel_loop3A_209 = arith.constant 32 : index
        %parallel_loop3A_210 = tpu.vector_load %arg10[%parallel_loop3A_208, %parallel_loop3A_209] {strides = array<i32>} : memref<400x64xi32, #tpu.memory_space<vmem>>, vector<16xi32>,
        %parallel_loop3A_211 = vector.bitcast %parallel_loop3A_210 : vector<16xi32> to vector<32xbf16>
        %parallel_loop3A_212 = arith.mulf %parallel_loop3A_207, %parallel_loop3A_211 : vector<32xbf16>
        %parallel_loop3A_213 = arith.addf %parallel_loop3A_203, %parallel_loop3A_212 : vector<32xbf16>
        %parallel_loop3A_214 = arith.index_cast %parallel_loop3A_184 : i32 to index
        %parallel_loop3A_215 = arith.constant 48 : index
        %parallel_loop3A_216 = tpu.vector_load %arg8[%parallel_loop3A_214, %parallel_loop3A_215] {strides = array<i32>} : memref<400x64xi32, #tpu.memory_space<vmem>>, vector<16xi32>,
        %parallel_loop3A_217 = vector.bitcast %parallel_loop3A_216 : vector<16xi32> to vector<32xbf16>
        %parallel_loop3A_218 = arith.index_cast %parallel_loop3A_184 : i32 to index
        %parallel_loop3A_219 = arith.constant 48 : index
        %parallel_loop3A_220 = tpu.vector_load %arg10[%parallel_loop3A_218, %parallel_loop3A_219] {strides = array<i32>} : memref<400x64xi32, #tpu.memory_space<vmem>>, vector<16xi32>,
        %parallel_loop3A_221 = vector.bitcast %parallel_loop3A_220 : vector<16xi32> to vector<32xbf16>
        %parallel_loop3A_222 = arith.mulf %parallel_loop3A_217, %parallel_loop3A_221 : vector<32xbf16>
        %parallel_loop3A_223 = arith.addf %parallel_loop3A_213, %parallel_loop3A_222 : vector<32xbf16>
        %parallel_loop3A_224 = tpu.unpack_subelements %parallel_loop3A_223, 0 {pack_format = #tpu.pack_format<interleaved>} : vector<32xbf16> -> vector<16xf32>
        %parallel_loop3A_225 = tpu.unpack_subelements %parallel_loop3A_223, 1 {pack_format = #tpu.pack_format<interleaved>} : vector<32xbf16> -> vector<16xf32>
        %parallel_loop3A_226 = arith.addf %parallel_loop3A_224, %parallel_loop3A_225 : vector<16xf32>
        %parallel_loop3A_227 = arith.index_cast %parallel_loop3A_184 : i32 to index
        %parallel_loop3A_228 = arith.constant 0 : index
        %parallel_loop3A_229 = tpu.vector_load %arg11[%parallel_loop3A_227, %parallel_loop3A_228] {strides = array<i32>} : memref<400x16xf32, #tpu.memory_space<vmem>>, vector<16xf32>,
        tpu.vector_store %arg11[%parallel_loop3A_227, %parallel_loop3A_228], %parallel_loop3A_226 {strides = array<i32>} : memref<400x16xf32, #tpu.memory_space<vmem>>, vector<16xf32>,
        %parallel_loop3A_230 = arith.constant 2 : i32
        %parallel_loop3A_231 = arith.addi %parallel_loop3A_135, %parallel_loop3A_230 : i32
        %parallel_loop3A_232 = arith.index_cast %parallel_loop3A_231 : i32 to index
        %parallel_loop3A_233 = arith.constant 0 : index
        %parallel_loop3A_234 = tpu.vector_load %arg8[%parallel_loop3A_232, %parallel_loop3A_233] {strides = array<i32>} : memref<400x64xi32, #tpu.memory_space<vmem>>, vector<16xi32>,
        %parallel_loop3A_235 = vector.bitcast %parallel_loop3A_234 : vector<16xi32> to vector<32xbf16>
        %parallel_loop3A_236 = arith.index_cast %parallel_loop3A_231 : i32 to index
        %parallel_loop3A_237 = arith.constant 0 : index
        %parallel_loop3A_238 = tpu.vector_load %arg10[%parallel_loop3A_236, %parallel_loop3A_237] {strides = array<i32>} : memref<400x64xi32, #tpu.memory_space<vmem>>, vector<16xi32>,
        %parallel_loop3A_239 = vector.bitcast %parallel_loop3A_238 : vector<16xi32> to vector<32xbf16>
        %parallel_loop3A_240 = arith.mulf %parallel_loop3A_235, %parallel_loop3A_239 : vector<32xbf16>
        %parallel_loop3A_241 = arith.index_cast %parallel_loop3A_231 : i32 to index
        %parallel_loop3A_242 = arith.constant 16 : index
        %parallel_loop3A_243 = tpu.vector_load %arg8[%parallel_loop3A_241, %parallel_loop3A_242] {strides = array<i32>} : memref<400x64xi32, #tpu.memory_space<vmem>>, vector<16xi32>,
        %parallel_loop3A_244 = vector.bitcast %parallel_loop3A_243 : vector<16xi32> to vector<32xbf16>
        %parallel_loop3A_245 = arith.index_cast %parallel_loop3A_231 : i32 to index
        %parallel_loop3A_246 = arith.constant 16 : index
        %parallel_loop3A_247 = tpu.vector_load %arg10[%parallel_loop3A_245, %parallel_loop3A_246] {strides = array<i32>} : memref<400x64xi32, #tpu.memory_space<vmem>>, vector<16xi32>,
        %parallel_loop3A_248 = vector.bitcast %parallel_loop3A_247 : vector<16xi32> to vector<32xbf16>
        %parallel_loop3A_249 = arith.mulf %parallel_loop3A_244, %parallel_loop3A_248 : vector<32xbf16>
        %parallel_loop3A_250 = arith.addf %parallel_loop3A_240, %parallel_loop3A_249 : vector<32xbf16>
        %parallel_loop3A_251 = arith.index_cast %parallel_loop3A_231 : i32 to index
        %parallel_loop3A_252 = arith.constant 32 : index
        %parallel_loop3A_253 = tpu.vector_load %arg8[%parallel_loop3A_251, %parallel_loop3A_252] {strides = array<i32>} : memref<400x64xi32, #tpu.memory_space<vmem>>, vector<16xi32>,
        %parallel_loop3A_254 = vector.bitcast %parallel_loop3A_253 : vector<16xi32> to vector<32xbf16>
        %parallel_loop3A_255 = arith.index_cast %parallel_loop3A_231 : i32 to index
        %parallel_loop3A_256 = arith.constant 32 : index
        %parallel_loop3A_257 = tpu.vector_load %arg10[%parallel_loop3A_255, %parallel_loop3A_256] {strides = array<i32>} : memref<400x64xi32, #tpu.memory_space<vmem>>, vector<16xi32>,
        %parallel_loop3A_258 = vector.bitcast %parallel_loop3A_257 : vector<16xi32> to vector<32xbf16>
        %parallel_loop3A_259 = arith.mulf %parallel_loop3A_254, %parallel_loop3A_258 : vector<32xbf16>
        %parallel_loop3A_260 = arith.addf %parallel_loop3A_250, %parallel_loop3A_259 : vector<32xbf16>
        %parallel_loop3A_261 = arith.index_cast %parallel_loop3A_231 : i32 to index
        %parallel_loop3A_262 = arith.constant 48 : index
        %parallel_loop3A_263 = tpu.vector_load %arg8[%parallel_loop3A_261, %parallel_loop3A_262] {strides = array<i32>} : memref<400x64xi32, #tpu.memory_space<vmem>>, vector<16xi32>,
        %parallel_loop3A_264 = vector.bitcast %parallel_loop3A_263 : vector<16xi32> to vector<32xbf16>
        %parallel_loop3A_265 = arith.index_cast %parallel_loop3A_231 : i32 to index
        %parallel_loop3A_266 = arith.constant 48 : index
        %parallel_loop3A_267 = tpu.vector_load %arg10[%parallel_loop3A_265, %parallel_loop3A_266] {strides = array<i32>} : memref<400x64xi32, #tpu.memory_space<vmem>>, vector<16xi32>,
        %parallel_loop3A_268 = vector.bitcast %parallel_loop3A_267 : vector<16xi32> to vector<32xbf16>
        %parallel_loop3A_269 = arith.mulf %parallel_loop3A_264, %parallel_loop3A_268 : vector<32xbf16>
        %parallel_loop3A_270 = arith.addf %parallel_loop3A_260, %parallel_loop3A_269 : vector<32xbf16>
        %parallel_loop3A_271 = tpu.unpack_subelements %parallel_loop3A_270, 0 {pack_format = #tpu.pack_format<interleaved>} : vector<32xbf16> -> vector<16xf32>
        %parallel_loop3A_272 = tpu.unpack_subelements %parallel_loop3A_270, 1 {pack_format = #tpu.pack_format<interleaved>} : vector<32xbf16> -> vector<16xf32>
        %parallel_loop3A_273 = arith.addf %parallel_loop3A_271, %parallel_loop3A_272 : vector<16xf32>
        %parallel_loop3A_274 = arith.index_cast %parallel_loop3A_231 : i32 to index
        %parallel_loop3A_275 = arith.constant 0 : index
        %parallel_loop3A_276 = tpu.vector_load %arg11[%parallel_loop3A_274, %parallel_loop3A_275] {strides = array<i32>} : memref<400x16xf32, #tpu.memory_space<vmem>>, vector<16xf32>,
        tpu.vector_store %arg11[%parallel_loop3A_274, %parallel_loop3A_275], %parallel_loop3A_273 {strides = array<i32>} : memref<400x16xf32, #tpu.memory_space<vmem>>, vector<16xf32>,
        %parallel_loop3A_277 = arith.constant 3 : i32
        %parallel_loop3A_278 = arith.addi %parallel_loop3A_135, %parallel_loop3A_277 : i32
        %parallel_loop3A_279 = arith.index_cast %parallel_loop3A_278 : i32 to index
        %parallel_loop3A_280 = arith.constant 0 : index
        %parallel_loop3A_281 = tpu.vector_load %arg8[%parallel_loop3A_279, %parallel_loop3A_280] {strides = array<i32>} : memref<400x64xi32, #tpu.memory_space<vmem>>, vector<16xi32>,
        %parallel_loop3A_282 = vector.bitcast %parallel_loop3A_281 : vector<16xi32> to vector<32xbf16>
        %parallel_loop3A_283 = arith.index_cast %parallel_loop3A_278 : i32 to index
        %parallel_loop3A_284 = arith.constant 0 : index
        %parallel_loop3A_285 = tpu.vector_load %arg10[%parallel_loop3A_283, %parallel_loop3A_284] {strides = array<i32>} : memref<400x64xi32, #tpu.memory_space<vmem>>, vector<16xi32>,
        %parallel_loop3A_286 = vector.bitcast %parallel_loop3A_285 : vector<16xi32> to vector<32xbf16>
        %parallel_loop3A_287 = arith.mulf %parallel_loop3A_282, %parallel_loop3A_286 : vector<32xbf16>
        %parallel_loop3A_288 = arith.index_cast %parallel_loop3A_278 : i32 to index
        %parallel_loop3A_289 = arith.constant 16 : index
        %parallel_loop3A_290 = tpu.vector_load %arg8[%parallel_loop3A_288, %parallel_loop3A_289] {strides = array<i32>} : memref<400x64xi32, #tpu.memory_space<vmem>>, vector<16xi32>,
        %parallel_loop3A_291 = vector.bitcast %parallel_loop3A_290 : vector<16xi32> to vector<32xbf16>
        %parallel_loop3A_292 = arith.index_cast %parallel_loop3A_278 : i32 to index
        %parallel_loop3A_293 = arith.constant 16 : index
        %parallel_loop3A_294 = tpu.vector_load %arg10[%parallel_loop3A_292, %parallel_loop3A_293] {strides = array<i32>} : memref<400x64xi32, #tpu.memory_space<vmem>>, vector<16xi32>,
        %parallel_loop3A_295 = vector.bitcast %parallel_loop3A_294 : vector<16xi32> to vector<32xbf16>
        %parallel_loop3A_296 = arith.mulf %parallel_loop3A_291, %parallel_loop3A_295 : vector<32xbf16>
        %parallel_loop3A_297 = arith.addf %parallel_loop3A_287, %parallel_loop3A_296 : vector<32xbf16>
        %parallel_loop3A_298 = arith.index_cast %parallel_loop3A_278 : i32 to index
        %parallel_loop3A_299 = arith.constant 32 : index
        %parallel_loop3A_300 = tpu.vector_load %arg8[%parallel_loop3A_298, %parallel_loop3A_299] {strides = array<i32>} : memref<400x64xi32, #tpu.memory_space<vmem>>, vector<16xi32>,
        %parallel_loop3A_301 = vector.bitcast %parallel_loop3A_300 : vector<16xi32> to vector<32xbf16>
        %parallel_loop3A_302 = arith.index_cast %parallel_loop3A_278 : i32 to index
        %parallel_loop3A_303 = arith.constant 32 : index
        %parallel_loop3A_304 = tpu.vector_load %arg10[%parallel_loop3A_302, %parallel_loop3A_303] {strides = array<i32>} : memref<400x64xi32, #tpu.memory_space<vmem>>, vector<16xi32>,
        %parallel_loop3A_305 = vector.bitcast %parallel_loop3A_304 : vector<16xi32> to vector<32xbf16>
        %parallel_loop3A_306 = arith.mulf %parallel_loop3A_301, %parallel_loop3A_305 : vector<32xbf16>
        %parallel_loop3A_307 = arith.addf %parallel_loop3A_297, %parallel_loop3A_306 : vector<32xbf16>
        %parallel_loop3A_308 = arith.index_cast %parallel_loop3A_278 : i32 to index
        %parallel_loop3A_309 = arith.constant 48 : index
        %parallel_loop3A_310 = tpu.vector_load %arg8[%parallel_loop3A_308, %parallel_loop3A_309] {strides = array<i32>} : memref<400x64xi32, #tpu.memory_space<vmem>>, vector<16xi32>,
        %parallel_loop3A_311 = vector.bitcast %parallel_loop3A_310 : vector<16xi32> to vector<32xbf16>
        %parallel_loop3A_312 = arith.index_cast %parallel_loop3A_278 : i32 to index
        %parallel_loop3A_313 = arith.constant 48 : index
        %parallel_loop3A_314 = tpu.vector_load %arg10[%parallel_loop3A_312, %parallel_loop3A_313] {strides = array<i32>} : memref<400x64xi32, #tpu.memory_space<vmem>>, vector<16xi32>,
        %parallel_loop3A_315 = vector.bitcast %parallel_loop3A_314 : vector<16xi32> to vector<32xbf16>
        %parallel_loop3A_316 = arith.mulf %parallel_loop3A_311, %parallel_loop3A_315 : vector<32xbf16>
        %parallel_loop3A_317 = arith.addf %parallel_loop3A_307, %parallel_loop3A_316 : vector<32xbf16>
        %parallel_loop3A_318 = tpu.unpack_subelements %parallel_loop3A_317, 0 {pack_format = #tpu.pack_format<interleaved>} : vector<32xbf16> -> vector<16xf32>
        %parallel_loop3A_319 = tpu.unpack_subelements %parallel_loop3A_317, 1 {pack_format = #tpu.pack_format<interleaved>} : vector<32xbf16> -> vector<16xf32>
        %parallel_loop3A_320 = arith.addf %parallel_loop3A_318, %parallel_loop3A_319 : vector<16xf32>
        %parallel_loop3A_321 = arith.index_cast %parallel_loop3A_278 : i32 to index
        %parallel_loop3A_322 = arith.constant 0 : index
        %parallel_loop3A_323 = tpu.vector_load %arg11[%parallel_loop3A_321, %parallel_loop3A_322] {strides = array<i32>} : memref<400x16xf32, #tpu.memory_space<vmem>>, vector<16xf32>,
        tpu.vector_store %arg11[%parallel_loop3A_321, %parallel_loop3A_322], %parallel_loop3A_320 {strides = array<i32>} : memref<400x16xf32, #tpu.memory_space<vmem>>, vector<16xf32>,
        %parallel_loop3A_324 = arith.constant 4 : i32
        %parallel_loop3A_325 = arith.addi %parallel_loop3A_135, %parallel_loop3A_324 : i32
        %parallel_loop3A_326 = arith.index_cast %parallel_loop3A_325 : i32 to index
        %parallel_loop3A_327 = arith.constant 0 : index
        %parallel_loop3A_328 = tpu.vector_load %arg8[%parallel_loop3A_326, %parallel_loop3A_327] {strides = array<i32>} : memref<400x64xi32, #tpu.memory_space<vmem>>, vector<16xi32>,
        %parallel_loop3A_329 = vector.bitcast %parallel_loop3A_328 : vector<16xi32> to vector<32xbf16>
        %parallel_loop3A_330 = arith.index_cast %parallel_loop3A_325 : i32 to index
        %parallel_loop3A_331 = arith.constant 0 : index
        %parallel_loop3A_332 = tpu.vector_load %arg10[%parallel_loop3A_330, %parallel_loop3A_331] {strides = array<i32>} : memref<400x64xi32, #tpu.memory_space<vmem>>, vector<16xi32>,
        %parallel_loop3A_333 = vector.bitcast %parallel_loop3A_332 : vector<16xi32> to vector<32xbf16>
        %parallel_loop3A_334 = arith.mulf %parallel_loop3A_329, %parallel_loop3A_333 : vector<32xbf16>
        %parallel_loop3A_335 = arith.index_cast %parallel_loop3A_325 : i32 to index
        %parallel_loop3A_336 = arith.constant 16 : index
        %parallel_loop3A_337 = tpu.vector_load %arg8[%parallel_loop3A_335, %parallel_loop3A_336] {strides = array<i32>} : memref<400x64xi32, #tpu.memory_space<vmem>>, vector<16xi32>,
        %parallel_loop3A_338 = vector.bitcast %parallel_loop3A_337 : vector<16xi32> to vector<32xbf16>
        %parallel_loop3A_339 = arith.index_cast %parallel_loop3A_325 : i32 to index
        %parallel_loop3A_340 = arith.constant 16 : index
        %parallel_loop3A_341 = tpu.vector_load %arg10[%parallel_loop3A_339, %parallel_loop3A_340] {strides = array<i32>} : memref<400x64xi32, #tpu.memory_space<vmem>>, vector<16xi32>,
        %parallel_loop3A_342 = vector.bitcast %parallel_loop3A_341 : vector<16xi32> to vector<32xbf16>
        %parallel_loop3A_343 = arith.mulf %parallel_loop3A_338, %parallel_loop3A_342 : vector<32xbf16>
        %parallel_loop3A_344 = arith.addf %parallel_loop3A_334, %parallel_loop3A_343 : vector<32xbf16>
        %parallel_loop3A_345 = arith.index_cast %parallel_loop3A_325 : i32 to index
        %parallel_loop3A_346 = arith.constant 32 : index
        %parallel_loop3A_347 = tpu.vector_load %arg8[%parallel_loop3A_345, %parallel_loop3A_346] {strides = array<i32>} : memref<400x64xi32, #tpu.memory_space<vmem>>, vector<16xi32>,
        %parallel_loop3A_348 = vector.bitcast %parallel_loop3A_347 : vector<16xi32> to vector<32xbf16>
        %parallel_loop3A_349 = arith.index_cast %parallel_loop3A_325 : i32 to index
        %parallel_loop3A_350 = arith.constant 32 : index
        %parallel_loop3A_351 = tpu.vector_load %arg10[%parallel_loop3A_349, %parallel_loop3A_350] {strides = array<i32>} : memref<400x64xi32, #tpu.memory_space<vmem>>, vector<16xi32>,
        %parallel_loop3A_352 = vector.bitcast %parallel_loop3A_351 : vector<16xi32> to vector<32xbf16>
        %parallel_loop3A_353 = arith.mulf %parallel_loop3A_348, %parallel_loop3A_352 : vector<32xbf16>
        %parallel_loop3A_354 = arith.addf %parallel_loop3A_344, %parallel_loop3A_353 : vector<32xbf16>
        %parallel_loop3A_355 = arith.index_cast %parallel_loop3A_325 : i32 to index
        %parallel_loop3A_356 = arith.constant 48 : index
        %parallel_loop3A_357 = tpu.vector_load %arg8[%parallel_loop3A_355, %parallel_loop3A_356] {strides = array<i32>} : memref<400x64xi32, #tpu.memory_space<vmem>>, vector<16xi32>,
        %parallel_loop3A_358 = vector.bitcast %parallel_loop3A_357 : vector<16xi32> to vector<32xbf16>
        %parallel_loop3A_359 = arith.index_cast %parallel_loop3A_325 : i32 to index
        %parallel_loop3A_360 = arith.constant 48 : index
        %parallel_loop3A_361 = tpu.vector_load %arg10[%parallel_loop3A_359, %parallel_loop3A_360] {strides = array<i32>} : memref<400x64xi32, #tpu.memory_space<vmem>>, vector<16xi32>,
        %parallel_loop3A_362 = vector.bitcast %parallel_loop3A_361 : vector<16xi32> to vector<32xbf16>
        %parallel_loop3A_363 = arith.mulf %parallel_loop3A_358, %parallel_loop3A_362 : vector<32xbf16>
        %parallel_loop3A_364 = arith.addf %parallel_loop3A_354, %parallel_loop3A_363 : vector<32xbf16>
        %parallel_loop3A_365 = tpu.unpack_subelements %parallel_loop3A_364, 0 {pack_format = #tpu.pack_format<interleaved>} : vector<32xbf16> -> vector<16xf32>
        %parallel_loop3A_366 = tpu.unpack_subelements %parallel_loop3A_364, 1 {pack_format = #tpu.pack_format<interleaved>} : vector<32xbf16> -> vector<16xf32>
        %parallel_loop3A_367 = arith.addf %parallel_loop3A_365, %parallel_loop3A_366 : vector<16xf32>
        %parallel_loop3A_368 = arith.index_cast %parallel_loop3A_325 : i32 to index
        %parallel_loop3A_369 = arith.constant 0 : index
        %parallel_loop3A_370 = tpu.vector_load %arg11[%parallel_loop3A_368, %parallel_loop3A_369] {strides = array<i32>} : memref<400x16xf32, #tpu.memory_space<vmem>>, vector<16xf32>,
        tpu.vector_store %arg11[%parallel_loop3A_368, %parallel_loop3A_369], %parallel_loop3A_367 {strides = array<i32>} : memref<400x16xf32, #tpu.memory_space<vmem>>, vector<16xf32>,
        %parallel_loop3A_371 = arith.constant 5 : i32
        %parallel_loop3A_372 = arith.addi %parallel_loop3A_135, %parallel_loop3A_371 : i32
        %parallel_loop3A_373 = arith.index_cast %parallel_loop3A_372 : i32 to index
        %parallel_loop3A_374 = arith.constant 0 : index
        %parallel_loop3A_375 = tpu.vector_load %arg8[%parallel_loop3A_373, %parallel_loop3A_374] {strides = array<i32>} : memref<400x64xi32, #tpu.memory_space<vmem>>, vector<16xi32>,
        %parallel_loop3A_376 = vector.bitcast %parallel_loop3A_375 : vector<16xi32> to vector<32xbf16>
        %parallel_loop3A_377 = arith.index_cast %parallel_loop3A_372 : i32 to index
        %parallel_loop3A_378 = arith.constant 0 : index
        %parallel_loop3A_379 = tpu.vector_load %arg10[%parallel_loop3A_377, %parallel_loop3A_378] {strides = array<i32>} : memref<400x64xi32, #tpu.memory_space<vmem>>, vector<16xi32>,
        %parallel_loop3A_380 = vector.bitcast %parallel_loop3A_379 : vector<16xi32> to vector<32xbf16>
        %parallel_loop3A_381 = arith.mulf %parallel_loop3A_376, %parallel_loop3A_380 : vector<32xbf16>
        %parallel_loop3A_382 = arith.index_cast %parallel_loop3A_372 : i32 to index
        %parallel_loop3A_383 = arith.constant 16 : index
        %parallel_loop3A_384 = tpu.vector_load %arg8[%parallel_loop3A_382, %parallel_loop3A_383] {strides = array<i32>} : memref<400x64xi32, #tpu.memory_space<vmem>>, vector<16xi32>,
        %parallel_loop3A_385 = vector.bitcast %parallel_loop3A_384 : vector<16xi32> to vector<32xbf16>
        %parallel_loop3A_386 = arith.index_cast %parallel_loop3A_372 : i32 to index
        %parallel_loop3A_387 = arith.constant 16 : index
        %parallel_loop3A_388 = tpu.vector_load %arg10[%parallel_loop3A_386, %parallel_loop3A_387] {strides = array<i32>} : memref<400x64xi32, #tpu.memory_space<vmem>>, vector<16xi32>,
        %parallel_loop3A_389 = vector.bitcast %parallel_loop3A_388 : vector<16xi32> to vector<32xbf16>
        %parallel_loop3A_390 = arith.mulf %parallel_loop3A_385, %parallel_loop3A_389 : vector<32xbf16>
        %parallel_loop3A_391 = arith.addf %parallel_loop3A_381, %parallel_loop3A_390 : vector<32xbf16>
        %parallel_loop3A_392 = arith.index_cast %parallel_loop3A_372 : i32 to index
        %parallel_loop3A_393 = arith.constant 32 : index
        %parallel_loop3A_394 = tpu.vector_load %arg8[%parallel_loop3A_392, %parallel_loop3A_393] {strides = array<i32>} : memref<400x64xi32, #tpu.memory_space<vmem>>, vector<16xi32>,
        %parallel_loop3A_395 = vector.bitcast %parallel_loop3A_394 : vector<16xi32> to vector<32xbf16>
        %parallel_loop3A_396 = arith.index_cast %parallel_loop3A_372 : i32 to index
        %parallel_loop3A_397 = arith.constant 32 : index
        %parallel_loop3A_398 = tpu.vector_load %arg10[%parallel_loop3A_396, %parallel_loop3A_397] {strides = array<i32>} : memref<400x64xi32, #tpu.memory_space<vmem>>, vector<16xi32>,
        %parallel_loop3A_399 = vector.bitcast %parallel_loop3A_398 : vector<16xi32> to vector<32xbf16>
        %parallel_loop3A_400 = arith.mulf %parallel_loop3A_395, %parallel_loop3A_399 : vector<32xbf16>
        %parallel_loop3A_401 = arith.addf %parallel_loop3A_391, %parallel_loop3A_400 : vector<32xbf16>
        %parallel_loop3A_402 = arith.index_cast %parallel_loop3A_372 : i32 to index
        %parallel_loop3A_403 = arith.constant 48 : index
        %parallel_loop3A_404 = tpu.vector_load %arg8[%parallel_loop3A_402, %parallel_loop3A_403] {strides = array<i32>} : memref<400x64xi32, #tpu.memory_space<vmem>>, vector<16xi32>,
        %parallel_loop3A_405 = vector.bitcast %parallel_loop3A_404 : vector<16xi32> to vector<32xbf16>
        %parallel_loop3A_406 = arith.index_cast %parallel_loop3A_372 : i32 to index
        %parallel_loop3A_407 = arith.constant 48 : index
        %parallel_loop3A_408 = tpu.vector_load %arg10[%parallel_loop3A_406, %parallel_loop3A_407] {strides = array<i32>} : memref<400x64xi32, #tpu.memory_space<vmem>>, vector<16xi32>,
        %parallel_loop3A_409 = vector.bitcast %parallel_loop3A_408 : vector<16xi32> to vector<32xbf16>
        %parallel_loop3A_410 = arith.mulf %parallel_loop3A_405, %parallel_loop3A_409 : vector<32xbf16>
        %parallel_loop3A_411 = arith.addf %parallel_loop3A_401, %parallel_loop3A_410 : vector<32xbf16>
        %parallel_loop3A_412 = tpu.unpack_subelements %parallel_loop3A_411, 0 {pack_format = #tpu.pack_format<interleaved>} : vector<32xbf16> -> vector<16xf32>
        %parallel_loop3A_413 = tpu.unpack_subelements %parallel_loop3A_411, 1 {pack_format = #tpu.pack_format<interleaved>} : vector<32xbf16> -> vector<16xf32>
        %parallel_loop3A_414 = arith.addf %parallel_loop3A_412, %parallel_loop3A_413 : vector<16xf32>
        %parallel_loop3A_415 = arith.index_cast %parallel_loop3A_372 : i32 to index
        %parallel_loop3A_416 = arith.constant 0 : index
        %parallel_loop3A_417 = tpu.vector_load %arg11[%parallel_loop3A_415, %parallel_loop3A_416] {strides = array<i32>} : memref<400x16xf32, #tpu.memory_space<vmem>>, vector<16xf32>,
        tpu.vector_store %arg11[%parallel_loop3A_415, %parallel_loop3A_416], %parallel_loop3A_414 {strides = array<i32>} : memref<400x16xf32, #tpu.memory_space<vmem>>, vector<16xf32>,
        %parallel_loop3A_418 = arith.constant 6 : i32
        %parallel_loop3A_419 = arith.addi %parallel_loop3A_135, %parallel_loop3A_418 : i32
        %parallel_loop3A_420 = arith.index_cast %parallel_loop3A_419 : i32 to index
        %parallel_loop3A_421 = arith.constant 0 : index
        %parallel_loop3A_422 = tpu.vector_load %arg8[%parallel_loop3A_420, %parallel_loop3A_421] {strides = array<i32>} : memref<400x64xi32, #tpu.memory_space<vmem>>, vector<16xi32>,
        %parallel_loop3A_423 = vector.bitcast %parallel_loop3A_422 : vector<16xi32> to vector<32xbf16>
        %parallel_loop3A_424 = arith.index_cast %parallel_loop3A_419 : i32 to index
        %parallel_loop3A_425 = arith.constant 0 : index
        %parallel_loop3A_426 = tpu.vector_load %arg10[%parallel_loop3A_424, %parallel_loop3A_425] {strides = array<i32>} : memref<400x64xi32, #tpu.memory_space<vmem>>, vector<16xi32>,
        %parallel_loop3A_427 = vector.bitcast %parallel_loop3A_426 : vector<16xi32> to vector<32xbf16>
        %parallel_loop3A_428 = arith.mulf %parallel_loop3A_423, %parallel_loop3A_427 : vector<32xbf16>
        %parallel_loop3A_429 = arith.index_cast %parallel_loop3A_419 : i32 to index
        %parallel_loop3A_430 = arith.constant 16 : index
        %parallel_loop3A_431 = tpu.vector_load %arg8[%parallel_loop3A_429, %parallel_loop3A_430] {strides = array<i32>} : memref<400x64xi32, #tpu.memory_space<vmem>>, vector<16xi32>,
        %parallel_loop3A_432 = vector.bitcast %parallel_loop3A_431 : vector<16xi32> to vector<32xbf16>
        %parallel_loop3A_433 = arith.index_cast %parallel_loop3A_419 : i32 to index
        %parallel_loop3A_434 = arith.constant 16 : index
        %parallel_loop3A_435 = tpu.vector_load %arg10[%parallel_loop3A_433, %parallel_loop3A_434] {strides = array<i32>} : memref<400x64xi32, #tpu.memory_space<vmem>>, vector<16xi32>,
        %parallel_loop3A_436 = vector.bitcast %parallel_loop3A_435 : vector<16xi32> to vector<32xbf16>
        %parallel_loop3A_437 = arith.mulf %parallel_loop3A_432, %parallel_loop3A_436 : vector<32xbf16>
        %parallel_loop3A_438 = arith.addf %parallel_loop3A_428, %parallel_loop3A_437 : vector<32xbf16>
        %parallel_loop3A_439 = arith.index_cast %parallel_loop3A_419 : i32 to index
        %parallel_loop3A_440 = arith.constant 32 : index
        %parallel_loop3A_441 = tpu.vector_load %arg8[%parallel_loop3A_439, %parallel_loop3A_440] {strides = array<i32>} : memref<400x64xi32, #tpu.memory_space<vmem>>, vector<16xi32>,
        %parallel_loop3A_442 = vector.bitcast %parallel_loop3A_441 : vector<16xi32> to vector<32xbf16>
        %parallel_loop3A_443 = arith.index_cast %parallel_loop3A_419 : i32 to index
        %parallel_loop3A_444 = arith.constant 32 : index
        %parallel_loop3A_445 = tpu.vector_load %arg10[%parallel_loop3A_443, %parallel_loop3A_444] {strides = array<i32>} : memref<400x64xi32, #tpu.memory_space<vmem>>, vector<16xi32>,
        %parallel_loop3A_446 = vector.bitcast %parallel_loop3A_445 : vector<16xi32> to vector<32xbf16>
        %parallel_loop3A_447 = arith.mulf %parallel_loop3A_442, %parallel_loop3A_446 : vector<32xbf16>
        %parallel_loop3A_448 = arith.addf %parallel_loop3A_438, %parallel_loop3A_447 : vector<32xbf16>
        %parallel_loop3A_449 = arith.index_cast %parallel_loop3A_419 : i32 to index
        %parallel_loop3A_450 = arith.constant 48 : index
        %parallel_loop3A_451 = tpu.vector_load %arg8[%parallel_loop3A_449, %parallel_loop3A_450] {strides = array<i32>} : memref<400x64xi32, #tpu.memory_space<vmem>>, vector<16xi32>,
        %parallel_loop3A_452 = vector.bitcast %parallel_loop3A_451 : vector<16xi32> to vector<32xbf16>
        %parallel_loop3A_453 = arith.index_cast %parallel_loop3A_419 : i32 to index
        %parallel_loop3A_454 = arith.constant 48 : index
        %parallel_loop3A_455 = tpu.vector_load %arg10[%parallel_loop3A_453, %parallel_loop3A_454] {strides = array<i32>} : memref<400x64xi32, #tpu.memory_space<vmem>>, vector<16xi32>,
        %parallel_loop3A_456 = vector.bitcast %parallel_loop3A_455 : vector<16xi32> to vector<32xbf16>
        %parallel_loop3A_457 = arith.mulf %parallel_loop3A_452, %parallel_loop3A_456 : vector<32xbf16>
        %parallel_loop3A_458 = arith.addf %parallel_loop3A_448, %parallel_loop3A_457 : vector<32xbf16>
        %parallel_loop3A_459 = tpu.unpack_subelements %parallel_loop3A_458, 0 {pack_format = #tpu.pack_format<interleaved>} : vector<32xbf16> -> vector<16xf32>
        %parallel_loop3A_460 = tpu.unpack_subelements %parallel_loop3A_458, 1 {pack_format = #tpu.pack_format<interleaved>} : vector<32xbf16> -> vector<16xf32>
        %parallel_loop3A_461 = arith.addf %parallel_loop3A_459, %parallel_loop3A_460 : vector<16xf32>
        %parallel_loop3A_462 = arith.index_cast %parallel_loop3A_419 : i32 to index
        %parallel_loop3A_463 = arith.constant 0 : index
        %parallel_loop3A_464 = tpu.vector_load %arg11[%parallel_loop3A_462, %parallel_loop3A_463] {strides = array<i32>} : memref<400x16xf32, #tpu.memory_space<vmem>>, vector<16xf32>,
        tpu.vector_store %arg11[%parallel_loop3A_462, %parallel_loop3A_463], %parallel_loop3A_461 {strides = array<i32>} : memref<400x16xf32, #tpu.memory_space<vmem>>, vector<16xf32>,
        %parallel_loop3A_465 = arith.constant 7 : i32
        %parallel_loop3A_466 = arith.addi %parallel_loop3A_135, %parallel_loop3A_465 : i32
        %parallel_loop3A_467 = arith.index_cast %parallel_loop3A_466 : i32 to index
        %parallel_loop3A_468 = arith.constant 0 : index
        %parallel_loop3A_469 = tpu.vector_load %arg8[%parallel_loop3A_467, %parallel_loop3A_468] {strides = array<i32>} : memref<400x64xi32, #tpu.memory_space<vmem>>, vector<16xi32>,
        %parallel_loop3A_470 = vector.bitcast %parallel_loop3A_469 : vector<16xi32> to vector<32xbf16>
        %parallel_loop3A_471 = arith.index_cast %parallel_loop3A_466 : i32 to index
        %parallel_loop3A_472 = arith.constant 0 : index
        %parallel_loop3A_473 = tpu.vector_load %arg10[%parallel_loop3A_471, %parallel_loop3A_472] {strides = array<i32>} : memref<400x64xi32, #tpu.memory_space<vmem>>, vector<16xi32>,
        %parallel_loop3A_474 = vector.bitcast %parallel_loop3A_473 : vector<16xi32> to vector<32xbf16>
        %parallel_loop3A_475 = arith.mulf %parallel_loop3A_470, %parallel_loop3A_474 : vector<32xbf16>
        %parallel_loop3A_476 = arith.index_cast %parallel_loop3A_466 : i32 to index
        %parallel_loop3A_477 = arith.constant 16 : index
        %parallel_loop3A_478 = tpu.vector_load %arg8[%parallel_loop3A_476, %parallel_loop3A_477] {strides = array<i32>} : memref<400x64xi32, #tpu.memory_space<vmem>>, vector<16xi32>,
        %parallel_loop3A_479 = vector.bitcast %parallel_loop3A_478 : vector<16xi32> to vector<32xbf16>
        %parallel_loop3A_480 = arith.index_cast %parallel_loop3A_466 : i32 to index
        %parallel_loop3A_481 = arith.constant 16 : index
        %parallel_loop3A_482 = tpu.vector_load %arg10[%parallel_loop3A_480, %parallel_loop3A_481] {strides = array<i32>} : memref<400x64xi32, #tpu.memory_space<vmem>>, vector<16xi32>,
        %parallel_loop3A_483 = vector.bitcast %parallel_loop3A_482 : vector<16xi32> to vector<32xbf16>
        %parallel_loop3A_484 = arith.mulf %parallel_loop3A_479, %parallel_loop3A_483 : vector<32xbf16>
        %parallel_loop3A_485 = arith.addf %parallel_loop3A_475, %parallel_loop3A_484 : vector<32xbf16>
        %parallel_loop3A_486 = arith.index_cast %parallel_loop3A_466 : i32 to index
        %parallel_loop3A_487 = arith.constant 32 : index
        %parallel_loop3A_488 = tpu.vector_load %arg8[%parallel_loop3A_486, %parallel_loop3A_487] {strides = array<i32>} : memref<400x64xi32, #tpu.memory_space<vmem>>, vector<16xi32>,
        %parallel_loop3A_489 = vector.bitcast %parallel_loop3A_488 : vector<16xi32> to vector<32xbf16>
        %parallel_loop3A_490 = arith.index_cast %parallel_loop3A_466 : i32 to index
        %parallel_loop3A_491 = arith.constant 32 : index
        %parallel_loop3A_492 = tpu.vector_load %arg10[%parallel_loop3A_490, %parallel_loop3A_491] {strides = array<i32>} : memref<400x64xi32, #tpu.memory_space<vmem>>, vector<16xi32>,
        %parallel_loop3A_493 = vector.bitcast %parallel_loop3A_492 : vector<16xi32> to vector<32xbf16>
        %parallel_loop3A_494 = arith.mulf %parallel_loop3A_489, %parallel_loop3A_493 : vector<32xbf16>
        %parallel_loop3A_495 = arith.addf %parallel_loop3A_485, %parallel_loop3A_494 : vector<32xbf16>
        %parallel_loop3A_496 = arith.index_cast %parallel_loop3A_466 : i32 to index
        %parallel_loop3A_497 = arith.constant 48 : index
        %parallel_loop3A_498 = tpu.vector_load %arg8[%parallel_loop3A_496, %parallel_loop3A_497] {strides = array<i32>} : memref<400x64xi32, #tpu.memory_space<vmem>>, vector<16xi32>,
        %parallel_loop3A_499 = vector.bitcast %parallel_loop3A_498 : vector<16xi32> to vector<32xbf16>
        %parallel_loop3A_500 = arith.index_cast %parallel_loop3A_466 : i32 to index
        %parallel_loop3A_501 = arith.constant 48 : index
        %parallel_loop3A_502 = tpu.vector_load %arg10[%parallel_loop3A_500, %parallel_loop3A_501] {strides = array<i32>} : memref<400x64xi32, #tpu.memory_space<vmem>>, vector<16xi32>,
        %parallel_loop3A_503 = vector.bitcast %parallel_loop3A_502 : vector<16xi32> to vector<32xbf16>
        %parallel_loop3A_504 = arith.mulf %parallel_loop3A_499, %parallel_loop3A_503 : vector<32xbf16>
        %parallel_loop3A_505 = arith.addf %parallel_loop3A_495, %parallel_loop3A_504 : vector<32xbf16>
        %parallel_loop3A_506 = tpu.unpack_subelements %parallel_loop3A_505, 0 {pack_format = #tpu.pack_format<interleaved>} : vector<32xbf16> -> vector<16xf32>
        %parallel_loop3A_507 = tpu.unpack_subelements %parallel_loop3A_505, 1 {pack_format = #tpu.pack_format<interleaved>} : vector<32xbf16> -> vector<16xf32>
        %parallel_loop3A_508 = arith.addf %parallel_loop3A_506, %parallel_loop3A_507 : vector<16xf32>
        %parallel_loop3A_509 = arith.index_cast %parallel_loop3A_466 : i32 to index
        %parallel_loop3A_510 = arith.constant 0 : index
        %parallel_loop3A_511 = tpu.vector_load %arg11[%parallel_loop3A_509, %parallel_loop3A_510] {strides = array<i32>} : memref<400x16xf32, #tpu.memory_space<vmem>>, vector<16xf32>,
        tpu.vector_store %arg11[%parallel_loop3A_509, %parallel_loop3A_510], %parallel_loop3A_508 {strides = array<i32>} : memref<400x16xf32, #tpu.memory_space<vmem>>, vector<16xf32>,
        %parallel_loop3A_512 = arith.constant 8 : i32
        %parallel_loop3A_513 = arith.addi %parallel_loop3A_135, %parallel_loop3A_512 : i32
        %parallel_loop3A_514 = arith.index_cast %parallel_loop3A_513 : i32 to index
        %parallel_loop3A_515 = arith.constant 0 : index
        %parallel_loop3A_516 = tpu.vector_load %arg8[%parallel_loop3A_514, %parallel_loop3A_515] {strides = array<i32>} : memref<400x64xi32, #tpu.memory_space<vmem>>, vector<16xi32>,
        %parallel_loop3A_517 = vector.bitcast %parallel_loop3A_516 : vector<16xi32> to vector<32xbf16>
        %parallel_loop3A_518 = arith.index_cast %parallel_loop3A_513 : i32 to index
        %parallel_loop3A_519 = arith.constant 0 : index
        %parallel_loop3A_520 = tpu.vector_load %arg10[%parallel_loop3A_518, %parallel_loop3A_519] {strides = array<i32>} : memref<400x64xi32, #tpu.memory_space<vmem>>, vector<16xi32>,
        %parallel_loop3A_521 = vector.bitcast %parallel_loop3A_520 : vector<16xi32> to vector<32xbf16>
        %parallel_loop3A_522 = arith.mulf %parallel_loop3A_517, %parallel_loop3A_521 : vector<32xbf16>
        %parallel_loop3A_523 = arith.index_cast %parallel_loop3A_513 : i32 to index
        %parallel_loop3A_524 = arith.constant 16 : index
        %parallel_loop3A_525 = tpu.vector_load %arg8[%parallel_loop3A_523, %parallel_loop3A_524] {strides = array<i32>} : memref<400x64xi32, #tpu.memory_space<vmem>>, vector<16xi32>,
        %parallel_loop3A_526 = vector.bitcast %parallel_loop3A_525 : vector<16xi32> to vector<32xbf16>
        %parallel_loop3A_527 = arith.index_cast %parallel_loop3A_513 : i32 to index
        %parallel_loop3A_528 = arith.constant 16 : index
        %parallel_loop3A_529 = tpu.vector_load %arg10[%parallel_loop3A_527, %parallel_loop3A_528] {strides = array<i32>} : memref<400x64xi32, #tpu.memory_space<vmem>>, vector<16xi32>,
        %parallel_loop3A_530 = vector.bitcast %parallel_loop3A_529 : vector<16xi32> to vector<32xbf16>
        %parallel_loop3A_531 = arith.mulf %parallel_loop3A_526, %parallel_loop3A_530 : vector<32xbf16>
        %parallel_loop3A_532 = arith.addf %parallel_loop3A_522, %parallel_loop3A_531 : vector<32xbf16>
        %parallel_loop3A_533 = arith.index_cast %parallel_loop3A_513 : i32 to index
        %parallel_loop3A_534 = arith.constant 32 : index
        %parallel_loop3A_535 = tpu.vector_load %arg8[%parallel_loop3A_533, %parallel_loop3A_534] {strides = array<i32>} : memref<400x64xi32, #tpu.memory_space<vmem>>, vector<16xi32>,
        %parallel_loop3A_536 = vector.bitcast %parallel_loop3A_535 : vector<16xi32> to vector<32xbf16>
        %parallel_loop3A_537 = arith.index_cast %parallel_loop3A_513 : i32 to index
        %parallel_loop3A_538 = arith.constant 32 : index
        %parallel_loop3A_539 = tpu.vector_load %arg10[%parallel_loop3A_537, %parallel_loop3A_538] {strides = array<i32>} : memref<400x64xi32, #tpu.memory_space<vmem>>, vector<16xi32>,
        %parallel_loop3A_540 = vector.bitcast %parallel_loop3A_539 : vector<16xi32> to vector<32xbf16>
        %parallel_loop3A_541 = arith.mulf %parallel_loop3A_536, %parallel_loop3A_540 : vector<32xbf16>
        %parallel_loop3A_542 = arith.addf %parallel_loop3A_532, %parallel_loop3A_541 : vector<32xbf16>
        %parallel_loop3A_543 = arith.index_cast %parallel_loop3A_513 : i32 to index
        %parallel_loop3A_544 = arith.constant 48 : index
        %parallel_loop3A_545 = tpu.vector_load %arg8[%parallel_loop3A_543, %parallel_loop3A_544] {strides = array<i32>} : memref<400x64xi32, #tpu.memory_space<vmem>>, vector<16xi32>,
        %parallel_loop3A_546 = vector.bitcast %parallel_loop3A_545 : vector<16xi32> to vector<32xbf16>
        %parallel_loop3A_547 = arith.index_cast %parallel_loop3A_513 : i32 to index
        %parallel_loop3A_548 = arith.constant 48 : index
        %parallel_loop3A_549 = tpu.vector_load %arg10[%parallel_loop3A_547, %parallel_loop3A_548] {strides = array<i32>} : memref<400x64xi32, #tpu.memory_space<vmem>>, vector<16xi32>,
        %parallel_loop3A_550 = vector.bitcast %parallel_loop3A_549 : vector<16xi32> to vector<32xbf16>
        %parallel_loop3A_551 = arith.mulf %parallel_loop3A_546, %parallel_loop3A_550 : vector<32xbf16>
        %parallel_loop3A_552 = arith.addf %parallel_loop3A_542, %parallel_loop3A_551 : vector<32xbf16>
        %parallel_loop3A_553 = tpu.unpack_subelements %parallel_loop3A_552, 0 {pack_format = #tpu.pack_format<interleaved>} : vector<32xbf16> -> vector<16xf32>
        %parallel_loop3A_554 = tpu.unpack_subelements %parallel_loop3A_552, 1 {pack_format = #tpu.pack_format<interleaved>} : vector<32xbf16> -> vector<16xf32>
        %parallel_loop3A_555 = arith.addf %parallel_loop3A_553, %parallel_loop3A_554 : vector<16xf32>
        %parallel_loop3A_556 = arith.index_cast %parallel_loop3A_513 : i32 to index
        %parallel_loop3A_557 = arith.constant 0 : index
        %parallel_loop3A_558 = tpu.vector_load %arg11[%parallel_loop3A_556, %parallel_loop3A_557] {strides = array<i32>} : memref<400x16xf32, #tpu.memory_space<vmem>>, vector<16xf32>,
        tpu.vector_store %arg11[%parallel_loop3A_556, %parallel_loop3A_557], %parallel_loop3A_555 {strides = array<i32>} : memref<400x16xf32, #tpu.memory_space<vmem>>, vector<16xf32>,
        %parallel_loop3A_559 = arith.constant 9 : i32
        %parallel_loop3A_560 = arith.addi %parallel_loop3A_135, %parallel_loop3A_559 : i32
        %parallel_loop3A_561 = arith.index_cast %parallel_loop3A_560 : i32 to index
        %parallel_loop3A_562 = arith.constant 0 : index
        %parallel_loop3A_563 = tpu.vector_load %arg8[%parallel_loop3A_561, %parallel_loop3A_562] {strides = array<i32>} : memref<400x64xi32, #tpu.memory_space<vmem>>, vector<16xi32>,
        %parallel_loop3A_564 = vector.bitcast %parallel_loop3A_563 : vector<16xi32> to vector<32xbf16>
        %parallel_loop3A_565 = arith.index_cast %parallel_loop3A_560 : i32 to index
        %parallel_loop3A_566 = arith.constant 0 : index
        %parallel_loop3A_567 = tpu.vector_load %arg10[%parallel_loop3A_565, %parallel_loop3A_566] {strides = array<i32>} : memref<400x64xi32, #tpu.memory_space<vmem>>, vector<16xi32>,
        %parallel_loop3A_568 = vector.bitcast %parallel_loop3A_567 : vector<16xi32> to vector<32xbf16>
        %parallel_loop3A_569 = arith.mulf %parallel_loop3A_564, %parallel_loop3A_568 : vector<32xbf16>
        %parallel_loop3A_570 = arith.index_cast %parallel_loop3A_560 : i32 to index
        %parallel_loop3A_571 = arith.constant 16 : index
        %parallel_loop3A_572 = tpu.vector_load %arg8[%parallel_loop3A_570, %parallel_loop3A_571] {strides = array<i32>} : memref<400x64xi32, #tpu.memory_space<vmem>>, vector<16xi32>,
        %parallel_loop3A_573 = vector.bitcast %parallel_loop3A_572 : vector<16xi32> to vector<32xbf16>
        %parallel_loop3A_574 = arith.index_cast %parallel_loop3A_560 : i32 to index
        %parallel_loop3A_575 = arith.constant 16 : index
        %parallel_loop3A_576 = tpu.vector_load %arg10[%parallel_loop3A_574, %parallel_loop3A_575] {strides = array<i32>} : memref<400x64xi32, #tpu.memory_space<vmem>>, vector<16xi32>,
        %parallel_loop3A_577 = vector.bitcast %parallel_loop3A_576 : vector<16xi32> to vector<32xbf16>
        %parallel_loop3A_578 = arith.mulf %parallel_loop3A_573, %parallel_loop3A_577 : vector<32xbf16>
        %parallel_loop3A_579 = arith.addf %parallel_loop3A_569, %parallel_loop3A_578 : vector<32xbf16>
        %parallel_loop3A_580 = arith.index_cast %parallel_loop3A_560 : i32 to index
        %parallel_loop3A_581 = arith.constant 32 : index
        %parallel_loop3A_582 = tpu.vector_load %arg8[%parallel_loop3A_580, %parallel_loop3A_581] {strides = array<i32>} : memref<400x64xi32, #tpu.memory_space<vmem>>, vector<16xi32>,
        %parallel_loop3A_583 = vector.bitcast %parallel_loop3A_582 : vector<16xi32> to vector<32xbf16>
        %parallel_loop3A_584 = arith.index_cast %parallel_loop3A_560 : i32 to index
        %parallel_loop3A_585 = arith.constant 32 : index
        %parallel_loop3A_586 = tpu.vector_load %arg10[%parallel_loop3A_584, %parallel_loop3A_585] {strides = array<i32>} : memref<400x64xi32, #tpu.memory_space<vmem>>, vector<16xi32>,
        %parallel_loop3A_587 = vector.bitcast %parallel_loop3A_586 : vector<16xi32> to vector<32xbf16>
        %parallel_loop3A_588 = arith.mulf %parallel_loop3A_583, %parallel_loop3A_587 : vector<32xbf16>
        %parallel_loop3A_589 = arith.addf %parallel_loop3A_579, %parallel_loop3A_588 : vector<32xbf16>
        %parallel_loop3A_590 = arith.index_cast %parallel_loop3A_560 : i32 to index
        %parallel_loop3A_591 = arith.constant 48 : index
        %parallel_loop3A_592 = tpu.vector_load %arg8[%parallel_loop3A_590, %parallel_loop3A_591] {strides = array<i32>} : memref<400x64xi32, #tpu.memory_space<vmem>>, vector<16xi32>,
        %parallel_loop3A_593 = vector.bitcast %parallel_loop3A_592 : vector<16xi32> to vector<32xbf16>
        %parallel_loop3A_594 = arith.index_cast %parallel_loop3A_560 : i32 to index
        %parallel_loop3A_595 = arith.constant 48 : index
        %parallel_loop3A_596 = tpu.vector_load %arg10[%parallel_loop3A_594, %parallel_loop3A_595] {strides = array<i32>} : memref<400x64xi32, #tpu.memory_space<vmem>>, vector<16xi32>,
        %parallel_loop3A_597 = vector.bitcast %parallel_loop3A_596 : vector<16xi32> to vector<32xbf16>
        %parallel_loop3A_598 = arith.mulf %parallel_loop3A_593, %parallel_loop3A_597 : vector<32xbf16>
        %parallel_loop3A_599 = arith.addf %parallel_loop3A_589, %parallel_loop3A_598 : vector<32xbf16>
        %parallel_loop3A_600 = tpu.unpack_subelements %parallel_loop3A_599, 0 {pack_format = #tpu.pack_format<interleaved>} : vector<32xbf16> -> vector<16xf32>
        %parallel_loop3A_601 = tpu.unpack_subelements %parallel_loop3A_599, 1 {pack_format = #tpu.pack_format<interleaved>} : vector<32xbf16> -> vector<16xf32>
        %parallel_loop3A_602 = arith.addf %parallel_loop3A_600, %parallel_loop3A_601 : vector<16xf32>
        %parallel_loop3A_603 = arith.index_cast %parallel_loop3A_560 : i32 to index
        %parallel_loop3A_604 = arith.constant 0 : index
        %parallel_loop3A_605 = tpu.vector_load %arg11[%parallel_loop3A_603, %parallel_loop3A_604] {strides = array<i32>} : memref<400x16xf32, #tpu.memory_space<vmem>>, vector<16xf32>,
        tpu.vector_store %arg11[%parallel_loop3A_603, %parallel_loop3A_604], %parallel_loop3A_602 {strides = array<i32>} : memref<400x16xf32, #tpu.memory_space<vmem>>, vector<16xf32>,
        %parallel_loop3A_606 = arith.constant 10 : i32
        %parallel_loop3A_607 = arith.addi %parallel_loop3A_135, %parallel_loop3A_606 : i32
        %parallel_loop3A_608 = arith.index_cast %parallel_loop3A_607 : i32 to index
        %parallel_loop3A_609 = arith.constant 0 : index
        %parallel_loop3A_610 = tpu.vector_load %arg8[%parallel_loop3A_608, %parallel_loop3A_609] {strides = array<i32>} : memref<400x64xi32, #tpu.memory_space<vmem>>, vector<16xi32>,
        %parallel_loop3A_611 = vector.bitcast %parallel_loop3A_610 : vector<16xi32> to vector<32xbf16>
        %parallel_loop3A_612 = arith.index_cast %parallel_loop3A_607 : i32 to index
        %parallel_loop3A_613 = arith.constant 0 : index
        %parallel_loop3A_614 = tpu.vector_load %arg10[%parallel_loop3A_612, %parallel_loop3A_613] {strides = array<i32>} : memref<400x64xi32, #tpu.memory_space<vmem>>, vector<16xi32>,
        %parallel_loop3A_615 = vector.bitcast %parallel_loop3A_614 : vector<16xi32> to vector<32xbf16>
        %parallel_loop3A_616 = arith.mulf %parallel_loop3A_611, %parallel_loop3A_615 : vector<32xbf16>
        %parallel_loop3A_617 = arith.index_cast %parallel_loop3A_607 : i32 to index
        %parallel_loop3A_618 = arith.constant 16 : index
        %parallel_loop3A_619 = tpu.vector_load %arg8[%parallel_loop3A_617, %parallel_loop3A_618] {strides = array<i32>} : memref<400x64xi32, #tpu.memory_space<vmem>>, vector<16xi32>,
        %parallel_loop3A_620 = vector.bitcast %parallel_loop3A_619 : vector<16xi32> to vector<32xbf16>
        %parallel_loop3A_621 = arith.index_cast %parallel_loop3A_607 : i32 to index
        %parallel_loop3A_622 = arith.constant 16 : index
        %parallel_loop3A_623 = tpu.vector_load %arg10[%parallel_loop3A_621, %parallel_loop3A_622] {strides = array<i32>} : memref<400x64xi32, #tpu.memory_space<vmem>>, vector<16xi32>,
        %parallel_loop3A_624 = vector.bitcast %parallel_loop3A_623 : vector<16xi32> to vector<32xbf16>
        %parallel_loop3A_625 = arith.mulf %parallel_loop3A_620, %parallel_loop3A_624 : vector<32xbf16>
        %parallel_loop3A_626 = arith.addf %parallel_loop3A_616, %parallel_loop3A_625 : vector<32xbf16>
        %parallel_loop3A_627 = arith.index_cast %parallel_loop3A_607 : i32 to index
        %parallel_loop3A_628 = arith.constant 32 : index
        %parallel_loop3A_629 = tpu.vector_load %arg8[%parallel_loop3A_627, %parallel_loop3A_628] {strides = array<i32>} : memref<400x64xi32, #tpu.memory_space<vmem>>, vector<16xi32>,
        %parallel_loop3A_630 = vector.bitcast %parallel_loop3A_629 : vector<16xi32> to vector<32xbf16>
        %parallel_loop3A_631 = arith.index_cast %parallel_loop3A_607 : i32 to index
        %parallel_loop3A_632 = arith.constant 32 : index
        %parallel_loop3A_633 = tpu.vector_load %arg10[%parallel_loop3A_631, %parallel_loop3A_632] {strides = array<i32>} : memref<400x64xi32, #tpu.memory_space<vmem>>, vector<16xi32>,
        %parallel_loop3A_634 = vector.bitcast %parallel_loop3A_633 : vector<16xi32> to vector<32xbf16>
        %parallel_loop3A_635 = arith.mulf %parallel_loop3A_630, %parallel_loop3A_634 : vector<32xbf16>
        %parallel_loop3A_636 = arith.addf %parallel_loop3A_626, %parallel_loop3A_635 : vector<32xbf16>
        %parallel_loop3A_637 = arith.index_cast %parallel_loop3A_607 : i32 to index
        %parallel_loop3A_638 = arith.constant 48 : index
        %parallel_loop3A_639 = tpu.vector_load %arg8[%parallel_loop3A_637, %parallel_loop3A_638] {strides = array<i32>} : memref<400x64xi32, #tpu.memory_space<vmem>>, vector<16xi32>,
        %parallel_loop3A_640 = vector.bitcast %parallel_loop3A_639 : vector<16xi32> to vector<32xbf16>
        %parallel_loop3A_641 = arith.index_cast %parallel_loop3A_607 : i32 to index
        %parallel_loop3A_642 = arith.constant 48 : index
        %parallel_loop3A_643 = tpu.vector_load %arg10[%parallel_loop3A_641, %parallel_loop3A_642] {strides = array<i32>} : memref<400x64xi32, #tpu.memory_space<vmem>>, vector<16xi32>,
        %parallel_loop3A_644 = vector.bitcast %parallel_loop3A_643 : vector<16xi32> to vector<32xbf16>
        %parallel_loop3A_645 = arith.mulf %parallel_loop3A_640, %parallel_loop3A_644 : vector<32xbf16>
        %parallel_loop3A_646 = arith.addf %parallel_loop3A_636, %parallel_loop3A_645 : vector<32xbf16>
        %parallel_loop3A_647 = tpu.unpack_subelements %parallel_loop3A_646, 0 {pack_format = #tpu.pack_format<interleaved>} : vector<32xbf16> -> vector<16xf32>
        %parallel_loop3A_648 = tpu.unpack_subelements %parallel_loop3A_646, 1 {pack_format = #tpu.pack_format<interleaved>} : vector<32xbf16> -> vector<16xf32>
        %parallel_loop3A_649 = arith.addf %parallel_loop3A_647, %parallel_loop3A_648 : vector<16xf32>
        %parallel_loop3A_650 = arith.index_cast %parallel_loop3A_607 : i32 to index
        %parallel_loop3A_651 = arith.constant 0 : index
        %parallel_loop3A_652 = tpu.vector_load %arg11[%parallel_loop3A_650, %parallel_loop3A_651] {strides = array<i32>} : memref<400x16xf32, #tpu.memory_space<vmem>>, vector<16xf32>,
        tpu.vector_store %arg11[%parallel_loop3A_650, %parallel_loop3A_651], %parallel_loop3A_649 {strides = array<i32>} : memref<400x16xf32, #tpu.memory_space<vmem>>, vector<16xf32>,
        %parallel_loop3A_653 = arith.constant 11 : i32
        %parallel_loop3A_654 = arith.addi %parallel_loop3A_135, %parallel_loop3A_653 : i32
        %parallel_loop3A_655 = arith.index_cast %parallel_loop3A_654 : i32 to index
        %parallel_loop3A_656 = arith.constant 0 : index
        %parallel_loop3A_657 = tpu.vector_load %arg8[%parallel_loop3A_655, %parallel_loop3A_656] {strides = array<i32>} : memref<400x64xi32, #tpu.memory_space<vmem>>, vector<16xi32>,
        %parallel_loop3A_658 = vector.bitcast %parallel_loop3A_657 : vector<16xi32> to vector<32xbf16>
        %parallel_loop3A_659 = arith.index_cast %parallel_loop3A_654 : i32 to index
        %parallel_loop3A_660 = arith.constant 0 : index
        %parallel_loop3A_661 = tpu.vector_load %arg10[%parallel_loop3A_659, %parallel_loop3A_660] {strides = array<i32>} : memref<400x64xi32, #tpu.memory_space<vmem>>, vector<16xi32>,
        %parallel_loop3A_662 = vector.bitcast %parallel_loop3A_661 : vector<16xi32> to vector<32xbf16>
        %parallel_loop3A_663 = arith.mulf %parallel_loop3A_658, %parallel_loop3A_662 : vector<32xbf16>
        %parallel_loop3A_664 = arith.index_cast %parallel_loop3A_654 : i32 to index
        %parallel_loop3A_665 = arith.constant 16 : index
        %parallel_loop3A_666 = tpu.vector_load %arg8[%parallel_loop3A_664, %parallel_loop3A_665] {strides = array<i32>} : memref<400x64xi32, #tpu.memory_space<vmem>>, vector<16xi32>,
        %parallel_loop3A_667 = vector.bitcast %parallel_loop3A_666 : vector<16xi32> to vector<32xbf16>
        %parallel_loop3A_668 = arith.index_cast %parallel_loop3A_654 : i32 to index
        %parallel_loop3A_669 = arith.constant 16 : index
        %parallel_loop3A_670 = tpu.vector_load %arg10[%parallel_loop3A_668, %parallel_loop3A_669] {strides = array<i32>} : memref<400x64xi32, #tpu.memory_space<vmem>>, vector<16xi32>,
        %parallel_loop3A_671 = vector.bitcast %parallel_loop3A_670 : vector<16xi32> to vector<32xbf16>
        %parallel_loop3A_672 = arith.mulf %parallel_loop3A_667, %parallel_loop3A_671 : vector<32xbf16>
        %parallel_loop3A_673 = arith.addf %parallel_loop3A_663, %parallel_loop3A_672 : vector<32xbf16>
        %parallel_loop3A_674 = arith.index_cast %parallel_loop3A_654 : i32 to index
        %parallel_loop3A_675 = arith.constant 32 : index
        %parallel_loop3A_676 = tpu.vector_load %arg8[%parallel_loop3A_674, %parallel_loop3A_675] {strides = array<i32>} : memref<400x64xi32, #tpu.memory_space<vmem>>, vector<16xi32>,
        %parallel_loop3A_677 = vector.bitcast %parallel_loop3A_676 : vector<16xi32> to vector<32xbf16>
        %parallel_loop3A_678 = arith.index_cast %parallel_loop3A_654 : i32 to index
        %parallel_loop3A_679 = arith.constant 32 : index
        %parallel_loop3A_680 = tpu.vector_load %arg10[%parallel_loop3A_678, %parallel_loop3A_679] {strides = array<i32>} : memref<400x64xi32, #tpu.memory_space<vmem>>, vector<16xi32>,
        %parallel_loop3A_681 = vector.bitcast %parallel_loop3A_680 : vector<16xi32> to vector<32xbf16>
        %parallel_loop3A_682 = arith.mulf %parallel_loop3A_677, %parallel_loop3A_681 : vector<32xbf16>
        %parallel_loop3A_683 = arith.addf %parallel_loop3A_673, %parallel_loop3A_682 : vector<32xbf16>
        %parallel_loop3A_684 = arith.index_cast %parallel_loop3A_654 : i32 to index
        %parallel_loop3A_685 = arith.constant 48 : index
        %parallel_loop3A_686 = tpu.vector_load %arg8[%parallel_loop3A_684, %parallel_loop3A_685] {strides = array<i32>} : memref<400x64xi32, #tpu.memory_space<vmem>>, vector<16xi32>,
        %parallel_loop3A_687 = vector.bitcast %parallel_loop3A_686 : vector<16xi32> to vector<32xbf16>
        %parallel_loop3A_688 = arith.index_cast %parallel_loop3A_654 : i32 to index
        %parallel_loop3A_689 = arith.constant 48 : index
        %parallel_loop3A_690 = tpu.vector_load %arg10[%parallel_loop3A_688, %parallel_loop3A_689] {strides = array<i32>} : memref<400x64xi32, #tpu.memory_space<vmem>>, vector<16xi32>,
        %parallel_loop3A_691 = vector.bitcast %parallel_loop3A_690 : vector<16xi32> to vector<32xbf16>
        %parallel_loop3A_692 = arith.mulf %parallel_loop3A_687, %parallel_loop3A_691 : vector<32xbf16>
        %parallel_loop3A_693 = arith.addf %parallel_loop3A_683, %parallel_loop3A_692 : vector<32xbf16>
        %parallel_loop3A_694 = tpu.unpack_subelements %parallel_loop3A_693, 0 {pack_format = #tpu.pack_format<interleaved>} : vector<32xbf16> -> vector<16xf32>
        %parallel_loop3A_695 = tpu.unpack_subelements %parallel_loop3A_693, 1 {pack_format = #tpu.pack_format<interleaved>} : vector<32xbf16> -> vector<16xf32>
        %parallel_loop3A_696 = arith.addf %parallel_loop3A_694, %parallel_loop3A_695 : vector<16xf32>
        %parallel_loop3A_697 = arith.index_cast %parallel_loop3A_654 : i32 to index
        %parallel_loop3A_698 = arith.constant 0 : index
        %parallel_loop3A_699 = tpu.vector_load %arg11[%parallel_loop3A_697, %parallel_loop3A_698] {strides = array<i32>} : memref<400x16xf32, #tpu.memory_space<vmem>>, vector<16xf32>,
        tpu.vector_store %arg11[%parallel_loop3A_697, %parallel_loop3A_698], %parallel_loop3A_696 {strides = array<i32>} : memref<400x16xf32, #tpu.memory_space<vmem>>, vector<16xf32>,
        %parallel_loop3A_700 = arith.constant 12 : i32
        %parallel_loop3A_701 = arith.addi %parallel_loop3A_135, %parallel_loop3A_700 : i32
        %parallel_loop3A_702 = arith.index_cast %parallel_loop3A_701 : i32 to index
        %parallel_loop3A_703 = arith.constant 0 : index
        %parallel_loop3A_704 = tpu.vector_load %arg8[%parallel_loop3A_702, %parallel_loop3A_703] {strides = array<i32>} : memref<400x64xi32, #tpu.memory_space<vmem>>, vector<16xi32>,
        %parallel_loop3A_705 = vector.bitcast %parallel_loop3A_704 : vector<16xi32> to vector<32xbf16>
        %parallel_loop3A_706 = arith.index_cast %parallel_loop3A_701 : i32 to index
        %parallel_loop3A_707 = arith.constant 0 : index
        %parallel_loop3A_708 = tpu.vector_load %arg10[%parallel_loop3A_706, %parallel_loop3A_707] {strides = array<i32>} : memref<400x64xi32, #tpu.memory_space<vmem>>, vector<16xi32>,
        %parallel_loop3A_709 = vector.bitcast %parallel_loop3A_708 : vector<16xi32> to vector<32xbf16>
        %parallel_loop3A_710 = arith.mulf %parallel_loop3A_705, %parallel_loop3A_709 : vector<32xbf16>
        %parallel_loop3A_711 = arith.index_cast %parallel_loop3A_701 : i32 to index
        %parallel_loop3A_712 = arith.constant 16 : index
        %parallel_loop3A_713 = tpu.vector_load %arg8[%parallel_loop3A_711, %parallel_loop3A_712] {strides = array<i32>} : memref<400x64xi32, #tpu.memory_space<vmem>>, vector<16xi32>,
        %parallel_loop3A_714 = vector.bitcast %parallel_loop3A_713 : vector<16xi32> to vector<32xbf16>
        %parallel_loop3A_715 = arith.index_cast %parallel_loop3A_701 : i32 to index
        %parallel_loop3A_716 = arith.constant 16 : index
        %parallel_loop3A_717 = tpu.vector_load %arg10[%parallel_loop3A_715, %parallel_loop3A_716] {strides = array<i32>} : memref<400x64xi32, #tpu.memory_space<vmem>>, vector<16xi32>,
        %parallel_loop3A_718 = vector.bitcast %parallel_loop3A_717 : vector<16xi32> to vector<32xbf16>
        %parallel_loop3A_719 = arith.mulf %parallel_loop3A_714, %parallel_loop3A_718 : vector<32xbf16>
        %parallel_loop3A_720 = arith.addf %parallel_loop3A_710, %parallel_loop3A_719 : vector<32xbf16>
        %parallel_loop3A_721 = arith.index_cast %parallel_loop3A_701 : i32 to index
        %parallel_loop3A_722 = arith.constant 32 : index
        %parallel_loop3A_723 = tpu.vector_load %arg8[%parallel_loop3A_721, %parallel_loop3A_722] {strides = array<i32>} : memref<400x64xi32, #tpu.memory_space<vmem>>, vector<16xi32>,
        %parallel_loop3A_724 = vector.bitcast %parallel_loop3A_723 : vector<16xi32> to vector<32xbf16>
        %parallel_loop3A_725 = arith.index_cast %parallel_loop3A_701 : i32 to index
        %parallel_loop3A_726 = arith.constant 32 : index
        %parallel_loop3A_727 = tpu.vector_load %arg10[%parallel_loop3A_725, %parallel_loop3A_726] {strides = array<i32>} : memref<400x64xi32, #tpu.memory_space<vmem>>, vector<16xi32>,
        %parallel_loop3A_728 = vector.bitcast %parallel_loop3A_727 : vector<16xi32> to vector<32xbf16>
        %parallel_loop3A_729 = arith.mulf %parallel_loop3A_724, %parallel_loop3A_728 : vector<32xbf16>
        %parallel_loop3A_730 = arith.addf %parallel_loop3A_720, %parallel_loop3A_729 : vector<32xbf16>
        %parallel_loop3A_731 = arith.index_cast %parallel_loop3A_701 : i32 to index
        %parallel_loop3A_732 = arith.constant 48 : index
        %parallel_loop3A_733 = tpu.vector_load %arg8[%parallel_loop3A_731, %parallel_loop3A_732] {strides = array<i32>} : memref<400x64xi32, #tpu.memory_space<vmem>>, vector<16xi32>,
        %parallel_loop3A_734 = vector.bitcast %parallel_loop3A_733 : vector<16xi32> to vector<32xbf16>
        %parallel_loop3A_735 = arith.index_cast %parallel_loop3A_701 : i32 to index
        %parallel_loop3A_736 = arith.constant 48 : index
        %parallel_loop3A_737 = tpu.vector_load %arg10[%parallel_loop3A_735, %parallel_loop3A_736] {strides = array<i32>} : memref<400x64xi32, #tpu.memory_space<vmem>>, vector<16xi32>,
        %parallel_loop3A_738 = vector.bitcast %parallel_loop3A_737 : vector<16xi32> to vector<32xbf16>
        %parallel_loop3A_739 = arith.mulf %parallel_loop3A_734, %parallel_loop3A_738 : vector<32xbf16>
        %parallel_loop3A_740 = arith.addf %parallel_loop3A_730, %parallel_loop3A_739 : vector<32xbf16>
        %parallel_loop3A_741 = tpu.unpack_subelements %parallel_loop3A_740, 0 {pack_format = #tpu.pack_format<interleaved>} : vector<32xbf16> -> vector<16xf32>
        %parallel_loop3A_742 = tpu.unpack_subelements %parallel_loop3A_740, 1 {pack_format = #tpu.pack_format<interleaved>} : vector<32xbf16> -> vector<16xf32>
        %parallel_loop3A_743 = arith.addf %parallel_loop3A_741, %parallel_loop3A_742 : vector<16xf32>
        %parallel_loop3A_744 = arith.index_cast %parallel_loop3A_701 : i32 to index
        %parallel_loop3A_745 = arith.constant 0 : index
        %parallel_loop3A_746 = tpu.vector_load %arg11[%parallel_loop3A_744, %parallel_loop3A_745] {strides = array<i32>} : memref<400x16xf32, #tpu.memory_space<vmem>>, vector<16xf32>,
        tpu.vector_store %arg11[%parallel_loop3A_744, %parallel_loop3A_745], %parallel_loop3A_743 {strides = array<i32>} : memref<400x16xf32, #tpu.memory_space<vmem>>, vector<16xf32>,
        %parallel_loop3A_747 = arith.constant 13 : i32
        %parallel_loop3A_748 = arith.addi %parallel_loop3A_135, %parallel_loop3A_747 : i32
        %parallel_loop3A_749 = arith.index_cast %parallel_loop3A_748 : i32 to index
        %parallel_loop3A_750 = arith.constant 0 : index
        %parallel_loop3A_751 = tpu.vector_load %arg8[%parallel_loop3A_749, %parallel_loop3A_750] {strides = array<i32>} : memref<400x64xi32, #tpu.memory_space<vmem>>, vector<16xi32>,
        %parallel_loop3A_752 = vector.bitcast %parallel_loop3A_751 : vector<16xi32> to vector<32xbf16>
        %parallel_loop3A_753 = arith.index_cast %parallel_loop3A_748 : i32 to index
        %parallel_loop3A_754 = arith.constant 0 : index
        %parallel_loop3A_755 = tpu.vector_load %arg10[%parallel_loop3A_753, %parallel_loop3A_754] {strides = array<i32>} : memref<400x64xi32, #tpu.memory_space<vmem>>, vector<16xi32>,
        %parallel_loop3A_756 = vector.bitcast %parallel_loop3A_755 : vector<16xi32> to vector<32xbf16>
        %parallel_loop3A_757 = arith.mulf %parallel_loop3A_752, %parallel_loop3A_756 : vector<32xbf16>
        %parallel_loop3A_758 = arith.index_cast %parallel_loop3A_748 : i32 to index
        %parallel_loop3A_759 = arith.constant 16 : index
        %parallel_loop3A_760 = tpu.vector_load %arg8[%parallel_loop3A_758, %parallel_loop3A_759] {strides = array<i32>} : memref<400x64xi32, #tpu.memory_space<vmem>>, vector<16xi32>,
        %parallel_loop3A_761 = vector.bitcast %parallel_loop3A_760 : vector<16xi32> to vector<32xbf16>
        %parallel_loop3A_762 = arith.index_cast %parallel_loop3A_748 : i32 to index
        %parallel_loop3A_763 = arith.constant 16 : index
        %parallel_loop3A_764 = tpu.vector_load %arg10[%parallel_loop3A_762, %parallel_loop3A_763] {strides = array<i32>} : memref<400x64xi32, #tpu.memory_space<vmem>>, vector<16xi32>,
        %parallel_loop3A_765 = vector.bitcast %parallel_loop3A_764 : vector<16xi32> to vector<32xbf16>
        %parallel_loop3A_766 = arith.mulf %parallel_loop3A_761, %parallel_loop3A_765 : vector<32xbf16>
        %parallel_loop3A_767 = arith.addf %parallel_loop3A_757, %parallel_loop3A_766 : vector<32xbf16>
        %parallel_loop3A_768 = arith.index_cast %parallel_loop3A_748 : i32 to index
        %parallel_loop3A_769 = arith.constant 32 : index
        %parallel_loop3A_770 = tpu.vector_load %arg8[%parallel_loop3A_768, %parallel_loop3A_769] {strides = array<i32>} : memref<400x64xi32, #tpu.memory_space<vmem>>, vector<16xi32>,
        %parallel_loop3A_771 = vector.bitcast %parallel_loop3A_770 : vector<16xi32> to vector<32xbf16>
        %parallel_loop3A_772 = arith.index_cast %parallel_loop3A_748 : i32 to index
        %parallel_loop3A_773 = arith.constant 32 : index
        %parallel_loop3A_774 = tpu.vector_load %arg10[%parallel_loop3A_772, %parallel_loop3A_773] {strides = array<i32>} : memref<400x64xi32, #tpu.memory_space<vmem>>, vector<16xi32>,
        %parallel_loop3A_775 = vector.bitcast %parallel_loop3A_774 : vector<16xi32> to vector<32xbf16>
        %parallel_loop3A_776 = arith.mulf %parallel_loop3A_771, %parallel_loop3A_775 : vector<32xbf16>
        %parallel_loop3A_777 = arith.addf %parallel_loop3A_767, %parallel_loop3A_776 : vector<32xbf16>
        %parallel_loop3A_778 = arith.index_cast %parallel_loop3A_748 : i32 to index
        %parallel_loop3A_779 = arith.constant 48 : index
        %parallel_loop3A_780 = tpu.vector_load %arg8[%parallel_loop3A_778, %parallel_loop3A_779] {strides = array<i32>} : memref<400x64xi32, #tpu.memory_space<vmem>>, vector<16xi32>,
        %parallel_loop3A_781 = vector.bitcast %parallel_loop3A_780 : vector<16xi32> to vector<32xbf16>
        %parallel_loop3A_782 = arith.index_cast %parallel_loop3A_748 : i32 to index
        %parallel_loop3A_783 = arith.constant 48 : index
        %parallel_loop3A_784 = tpu.vector_load %arg10[%parallel_loop3A_782, %parallel_loop3A_783] {strides = array<i32>} : memref<400x64xi32, #tpu.memory_space<vmem>>, vector<16xi32>,
        %parallel_loop3A_785 = vector.bitcast %parallel_loop3A_784 : vector<16xi32> to vector<32xbf16>
        %parallel_loop3A_786 = arith.mulf %parallel_loop3A_781, %parallel_loop3A_785 : vector<32xbf16>
        %parallel_loop3A_787 = arith.addf %parallel_loop3A_777, %parallel_loop3A_786 : vector<32xbf16>
        %parallel_loop3A_788 = tpu.unpack_subelements %parallel_loop3A_787, 0 {pack_format = #tpu.pack_format<interleaved>} : vector<32xbf16> -> vector<16xf32>
        %parallel_loop3A_789 = tpu.unpack_subelements %parallel_loop3A_787, 1 {pack_format = #tpu.pack_format<interleaved>} : vector<32xbf16> -> vector<16xf32>
        %parallel_loop3A_790 = arith.addf %parallel_loop3A_788, %parallel_loop3A_789 : vector<16xf32>
        %parallel_loop3A_791 = arith.index_cast %parallel_loop3A_748 : i32 to index
        %parallel_loop3A_792 = arith.constant 0 : index
        %parallel_loop3A_793 = tpu.vector_load %arg11[%parallel_loop3A_791, %parallel_loop3A_792] {strides = array<i32>} : memref<400x16xf32, #tpu.memory_space<vmem>>, vector<16xf32>,
        tpu.vector_store %arg11[%parallel_loop3A_791, %parallel_loop3A_792], %parallel_loop3A_790 {strides = array<i32>} : memref<400x16xf32, #tpu.memory_space<vmem>>, vector<16xf32>,
        %parallel_loop3A_794 = arith.constant 14 : i32
        %parallel_loop3A_795 = arith.addi %parallel_loop3A_135, %parallel_loop3A_794 : i32
        %parallel_loop3A_796 = arith.index_cast %parallel_loop3A_795 : i32 to index
        %parallel_loop3A_797 = arith.constant 0 : index
        %parallel_loop3A_798 = tpu.vector_load %arg8[%parallel_loop3A_796, %parallel_loop3A_797] {strides = array<i32>} : memref<400x64xi32, #tpu.memory_space<vmem>>, vector<16xi32>,
        %parallel_loop3A_799 = vector.bitcast %parallel_loop3A_798 : vector<16xi32> to vector<32xbf16>
        %parallel_loop3A_800 = arith.index_cast %parallel_loop3A_795 : i32 to index
        %parallel_loop3A_801 = arith.constant 0 : index
        %parallel_loop3A_802 = tpu.vector_load %arg10[%parallel_loop3A_800, %parallel_loop3A_801] {strides = array<i32>} : memref<400x64xi32, #tpu.memory_space<vmem>>, vector<16xi32>,
        %parallel_loop3A_803 = vector.bitcast %parallel_loop3A_802 : vector<16xi32> to vector<32xbf16>
        %parallel_loop3A_804 = arith.mulf %parallel_loop3A_799, %parallel_loop3A_803 : vector<32xbf16>
        %parallel_loop3A_805 = arith.index_cast %parallel_loop3A_795 : i32 to index
        %parallel_loop3A_806 = arith.constant 16 : index
        %parallel_loop3A_807 = tpu.vector_load %arg8[%parallel_loop3A_805, %parallel_loop3A_806] {strides = array<i32>} : memref<400x64xi32, #tpu.memory_space<vmem>>, vector<16xi32>,
        %parallel_loop3A_808 = vector.bitcast %parallel_loop3A_807 : vector<16xi32> to vector<32xbf16>
        %parallel_loop3A_809 = arith.index_cast %parallel_loop3A_795 : i32 to index
        %parallel_loop3A_810 = arith.constant 16 : index
        %parallel_loop3A_811 = tpu.vector_load %arg10[%parallel_loop3A_809, %parallel_loop3A_810] {strides = array<i32>} : memref<400x64xi32, #tpu.memory_space<vmem>>, vector<16xi32>,
        %parallel_loop3A_812 = vector.bitcast %parallel_loop3A_811 : vector<16xi32> to vector<32xbf16>
        %parallel_loop3A_813 = arith.mulf %parallel_loop3A_808, %parallel_loop3A_812 : vector<32xbf16>
        %parallel_loop3A_814 = arith.addf %parallel_loop3A_804, %parallel_loop3A_813 : vector<32xbf16>
        %parallel_loop3A_815 = arith.index_cast %parallel_loop3A_795 : i32 to index
        %parallel_loop3A_816 = arith.constant 32 : index
        %parallel_loop3A_817 = tpu.vector_load %arg8[%parallel_loop3A_815, %parallel_loop3A_816] {strides = array<i32>} : memref<400x64xi32, #tpu.memory_space<vmem>>, vector<16xi32>,
        %parallel_loop3A_818 = vector.bitcast %parallel_loop3A_817 : vector<16xi32> to vector<32xbf16>
        %parallel_loop3A_819 = arith.index_cast %parallel_loop3A_795 : i32 to index
        %parallel_loop3A_820 = arith.constant 32 : index
        %parallel_loop3A_821 = tpu.vector_load %arg10[%parallel_loop3A_819, %parallel_loop3A_820] {strides = array<i32>} : memref<400x64xi32, #tpu.memory_space<vmem>>, vector<16xi32>,
        %parallel_loop3A_822 = vector.bitcast %parallel_loop3A_821 : vector<16xi32> to vector<32xbf16>
        %parallel_loop3A_823 = arith.mulf %parallel_loop3A_818, %parallel_loop3A_822 : vector<32xbf16>
        %parallel_loop3A_824 = arith.addf %parallel_loop3A_814, %parallel_loop3A_823 : vector<32xbf16>
        %parallel_loop3A_825 = arith.index_cast %parallel_loop3A_795 : i32 to index
        %parallel_loop3A_826 = arith.constant 48 : index
        %parallel_loop3A_827 = tpu.vector_load %arg8[%parallel_loop3A_825, %parallel_loop3A_826] {strides = array<i32>} : memref<400x64xi32, #tpu.memory_space<vmem>>, vector<16xi32>,
        %parallel_loop3A_828 = vector.bitcast %parallel_loop3A_827 : vector<16xi32> to vector<32xbf16>
        %parallel_loop3A_829 = arith.index_cast %parallel_loop3A_795 : i32 to index
        %parallel_loop3A_830 = arith.constant 48 : index
        %parallel_loop3A_831 = tpu.vector_load %arg10[%parallel_loop3A_829, %parallel_loop3A_830] {strides = array<i32>} : memref<400x64xi32, #tpu.memory_space<vmem>>, vector<16xi32>,
        %parallel_loop3A_832 = vector.bitcast %parallel_loop3A_831 : vector<16xi32> to vector<32xbf16>
        %parallel_loop3A_833 = arith.mulf %parallel_loop3A_828, %parallel_loop3A_832 : vector<32xbf16>
        %parallel_loop3A_834 = arith.addf %parallel_loop3A_824, %parallel_loop3A_833 : vector<32xbf16>
        %parallel_loop3A_835 = tpu.unpack_subelements %parallel_loop3A_834, 0 {pack_format = #tpu.pack_format<interleaved>} : vector<32xbf16> -> vector<16xf32>
        %parallel_loop3A_836 = tpu.unpack_subelements %parallel_loop3A_834, 1 {pack_format = #tpu.pack_format<interleaved>} : vector<32xbf16> -> vector<16xf32>
        %parallel_loop3A_837 = arith.addf %parallel_loop3A_835, %parallel_loop3A_836 : vector<16xf32>
        %parallel_loop3A_838 = arith.index_cast %parallel_loop3A_795 : i32 to index
        %parallel_loop3A_839 = arith.constant 0 : index
        %parallel_loop3A_840 = tpu.vector_load %arg11[%parallel_loop3A_838, %parallel_loop3A_839] {strides = array<i32>} : memref<400x16xf32, #tpu.memory_space<vmem>>, vector<16xf32>,
        tpu.vector_store %arg11[%parallel_loop3A_838, %parallel_loop3A_839], %parallel_loop3A_837 {strides = array<i32>} : memref<400x16xf32, #tpu.memory_space<vmem>>, vector<16xf32>,
        %parallel_loop3A_841 = arith.constant 15 : i32
        %parallel_loop3A_842 = arith.addi %parallel_loop3A_135, %parallel_loop3A_841 : i32
        %parallel_loop3A_843 = arith.index_cast %parallel_loop3A_842 : i32 to index
        %parallel_loop3A_844 = arith.constant 0 : index
        %parallel_loop3A_845 = tpu.vector_load %arg8[%parallel_loop3A_843, %parallel_loop3A_844] {strides = array<i32>} : memref<400x64xi32, #tpu.memory_space<vmem>>, vector<16xi32>,
        %parallel_loop3A_846 = vector.bitcast %parallel_loop3A_845 : vector<16xi32> to vector<32xbf16>
        %parallel_loop3A_847 = arith.index_cast %parallel_loop3A_842 : i32 to index
        %parallel_loop3A_848 = arith.constant 0 : index
        %parallel_loop3A_849 = tpu.vector_load %arg10[%parallel_loop3A_847, %parallel_loop3A_848] {strides = array<i32>} : memref<400x64xi32, #tpu.memory_space<vmem>>, vector<16xi32>,
        %parallel_loop3A_850 = vector.bitcast %parallel_loop3A_849 : vector<16xi32> to vector<32xbf16>
        %parallel_loop3A_851 = arith.mulf %parallel_loop3A_846, %parallel_loop3A_850 : vector<32xbf16>
        %parallel_loop3A_852 = arith.index_cast %parallel_loop3A_842 : i32 to index
        %parallel_loop3A_853 = arith.constant 16 : index
        %parallel_loop3A_854 = tpu.vector_load %arg8[%parallel_loop3A_852, %parallel_loop3A_853] {strides = array<i32>} : memref<400x64xi32, #tpu.memory_space<vmem>>, vector<16xi32>,
        %parallel_loop3A_855 = vector.bitcast %parallel_loop3A_854 : vector<16xi32> to vector<32xbf16>
        %parallel_loop3A_856 = arith.index_cast %parallel_loop3A_842 : i32 to index
        %parallel_loop3A_857 = arith.constant 16 : index
        %parallel_loop3A_858 = tpu.vector_load %arg10[%parallel_loop3A_856, %parallel_loop3A_857] {strides = array<i32>} : memref<400x64xi32, #tpu.memory_space<vmem>>, vector<16xi32>,
        %parallel_loop3A_859 = vector.bitcast %parallel_loop3A_858 : vector<16xi32> to vector<32xbf16>
        %parallel_loop3A_860 = arith.mulf %parallel_loop3A_855, %parallel_loop3A_859 : vector<32xbf16>
        %parallel_loop3A_861 = arith.addf %parallel_loop3A_851, %parallel_loop3A_860 : vector<32xbf16>
        %parallel_loop3A_862 = arith.index_cast %parallel_loop3A_842 : i32 to index
        %parallel_loop3A_863 = arith.constant 32 : index
        %parallel_loop3A_864 = tpu.vector_load %arg8[%parallel_loop3A_862, %parallel_loop3A_863] {strides = array<i32>} : memref<400x64xi32, #tpu.memory_space<vmem>>, vector<16xi32>,
        %parallel_loop3A_865 = vector.bitcast %parallel_loop3A_864 : vector<16xi32> to vector<32xbf16>
        %parallel_loop3A_866 = arith.index_cast %parallel_loop3A_842 : i32 to index
        %parallel_loop3A_867 = arith.constant 32 : index
        %parallel_loop3A_868 = tpu.vector_load %arg10[%parallel_loop3A_866, %parallel_loop3A_867] {strides = array<i32>} : memref<400x64xi32, #tpu.memory_space<vmem>>, vector<16xi32>,
        %parallel_loop3A_869 = vector.bitcast %parallel_loop3A_868 : vector<16xi32> to vector<32xbf16>
        %parallel_loop3A_870 = arith.mulf %parallel_loop3A_865, %parallel_loop3A_869 : vector<32xbf16>
        %parallel_loop3A_871 = arith.addf %parallel_loop3A_861, %parallel_loop3A_870 : vector<32xbf16>
        %parallel_loop3A_872 = arith.index_cast %parallel_loop3A_842 : i32 to index
        %parallel_loop3A_873 = arith.constant 48 : index
        %parallel_loop3A_874 = tpu.vector_load %arg8[%parallel_loop3A_872, %parallel_loop3A_873] {strides = array<i32>} : memref<400x64xi32, #tpu.memory_space<vmem>>, vector<16xi32>,
        %parallel_loop3A_875 = vector.bitcast %parallel_loop3A_874 : vector<16xi32> to vector<32xbf16>
        %parallel_loop3A_876 = arith.index_cast %parallel_loop3A_842 : i32 to index
        %parallel_loop3A_877 = arith.constant 48 : index
        %parallel_loop3A_878 = tpu.vector_load %arg10[%parallel_loop3A_876, %parallel_loop3A_877] {strides = array<i32>} : memref<400x64xi32, #tpu.memory_space<vmem>>, vector<16xi32>,
        %parallel_loop3A_879 = vector.bitcast %parallel_loop3A_878 : vector<16xi32> to vector<32xbf16>
        %parallel_loop3A_880 = arith.mulf %parallel_loop3A_875, %parallel_loop3A_879 : vector<32xbf16>
        %parallel_loop3A_881 = arith.addf %parallel_loop3A_871, %parallel_loop3A_880 : vector<32xbf16>
        %parallel_loop3A_882 = tpu.unpack_subelements %parallel_loop3A_881, 0 {pack_format = #tpu.pack_format<interleaved>} : vector<32xbf16> -> vector<16xf32>
        %parallel_loop3A_883 = tpu.unpack_subelements %parallel_loop3A_881, 1 {pack_format = #tpu.pack_format<interleaved>} : vector<32xbf16> -> vector<16xf32>
        %parallel_loop3A_884 = arith.addf %parallel_loop3A_882, %parallel_loop3A_883 : vector<16xf32>
        %parallel_loop3A_885 = arith.index_cast %parallel_loop3A_842 : i32 to index
        %parallel_loop3A_886 = arith.constant 0 : index
        %parallel_loop3A_887 = tpu.vector_load %arg11[%parallel_loop3A_885, %parallel_loop3A_886] {strides = array<i32>} : memref<400x16xf32, #tpu.memory_space<vmem>>, vector<16xf32>,
        tpu.vector_store %arg11[%parallel_loop3A_885, %parallel_loop3A_886], %parallel_loop3A_884 {strides = array<i32>} : memref<400x16xf32, #tpu.memory_space<vmem>>, vector<16xf32>,
        %parallel_loop3A_888 = vector.broadcast %parallel_loop3A_135 : i32 to vector<16xi32>
        %parallel_loop3A_889 = arith.addi %iota3A_116, %parallel_loop3A_888 : vector<16xi32>
        %parallel_loop3A_890 = arith.constant 0 : i32
        %parallel_loop3A_891 = vector.broadcast %parallel_loop3A_890 : i32 to vector<16xi32>
        %parallel_loop3A_892 = tpu.vector_load_idx %arg11[%parallel_loop3A_889, %parallel_loop3A_891] : memref<400x16xf32, #tpu.memory_space<vmem>>[vector<16xi32>, vector<16xi32>], vector<16xf32>,
        %parallel_loop3A_893 = arith.constant 1 : i32
        %parallel_loop3A_894 = vector.broadcast %parallel_loop3A_893 : i32 to vector<16xi32>
        %parallel_loop3A_895 = tpu.vector_load_idx %arg11[%parallel_loop3A_889, %parallel_loop3A_894] : memref<400x16xf32, #tpu.memory_space<vmem>>[vector<16xi32>, vector<16xi32>], vector<16xf32>,
        %parallel_loop3A_896 = arith.addf %parallel_loop3A_892, %parallel_loop3A_895 : vector<16xf32>
        %parallel_loop3A_897 = arith.constant 2 : i32
        %parallel_loop3A_898 = vector.broadcast %parallel_loop3A_897 : i32 to vector<16xi32>
        %parallel_loop3A_899 = tpu.vector_load_idx %arg11[%parallel_loop3A_889, %parallel_loop3A_898] : memref<400x16xf32, #tpu.memory_space<vmem>>[vector<16xi32>, vector<16xi32>], vector<16xf32>,
        %parallel_loop3A_900 = arith.addf %parallel_loop3A_896, %parallel_loop3A_899 : vector<16xf32>
        %parallel_loop3A_901 = arith.constant 3 : i32
        %parallel_loop3A_902 = vector.broadcast %parallel_loop3A_901 : i32 to vector<16xi32>
        %parallel_loop3A_903 = tpu.vector_load_idx %arg11[%parallel_loop3A_889, %parallel_loop3A_902] : memref<400x16xf32, #tpu.memory_space<vmem>>[vector<16xi32>, vector<16xi32>], vector<16xf32>,
        %parallel_loop3A_904 = arith.addf %parallel_loop3A_900, %parallel_loop3A_903 : vector<16xf32>
        %parallel_loop3A_905 = arith.constant 4 : i32
        %parallel_loop3A_906 = vector.broadcast %parallel_loop3A_905 : i32 to vector<16xi32>
        %parallel_loop3A_907 = tpu.vector_load_idx %arg11[%parallel_loop3A_889, %parallel_loop3A_906] : memref<400x16xf32, #tpu.memory_space<vmem>>[vector<16xi32>, vector<16xi32>], vector<16xf32>,
        %parallel_loop3A_908 = arith.addf %parallel_loop3A_904, %parallel_loop3A_907 : vector<16xf32>
        %parallel_loop3A_909 = arith.constant 5 : i32
        %parallel_loop3A_910 = vector.broadcast %parallel_loop3A_909 : i32 to vector<16xi32>
        %parallel_loop3A_911 = tpu.vector_load_idx %arg11[%parallel_loop3A_889, %parallel_loop3A_910] : memref<400x16xf32, #tpu.memory_space<vmem>>[vector<16xi32>, vector<16xi32>], vector<16xf32>,
        %parallel_loop3A_912 = arith.addf %parallel_loop3A_908, %parallel_loop3A_911 : vector<16xf32>
        %parallel_loop3A_913 = arith.constant 6 : i32
        %parallel_loop3A_914 = vector.broadcast %parallel_loop3A_913 : i32 to vector<16xi32>
        %parallel_loop3A_915 = tpu.vector_load_idx %arg11[%parallel_loop3A_889, %parallel_loop3A_914] : memref<400x16xf32, #tpu.memory_space<vmem>>[vector<16xi32>, vector<16xi32>], vector<16xf32>,
        %parallel_loop3A_916 = arith.addf %parallel_loop3A_912, %parallel_loop3A_915 : vector<16xf32>
        %parallel_loop3A_917 = arith.constant 7 : i32
        %parallel_loop3A_918 = vector.broadcast %parallel_loop3A_917 : i32 to vector<16xi32>
        %parallel_loop3A_919 = tpu.vector_load_idx %arg11[%parallel_loop3A_889, %parallel_loop3A_918] : memref<400x16xf32, #tpu.memory_space<vmem>>[vector<16xi32>, vector<16xi32>], vector<16xf32>,
        %parallel_loop3A_920 = arith.addf %parallel_loop3A_916, %parallel_loop3A_919 : vector<16xf32>
        %parallel_loop3A_921 = arith.constant 8 : i32
        %parallel_loop3A_922 = vector.broadcast %parallel_loop3A_921 : i32 to vector<16xi32>
        %parallel_loop3A_923 = tpu.vector_load_idx %arg11[%parallel_loop3A_889, %parallel_loop3A_922] : memref<400x16xf32, #tpu.memory_space<vmem>>[vector<16xi32>, vector<16xi32>], vector<16xf32>,
        %parallel_loop3A_924 = arith.addf %parallel_loop3A_920, %parallel_loop3A_923 : vector<16xf32>
        %parallel_loop3A_925 = arith.constant 9 : i32
        %parallel_loop3A_926 = vector.broadcast %parallel_loop3A_925 : i32 to vector<16xi32>
        %parallel_loop3A_927 = tpu.vector_load_idx %arg11[%parallel_loop3A_889, %parallel_loop3A_926] : memref<400x16xf32, #tpu.memory_space<vmem>>[vector<16xi32>, vector<16xi32>], vector<16xf32>,
        %parallel_loop3A_928 = arith.addf %parallel_loop3A_924, %parallel_loop3A_927 : vector<16xf32>
        %parallel_loop3A_929 = arith.constant 10 : i32
        %parallel_loop3A_930 = vector.broadcast %parallel_loop3A_929 : i32 to vector<16xi32>
        %parallel_loop3A_931 = tpu.vector_load_idx %arg11[%parallel_loop3A_889, %parallel_loop3A_930] : memref<400x16xf32, #tpu.memory_space<vmem>>[vector<16xi32>, vector<16xi32>], vector<16xf32>,
        %parallel_loop3A_932 = arith.addf %parallel_loop3A_928, %parallel_loop3A_931 : vector<16xf32>
        %parallel_loop3A_933 = arith.constant 11 : i32
        %parallel_loop3A_934 = vector.broadcast %parallel_loop3A_933 : i32 to vector<16xi32>
        %parallel_loop3A_935 = tpu.vector_load_idx %arg11[%parallel_loop3A_889, %parallel_loop3A_934] : memref<400x16xf32, #tpu.memory_space<vmem>>[vector<16xi32>, vector<16xi32>], vector<16xf32>,
        %parallel_loop3A_936 = arith.addf %parallel_loop3A_932, %parallel_loop3A_935 : vector<16xf32>
        %parallel_loop3A_937 = arith.constant 12 : i32
        %parallel_loop3A_938 = vector.broadcast %parallel_loop3A_937 : i32 to vector<16xi32>
        %parallel_loop3A_939 = tpu.vector_load_idx %arg11[%parallel_loop3A_889, %parallel_loop3A_938] : memref<400x16xf32, #tpu.memory_space<vmem>>[vector<16xi32>, vector<16xi32>], vector<16xf32>,
        %parallel_loop3A_940 = arith.addf %parallel_loop3A_936, %parallel_loop3A_939 : vector<16xf32>
        %parallel_loop3A_941 = arith.constant 13 : i32
        %parallel_loop3A_942 = vector.broadcast %parallel_loop3A_941 : i32 to vector<16xi32>
        %parallel_loop3A_943 = tpu.vector_load_idx %arg11[%parallel_loop3A_889, %parallel_loop3A_942] : memref<400x16xf32, #tpu.memory_space<vmem>>[vector<16xi32>, vector<16xi32>], vector<16xf32>,
        %parallel_loop3A_944 = arith.addf %parallel_loop3A_940, %parallel_loop3A_943 : vector<16xf32>
        %parallel_loop3A_945 = arith.constant 14 : i32
        %parallel_loop3A_946 = vector.broadcast %parallel_loop3A_945 : i32 to vector<16xi32>
        %parallel_loop3A_947 = tpu.vector_load_idx %arg11[%parallel_loop3A_889, %parallel_loop3A_946] : memref<400x16xf32, #tpu.memory_space<vmem>>[vector<16xi32>, vector<16xi32>], vector<16xf32>,
        %parallel_loop3A_948 = arith.addf %parallel_loop3A_944, %parallel_loop3A_947 : vector<16xf32>
        %parallel_loop3A_949 = arith.constant 15 : i32
        %parallel_loop3A_950 = vector.broadcast %parallel_loop3A_949 : i32 to vector<16xi32>
        %parallel_loop3A_951 = tpu.vector_load_idx %arg11[%parallel_loop3A_889, %parallel_loop3A_950] : memref<400x16xf32, #tpu.memory_space<vmem>>[vector<16xi32>, vector<16xi32>], vector<16xf32>,
        %parallel_loop3A_952 = arith.addf %parallel_loop3A_948, %parallel_loop3A_951 : vector<16xf32>
        %parallel_loop3A_953 = arith.index_cast %parallel_loop3A_135 : i32 to index
        %parallel_loop3A_954 = tpu.vector_load %arg13[%parallel_loop3A_953] {strides = array<i32>} : memref<400xf32, #tpu.memory_space<vmem>>, vector<16xf32>,
        tpu.vector_store %arg13[%parallel_loop3A_953], %parallel_loop3A_952 {strides = array<i32>} : memref<400xf32, #tpu.memory_space<vmem>>, vector<16xf32>,
      } {sc.loop_unroll_factor = 1 : i64, sc.parallel_access}
      %mul3A_120 = arith.constant 400 : i32
      %mul3A_121 = arith.muli %add3A_99, %mul3A_120 : i32
      %add3A_122 = arith.addi %multiple_of3A, %mul3A_121 : i32
      %multiple_of3A_123 = tpu.assume_multiple %add3A_122, 8 : i32
      %dma_start3A_124 = tpu.memref_slice %arg4[%multiple_of3A_123] : memref<320000xf32, #tpu.memory_space<hbm>> -> memref<400xf32, #tpu.memory_space<hbm>>
      %dma_start3A_125 = tpu.memref_slice %arg4[%multiple_of3A_123] : memref<320000xf32, #tpu.memory_space<hbm>> -> memref<400xf32, #tpu.memory_space<hbm>>
      tpu.enqueue_dma source(%arg13 : memref<400xf32, #tpu.memory_space<vmem>>) target(%dma_start3A_125 : memref<400xf32, #tpu.memory_space<hbm>>) target_semaphore(%arg17 : memref<!tpu.dma_semaphore, #tpu.memory_space<semaphore_mem>>)
      %add3A_126 = arith.constant 2 : i32
      %add3A_127 = arith.addi %add3A_99, %add3A_126 : i32
      %lt3A_128 = arith.constant 25 : i32
      %lt3A_129 = arith.cmpi slt, %add3A_127, %lt3A_128 : i32
      %convert_element_type3A_130 = arith.extui %lt3A_129 : i1 to i32
      %cond3A_131 = arith.constant 0 : i32
      %cond3A_132 = arith.cmpi ne, %convert_element_type3A_130, %cond3A_131 : i32
      scf.if %cond3A_132 {
        %add3A_133 = arith.constant 2 : i32
        %add3A_134 = arith.addi %add3A_99, %add3A_133 : i32
        %mul3A_135 = arith.constant 400 : i32
        %mul3A_136 = arith.muli %add3A_134, %mul3A_135 : i32
        %multiple_of3A_137 = tpu.assume_multiple %mul3A_136, 8 : i32
        %dma_start3A_138 = tpu.memref_slice %arg5[%multiple_of3A_137] : memref<10000xi32, #tpu.memory_space<vmem>> -> memref<400xi32, #tpu.memory_space<vmem>>
        %dma_start3A_139 = arith.constant 0 : i32
        %dma_start3A_140 = arith.constant 0 : i32
        %dma_start3A_141 = tpu.memref_slice %arg2[%dma_start3A_139, %dma_start3A_140] : memref<10000x64xi32, #tpu.memory_space<hbm>> -> memref<10000x64xi32, #tpu.memory_space<hbm>>
        tpu.enqueue_indirect_dma source(%dma_start3A_141 : memref<10000x64xi32, #tpu.memory_space<hbm>>) target(%arg8 : memref<400x64xi32, #tpu.memory_space<vmem>>) offsets(%dma_start3A_138 : memref<400xi32, #tpu.memory_space<vmem>>) semaphore(%arg15 : memref<!tpu.dma_semaphore, #tpu.memory_space<semaphore_mem>>)
        %dma_start3A_142 = tpu.memref_slice %arg6[%multiple_of3A_137] : memref<10000xi32, #tpu.memory_space<vmem>> -> memref<400xi32, #tpu.memory_space<vmem>>
        %dma_start3A_143 = arith.constant 0 : i32
        %dma_start3A_144 = arith.constant 0 : i32
        %dma_start3A_145 = tpu.memref_slice %arg2[%dma_start3A_143, %dma_start3A_144] : memref<10000x64xi32, #tpu.memory_space<hbm>> -> memref<10000x64xi32, #tpu.memory_space<hbm>>
        tpu.enqueue_indirect_dma source(%dma_start3A_145 : memref<10000x64xi32, #tpu.memory_space<hbm>>) target(%arg10 : memref<400x64xi32, #tpu.memory_space<vmem>>) offsets(%dma_start3A_142 : memref<400xi32, #tpu.memory_space<vmem>>) semaphore(%arg15 : memref<!tpu.dma_semaphore, #tpu.memory_space<semaphore_mem>>)
      } else {
      }
    }
    %scan3A_26 = arith.constant 12 : i32
    %multiple_of3A_27 = arith.constant 9600 : i32
    %multiple_of3A_28 = tpu.assume_multiple %multiple_of3A_27, 8 : i32
    %dma_wait3A = tpu.memref_slice %arg5[%multiple_of3A_28] : memref<10000xi32, #tpu.memory_space<vmem>> -> memref<400xi32, #tpu.memory_space<vmem>>
    %dma_wait3A_29 = arith.constant 0 : i32
    %dma_wait3A_30 = arith.constant 0 : i32
    %dma_wait3A_31 = tpu.memref_slice %arg2[%dma_wait3A_29, %dma_wait3A_30] : memref<10000x64xi32, #tpu.memory_space<hbm>> -> memref<10000x64xi32, #tpu.memory_space<hbm>>
    tpu.wait_indirect_dma semaphore(%arg14 : memref<!tpu.dma_semaphore, #tpu.memory_space<semaphore_mem>>) src(%dma_wait3A_31 : memref<10000x64xi32, #tpu.memory_space<hbm>>) dst(%arg7 : memref<400x64xi32, #tpu.memory_space<vmem>>)
    %dma_wait3A_32 = tpu.memref_slice %arg6[%multiple_of3A_28] : memref<10000xi32, #tpu.memory_space<vmem>> -> memref<400xi32, #tpu.memory_space<vmem>>
    %dma_wait3A_33 = arith.constant 0 : i32
    %dma_wait3A_34 = arith.constant 0 : i32
    %dma_wait3A_35 = tpu.memref_slice %arg2[%dma_wait3A_33, %dma_wait3A_34] : memref<10000x64xi32, #tpu.memory_space<hbm>> -> memref<10000x64xi32, #tpu.memory_space<hbm>>
    tpu.wait_indirect_dma semaphore(%arg14 : memref<!tpu.dma_semaphore, #tpu.memory_space<semaphore_mem>>) src(%dma_wait3A_35 : memref<10000x64xi32, #tpu.memory_space<hbm>>) dst(%arg9 : memref<400x64xi32, #tpu.memory_space<vmem>>)
    %add3A_36 = arith.constant 8800 : i32
    %add3A_37 = arith.addi %multiple_of3A, %add3A_36 : i32
    %multiple_of3A_38 = tpu.assume_multiple %add3A_37, 8 : i32
    %dma_wait3A_39 = tpu.memref_slice %arg4[%multiple_of3A_38] : memref<320000xf32, #tpu.memory_space<hbm>> -> memref<400xf32, #tpu.memory_space<hbm>>
    %dma_wait3A_40 = tpu.memref_slice %arg4[%multiple_of3A_38] : memref<320000xf32, #tpu.memory_space<hbm>> -> memref<400xf32, #tpu.memory_space<hbm>>
    tpu.wait_dma2 semaphore(%arg16 : memref<!tpu.dma_semaphore, #tpu.memory_space<semaphore_mem>>) src(%arg12 : memref<400xf32, #tpu.memory_space<vmem>>) dst(%dma_wait3A_40 : memref<400xf32, #tpu.memory_space<hbm>>)
    %iota3A = tpu.iota {dimensions = array<i32: 0>} : vector<16xi32>
    %parallel_loop3A = arith.constant 0 : i32
    %parallel_loop3A_41 = arith.constant 25 : i32
    %parallel_loop3A_42 = arith.constant 1 : i32
    scf.for %parallel_loop3A_58 = %parallel_loop3A to %parallel_loop3A_41 step %parallel_loop3A_42  : i32 {
      %parallel_loop3A_59 = arith.constant 16 : i32
      %parallel_loop3A_60 = arith.muli %parallel_loop3A_58, %parallel_loop3A_59 : i32
      %parallel_loop3A_61 = arith.constant 0 : i32
      %parallel_loop3A_62 = arith.addi %parallel_loop3A_60, %parallel_loop3A_61 : i32
      %parallel_loop3A_63 = arith.index_cast %parallel_loop3A_62 : i32 to index
      %parallel_loop3A_64 = arith.constant 0 : index
      %parallel_loop3A_65 = tpu.vector_load %arg7[%parallel_loop3A_63, %parallel_loop3A_64] {strides = array<i32>} : memref<400x64xi32, #tpu.memory_space<vmem>>, vector<16xi32>,
      %parallel_loop3A_66 = vector.bitcast %parallel_loop3A_65 : vector<16xi32> to vector<32xbf16>
      %parallel_loop3A_67 = arith.index_cast %parallel_loop3A_62 : i32 to index
      %parallel_loop3A_68 = arith.constant 0 : index
      %parallel_loop3A_69 = tpu.vector_load %arg9[%parallel_loop3A_67, %parallel_loop3A_68] {strides = array<i32>} : memref<400x64xi32, #tpu.memory_space<vmem>>, vector<16xi32>,
      %parallel_loop3A_70 = vector.bitcast %parallel_loop3A_69 : vector<16xi32> to vector<32xbf16>
      %parallel_loop3A_71 = arith.mulf %parallel_loop3A_66, %parallel_loop3A_70 : vector<32xbf16>
      %parallel_loop3A_72 = arith.index_cast %parallel_loop3A_62 : i32 to index
      %parallel_loop3A_73 = arith.constant 16 : index
      %parallel_loop3A_74 = tpu.vector_load %arg7[%parallel_loop3A_72, %parallel_loop3A_73] {strides = array<i32>} : memref<400x64xi32, #tpu.memory_space<vmem>>, vector<16xi32>,
      %parallel_loop3A_75 = vector.bitcast %parallel_loop3A_74 : vector<16xi32> to vector<32xbf16>
      %parallel_loop3A_76 = arith.index_cast %parallel_loop3A_62 : i32 to index
      %parallel_loop3A_77 = arith.constant 16 : index
      %parallel_loop3A_78 = tpu.vector_load %arg9[%parallel_loop3A_76, %parallel_loop3A_77] {strides = array<i32>} : memref<400x64xi32, #tpu.memory_space<vmem>>, vector<16xi32>,
      %parallel_loop3A_79 = vector.bitcast %parallel_loop3A_78 : vector<16xi32> to vector<32xbf16>
      %parallel_loop3A_80 = arith.mulf %parallel_loop3A_75, %parallel_loop3A_79 : vector<32xbf16>
      %parallel_loop3A_81 = arith.addf %parallel_loop3A_71, %parallel_loop3A_80 : vector<32xbf16>
      %parallel_loop3A_82 = arith.index_cast %parallel_loop3A_62 : i32 to index
      %parallel_loop3A_83 = arith.constant 32 : index
      %parallel_loop3A_84 = tpu.vector_load %arg7[%parallel_loop3A_82, %parallel_loop3A_83] {strides = array<i32>} : memref<400x64xi32, #tpu.memory_space<vmem>>, vector<16xi32>,
      %parallel_loop3A_85 = vector.bitcast %parallel_loop3A_84 : vector<16xi32> to vector<32xbf16>
      %parallel_loop3A_86 = arith.index_cast %parallel_loop3A_62 : i32 to index
      %parallel_loop3A_87 = arith.constant 32 : index
      %parallel_loop3A_88 = tpu.vector_load %arg9[%parallel_loop3A_86, %parallel_loop3A_87] {strides = array<i32>} : memref<400x64xi32, #tpu.memory_space<vmem>>, vector<16xi32>,
      %parallel_loop3A_89 = vector.bitcast %parallel_loop3A_88 : vector<16xi32> to vector<32xbf16>
      %parallel_loop3A_90 = arith.mulf %parallel_loop3A_85, %parallel_loop3A_89 : vector<32xbf16>
      %parallel_loop3A_91 = arith.addf %parallel_loop3A_81, %parallel_loop3A_90 : vector<32xbf16>
      %parallel_loop3A_92 = arith.index_cast %parallel_loop3A_62 : i32 to index
      %parallel_loop3A_93 = arith.constant 48 : index
      %parallel_loop3A_94 = tpu.vector_load %arg7[%parallel_loop3A_92, %parallel_loop3A_93] {strides = array<i32>} : memref<400x64xi32, #tpu.memory_space<vmem>>, vector<16xi32>,
      %parallel_loop3A_95 = vector.bitcast %parallel_loop3A_94 : vector<16xi32> to vector<32xbf16>
      %parallel_loop3A_96 = arith.index_cast %parallel_loop3A_62 : i32 to index
      %parallel_loop3A_97 = arith.constant 48 : index
      %parallel_loop3A_98 = tpu.vector_load %arg9[%parallel_loop3A_96, %parallel_loop3A_97] {strides = array<i32>} : memref<400x64xi32, #tpu.memory_space<vmem>>, vector<16xi32>,
      %parallel_loop3A_99 = vector.bitcast %parallel_loop3A_98 : vector<16xi32> to vector<32xbf16>
      %parallel_loop3A_100 = arith.mulf %parallel_loop3A_95, %parallel_loop3A_99 : vector<32xbf16>
      %parallel_loop3A_101 = arith.addf %parallel_loop3A_91, %parallel_loop3A_100 : vector<32xbf16>
      %parallel_loop3A_102 = tpu.unpack_subelements %parallel_loop3A_101, 0 {pack_format = #tpu.pack_format<interleaved>} : vector<32xbf16> -> vector<16xf32>
      %parallel_loop3A_103 = tpu.unpack_subelements %parallel_loop3A_101, 1 {pack_format = #tpu.pack_format<interleaved>} : vector<32xbf16> -> vector<16xf32>
      %parallel_loop3A_104 = arith.addf %parallel_loop3A_102, %parallel_loop3A_103 : vector<16xf32>
      %parallel_loop3A_105 = arith.index_cast %parallel_loop3A_62 : i32 to index
      %parallel_loop3A_106 = arith.constant 0 : index
      %parallel_loop3A_107 = tpu.vector_load %arg11[%parallel_loop3A_105, %parallel_loop3A_106] {strides = array<i32>} : memref<400x16xf32, #tpu.memory_space<vmem>>, vector<16xf32>,
      tpu.vector_store %arg11[%parallel_loop3A_105, %parallel_loop3A_106], %parallel_loop3A_104 {strides = array<i32>} : memref<400x16xf32, #tpu.memory_space<vmem>>, vector<16xf32>,
      %parallel_loop3A_108 = arith.constant 1 : i32
      %parallel_loop3A_109 = arith.addi %parallel_loop3A_60, %parallel_loop3A_108 : i32
      %parallel_loop3A_110 = arith.index_cast %parallel_loop3A_109 : i32 to index
      %parallel_loop3A_111 = arith.constant 0 : index
      %parallel_loop3A_112 = tpu.vector_load %arg7[%parallel_loop3A_110, %parallel_loop3A_111] {strides = array<i32>} : memref<400x64xi32, #tpu.memory_space<vmem>>, vector<16xi32>,
      %parallel_loop3A_113 = vector.bitcast %parallel_loop3A_112 : vector<16xi32> to vector<32xbf16>
      %parallel_loop3A_114 = arith.index_cast %parallel_loop3A_109 : i32 to index
      %parallel_loop3A_115 = arith.constant 0 : index
      %parallel_loop3A_116 = tpu.vector_load %arg9[%parallel_loop3A_114, %parallel_loop3A_115] {strides = array<i32>} : memref<400x64xi32, #tpu.memory_space<vmem>>, vector<16xi32>,
      %parallel_loop3A_117 = vector.bitcast %parallel_loop3A_116 : vector<16xi32> to vector<32xbf16>
      %parallel_loop3A_118 = arith.mulf %parallel_loop3A_113, %parallel_loop3A_117 : vector<32xbf16>
      %parallel_loop3A_119 = arith.index_cast %parallel_loop3A_109 : i32 to index
      %parallel_loop3A_120 = arith.constant 16 : index
      %parallel_loop3A_121 = tpu.vector_load %arg7[%parallel_loop3A_119, %parallel_loop3A_120] {strides = array<i32>} : memref<400x64xi32, #tpu.memory_space<vmem>>, vector<16xi32>,
      %parallel_loop3A_122 = vector.bitcast %parallel_loop3A_121 : vector<16xi32> to vector<32xbf16>
      %parallel_loop3A_123 = arith.index_cast %parallel_loop3A_109 : i32 to index
      %parallel_loop3A_124 = arith.constant 16 : index
      %parallel_loop3A_125 = tpu.vector_load %arg9[%parallel_loop3A_123, %parallel_loop3A_124] {strides = array<i32>} : memref<400x64xi32, #tpu.memory_space<vmem>>, vector<16xi32>,
      %parallel_loop3A_126 = vector.bitcast %parallel_loop3A_125 : vector<16xi32> to vector<32xbf16>
      %parallel_loop3A_127 = arith.mulf %parallel_loop3A_122, %parallel_loop3A_126 : vector<32xbf16>
      %parallel_loop3A_128 = arith.addf %parallel_loop3A_118, %parallel_loop3A_127 : vector<32xbf16>
      %parallel_loop3A_129 = arith.index_cast %parallel_loop3A_109 : i32 to index
      %parallel_loop3A_130 = arith.constant 32 : index
      %parallel_loop3A_131 = tpu.vector_load %arg7[%parallel_loop3A_129, %parallel_loop3A_130] {strides = array<i32>} : memref<400x64xi32, #tpu.memory_space<vmem>>, vector<16xi32>,
      %parallel_loop3A_132 = vector.bitcast %parallel_loop3A_131 : vector<16xi32> to vector<32xbf16>
      %parallel_loop3A_133 = arith.index_cast %parallel_loop3A_109 : i32 to index
      %parallel_loop3A_134 = arith.constant 32 : index
      %parallel_loop3A_135 = tpu.vector_load %arg9[%parallel_loop3A_133, %parallel_loop3A_134] {strides = array<i32>} : memref<400x64xi32, #tpu.memory_space<vmem>>, vector<16xi32>,
      %parallel_loop3A_136 = vector.bitcast %parallel_loop3A_135 : vector<16xi32> to vector<32xbf16>
      %parallel_loop3A_137 = arith.mulf %parallel_loop3A_132, %parallel_loop3A_136 : vector<32xbf16>
      %parallel_loop3A_138 = arith.addf %parallel_loop3A_128, %parallel_loop3A_137 : vector<32xbf16>
      %parallel_loop3A_139 = arith.index_cast %parallel_loop3A_109 : i32 to index
      %parallel_loop3A_140 = arith.constant 48 : index
      %parallel_loop3A_141 = tpu.vector_load %arg7[%parallel_loop3A_139, %parallel_loop3A_140] {strides = array<i32>} : memref<400x64xi32, #tpu.memory_space<vmem>>, vector<16xi32>,
      %parallel_loop3A_142 = vector.bitcast %parallel_loop3A_141 : vector<16xi32> to vector<32xbf16>
      %parallel_loop3A_143 = arith.index_cast %parallel_loop3A_109 : i32 to index
      %parallel_loop3A_144 = arith.constant 48 : index
      %parallel_loop3A_145 = tpu.vector_load %arg9[%parallel_loop3A_143, %parallel_loop3A_144] {strides = array<i32>} : memref<400x64xi32, #tpu.memory_space<vmem>>, vector<16xi32>,
      %parallel_loop3A_146 = vector.bitcast %parallel_loop3A_145 : vector<16xi32> to vector<32xbf16>
      %parallel_loop3A_147 = arith.mulf %parallel_loop3A_142, %parallel_loop3A_146 : vector<32xbf16>
      %parallel_loop3A_148 = arith.addf %parallel_loop3A_138, %parallel_loop3A_147 : vector<32xbf16>
      %parallel_loop3A_149 = tpu.unpack_subelements %parallel_loop3A_148, 0 {pack_format = #tpu.pack_format<interleaved>} : vector<32xbf16> -> vector<16xf32>
      %parallel_loop3A_150 = tpu.unpack_subelements %parallel_loop3A_148, 1 {pack_format = #tpu.pack_format<interleaved>} : vector<32xbf16> -> vector<16xf32>
      %parallel_loop3A_151 = arith.addf %parallel_loop3A_149, %parallel_loop3A_150 : vector<16xf32>
      %parallel_loop3A_152 = arith.index_cast %parallel_loop3A_109 : i32 to index
      %parallel_loop3A_153 = arith.constant 0 : index
      %parallel_loop3A_154 = tpu.vector_load %arg11[%parallel_loop3A_152, %parallel_loop3A_153] {strides = array<i32>} : memref<400x16xf32, #tpu.memory_space<vmem>>, vector<16xf32>,
      tpu.vector_store %arg11[%parallel_loop3A_152, %parallel_loop3A_153], %parallel_loop3A_151 {strides = array<i32>} : memref<400x16xf32, #tpu.memory_space<vmem>>, vector<16xf32>,
      %parallel_loop3A_155 = arith.constant 2 : i32
      %parallel_loop3A_156 = arith.addi %parallel_loop3A_60, %parallel_loop3A_155 : i32
      %parallel_loop3A_157 = arith.index_cast %parallel_loop3A_156 : i32 to index
      %parallel_loop3A_158 = arith.constant 0 : index
      %parallel_loop3A_159 = tpu.vector_load %arg7[%parallel_loop3A_157, %parallel_loop3A_158] {strides = array<i32>} : memref<400x64xi32, #tpu.memory_space<vmem>>, vector<16xi32>,
      %parallel_loop3A_160 = vector.bitcast %parallel_loop3A_159 : vector<16xi32> to vector<32xbf16>
      %parallel_loop3A_161 = arith.index_cast %parallel_loop3A_156 : i32 to index
      %parallel_loop3A_162 = arith.constant 0 : index
      %parallel_loop3A_163 = tpu.vector_load %arg9[%parallel_loop3A_161, %parallel_loop3A_162] {strides = array<i32>} : memref<400x64xi32, #tpu.memory_space<vmem>>, vector<16xi32>,
      %parallel_loop3A_164 = vector.bitcast %parallel_loop3A_163 : vector<16xi32> to vector<32xbf16>
      %parallel_loop3A_165 = arith.mulf %parallel_loop3A_160, %parallel_loop3A_164 : vector<32xbf16>
      %parallel_loop3A_166 = arith.index_cast %parallel_loop3A_156 : i32 to index
      %parallel_loop3A_167 = arith.constant 16 : index
      %parallel_loop3A_168 = tpu.vector_load %arg7[%parallel_loop3A_166, %parallel_loop3A_167] {strides = array<i32>} : memref<400x64xi32, #tpu.memory_space<vmem>>, vector<16xi32>,
      %parallel_loop3A_169 = vector.bitcast %parallel_loop3A_168 : vector<16xi32> to vector<32xbf16>
      %parallel_loop3A_170 = arith.index_cast %parallel_loop3A_156 : i32 to index
      %parallel_loop3A_171 = arith.constant 16 : index
      %parallel_loop3A_172 = tpu.vector_load %arg9[%parallel_loop3A_170, %parallel_loop3A_171] {strides = array<i32>} : memref<400x64xi32, #tpu.memory_space<vmem>>, vector<16xi32>,
      %parallel_loop3A_173 = vector.bitcast %parallel_loop3A_172 : vector<16xi32> to vector<32xbf16>
      %parallel_loop3A_174 = arith.mulf %parallel_loop3A_169, %parallel_loop3A_173 : vector<32xbf16>
      %parallel_loop3A_175 = arith.addf %parallel_loop3A_165, %parallel_loop3A_174 : vector<32xbf16>
      %parallel_loop3A_176 = arith.index_cast %parallel_loop3A_156 : i32 to index
      %parallel_loop3A_177 = arith.constant 32 : index
      %parallel_loop3A_178 = tpu.vector_load %arg7[%parallel_loop3A_176, %parallel_loop3A_177] {strides = array<i32>} : memref<400x64xi32, #tpu.memory_space<vmem>>, vector<16xi32>,
      %parallel_loop3A_179 = vector.bitcast %parallel_loop3A_178 : vector<16xi32> to vector<32xbf16>
      %parallel_loop3A_180 = arith.index_cast %parallel_loop3A_156 : i32 to index
      %parallel_loop3A_181 = arith.constant 32 : index
      %parallel_loop3A_182 = tpu.vector_load %arg9[%parallel_loop3A_180, %parallel_loop3A_181] {strides = array<i32>} : memref<400x64xi32, #tpu.memory_space<vmem>>, vector<16xi32>,
      %parallel_loop3A_183 = vector.bitcast %parallel_loop3A_182 : vector<16xi32> to vector<32xbf16>
      %parallel_loop3A_184 = arith.mulf %parallel_loop3A_179, %parallel_loop3A_183 : vector<32xbf16>
      %parallel_loop3A_185 = arith.addf %parallel_loop3A_175, %parallel_loop3A_184 : vector<32xbf16>
      %parallel_loop3A_186 = arith.index_cast %parallel_loop3A_156 : i32 to index
      %parallel_loop3A_187 = arith.constant 48 : index
      %parallel_loop3A_188 = tpu.vector_load %arg7[%parallel_loop3A_186, %parallel_loop3A_187] {strides = array<i32>} : memref<400x64xi32, #tpu.memory_space<vmem>>, vector<16xi32>,
      %parallel_loop3A_189 = vector.bitcast %parallel_loop3A_188 : vector<16xi32> to vector<32xbf16>
      %parallel_loop3A_190 = arith.index_cast %parallel_loop3A_156 : i32 to index
      %parallel_loop3A_191 = arith.constant 48 : index
      %parallel_loop3A_192 = tpu.vector_load %arg9[%parallel_loop3A_190, %parallel_loop3A_191] {strides = array<i32>} : memref<400x64xi32, #tpu.memory_space<vmem>>, vector<16xi32>,
      %parallel_loop3A_193 = vector.bitcast %parallel_loop3A_192 : vector<16xi32> to vector<32xbf16>
      %parallel_loop3A_194 = arith.mulf %parallel_loop3A_189, %parallel_loop3A_193 : vector<32xbf16>
      %parallel_loop3A_195 = arith.addf %parallel_loop3A_185, %parallel_loop3A_194 : vector<32xbf16>
      %parallel_loop3A_196 = tpu.unpack_subelements %parallel_loop3A_195, 0 {pack_format = #tpu.pack_format<interleaved>} : vector<32xbf16> -> vector<16xf32>
      %parallel_loop3A_197 = tpu.unpack_subelements %parallel_loop3A_195, 1 {pack_format = #tpu.pack_format<interleaved>} : vector<32xbf16> -> vector<16xf32>
      %parallel_loop3A_198 = arith.addf %parallel_loop3A_196, %parallel_loop3A_197 : vector<16xf32>
      %parallel_loop3A_199 = arith.index_cast %parallel_loop3A_156 : i32 to index
      %parallel_loop3A_200 = arith.constant 0 : index
      %parallel_loop3A_201 = tpu.vector_load %arg11[%parallel_loop3A_199, %parallel_loop3A_200] {strides = array<i32>} : memref<400x16xf32, #tpu.memory_space<vmem>>, vector<16xf32>,
      tpu.vector_store %arg11[%parallel_loop3A_199, %parallel_loop3A_200], %parallel_loop3A_198 {strides = array<i32>} : memref<400x16xf32, #tpu.memory_space<vmem>>, vector<16xf32>,
      %parallel_loop3A_202 = arith.constant 3 : i32
      %parallel_loop3A_203 = arith.addi %parallel_loop3A_60, %parallel_loop3A_202 : i32
      %parallel_loop3A_204 = arith.index_cast %parallel_loop3A_203 : i32 to index
      %parallel_loop3A_205 = arith.constant 0 : index
      %parallel_loop3A_206 = tpu.vector_load %arg7[%parallel_loop3A_204, %parallel_loop3A_205] {strides = array<i32>} : memref<400x64xi32, #tpu.memory_space<vmem>>, vector<16xi32>,
      %parallel_loop3A_207 = vector.bitcast %parallel_loop3A_206 : vector<16xi32> to vector<32xbf16>
      %parallel_loop3A_208 = arith.index_cast %parallel_loop3A_203 : i32 to index
      %parallel_loop3A_209 = arith.constant 0 : index
      %parallel_loop3A_210 = tpu.vector_load %arg9[%parallel_loop3A_208, %parallel_loop3A_209] {strides = array<i32>} : memref<400x64xi32, #tpu.memory_space<vmem>>, vector<16xi32>,
      %parallel_loop3A_211 = vector.bitcast %parallel_loop3A_210 : vector<16xi32> to vector<32xbf16>
      %parallel_loop3A_212 = arith.mulf %parallel_loop3A_207, %parallel_loop3A_211 : vector<32xbf16>
      %parallel_loop3A_213 = arith.index_cast %parallel_loop3A_203 : i32 to index
      %parallel_loop3A_214 = arith.constant 16 : index
      %parallel_loop3A_215 = tpu.vector_load %arg7[%parallel_loop3A_213, %parallel_loop3A_214] {strides = array<i32>} : memref<400x64xi32, #tpu.memory_space<vmem>>, vector<16xi32>,
      %parallel_loop3A_216 = vector.bitcast %parallel_loop3A_215 : vector<16xi32> to vector<32xbf16>
      %parallel_loop3A_217 = arith.index_cast %parallel_loop3A_203 : i32 to index
      %parallel_loop3A_218 = arith.constant 16 : index
      %parallel_loop3A_219 = tpu.vector_load %arg9[%parallel_loop3A_217, %parallel_loop3A_218] {strides = array<i32>} : memref<400x64xi32, #tpu.memory_space<vmem>>, vector<16xi32>,
      %parallel_loop3A_220 = vector.bitcast %parallel_loop3A_219 : vector<16xi32> to vector<32xbf16>
      %parallel_loop3A_221 = arith.mulf %parallel_loop3A_216, %parallel_loop3A_220 : vector<32xbf16>
      %parallel_loop3A_222 = arith.addf %parallel_loop3A_212, %parallel_loop3A_221 : vector<32xbf16>
      %parallel_loop3A_223 = arith.index_cast %parallel_loop3A_203 : i32 to index
      %parallel_loop3A_224 = arith.constant 32 : index
      %parallel_loop3A_225 = tpu.vector_load %arg7[%parallel_loop3A_223, %parallel_loop3A_224] {strides = array<i32>} : memref<400x64xi32, #tpu.memory_space<vmem>>, vector<16xi32>,
      %parallel_loop3A_226 = vector.bitcast %parallel_loop3A_225 : vector<16xi32> to vector<32xbf16>
      %parallel_loop3A_227 = arith.index_cast %parallel_loop3A_203 : i32 to index
      %parallel_loop3A_228 = arith.constant 32 : index
      %parallel_loop3A_229 = tpu.vector_load %arg9[%parallel_loop3A_227, %parallel_loop3A_228] {strides = array<i32>} : memref<400x64xi32, #tpu.memory_space<vmem>>, vector<16xi32>,
      %parallel_loop3A_230 = vector.bitcast %parallel_loop3A_229 : vector<16xi32> to vector<32xbf16>
      %parallel_loop3A_231 = arith.mulf %parallel_loop3A_226, %parallel_loop3A_230 : vector<32xbf16>
      %parallel_loop3A_232 = arith.addf %parallel_loop3A_222, %parallel_loop3A_231 : vector<32xbf16>
      %parallel_loop3A_233 = arith.index_cast %parallel_loop3A_203 : i32 to index
      %parallel_loop3A_234 = arith.constant 48 : index
      %parallel_loop3A_235 = tpu.vector_load %arg7[%parallel_loop3A_233, %parallel_loop3A_234] {strides = array<i32>} : memref<400x64xi32, #tpu.memory_space<vmem>>, vector<16xi32>,
      %parallel_loop3A_236 = vector.bitcast %parallel_loop3A_235 : vector<16xi32> to vector<32xbf16>
      %parallel_loop3A_237 = arith.index_cast %parallel_loop3A_203 : i32 to index
      %parallel_loop3A_238 = arith.constant 48 : index
      %parallel_loop3A_239 = tpu.vector_load %arg9[%parallel_loop3A_237, %parallel_loop3A_238] {strides = array<i32>} : memref<400x64xi32, #tpu.memory_space<vmem>>, vector<16xi32>,
      %parallel_loop3A_240 = vector.bitcast %parallel_loop3A_239 : vector<16xi32> to vector<32xbf16>
      %parallel_loop3A_241 = arith.mulf %parallel_loop3A_236, %parallel_loop3A_240 : vector<32xbf16>
      %parallel_loop3A_242 = arith.addf %parallel_loop3A_232, %parallel_loop3A_241 : vector<32xbf16>
      %parallel_loop3A_243 = tpu.unpack_subelements %parallel_loop3A_242, 0 {pack_format = #tpu.pack_format<interleaved>} : vector<32xbf16> -> vector<16xf32>
      %parallel_loop3A_244 = tpu.unpack_subelements %parallel_loop3A_242, 1 {pack_format = #tpu.pack_format<interleaved>} : vector<32xbf16> -> vector<16xf32>
      %parallel_loop3A_245 = arith.addf %parallel_loop3A_243, %parallel_loop3A_244 : vector<16xf32>
      %parallel_loop3A_246 = arith.index_cast %parallel_loop3A_203 : i32 to index
      %parallel_loop3A_247 = arith.constant 0 : index
      %parallel_loop3A_248 = tpu.vector_load %arg11[%parallel_loop3A_246, %parallel_loop3A_247] {strides = array<i32>} : memref<400x16xf32, #tpu.memory_space<vmem>>, vector<16xf32>,
      tpu.vector_store %arg11[%parallel_loop3A_246, %parallel_loop3A_247], %parallel_loop3A_245 {strides = array<i32>} : memref<400x16xf32, #tpu.memory_space<vmem>>, vector<16xf32>,
      %parallel_loop3A_249 = arith.constant 4 : i32
      %parallel_loop3A_250 = arith.addi %parallel_loop3A_60, %parallel_loop3A_249 : i32
      %parallel_loop3A_251 = arith.index_cast %parallel_loop3A_250 : i32 to index
      %parallel_loop3A_252 = arith.constant 0 : index
      %parallel_loop3A_253 = tpu.vector_load %arg7[%parallel_loop3A_251, %parallel_loop3A_252] {strides = array<i32>} : memref<400x64xi32, #tpu.memory_space<vmem>>, vector<16xi32>,
      %parallel_loop3A_254 = vector.bitcast %parallel_loop3A_253 : vector<16xi32> to vector<32xbf16>
      %parallel_loop3A_255 = arith.index_cast %parallel_loop3A_250 : i32 to index
      %parallel_loop3A_256 = arith.constant 0 : index
      %parallel_loop3A_257 = tpu.vector_load %arg9[%parallel_loop3A_255, %parallel_loop3A_256] {strides = array<i32>} : memref<400x64xi32, #tpu.memory_space<vmem>>, vector<16xi32>,
      %parallel_loop3A_258 = vector.bitcast %parallel_loop3A_257 : vector<16xi32> to vector<32xbf16>
      %parallel_loop3A_259 = arith.mulf %parallel_loop3A_254, %parallel_loop3A_258 : vector<32xbf16>
      %parallel_loop3A_260 = arith.index_cast %parallel_loop3A_250 : i32 to index
      %parallel_loop3A_261 = arith.constant 16 : index
      %parallel_loop3A_262 = tpu.vector_load %arg7[%parallel_loop3A_260, %parallel_loop3A_261] {strides = array<i32>} : memref<400x64xi32, #tpu.memory_space<vmem>>, vector<16xi32>,
      %parallel_loop3A_263 = vector.bitcast %parallel_loop3A_262 : vector<16xi32> to vector<32xbf16>
      %parallel_loop3A_264 = arith.index_cast %parallel_loop3A_250 : i32 to index
      %parallel_loop3A_265 = arith.constant 16 : index
      %parallel_loop3A_266 = tpu.vector_load %arg9[%parallel_loop3A_264, %parallel_loop3A_265] {strides = array<i32>} : memref<400x64xi32, #tpu.memory_space<vmem>>, vector<16xi32>,
      %parallel_loop3A_267 = vector.bitcast %parallel_loop3A_266 : vector<16xi32> to vector<32xbf16>
      %parallel_loop3A_268 = arith.mulf %parallel_loop3A_263, %parallel_loop3A_267 : vector<32xbf16>
      %parallel_loop3A_269 = arith.addf %parallel_loop3A_259, %parallel_loop3A_268 : vector<32xbf16>
      %parallel_loop3A_270 = arith.index_cast %parallel_loop3A_250 : i32 to index
      %parallel_loop3A_271 = arith.constant 32 : index
      %parallel_loop3A_272 = tpu.vector_load %arg7[%parallel_loop3A_270, %parallel_loop3A_271] {strides = array<i32>} : memref<400x64xi32, #tpu.memory_space<vmem>>, vector<16xi32>,
      %parallel_loop3A_273 = vector.bitcast %parallel_loop3A_272 : vector<16xi32> to vector<32xbf16>
      %parallel_loop3A_274 = arith.index_cast %parallel_loop3A_250 : i32 to index
      %parallel_loop3A_275 = arith.constant 32 : index
      %parallel_loop3A_276 = tpu.vector_load %arg9[%parallel_loop3A_274, %parallel_loop3A_275] {strides = array<i32>} : memref<400x64xi32, #tpu.memory_space<vmem>>, vector<16xi32>,
      %parallel_loop3A_277 = vector.bitcast %parallel_loop3A_276 : vector<16xi32> to vector<32xbf16>
      %parallel_loop3A_278 = arith.mulf %parallel_loop3A_273, %parallel_loop3A_277 : vector<32xbf16>
      %parallel_loop3A_279 = arith.addf %parallel_loop3A_269, %parallel_loop3A_278 : vector<32xbf16>
      %parallel_loop3A_280 = arith.index_cast %parallel_loop3A_250 : i32 to index
      %parallel_loop3A_281 = arith.constant 48 : index
      %parallel_loop3A_282 = tpu.vector_load %arg7[%parallel_loop3A_280, %parallel_loop3A_281] {strides = array<i32>} : memref<400x64xi32, #tpu.memory_space<vmem>>, vector<16xi32>,
      %parallel_loop3A_283 = vector.bitcast %parallel_loop3A_282 : vector<16xi32> to vector<32xbf16>
      %parallel_loop3A_284 = arith.index_cast %parallel_loop3A_250 : i32 to index
      %parallel_loop3A_285 = arith.constant 48 : index
      %parallel_loop3A_286 = tpu.vector_load %arg9[%parallel_loop3A_284, %parallel_loop3A_285] {strides = array<i32>} : memref<400x64xi32, #tpu.memory_space<vmem>>, vector<16xi32>,
      %parallel_loop3A_287 = vector.bitcast %parallel_loop3A_286 : vector<16xi32> to vector<32xbf16>
      %parallel_loop3A_288 = arith.mulf %parallel_loop3A_283, %parallel_loop3A_287 : vector<32xbf16>
      %parallel_loop3A_289 = arith.addf %parallel_loop3A_279, %parallel_loop3A_288 : vector<32xbf16>
      %parallel_loop3A_290 = tpu.unpack_subelements %parallel_loop3A_289, 0 {pack_format = #tpu.pack_format<interleaved>} : vector<32xbf16> -> vector<16xf32>
      %parallel_loop3A_291 = tpu.unpack_subelements %parallel_loop3A_289, 1 {pack_format = #tpu.pack_format<interleaved>} : vector<32xbf16> -> vector<16xf32>
      %parallel_loop3A_292 = arith.addf %parallel_loop3A_290, %parallel_loop3A_291 : vector<16xf32>
      %parallel_loop3A_293 = arith.index_cast %parallel_loop3A_250 : i32 to index
      %parallel_loop3A_294 = arith.constant 0 : index
      %parallel_loop3A_295 = tpu.vector_load %arg11[%parallel_loop3A_293, %parallel_loop3A_294] {strides = array<i32>} : memref<400x16xf32, #tpu.memory_space<vmem>>, vector<16xf32>,
      tpu.vector_store %arg11[%parallel_loop3A_293, %parallel_loop3A_294], %parallel_loop3A_292 {strides = array<i32>} : memref<400x16xf32, #tpu.memory_space<vmem>>, vector<16xf32>,
      %parallel_loop3A_296 = arith.constant 5 : i32
      %parallel_loop3A_297 = arith.addi %parallel_loop3A_60, %parallel_loop3A_296 : i32
      %parallel_loop3A_298 = arith.index_cast %parallel_loop3A_297 : i32 to index
      %parallel_loop3A_299 = arith.constant 0 : index
      %parallel_loop3A_300 = tpu.vector_load %arg7[%parallel_loop3A_298, %parallel_loop3A_299] {strides = array<i32>} : memref<400x64xi32, #tpu.memory_space<vmem>>, vector<16xi32>,
      %parallel_loop3A_301 = vector.bitcast %parallel_loop3A_300 : vector<16xi32> to vector<32xbf16>
      %parallel_loop3A_302 = arith.index_cast %parallel_loop3A_297 : i32 to index
      %parallel_loop3A_303 = arith.constant 0 : index
      %parallel_loop3A_304 = tpu.vector_load %arg9[%parallel_loop3A_302, %parallel_loop3A_303] {strides = array<i32>} : memref<400x64xi32, #tpu.memory_space<vmem>>, vector<16xi32>,
      %parallel_loop3A_305 = vector.bitcast %parallel_loop3A_304 : vector<16xi32> to vector<32xbf16>
      %parallel_loop3A_306 = arith.mulf %parallel_loop3A_301, %parallel_loop3A_305 : vector<32xbf16>
      %parallel_loop3A_307 = arith.index_cast %parallel_loop3A_297 : i32 to index
      %parallel_loop3A_308 = arith.constant 16 : index
      %parallel_loop3A_309 = tpu.vector_load %arg7[%parallel_loop3A_307, %parallel_loop3A_308] {strides = array<i32>} : memref<400x64xi32, #tpu.memory_space<vmem>>, vector<16xi32>,
      %parallel_loop3A_310 = vector.bitcast %parallel_loop3A_309 : vector<16xi32> to vector<32xbf16>
      %parallel_loop3A_311 = arith.index_cast %parallel_loop3A_297 : i32 to index
      %parallel_loop3A_312 = arith.constant 16 : index
      %parallel_loop3A_313 = tpu.vector_load %arg9[%parallel_loop3A_311, %parallel_loop3A_312] {strides = array<i32>} : memref<400x64xi32, #tpu.memory_space<vmem>>, vector<16xi32>,
      %parallel_loop3A_314 = vector.bitcast %parallel_loop3A_313 : vector<16xi32> to vector<32xbf16>
      %parallel_loop3A_315 = arith.mulf %parallel_loop3A_310, %parallel_loop3A_314 : vector<32xbf16>
      %parallel_loop3A_316 = arith.addf %parallel_loop3A_306, %parallel_loop3A_315 : vector<32xbf16>
      %parallel_loop3A_317 = arith.index_cast %parallel_loop3A_297 : i32 to index
      %parallel_loop3A_318 = arith.constant 32 : index
      %parallel_loop3A_319 = tpu.vector_load %arg7[%parallel_loop3A_317, %parallel_loop3A_318] {strides = array<i32>} : memref<400x64xi32, #tpu.memory_space<vmem>>, vector<16xi32>,
      %parallel_loop3A_320 = vector.bitcast %parallel_loop3A_319 : vector<16xi32> to vector<32xbf16>
      %parallel_loop3A_321 = arith.index_cast %parallel_loop3A_297 : i32 to index
      %parallel_loop3A_322 = arith.constant 32 : index
      %parallel_loop3A_323 = tpu.vector_load %arg9[%parallel_loop3A_321, %parallel_loop3A_322] {strides = array<i32>} : memref<400x64xi32, #tpu.memory_space<vmem>>, vector<16xi32>,
      %parallel_loop3A_324 = vector.bitcast %parallel_loop3A_323 : vector<16xi32> to vector<32xbf16>
      %parallel_loop3A_325 = arith.mulf %parallel_loop3A_320, %parallel_loop3A_324 : vector<32xbf16>
      %parallel_loop3A_326 = arith.addf %parallel_loop3A_316, %parallel_loop3A_325 : vector<32xbf16>
      %parallel_loop3A_327 = arith.index_cast %parallel_loop3A_297 : i32 to index
      %parallel_loop3A_328 = arith.constant 48 : index
      %parallel_loop3A_329 = tpu.vector_load %arg7[%parallel_loop3A_327, %parallel_loop3A_328] {strides = array<i32>} : memref<400x64xi32, #tpu.memory_space<vmem>>, vector<16xi32>,
      %parallel_loop3A_330 = vector.bitcast %parallel_loop3A_329 : vector<16xi32> to vector<32xbf16>
      %parallel_loop3A_331 = arith.index_cast %parallel_loop3A_297 : i32 to index
      %parallel_loop3A_332 = arith.constant 48 : index
      %parallel_loop3A_333 = tpu.vector_load %arg9[%parallel_loop3A_331, %parallel_loop3A_332] {strides = array<i32>} : memref<400x64xi32, #tpu.memory_space<vmem>>, vector<16xi32>,
      %parallel_loop3A_334 = vector.bitcast %parallel_loop3A_333 : vector<16xi32> to vector<32xbf16>
      %parallel_loop3A_335 = arith.mulf %parallel_loop3A_330, %parallel_loop3A_334 : vector<32xbf16>
      %parallel_loop3A_336 = arith.addf %parallel_loop3A_326, %parallel_loop3A_335 : vector<32xbf16>
      %parallel_loop3A_337 = tpu.unpack_subelements %parallel_loop3A_336, 0 {pack_format = #tpu.pack_format<interleaved>} : vector<32xbf16> -> vector<16xf32>
      %parallel_loop3A_338 = tpu.unpack_subelements %parallel_loop3A_336, 1 {pack_format = #tpu.pack_format<interleaved>} : vector<32xbf16> -> vector<16xf32>
      %parallel_loop3A_339 = arith.addf %parallel_loop3A_337, %parallel_loop3A_338 : vector<16xf32>
      %parallel_loop3A_340 = arith.index_cast %parallel_loop3A_297 : i32 to index
      %parallel_loop3A_341 = arith.constant 0 : index
      %parallel_loop3A_342 = tpu.vector_load %arg11[%parallel_loop3A_340, %parallel_loop3A_341] {strides = array<i32>} : memref<400x16xf32, #tpu.memory_space<vmem>>, vector<16xf32>,
      tpu.vector_store %arg11[%parallel_loop3A_340, %parallel_loop3A_341], %parallel_loop3A_339 {strides = array<i32>} : memref<400x16xf32, #tpu.memory_space<vmem>>, vector<16xf32>,
      %parallel_loop3A_343 = arith.constant 6 : i32
      %parallel_loop3A_344 = arith.addi %parallel_loop3A_60, %parallel_loop3A_343 : i32
      %parallel_loop3A_345 = arith.index_cast %parallel_loop3A_344 : i32 to index
      %parallel_loop3A_346 = arith.constant 0 : index
      %parallel_loop3A_347 = tpu.vector_load %arg7[%parallel_loop3A_345, %parallel_loop3A_346] {strides = array<i32>} : memref<400x64xi32, #tpu.memory_space<vmem>>, vector<16xi32>,
      %parallel_loop3A_348 = vector.bitcast %parallel_loop3A_347 : vector<16xi32> to vector<32xbf16>
      %parallel_loop3A_349 = arith.index_cast %parallel_loop3A_344 : i32 to index
      %parallel_loop3A_350 = arith.constant 0 : index
      %parallel_loop3A_351 = tpu.vector_load %arg9[%parallel_loop3A_349, %parallel_loop3A_350] {strides = array<i32>} : memref<400x64xi32, #tpu.memory_space<vmem>>, vector<16xi32>,
      %parallel_loop3A_352 = vector.bitcast %parallel_loop3A_351 : vector<16xi32> to vector<32xbf16>
      %parallel_loop3A_353 = arith.mulf %parallel_loop3A_348, %parallel_loop3A_352 : vector<32xbf16>
      %parallel_loop3A_354 = arith.index_cast %parallel_loop3A_344 : i32 to index
      %parallel_loop3A_355 = arith.constant 16 : index
      %parallel_loop3A_356 = tpu.vector_load %arg7[%parallel_loop3A_354, %parallel_loop3A_355] {strides = array<i32>} : memref<400x64xi32, #tpu.memory_space<vmem>>, vector<16xi32>,
      %parallel_loop3A_357 = vector.bitcast %parallel_loop3A_356 : vector<16xi32> to vector<32xbf16>
      %parallel_loop3A_358 = arith.index_cast %parallel_loop3A_344 : i32 to index
      %parallel_loop3A_359 = arith.constant 16 : index
      %parallel_loop3A_360 = tpu.vector_load %arg9[%parallel_loop3A_358, %parallel_loop3A_359] {strides = array<i32>} : memref<400x64xi32, #tpu.memory_space<vmem>>, vector<16xi32>,
      %parallel_loop3A_361 = vector.bitcast %parallel_loop3A_360 : vector<16xi32> to vector<32xbf16>
      %parallel_loop3A_362 = arith.mulf %parallel_loop3A_357, %parallel_loop3A_361 : vector<32xbf16>
      %parallel_loop3A_363 = arith.addf %parallel_loop3A_353, %parallel_loop3A_362 : vector<32xbf16>
      %parallel_loop3A_364 = arith.index_cast %parallel_loop3A_344 : i32 to index
      %parallel_loop3A_365 = arith.constant 32 : index
      %parallel_loop3A_366 = tpu.vector_load %arg7[%parallel_loop3A_364, %parallel_loop3A_365] {strides = array<i32>} : memref<400x64xi32, #tpu.memory_space<vmem>>, vector<16xi32>,
      %parallel_loop3A_367 = vector.bitcast %parallel_loop3A_366 : vector<16xi32> to vector<32xbf16>
      %parallel_loop3A_368 = arith.index_cast %parallel_loop3A_344 : i32 to index
      %parallel_loop3A_369 = arith.constant 32 : index
      %parallel_loop3A_370 = tpu.vector_load %arg9[%parallel_loop3A_368, %parallel_loop3A_369] {strides = array<i32>} : memref<400x64xi32, #tpu.memory_space<vmem>>, vector<16xi32>,
      %parallel_loop3A_371 = vector.bitcast %parallel_loop3A_370 : vector<16xi32> to vector<32xbf16>
      %parallel_loop3A_372 = arith.mulf %parallel_loop3A_367, %parallel_loop3A_371 : vector<32xbf16>
      %parallel_loop3A_373 = arith.addf %parallel_loop3A_363, %parallel_loop3A_372 : vector<32xbf16>
      %parallel_loop3A_374 = arith.index_cast %parallel_loop3A_344 : i32 to index
      %parallel_loop3A_375 = arith.constant 48 : index
      %parallel_loop3A_376 = tpu.vector_load %arg7[%parallel_loop3A_374, %parallel_loop3A_375] {strides = array<i32>} : memref<400x64xi32, #tpu.memory_space<vmem>>, vector<16xi32>,
      %parallel_loop3A_377 = vector.bitcast %parallel_loop3A_376 : vector<16xi32> to vector<32xbf16>
      %parallel_loop3A_378 = arith.index_cast %parallel_loop3A_344 : i32 to index
      %parallel_loop3A_379 = arith.constant 48 : index
      %parallel_loop3A_380 = tpu.vector_load %arg9[%parallel_loop3A_378, %parallel_loop3A_379] {strides = array<i32>} : memref<400x64xi32, #tpu.memory_space<vmem>>, vector<16xi32>,
      %parallel_loop3A_381 = vector.bitcast %parallel_loop3A_380 : vector<16xi32> to vector<32xbf16>
      %parallel_loop3A_382 = arith.mulf %parallel_loop3A_377, %parallel_loop3A_381 : vector<32xbf16>
      %parallel_loop3A_383 = arith.addf %parallel_loop3A_373, %parallel_loop3A_382 : vector<32xbf16>
      %parallel_loop3A_384 = tpu.unpack_subelements %parallel_loop3A_383, 0 {pack_format = #tpu.pack_format<interleaved>} : vector<32xbf16> -> vector<16xf32>
      %parallel_loop3A_385 = tpu.unpack_subelements %parallel_loop3A_383, 1 {pack_format = #tpu.pack_format<interleaved>} : vector<32xbf16> -> vector<16xf32>
      %parallel_loop3A_386 = arith.addf %parallel_loop3A_384, %parallel_loop3A_385 : vector<16xf32>
      %parallel_loop3A_387 = arith.index_cast %parallel_loop3A_344 : i32 to index
      %parallel_loop3A_388 = arith.constant 0 : index
      %parallel_loop3A_389 = tpu.vector_load %arg11[%parallel_loop3A_387, %parallel_loop3A_388] {strides = array<i32>} : memref<400x16xf32, #tpu.memory_space<vmem>>, vector<16xf32>,
      tpu.vector_store %arg11[%parallel_loop3A_387, %parallel_loop3A_388], %parallel_loop3A_386 {strides = array<i32>} : memref<400x16xf32, #tpu.memory_space<vmem>>, vector<16xf32>,
      %parallel_loop3A_390 = arith.constant 7 : i32
      %parallel_loop3A_391 = arith.addi %parallel_loop3A_60, %parallel_loop3A_390 : i32
      %parallel_loop3A_392 = arith.index_cast %parallel_loop3A_391 : i32 to index
      %parallel_loop3A_393 = arith.constant 0 : index
      %parallel_loop3A_394 = tpu.vector_load %arg7[%parallel_loop3A_392, %parallel_loop3A_393] {strides = array<i32>} : memref<400x64xi32, #tpu.memory_space<vmem>>, vector<16xi32>,
      %parallel_loop3A_395 = vector.bitcast %parallel_loop3A_394 : vector<16xi32> to vector<32xbf16>
      %parallel_loop3A_396 = arith.index_cast %parallel_loop3A_391 : i32 to index
      %parallel_loop3A_397 = arith.constant 0 : index
      %parallel_loop3A_398 = tpu.vector_load %arg9[%parallel_loop3A_396, %parallel_loop3A_397] {strides = array<i32>} : memref<400x64xi32, #tpu.memory_space<vmem>>, vector<16xi32>,
      %parallel_loop3A_399 = vector.bitcast %parallel_loop3A_398 : vector<16xi32> to vector<32xbf16>
      %parallel_loop3A_400 = arith.mulf %parallel_loop3A_395, %parallel_loop3A_399 : vector<32xbf16>
      %parallel_loop3A_401 = arith.index_cast %parallel_loop3A_391 : i32 to index
      %parallel_loop3A_402 = arith.constant 16 : index
      %parallel_loop3A_403 = tpu.vector_load %arg7[%parallel_loop3A_401, %parallel_loop3A_402] {strides = array<i32>} : memref<400x64xi32, #tpu.memory_space<vmem>>, vector<16xi32>,
      %parallel_loop3A_404 = vector.bitcast %parallel_loop3A_403 : vector<16xi32> to vector<32xbf16>
      %parallel_loop3A_405 = arith.index_cast %parallel_loop3A_391 : i32 to index
      %parallel_loop3A_406 = arith.constant 16 : index
      %parallel_loop3A_407 = tpu.vector_load %arg9[%parallel_loop3A_405, %parallel_loop3A_406] {strides = array<i32>} : memref<400x64xi32, #tpu.memory_space<vmem>>, vector<16xi32>,
      %parallel_loop3A_408 = vector.bitcast %parallel_loop3A_407 : vector<16xi32> to vector<32xbf16>
      %parallel_loop3A_409 = arith.mulf %parallel_loop3A_404, %parallel_loop3A_408 : vector<32xbf16>
      %parallel_loop3A_410 = arith.addf %parallel_loop3A_400, %parallel_loop3A_409 : vector<32xbf16>
      %parallel_loop3A_411 = arith.index_cast %parallel_loop3A_391 : i32 to index
      %parallel_loop3A_412 = arith.constant 32 : index
      %parallel_loop3A_413 = tpu.vector_load %arg7[%parallel_loop3A_411, %parallel_loop3A_412] {strides = array<i32>} : memref<400x64xi32, #tpu.memory_space<vmem>>, vector<16xi32>,
      %parallel_loop3A_414 = vector.bitcast %parallel_loop3A_413 : vector<16xi32> to vector<32xbf16>
      %parallel_loop3A_415 = arith.index_cast %parallel_loop3A_391 : i32 to index
      %parallel_loop3A_416 = arith.constant 32 : index
      %parallel_loop3A_417 = tpu.vector_load %arg9[%parallel_loop3A_415, %parallel_loop3A_416] {strides = array<i32>} : memref<400x64xi32, #tpu.memory_space<vmem>>, vector<16xi32>,
      %parallel_loop3A_418 = vector.bitcast %parallel_loop3A_417 : vector<16xi32> to vector<32xbf16>
      %parallel_loop3A_419 = arith.mulf %parallel_loop3A_414, %parallel_loop3A_418 : vector<32xbf16>
      %parallel_loop3A_420 = arith.addf %parallel_loop3A_410, %parallel_loop3A_419 : vector<32xbf16>
      %parallel_loop3A_421 = arith.index_cast %parallel_loop3A_391 : i32 to index
      %parallel_loop3A_422 = arith.constant 48 : index
      %parallel_loop3A_423 = tpu.vector_load %arg7[%parallel_loop3A_421, %parallel_loop3A_422] {strides = array<i32>} : memref<400x64xi32, #tpu.memory_space<vmem>>, vector<16xi32>,
      %parallel_loop3A_424 = vector.bitcast %parallel_loop3A_423 : vector<16xi32> to vector<32xbf16>
      %parallel_loop3A_425 = arith.index_cast %parallel_loop3A_391 : i32 to index
      %parallel_loop3A_426 = arith.constant 48 : index
      %parallel_loop3A_427 = tpu.vector_load %arg9[%parallel_loop3A_425, %parallel_loop3A_426] {strides = array<i32>} : memref<400x64xi32, #tpu.memory_space<vmem>>, vector<16xi32>,
      %parallel_loop3A_428 = vector.bitcast %parallel_loop3A_427 : vector<16xi32> to vector<32xbf16>
      %parallel_loop3A_429 = arith.mulf %parallel_loop3A_424, %parallel_loop3A_428 : vector<32xbf16>
      %parallel_loop3A_430 = arith.addf %parallel_loop3A_420, %parallel_loop3A_429 : vector<32xbf16>
      %parallel_loop3A_431 = tpu.unpack_subelements %parallel_loop3A_430, 0 {pack_format = #tpu.pack_format<interleaved>} : vector<32xbf16> -> vector<16xf32>
      %parallel_loop3A_432 = tpu.unpack_subelements %parallel_loop3A_430, 1 {pack_format = #tpu.pack_format<interleaved>} : vector<32xbf16> -> vector<16xf32>
      %parallel_loop3A_433 = arith.addf %parallel_loop3A_431, %parallel_loop3A_432 : vector<16xf32>
      %parallel_loop3A_434 = arith.index_cast %parallel_loop3A_391 : i32 to index
      %parallel_loop3A_435 = arith.constant 0 : index
      %parallel_loop3A_436 = tpu.vector_load %arg11[%parallel_loop3A_434, %parallel_loop3A_435] {strides = array<i32>} : memref<400x16xf32, #tpu.memory_space<vmem>>, vector<16xf32>,
      tpu.vector_store %arg11[%parallel_loop3A_434, %parallel_loop3A_435], %parallel_loop3A_433 {strides = array<i32>} : memref<400x16xf32, #tpu.memory_space<vmem>>, vector<16xf32>,
      %parallel_loop3A_437 = arith.constant 8 : i32
      %parallel_loop3A_438 = arith.addi %parallel_loop3A_60, %parallel_loop3A_437 : i32
      %parallel_loop3A_439 = arith.index_cast %parallel_loop3A_438 : i32 to index
      %parallel_loop3A_440 = arith.constant 0 : index
      %parallel_loop3A_441 = tpu.vector_load %arg7[%parallel_loop3A_439, %parallel_loop3A_440] {strides = array<i32>} : memref<400x64xi32, #tpu.memory_space<vmem>>, vector<16xi32>,
      %parallel_loop3A_442 = vector.bitcast %parallel_loop3A_441 : vector<16xi32> to vector<32xbf16>
      %parallel_loop3A_443 = arith.index_cast %parallel_loop3A_438 : i32 to index
      %parallel_loop3A_444 = arith.constant 0 : index
      %parallel_loop3A_445 = tpu.vector_load %arg9[%parallel_loop3A_443, %parallel_loop3A_444] {strides = array<i32>} : memref<400x64xi32, #tpu.memory_space<vmem>>, vector<16xi32>,
      %parallel_loop3A_446 = vector.bitcast %parallel_loop3A_445 : vector<16xi32> to vector<32xbf16>
      %parallel_loop3A_447 = arith.mulf %parallel_loop3A_442, %parallel_loop3A_446 : vector<32xbf16>
      %parallel_loop3A_448 = arith.index_cast %parallel_loop3A_438 : i32 to index
      %parallel_loop3A_449 = arith.constant 16 : index
      %parallel_loop3A_450 = tpu.vector_load %arg7[%parallel_loop3A_448, %parallel_loop3A_449] {strides = array<i32>} : memref<400x64xi32, #tpu.memory_space<vmem>>, vector<16xi32>,
      %parallel_loop3A_451 = vector.bitcast %parallel_loop3A_450 : vector<16xi32> to vector<32xbf16>
      %parallel_loop3A_452 = arith.index_cast %parallel_loop3A_438 : i32 to index
      %parallel_loop3A_453 = arith.constant 16 : index
      %parallel_loop3A_454 = tpu.vector_load %arg9[%parallel_loop3A_452, %parallel_loop3A_453] {strides = array<i32>} : memref<400x64xi32, #tpu.memory_space<vmem>>, vector<16xi32>,
      %parallel_loop3A_455 = vector.bitcast %parallel_loop3A_454 : vector<16xi32> to vector<32xbf16>
      %parallel_loop3A_456 = arith.mulf %parallel_loop3A_451, %parallel_loop3A_455 : vector<32xbf16>
      %parallel_loop3A_457 = arith.addf %parallel_loop3A_447, %parallel_loop3A_456 : vector<32xbf16>
      %parallel_loop3A_458 = arith.index_cast %parallel_loop3A_438 : i32 to index
      %parallel_loop3A_459 = arith.constant 32 : index
      %parallel_loop3A_460 = tpu.vector_load %arg7[%parallel_loop3A_458, %parallel_loop3A_459] {strides = array<i32>} : memref<400x64xi32, #tpu.memory_space<vmem>>, vector<16xi32>,
      %parallel_loop3A_461 = vector.bitcast %parallel_loop3A_460 : vector<16xi32> to vector<32xbf16>
      %parallel_loop3A_462 = arith.index_cast %parallel_loop3A_438 : i32 to index
      %parallel_loop3A_463 = arith.constant 32 : index
      %parallel_loop3A_464 = tpu.vector_load %arg9[%parallel_loop3A_462, %parallel_loop3A_463] {strides = array<i32>} : memref<400x64xi32, #tpu.memory_space<vmem>>, vector<16xi32>,
      %parallel_loop3A_465 = vector.bitcast %parallel_loop3A_464 : vector<16xi32> to vector<32xbf16>
      %parallel_loop3A_466 = arith.mulf %parallel_loop3A_461, %parallel_loop3A_465 : vector<32xbf16>
      %parallel_loop3A_467 = arith.addf %parallel_loop3A_457, %parallel_loop3A_466 : vector<32xbf16>
      %parallel_loop3A_468 = arith.index_cast %parallel_loop3A_438 : i32 to index
      %parallel_loop3A_469 = arith.constant 48 : index
      %parallel_loop3A_470 = tpu.vector_load %arg7[%parallel_loop3A_468, %parallel_loop3A_469] {strides = array<i32>} : memref<400x64xi32, #tpu.memory_space<vmem>>, vector<16xi32>,
      %parallel_loop3A_471 = vector.bitcast %parallel_loop3A_470 : vector<16xi32> to vector<32xbf16>
      %parallel_loop3A_472 = arith.index_cast %parallel_loop3A_438 : i32 to index
      %parallel_loop3A_473 = arith.constant 48 : index
      %parallel_loop3A_474 = tpu.vector_load %arg9[%parallel_loop3A_472, %parallel_loop3A_473] {strides = array<i32>} : memref<400x64xi32, #tpu.memory_space<vmem>>, vector<16xi32>,
      %parallel_loop3A_475 = vector.bitcast %parallel_loop3A_474 : vector<16xi32> to vector<32xbf16>
      %parallel_loop3A_476 = arith.mulf %parallel_loop3A_471, %parallel_loop3A_475 : vector<32xbf16>
      %parallel_loop3A_477 = arith.addf %parallel_loop3A_467, %parallel_loop3A_476 : vector<32xbf16>
      %parallel_loop3A_478 = tpu.unpack_subelements %parallel_loop3A_477, 0 {pack_format = #tpu.pack_format<interleaved>} : vector<32xbf16> -> vector<16xf32>
      %parallel_loop3A_479 = tpu.unpack_subelements %parallel_loop3A_477, 1 {pack_format = #tpu.pack_format<interleaved>} : vector<32xbf16> -> vector<16xf32>
      %parallel_loop3A_480 = arith.addf %parallel_loop3A_478, %parallel_loop3A_479 : vector<16xf32>
      %parallel_loop3A_481 = arith.index_cast %parallel_loop3A_438 : i32 to index
      %parallel_loop3A_482 = arith.constant 0 : index
      %parallel_loop3A_483 = tpu.vector_load %arg11[%parallel_loop3A_481, %parallel_loop3A_482] {strides = array<i32>} : memref<400x16xf32, #tpu.memory_space<vmem>>, vector<16xf32>,
      tpu.vector_store %arg11[%parallel_loop3A_481, %parallel_loop3A_482], %parallel_loop3A_480 {strides = array<i32>} : memref<400x16xf32, #tpu.memory_space<vmem>>, vector<16xf32>,
      %parallel_loop3A_484 = arith.constant 9 : i32
      %parallel_loop3A_485 = arith.addi %parallel_loop3A_60, %parallel_loop3A_484 : i32
      %parallel_loop3A_486 = arith.index_cast %parallel_loop3A_485 : i32 to index
      %parallel_loop3A_487 = arith.constant 0 : index
      %parallel_loop3A_488 = tpu.vector_load %arg7[%parallel_loop3A_486, %parallel_loop3A_487] {strides = array<i32>} : memref<400x64xi32, #tpu.memory_space<vmem>>, vector<16xi32>,
      %parallel_loop3A_489 = vector.bitcast %parallel_loop3A_488 : vector<16xi32> to vector<32xbf16>
      %parallel_loop3A_490 = arith.index_cast %parallel_loop3A_485 : i32 to index
      %parallel_loop3A_491 = arith.constant 0 : index
      %parallel_loop3A_492 = tpu.vector_load %arg9[%parallel_loop3A_490, %parallel_loop3A_491] {strides = array<i32>} : memref<400x64xi32, #tpu.memory_space<vmem>>, vector<16xi32>,
      %parallel_loop3A_493 = vector.bitcast %parallel_loop3A_492 : vector<16xi32> to vector<32xbf16>
      %parallel_loop3A_494 = arith.mulf %parallel_loop3A_489, %parallel_loop3A_493 : vector<32xbf16>
      %parallel_loop3A_495 = arith.index_cast %parallel_loop3A_485 : i32 to index
      %parallel_loop3A_496 = arith.constant 16 : index
      %parallel_loop3A_497 = tpu.vector_load %arg7[%parallel_loop3A_495, %parallel_loop3A_496] {strides = array<i32>} : memref<400x64xi32, #tpu.memory_space<vmem>>, vector<16xi32>,
      %parallel_loop3A_498 = vector.bitcast %parallel_loop3A_497 : vector<16xi32> to vector<32xbf16>
      %parallel_loop3A_499 = arith.index_cast %parallel_loop3A_485 : i32 to index
      %parallel_loop3A_500 = arith.constant 16 : index
      %parallel_loop3A_501 = tpu.vector_load %arg9[%parallel_loop3A_499, %parallel_loop3A_500] {strides = array<i32>} : memref<400x64xi32, #tpu.memory_space<vmem>>, vector<16xi32>,
      %parallel_loop3A_502 = vector.bitcast %parallel_loop3A_501 : vector<16xi32> to vector<32xbf16>
      %parallel_loop3A_503 = arith.mulf %parallel_loop3A_498, %parallel_loop3A_502 : vector<32xbf16>
      %parallel_loop3A_504 = arith.addf %parallel_loop3A_494, %parallel_loop3A_503 : vector<32xbf16>
      %parallel_loop3A_505 = arith.index_cast %parallel_loop3A_485 : i32 to index
      %parallel_loop3A_506 = arith.constant 32 : index
      %parallel_loop3A_507 = tpu.vector_load %arg7[%parallel_loop3A_505, %parallel_loop3A_506] {strides = array<i32>} : memref<400x64xi32, #tpu.memory_space<vmem>>, vector<16xi32>,
      %parallel_loop3A_508 = vector.bitcast %parallel_loop3A_507 : vector<16xi32> to vector<32xbf16>
      %parallel_loop3A_509 = arith.index_cast %parallel_loop3A_485 : i32 to index
      %parallel_loop3A_510 = arith.constant 32 : index
      %parallel_loop3A_511 = tpu.vector_load %arg9[%parallel_loop3A_509, %parallel_loop3A_510] {strides = array<i32>} : memref<400x64xi32, #tpu.memory_space<vmem>>, vector<16xi32>,
      %parallel_loop3A_512 = vector.bitcast %parallel_loop3A_511 : vector<16xi32> to vector<32xbf16>
      %parallel_loop3A_513 = arith.mulf %parallel_loop3A_508, %parallel_loop3A_512 : vector<32xbf16>
      %parallel_loop3A_514 = arith.addf %parallel_loop3A_504, %parallel_loop3A_513 : vector<32xbf16>
      %parallel_loop3A_515 = arith.index_cast %parallel_loop3A_485 : i32 to index
      %parallel_loop3A_516 = arith.constant 48 : index
      %parallel_loop3A_517 = tpu.vector_load %arg7[%parallel_loop3A_515, %parallel_loop3A_516] {strides = array<i32>} : memref<400x64xi32, #tpu.memory_space<vmem>>, vector<16xi32>,
      %parallel_loop3A_518 = vector.bitcast %parallel_loop3A_517 : vector<16xi32> to vector<32xbf16>
      %parallel_loop3A_519 = arith.index_cast %parallel_loop3A_485 : i32 to index
      %parallel_loop3A_520 = arith.constant 48 : index
      %parallel_loop3A_521 = tpu.vector_load %arg9[%parallel_loop3A_519, %parallel_loop3A_520] {strides = array<i32>} : memref<400x64xi32, #tpu.memory_space<vmem>>, vector<16xi32>,
      %parallel_loop3A_522 = vector.bitcast %parallel_loop3A_521 : vector<16xi32> to vector<32xbf16>
      %parallel_loop3A_523 = arith.mulf %parallel_loop3A_518, %parallel_loop3A_522 : vector<32xbf16>
      %parallel_loop3A_524 = arith.addf %parallel_loop3A_514, %parallel_loop3A_523 : vector<32xbf16>
      %parallel_loop3A_525 = tpu.unpack_subelements %parallel_loop3A_524, 0 {pack_format = #tpu.pack_format<interleaved>} : vector<32xbf16> -> vector<16xf32>
      %parallel_loop3A_526 = tpu.unpack_subelements %parallel_loop3A_524, 1 {pack_format = #tpu.pack_format<interleaved>} : vector<32xbf16> -> vector<16xf32>
      %parallel_loop3A_527 = arith.addf %parallel_loop3A_525, %parallel_loop3A_526 : vector<16xf32>
      %parallel_loop3A_528 = arith.index_cast %parallel_loop3A_485 : i32 to index
      %parallel_loop3A_529 = arith.constant 0 : index
      %parallel_loop3A_530 = tpu.vector_load %arg11[%parallel_loop3A_528, %parallel_loop3A_529] {strides = array<i32>} : memref<400x16xf32, #tpu.memory_space<vmem>>, vector<16xf32>,
      tpu.vector_store %arg11[%parallel_loop3A_528, %parallel_loop3A_529], %parallel_loop3A_527 {strides = array<i32>} : memref<400x16xf32, #tpu.memory_space<vmem>>, vector<16xf32>,
      %parallel_loop3A_531 = arith.constant 10 : i32
      %parallel_loop3A_532 = arith.addi %parallel_loop3A_60, %parallel_loop3A_531 : i32
      %parallel_loop3A_533 = arith.index_cast %parallel_loop3A_532 : i32 to index
      %parallel_loop3A_534 = arith.constant 0 : index
      %parallel_loop3A_535 = tpu.vector_load %arg7[%parallel_loop3A_533, %parallel_loop3A_534] {strides = array<i32>} : memref<400x64xi32, #tpu.memory_space<vmem>>, vector<16xi32>,
      %parallel_loop3A_536 = vector.bitcast %parallel_loop3A_535 : vector<16xi32> to vector<32xbf16>
      %parallel_loop3A_537 = arith.index_cast %parallel_loop3A_532 : i32 to index
      %parallel_loop3A_538 = arith.constant 0 : index
      %parallel_loop3A_539 = tpu.vector_load %arg9[%parallel_loop3A_537, %parallel_loop3A_538] {strides = array<i32>} : memref<400x64xi32, #tpu.memory_space<vmem>>, vector<16xi32>,
      %parallel_loop3A_540 = vector.bitcast %parallel_loop3A_539 : vector<16xi32> to vector<32xbf16>
      %parallel_loop3A_541 = arith.mulf %parallel_loop3A_536, %parallel_loop3A_540 : vector<32xbf16>
      %parallel_loop3A_542 = arith.index_cast %parallel_loop3A_532 : i32 to index
      %parallel_loop3A_543 = arith.constant 16 : index
      %parallel_loop3A_544 = tpu.vector_load %arg7[%parallel_loop3A_542, %parallel_loop3A_543] {strides = array<i32>} : memref<400x64xi32, #tpu.memory_space<vmem>>, vector<16xi32>,
      %parallel_loop3A_545 = vector.bitcast %parallel_loop3A_544 : vector<16xi32> to vector<32xbf16>
      %parallel_loop3A_546 = arith.index_cast %parallel_loop3A_532 : i32 to index
      %parallel_loop3A_547 = arith.constant 16 : index
      %parallel_loop3A_548 = tpu.vector_load %arg9[%parallel_loop3A_546, %parallel_loop3A_547] {strides = array<i32>} : memref<400x64xi32, #tpu.memory_space<vmem>>, vector<16xi32>,
      %parallel_loop3A_549 = vector.bitcast %parallel_loop3A_548 : vector<16xi32> to vector<32xbf16>
      %parallel_loop3A_550 = arith.mulf %parallel_loop3A_545, %parallel_loop3A_549 : vector<32xbf16>
      %parallel_loop3A_551 = arith.addf %parallel_loop3A_541, %parallel_loop3A_550 : vector<32xbf16>
      %parallel_loop3A_552 = arith.index_cast %parallel_loop3A_532 : i32 to index
      %parallel_loop3A_553 = arith.constant 32 : index
      %parallel_loop3A_554 = tpu.vector_load %arg7[%parallel_loop3A_552, %parallel_loop3A_553] {strides = array<i32>} : memref<400x64xi32, #tpu.memory_space<vmem>>, vector<16xi32>,
      %parallel_loop3A_555 = vector.bitcast %parallel_loop3A_554 : vector<16xi32> to vector<32xbf16>
      %parallel_loop3A_556 = arith.index_cast %parallel_loop3A_532 : i32 to index
      %parallel_loop3A_557 = arith.constant 32 : index
      %parallel_loop3A_558 = tpu.vector_load %arg9[%parallel_loop3A_556, %parallel_loop3A_557] {strides = array<i32>} : memref<400x64xi32, #tpu.memory_space<vmem>>, vector<16xi32>,
      %parallel_loop3A_559 = vector.bitcast %parallel_loop3A_558 : vector<16xi32> to vector<32xbf16>
      %parallel_loop3A_560 = arith.mulf %parallel_loop3A_555, %parallel_loop3A_559 : vector<32xbf16>
      %parallel_loop3A_561 = arith.addf %parallel_loop3A_551, %parallel_loop3A_560 : vector<32xbf16>
      %parallel_loop3A_562 = arith.index_cast %parallel_loop3A_532 : i32 to index
      %parallel_loop3A_563 = arith.constant 48 : index
      %parallel_loop3A_564 = tpu.vector_load %arg7[%parallel_loop3A_562, %parallel_loop3A_563] {strides = array<i32>} : memref<400x64xi32, #tpu.memory_space<vmem>>, vector<16xi32>,
      %parallel_loop3A_565 = vector.bitcast %parallel_loop3A_564 : vector<16xi32> to vector<32xbf16>
      %parallel_loop3A_566 = arith.index_cast %parallel_loop3A_532 : i32 to index
      %parallel_loop3A_567 = arith.constant 48 : index
      %parallel_loop3A_568 = tpu.vector_load %arg9[%parallel_loop3A_566, %parallel_loop3A_567] {strides = array<i32>} : memref<400x64xi32, #tpu.memory_space<vmem>>, vector<16xi32>,
      %parallel_loop3A_569 = vector.bitcast %parallel_loop3A_568 : vector<16xi32> to vector<32xbf16>
      %parallel_loop3A_570 = arith.mulf %parallel_loop3A_565, %parallel_loop3A_569 : vector<32xbf16>
      %parallel_loop3A_571 = arith.addf %parallel_loop3A_561, %parallel_loop3A_570 : vector<32xbf16>
      %parallel_loop3A_572 = tpu.unpack_subelements %parallel_loop3A_571, 0 {pack_format = #tpu.pack_format<interleaved>} : vector<32xbf16> -> vector<16xf32>
      %parallel_loop3A_573 = tpu.unpack_subelements %parallel_loop3A_571, 1 {pack_format = #tpu.pack_format<interleaved>} : vector<32xbf16> -> vector<16xf32>
      %parallel_loop3A_574 = arith.addf %parallel_loop3A_572, %parallel_loop3A_573 : vector<16xf32>
      %parallel_loop3A_575 = arith.index_cast %parallel_loop3A_532 : i32 to index
      %parallel_loop3A_576 = arith.constant 0 : index
      %parallel_loop3A_577 = tpu.vector_load %arg11[%parallel_loop3A_575, %parallel_loop3A_576] {strides = array<i32>} : memref<400x16xf32, #tpu.memory_space<vmem>>, vector<16xf32>,
      tpu.vector_store %arg11[%parallel_loop3A_575, %parallel_loop3A_576], %parallel_loop3A_574 {strides = array<i32>} : memref<400x16xf32, #tpu.memory_space<vmem>>, vector<16xf32>,
      %parallel_loop3A_578 = arith.constant 11 : i32
      %parallel_loop3A_579 = arith.addi %parallel_loop3A_60, %parallel_loop3A_578 : i32
      %parallel_loop3A_580 = arith.index_cast %parallel_loop3A_579 : i32 to index
      %parallel_loop3A_581 = arith.constant 0 : index
      %parallel_loop3A_582 = tpu.vector_load %arg7[%parallel_loop3A_580, %parallel_loop3A_581] {strides = array<i32>} : memref<400x64xi32, #tpu.memory_space<vmem>>, vector<16xi32>,
      %parallel_loop3A_583 = vector.bitcast %parallel_loop3A_582 : vector<16xi32> to vector<32xbf16>
      %parallel_loop3A_584 = arith.index_cast %parallel_loop3A_579 : i32 to index
      %parallel_loop3A_585 = arith.constant 0 : index
      %parallel_loop3A_586 = tpu.vector_load %arg9[%parallel_loop3A_584, %parallel_loop3A_585] {strides = array<i32>} : memref<400x64xi32, #tpu.memory_space<vmem>>, vector<16xi32>,
      %parallel_loop3A_587 = vector.bitcast %parallel_loop3A_586 : vector<16xi32> to vector<32xbf16>
      %parallel_loop3A_588 = arith.mulf %parallel_loop3A_583, %parallel_loop3A_587 : vector<32xbf16>
      %parallel_loop3A_589 = arith.index_cast %parallel_loop3A_579 : i32 to index
      %parallel_loop3A_590 = arith.constant 16 : index
      %parallel_loop3A_591 = tpu.vector_load %arg7[%parallel_loop3A_589, %parallel_loop3A_590] {strides = array<i32>} : memref<400x64xi32, #tpu.memory_space<vmem>>, vector<16xi32>,
      %parallel_loop3A_592 = vector.bitcast %parallel_loop3A_591 : vector<16xi32> to vector<32xbf16>
      %parallel_loop3A_593 = arith.index_cast %parallel_loop3A_579 : i32 to index
      %parallel_loop3A_594 = arith.constant 16 : index
      %parallel_loop3A_595 = tpu.vector_load %arg9[%parallel_loop3A_593, %parallel_loop3A_594] {strides = array<i32>} : memref<400x64xi32, #tpu.memory_space<vmem>>, vector<16xi32>,
      %parallel_loop3A_596 = vector.bitcast %parallel_loop3A_595 : vector<16xi32> to vector<32xbf16>
      %parallel_loop3A_597 = arith.mulf %parallel_loop3A_592, %parallel_loop3A_596 : vector<32xbf16>
      %parallel_loop3A_598 = arith.addf %parallel_loop3A_588, %parallel_loop3A_597 : vector<32xbf16>
      %parallel_loop3A_599 = arith.index_cast %parallel_loop3A_579 : i32 to index
      %parallel_loop3A_600 = arith.constant 32 : index
      %parallel_loop3A_601 = tpu.vector_load %arg7[%parallel_loop3A_599, %parallel_loop3A_600] {strides = array<i32>} : memref<400x64xi32, #tpu.memory_space<vmem>>, vector<16xi32>,
      %parallel_loop3A_602 = vector.bitcast %parallel_loop3A_601 : vector<16xi32> to vector<32xbf16>
      %parallel_loop3A_603 = arith.index_cast %parallel_loop3A_579 : i32 to index
      %parallel_loop3A_604 = arith.constant 32 : index
      %parallel_loop3A_605 = tpu.vector_load %arg9[%parallel_loop3A_603, %parallel_loop3A_604] {strides = array<i32>} : memref<400x64xi32, #tpu.memory_space<vmem>>, vector<16xi32>,
      %parallel_loop3A_606 = vector.bitcast %parallel_loop3A_605 : vector<16xi32> to vector<32xbf16>
      %parallel_loop3A_607 = arith.mulf %parallel_loop3A_602, %parallel_loop3A_606 : vector<32xbf16>
      %parallel_loop3A_608 = arith.addf %parallel_loop3A_598, %parallel_loop3A_607 : vector<32xbf16>
      %parallel_loop3A_609 = arith.index_cast %parallel_loop3A_579 : i32 to index
      %parallel_loop3A_610 = arith.constant 48 : index
      %parallel_loop3A_611 = tpu.vector_load %arg7[%parallel_loop3A_609, %parallel_loop3A_610] {strides = array<i32>} : memref<400x64xi32, #tpu.memory_space<vmem>>, vector<16xi32>,
      %parallel_loop3A_612 = vector.bitcast %parallel_loop3A_611 : vector<16xi32> to vector<32xbf16>
      %parallel_loop3A_613 = arith.index_cast %parallel_loop3A_579 : i32 to index
      %parallel_loop3A_614 = arith.constant 48 : index
      %parallel_loop3A_615 = tpu.vector_load %arg9[%parallel_loop3A_613, %parallel_loop3A_614] {strides = array<i32>} : memref<400x64xi32, #tpu.memory_space<vmem>>, vector<16xi32>,
      %parallel_loop3A_616 = vector.bitcast %parallel_loop3A_615 : vector<16xi32> to vector<32xbf16>
      %parallel_loop3A_617 = arith.mulf %parallel_loop3A_612, %parallel_loop3A_616 : vector<32xbf16>
      %parallel_loop3A_618 = arith.addf %parallel_loop3A_608, %parallel_loop3A_617 : vector<32xbf16>
      %parallel_loop3A_619 = tpu.unpack_subelements %parallel_loop3A_618, 0 {pack_format = #tpu.pack_format<interleaved>} : vector<32xbf16> -> vector<16xf32>
      %parallel_loop3A_620 = tpu.unpack_subelements %parallel_loop3A_618, 1 {pack_format = #tpu.pack_format<interleaved>} : vector<32xbf16> -> vector<16xf32>
      %parallel_loop3A_621 = arith.addf %parallel_loop3A_619, %parallel_loop3A_620 : vector<16xf32>
      %parallel_loop3A_622 = arith.index_cast %parallel_loop3A_579 : i32 to index
      %parallel_loop3A_623 = arith.constant 0 : index
      %parallel_loop3A_624 = tpu.vector_load %arg11[%parallel_loop3A_622, %parallel_loop3A_623] {strides = array<i32>} : memref<400x16xf32, #tpu.memory_space<vmem>>, vector<16xf32>,
      tpu.vector_store %arg11[%parallel_loop3A_622, %parallel_loop3A_623], %parallel_loop3A_621 {strides = array<i32>} : memref<400x16xf32, #tpu.memory_space<vmem>>, vector<16xf32>,
      %parallel_loop3A_625 = arith.constant 12 : i32
      %parallel_loop3A_626 = arith.addi %parallel_loop3A_60, %parallel_loop3A_625 : i32
      %parallel_loop3A_627 = arith.index_cast %parallel_loop3A_626 : i32 to index
      %parallel_loop3A_628 = arith.constant 0 : index
      %parallel_loop3A_629 = tpu.vector_load %arg7[%parallel_loop3A_627, %parallel_loop3A_628] {strides = array<i32>} : memref<400x64xi32, #tpu.memory_space<vmem>>, vector<16xi32>,
      %parallel_loop3A_630 = vector.bitcast %parallel_loop3A_629 : vector<16xi32> to vector<32xbf16>
      %parallel_loop3A_631 = arith.index_cast %parallel_loop3A_626 : i32 to index
      %parallel_loop3A_632 = arith.constant 0 : index
      %parallel_loop3A_633 = tpu.vector_load %arg9[%parallel_loop3A_631, %parallel_loop3A_632] {strides = array<i32>} : memref<400x64xi32, #tpu.memory_space<vmem>>, vector<16xi32>,
      %parallel_loop3A_634 = vector.bitcast %parallel_loop3A_633 : vector<16xi32> to vector<32xbf16>
      %parallel_loop3A_635 = arith.mulf %parallel_loop3A_630, %parallel_loop3A_634 : vector<32xbf16>
      %parallel_loop3A_636 = arith.index_cast %parallel_loop3A_626 : i32 to index
      %parallel_loop3A_637 = arith.constant 16 : index
      %parallel_loop3A_638 = tpu.vector_load %arg7[%parallel_loop3A_636, %parallel_loop3A_637] {strides = array<i32>} : memref<400x64xi32, #tpu.memory_space<vmem>>, vector<16xi32>,
      %parallel_loop3A_639 = vector.bitcast %parallel_loop3A_638 : vector<16xi32> to vector<32xbf16>
      %parallel_loop3A_640 = arith.index_cast %parallel_loop3A_626 : i32 to index
      %parallel_loop3A_641 = arith.constant 16 : index
      %parallel_loop3A_642 = tpu.vector_load %arg9[%parallel_loop3A_640, %parallel_loop3A_641] {strides = array<i32>} : memref<400x64xi32, #tpu.memory_space<vmem>>, vector<16xi32>,
      %parallel_loop3A_643 = vector.bitcast %parallel_loop3A_642 : vector<16xi32> to vector<32xbf16>
      %parallel_loop3A_644 = arith.mulf %parallel_loop3A_639, %parallel_loop3A_643 : vector<32xbf16>
      %parallel_loop3A_645 = arith.addf %parallel_loop3A_635, %parallel_loop3A_644 : vector<32xbf16>
      %parallel_loop3A_646 = arith.index_cast %parallel_loop3A_626 : i32 to index
      %parallel_loop3A_647 = arith.constant 32 : index
      %parallel_loop3A_648 = tpu.vector_load %arg7[%parallel_loop3A_646, %parallel_loop3A_647] {strides = array<i32>} : memref<400x64xi32, #tpu.memory_space<vmem>>, vector<16xi32>,
      %parallel_loop3A_649 = vector.bitcast %parallel_loop3A_648 : vector<16xi32> to vector<32xbf16>
      %parallel_loop3A_650 = arith.index_cast %parallel_loop3A_626 : i32 to index
      %parallel_loop3A_651 = arith.constant 32 : index
      %parallel_loop3A_652 = tpu.vector_load %arg9[%parallel_loop3A_650, %parallel_loop3A_651] {strides = array<i32>} : memref<400x64xi32, #tpu.memory_space<vmem>>, vector<16xi32>,
      %parallel_loop3A_653 = vector.bitcast %parallel_loop3A_652 : vector<16xi32> to vector<32xbf16>
      %parallel_loop3A_654 = arith.mulf %parallel_loop3A_649, %parallel_loop3A_653 : vector<32xbf16>
      %parallel_loop3A_655 = arith.addf %parallel_loop3A_645, %parallel_loop3A_654 : vector<32xbf16>
      %parallel_loop3A_656 = arith.index_cast %parallel_loop3A_626 : i32 to index
      %parallel_loop3A_657 = arith.constant 48 : index
      %parallel_loop3A_658 = tpu.vector_load %arg7[%parallel_loop3A_656, %parallel_loop3A_657] {strides = array<i32>} : memref<400x64xi32, #tpu.memory_space<vmem>>, vector<16xi32>,
      %parallel_loop3A_659 = vector.bitcast %parallel_loop3A_658 : vector<16xi32> to vector<32xbf16>
      %parallel_loop3A_660 = arith.index_cast %parallel_loop3A_626 : i32 to index
      %parallel_loop3A_661 = arith.constant 48 : index
      %parallel_loop3A_662 = tpu.vector_load %arg9[%parallel_loop3A_660, %parallel_loop3A_661] {strides = array<i32>} : memref<400x64xi32, #tpu.memory_space<vmem>>, vector<16xi32>,
      %parallel_loop3A_663 = vector.bitcast %parallel_loop3A_662 : vector<16xi32> to vector<32xbf16>
      %parallel_loop3A_664 = arith.mulf %parallel_loop3A_659, %parallel_loop3A_663 : vector<32xbf16>
      %parallel_loop3A_665 = arith.addf %parallel_loop3A_655, %parallel_loop3A_664 : vector<32xbf16>
      %parallel_loop3A_666 = tpu.unpack_subelements %parallel_loop3A_665, 0 {pack_format = #tpu.pack_format<interleaved>} : vector<32xbf16> -> vector<16xf32>
      %parallel_loop3A_667 = tpu.unpack_subelements %parallel_loop3A_665, 1 {pack_format = #tpu.pack_format<interleaved>} : vector<32xbf16> -> vector<16xf32>
      %parallel_loop3A_668 = arith.addf %parallel_loop3A_666, %parallel_loop3A_667 : vector<16xf32>
      %parallel_loop3A_669 = arith.index_cast %parallel_loop3A_626 : i32 to index
      %parallel_loop3A_670 = arith.constant 0 : index
      %parallel_loop3A_671 = tpu.vector_load %arg11[%parallel_loop3A_669, %parallel_loop3A_670] {strides = array<i32>} : memref<400x16xf32, #tpu.memory_space<vmem>>, vector<16xf32>,
      tpu.vector_store %arg11[%parallel_loop3A_669, %parallel_loop3A_670], %parallel_loop3A_668 {strides = array<i32>} : memref<400x16xf32, #tpu.memory_space<vmem>>, vector<16xf32>,
      %parallel_loop3A_672 = arith.constant 13 : i32
      %parallel_loop3A_673 = arith.addi %parallel_loop3A_60, %parallel_loop3A_672 : i32
      %parallel_loop3A_674 = arith.index_cast %parallel_loop3A_673 : i32 to index
      %parallel_loop3A_675 = arith.constant 0 : index
      %parallel_loop3A_676 = tpu.vector_load %arg7[%parallel_loop3A_674, %parallel_loop3A_675] {strides = array<i32>} : memref<400x64xi32, #tpu.memory_space<vmem>>, vector<16xi32>,
      %parallel_loop3A_677 = vector.bitcast %parallel_loop3A_676 : vector<16xi32> to vector<32xbf16>
      %parallel_loop3A_678 = arith.index_cast %parallel_loop3A_673 : i32 to index
      %parallel_loop3A_679 = arith.constant 0 : index
      %parallel_loop3A_680 = tpu.vector_load %arg9[%parallel_loop3A_678, %parallel_loop3A_679] {strides = array<i32>} : memref<400x64xi32, #tpu.memory_space<vmem>>, vector<16xi32>,
      %parallel_loop3A_681 = vector.bitcast %parallel_loop3A_680 : vector<16xi32> to vector<32xbf16>
      %parallel_loop3A_682 = arith.mulf %parallel_loop3A_677, %parallel_loop3A_681 : vector<32xbf16>
      %parallel_loop3A_683 = arith.index_cast %parallel_loop3A_673 : i32 to index
      %parallel_loop3A_684 = arith.constant 16 : index
      %parallel_loop3A_685 = tpu.vector_load %arg7[%parallel_loop3A_683, %parallel_loop3A_684] {strides = array<i32>} : memref<400x64xi32, #tpu.memory_space<vmem>>, vector<16xi32>,
      %parallel_loop3A_686 = vector.bitcast %parallel_loop3A_685 : vector<16xi32> to vector<32xbf16>
      %parallel_loop3A_687 = arith.index_cast %parallel_loop3A_673 : i32 to index
      %parallel_loop3A_688 = arith.constant 16 : index
      %parallel_loop3A_689 = tpu.vector_load %arg9[%parallel_loop3A_687, %parallel_loop3A_688] {strides = array<i32>} : memref<400x64xi32, #tpu.memory_space<vmem>>, vector<16xi32>,
      %parallel_loop3A_690 = vector.bitcast %parallel_loop3A_689 : vector<16xi32> to vector<32xbf16>
      %parallel_loop3A_691 = arith.mulf %parallel_loop3A_686, %parallel_loop3A_690 : vector<32xbf16>
      %parallel_loop3A_692 = arith.addf %parallel_loop3A_682, %parallel_loop3A_691 : vector<32xbf16>
      %parallel_loop3A_693 = arith.index_cast %parallel_loop3A_673 : i32 to index
      %parallel_loop3A_694 = arith.constant 32 : index
      %parallel_loop3A_695 = tpu.vector_load %arg7[%parallel_loop3A_693, %parallel_loop3A_694] {strides = array<i32>} : memref<400x64xi32, #tpu.memory_space<vmem>>, vector<16xi32>,
      %parallel_loop3A_696 = vector.bitcast %parallel_loop3A_695 : vector<16xi32> to vector<32xbf16>
      %parallel_loop3A_697 = arith.index_cast %parallel_loop3A_673 : i32 to index
      %parallel_loop3A_698 = arith.constant 32 : index
      %parallel_loop3A_699 = tpu.vector_load %arg9[%parallel_loop3A_697, %parallel_loop3A_698] {strides = array<i32>} : memref<400x64xi32, #tpu.memory_space<vmem>>, vector<16xi32>,
      %parallel_loop3A_700 = vector.bitcast %parallel_loop3A_699 : vector<16xi32> to vector<32xbf16>
      %parallel_loop3A_701 = arith.mulf %parallel_loop3A_696, %parallel_loop3A_700 : vector<32xbf16>
      %parallel_loop3A_702 = arith.addf %parallel_loop3A_692, %parallel_loop3A_701 : vector<32xbf16>
      %parallel_loop3A_703 = arith.index_cast %parallel_loop3A_673 : i32 to index
      %parallel_loop3A_704 = arith.constant 48 : index
      %parallel_loop3A_705 = tpu.vector_load %arg7[%parallel_loop3A_703, %parallel_loop3A_704] {strides = array<i32>} : memref<400x64xi32, #tpu.memory_space<vmem>>, vector<16xi32>,
      %parallel_loop3A_706 = vector.bitcast %parallel_loop3A_705 : vector<16xi32> to vector<32xbf16>
      %parallel_loop3A_707 = arith.index_cast %parallel_loop3A_673 : i32 to index
      %parallel_loop3A_708 = arith.constant 48 : index
      %parallel_loop3A_709 = tpu.vector_load %arg9[%parallel_loop3A_707, %parallel_loop3A_708] {strides = array<i32>} : memref<400x64xi32, #tpu.memory_space<vmem>>, vector<16xi32>,
      %parallel_loop3A_710 = vector.bitcast %parallel_loop3A_709 : vector<16xi32> to vector<32xbf16>
      %parallel_loop3A_711 = arith.mulf %parallel_loop3A_706, %parallel_loop3A_710 : vector<32xbf16>
      %parallel_loop3A_712 = arith.addf %parallel_loop3A_702, %parallel_loop3A_711 : vector<32xbf16>
      %parallel_loop3A_713 = tpu.unpack_subelements %parallel_loop3A_712, 0 {pack_format = #tpu.pack_format<interleaved>} : vector<32xbf16> -> vector<16xf32>
      %parallel_loop3A_714 = tpu.unpack_subelements %parallel_loop3A_712, 1 {pack_format = #tpu.pack_format<interleaved>} : vector<32xbf16> -> vector<16xf32>
      %parallel_loop3A_715 = arith.addf %parallel_loop3A_713, %parallel_loop3A_714 : vector<16xf32>
      %parallel_loop3A_716 = arith.index_cast %parallel_loop3A_673 : i32 to index
      %parallel_loop3A_717 = arith.constant 0 : index
      %parallel_loop3A_718 = tpu.vector_load %arg11[%parallel_loop3A_716, %parallel_loop3A_717] {strides = array<i32>} : memref<400x16xf32, #tpu.memory_space<vmem>>, vector<16xf32>,
      tpu.vector_store %arg11[%parallel_loop3A_716, %parallel_loop3A_717], %parallel_loop3A_715 {strides = array<i32>} : memref<400x16xf32, #tpu.memory_space<vmem>>, vector<16xf32>,
      %parallel_loop3A_719 = arith.constant 14 : i32
      %parallel_loop3A_720 = arith.addi %parallel_loop3A_60, %parallel_loop3A_719 : i32
      %parallel_loop3A_721 = arith.index_cast %parallel_loop3A_720 : i32 to index
      %parallel_loop3A_722 = arith.constant 0 : index
      %parallel_loop3A_723 = tpu.vector_load %arg7[%parallel_loop3A_721, %parallel_loop3A_722] {strides = array<i32>} : memref<400x64xi32, #tpu.memory_space<vmem>>, vector<16xi32>,
      %parallel_loop3A_724 = vector.bitcast %parallel_loop3A_723 : vector<16xi32> to vector<32xbf16>
      %parallel_loop3A_725 = arith.index_cast %parallel_loop3A_720 : i32 to index
      %parallel_loop3A_726 = arith.constant 0 : index
      %parallel_loop3A_727 = tpu.vector_load %arg9[%parallel_loop3A_725, %parallel_loop3A_726] {strides = array<i32>} : memref<400x64xi32, #tpu.memory_space<vmem>>, vector<16xi32>,
      %parallel_loop3A_728 = vector.bitcast %parallel_loop3A_727 : vector<16xi32> to vector<32xbf16>
      %parallel_loop3A_729 = arith.mulf %parallel_loop3A_724, %parallel_loop3A_728 : vector<32xbf16>
      %parallel_loop3A_730 = arith.index_cast %parallel_loop3A_720 : i32 to index
      %parallel_loop3A_731 = arith.constant 16 : index
      %parallel_loop3A_732 = tpu.vector_load %arg7[%parallel_loop3A_730, %parallel_loop3A_731] {strides = array<i32>} : memref<400x64xi32, #tpu.memory_space<vmem>>, vector<16xi32>,
      %parallel_loop3A_733 = vector.bitcast %parallel_loop3A_732 : vector<16xi32> to vector<32xbf16>
      %parallel_loop3A_734 = arith.index_cast %parallel_loop3A_720 : i32 to index
      %parallel_loop3A_735 = arith.constant 16 : index
      %parallel_loop3A_736 = tpu.vector_load %arg9[%parallel_loop3A_734, %parallel_loop3A_735] {strides = array<i32>} : memref<400x64xi32, #tpu.memory_space<vmem>>, vector<16xi32>,
      %parallel_loop3A_737 = vector.bitcast %parallel_loop3A_736 : vector<16xi32> to vector<32xbf16>
      %parallel_loop3A_738 = arith.mulf %parallel_loop3A_733, %parallel_loop3A_737 : vector<32xbf16>
      %parallel_loop3A_739 = arith.addf %parallel_loop3A_729, %parallel_loop3A_738 : vector<32xbf16>
      %parallel_loop3A_740 = arith.index_cast %parallel_loop3A_720 : i32 to index
      %parallel_loop3A_741 = arith.constant 32 : index
      %parallel_loop3A_742 = tpu.vector_load %arg7[%parallel_loop3A_740, %parallel_loop3A_741] {strides = array<i32>} : memref<400x64xi32, #tpu.memory_space<vmem>>, vector<16xi32>,
      %parallel_loop3A_743 = vector.bitcast %parallel_loop3A_742 : vector<16xi32> to vector<32xbf16>
      %parallel_loop3A_744 = arith.index_cast %parallel_loop3A_720 : i32 to index
      %parallel_loop3A_745 = arith.constant 32 : index
      %parallel_loop3A_746 = tpu.vector_load %arg9[%parallel_loop3A_744, %parallel_loop3A_745] {strides = array<i32>} : memref<400x64xi32, #tpu.memory_space<vmem>>, vector<16xi32>,
      %parallel_loop3A_747 = vector.bitcast %parallel_loop3A_746 : vector<16xi32> to vector<32xbf16>
      %parallel_loop3A_748 = arith.mulf %parallel_loop3A_743, %parallel_loop3A_747 : vector<32xbf16>
      %parallel_loop3A_749 = arith.addf %parallel_loop3A_739, %parallel_loop3A_748 : vector<32xbf16>
      %parallel_loop3A_750 = arith.index_cast %parallel_loop3A_720 : i32 to index
      %parallel_loop3A_751 = arith.constant 48 : index
      %parallel_loop3A_752 = tpu.vector_load %arg7[%parallel_loop3A_750, %parallel_loop3A_751] {strides = array<i32>} : memref<400x64xi32, #tpu.memory_space<vmem>>, vector<16xi32>,
      %parallel_loop3A_753 = vector.bitcast %parallel_loop3A_752 : vector<16xi32> to vector<32xbf16>
      %parallel_loop3A_754 = arith.index_cast %parallel_loop3A_720 : i32 to index
      %parallel_loop3A_755 = arith.constant 48 : index
      %parallel_loop3A_756 = tpu.vector_load %arg9[%parallel_loop3A_754, %parallel_loop3A_755] {strides = array<i32>} : memref<400x64xi32, #tpu.memory_space<vmem>>, vector<16xi32>,
      %parallel_loop3A_757 = vector.bitcast %parallel_loop3A_756 : vector<16xi32> to vector<32xbf16>
      %parallel_loop3A_758 = arith.mulf %parallel_loop3A_753, %parallel_loop3A_757 : vector<32xbf16>
      %parallel_loop3A_759 = arith.addf %parallel_loop3A_749, %parallel_loop3A_758 : vector<32xbf16>
      %parallel_loop3A_760 = tpu.unpack_subelements %parallel_loop3A_759, 0 {pack_format = #tpu.pack_format<interleaved>} : vector<32xbf16> -> vector<16xf32>
      %parallel_loop3A_761 = tpu.unpack_subelements %parallel_loop3A_759, 1 {pack_format = #tpu.pack_format<interleaved>} : vector<32xbf16> -> vector<16xf32>
      %parallel_loop3A_762 = arith.addf %parallel_loop3A_760, %parallel_loop3A_761 : vector<16xf32>
      %parallel_loop3A_763 = arith.index_cast %parallel_loop3A_720 : i32 to index
      %parallel_loop3A_764 = arith.constant 0 : index
      %parallel_loop3A_765 = tpu.vector_load %arg11[%parallel_loop3A_763, %parallel_loop3A_764] {strides = array<i32>} : memref<400x16xf32, #tpu.memory_space<vmem>>, vector<16xf32>,
      tpu.vector_store %arg11[%parallel_loop3A_763, %parallel_loop3A_764], %parallel_loop3A_762 {strides = array<i32>} : memref<400x16xf32, #tpu.memory_space<vmem>>, vector<16xf32>,
      %parallel_loop3A_766 = arith.constant 15 : i32
      %parallel_loop3A_767 = arith.addi %parallel_loop3A_60, %parallel_loop3A_766 : i32
      %parallel_loop3A_768 = arith.index_cast %parallel_loop3A_767 : i32 to index
      %parallel_loop3A_769 = arith.constant 0 : index
      %parallel_loop3A_770 = tpu.vector_load %arg7[%parallel_loop3A_768, %parallel_loop3A_769] {strides = array<i32>} : memref<400x64xi32, #tpu.memory_space<vmem>>, vector<16xi32>,
      %parallel_loop3A_771 = vector.bitcast %parallel_loop3A_770 : vector<16xi32> to vector<32xbf16>
      %parallel_loop3A_772 = arith.index_cast %parallel_loop3A_767 : i32 to index
      %parallel_loop3A_773 = arith.constant 0 : index
      %parallel_loop3A_774 = tpu.vector_load %arg9[%parallel_loop3A_772, %parallel_loop3A_773] {strides = array<i32>} : memref<400x64xi32, #tpu.memory_space<vmem>>, vector<16xi32>,
      %parallel_loop3A_775 = vector.bitcast %parallel_loop3A_774 : vector<16xi32> to vector<32xbf16>
      %parallel_loop3A_776 = arith.mulf %parallel_loop3A_771, %parallel_loop3A_775 : vector<32xbf16>
      %parallel_loop3A_777 = arith.index_cast %parallel_loop3A_767 : i32 to index
      %parallel_loop3A_778 = arith.constant 16 : index
      %parallel_loop3A_779 = tpu.vector_load %arg7[%parallel_loop3A_777, %parallel_loop3A_778] {strides = array<i32>} : memref<400x64xi32, #tpu.memory_space<vmem>>, vector<16xi32>,
      %parallel_loop3A_780 = vector.bitcast %parallel_loop3A_779 : vector<16xi32> to vector<32xbf16>
      %parallel_loop3A_781 = arith.index_cast %parallel_loop3A_767 : i32 to index
      %parallel_loop3A_782 = arith.constant 16 : index
      %parallel_loop3A_783 = tpu.vector_load %arg9[%parallel_loop3A_781, %parallel_loop3A_782] {strides = array<i32>} : memref<400x64xi32, #tpu.memory_space<vmem>>, vector<16xi32>,
      %parallel_loop3A_784 = vector.bitcast %parallel_loop3A_783 : vector<16xi32> to vector<32xbf16>
      %parallel_loop3A_785 = arith.mulf %parallel_loop3A_780, %parallel_loop3A_784 : vector<32xbf16>
      %parallel_loop3A_786 = arith.addf %parallel_loop3A_776, %parallel_loop3A_785 : vector<32xbf16>
      %parallel_loop3A_787 = arith.index_cast %parallel_loop3A_767 : i32 to index
      %parallel_loop3A_788 = arith.constant 32 : index
      %parallel_loop3A_789 = tpu.vector_load %arg7[%parallel_loop3A_787, %parallel_loop3A_788] {strides = array<i32>} : memref<400x64xi32, #tpu.memory_space<vmem>>, vector<16xi32>,
      %parallel_loop3A_790 = vector.bitcast %parallel_loop3A_789 : vector<16xi32> to vector<32xbf16>
      %parallel_loop3A_791 = arith.index_cast %parallel_loop3A_767 : i32 to index
      %parallel_loop3A_792 = arith.constant 32 : index
      %parallel_loop3A_793 = tpu.vector_load %arg9[%parallel_loop3A_791, %parallel_loop3A_792] {strides = array<i32>} : memref<400x64xi32, #tpu.memory_space<vmem>>, vector<16xi32>,
      %parallel_loop3A_794 = vector.bitcast %parallel_loop3A_793 : vector<16xi32> to vector<32xbf16>
      %parallel_loop3A_795 = arith.mulf %parallel_loop3A_790, %parallel_loop3A_794 : vector<32xbf16>
      %parallel_loop3A_796 = arith.addf %parallel_loop3A_786, %parallel_loop3A_795 : vector<32xbf16>
      %parallel_loop3A_797 = arith.index_cast %parallel_loop3A_767 : i32 to index
      %parallel_loop3A_798 = arith.constant 48 : index
      %parallel_loop3A_799 = tpu.vector_load %arg7[%parallel_loop3A_797, %parallel_loop3A_798] {strides = array<i32>} : memref<400x64xi32, #tpu.memory_space<vmem>>, vector<16xi32>,
      %parallel_loop3A_800 = vector.bitcast %parallel_loop3A_799 : vector<16xi32> to vector<32xbf16>
      %parallel_loop3A_801 = arith.index_cast %parallel_loop3A_767 : i32 to index
      %parallel_loop3A_802 = arith.constant 48 : index
      %parallel_loop3A_803 = tpu.vector_load %arg9[%parallel_loop3A_801, %parallel_loop3A_802] {strides = array<i32>} : memref<400x64xi32, #tpu.memory_space<vmem>>, vector<16xi32>,
      %parallel_loop3A_804 = vector.bitcast %parallel_loop3A_803 : vector<16xi32> to vector<32xbf16>
      %parallel_loop3A_805 = arith.mulf %parallel_loop3A_800, %parallel_loop3A_804 : vector<32xbf16>
      %parallel_loop3A_806 = arith.addf %parallel_loop3A_796, %parallel_loop3A_805 : vector<32xbf16>
      %parallel_loop3A_807 = tpu.unpack_subelements %parallel_loop3A_806, 0 {pack_format = #tpu.pack_format<interleaved>} : vector<32xbf16> -> vector<16xf32>
      %parallel_loop3A_808 = tpu.unpack_subelements %parallel_loop3A_806, 1 {pack_format = #tpu.pack_format<interleaved>} : vector<32xbf16> -> vector<16xf32>
      %parallel_loop3A_809 = arith.addf %parallel_loop3A_807, %parallel_loop3A_808 : vector<16xf32>
      %parallel_loop3A_810 = arith.index_cast %parallel_loop3A_767 : i32 to index
      %parallel_loop3A_811 = arith.constant 0 : index
      %parallel_loop3A_812 = tpu.vector_load %arg11[%parallel_loop3A_810, %parallel_loop3A_811] {strides = array<i32>} : memref<400x16xf32, #tpu.memory_space<vmem>>, vector<16xf32>,
      tpu.vector_store %arg11[%parallel_loop3A_810, %parallel_loop3A_811], %parallel_loop3A_809 {strides = array<i32>} : memref<400x16xf32, #tpu.memory_space<vmem>>, vector<16xf32>,
      %parallel_loop3A_813 = vector.broadcast %parallel_loop3A_60 : i32 to vector<16xi32>
      %parallel_loop3A_814 = arith.addi %iota3A, %parallel_loop3A_813 : vector<16xi32>
      %parallel_loop3A_815 = arith.constant 0 : i32
      %parallel_loop3A_816 = vector.broadcast %parallel_loop3A_815 : i32 to vector<16xi32>
      %parallel_loop3A_817 = tpu.vector_load_idx %arg11[%parallel_loop3A_814, %parallel_loop3A_816] : memref<400x16xf32, #tpu.memory_space<vmem>>[vector<16xi32>, vector<16xi32>], vector<16xf32>,
      %parallel_loop3A_818 = arith.constant 1 : i32
      %parallel_loop3A_819 = vector.broadcast %parallel_loop3A_818 : i32 to vector<16xi32>
      %parallel_loop3A_820 = tpu.vector_load_idx %arg11[%parallel_loop3A_814, %parallel_loop3A_819] : memref<400x16xf32, #tpu.memory_space<vmem>>[vector<16xi32>, vector<16xi32>], vector<16xf32>,
      %parallel_loop3A_821 = arith.addf %parallel_loop3A_817, %parallel_loop3A_820 : vector<16xf32>
      %parallel_loop3A_822 = arith.constant 2 : i32
      %parallel_loop3A_823 = vector.broadcast %parallel_loop3A_822 : i32 to vector<16xi32>
      %parallel_loop3A_824 = tpu.vector_load_idx %arg11[%parallel_loop3A_814, %parallel_loop3A_823] : memref<400x16xf32, #tpu.memory_space<vmem>>[vector<16xi32>, vector<16xi32>], vector<16xf32>,
      %parallel_loop3A_825 = arith.addf %parallel_loop3A_821, %parallel_loop3A_824 : vector<16xf32>
      %parallel_loop3A_826 = arith.constant 3 : i32
      %parallel_loop3A_827 = vector.broadcast %parallel_loop3A_826 : i32 to vector<16xi32>
      %parallel_loop3A_828 = tpu.vector_load_idx %arg11[%parallel_loop3A_814, %parallel_loop3A_827] : memref<400x16xf32, #tpu.memory_space<vmem>>[vector<16xi32>, vector<16xi32>], vector<16xf32>,
      %parallel_loop3A_829 = arith.addf %parallel_loop3A_825, %parallel_loop3A_828 : vector<16xf32>
      %parallel_loop3A_830 = arith.constant 4 : i32
      %parallel_loop3A_831 = vector.broadcast %parallel_loop3A_830 : i32 to vector<16xi32>
      %parallel_loop3A_832 = tpu.vector_load_idx %arg11[%parallel_loop3A_814, %parallel_loop3A_831] : memref<400x16xf32, #tpu.memory_space<vmem>>[vector<16xi32>, vector<16xi32>], vector<16xf32>,
      %parallel_loop3A_833 = arith.addf %parallel_loop3A_829, %parallel_loop3A_832 : vector<16xf32>
      %parallel_loop3A_834 = arith.constant 5 : i32
      %parallel_loop3A_835 = vector.broadcast %parallel_loop3A_834 : i32 to vector<16xi32>
      %parallel_loop3A_836 = tpu.vector_load_idx %arg11[%parallel_loop3A_814, %parallel_loop3A_835] : memref<400x16xf32, #tpu.memory_space<vmem>>[vector<16xi32>, vector<16xi32>], vector<16xf32>,
      %parallel_loop3A_837 = arith.addf %parallel_loop3A_833, %parallel_loop3A_836 : vector<16xf32>
      %parallel_loop3A_838 = arith.constant 6 : i32
      %parallel_loop3A_839 = vector.broadcast %parallel_loop3A_838 : i32 to vector<16xi32>
      %parallel_loop3A_840 = tpu.vector_load_idx %arg11[%parallel_loop3A_814, %parallel_loop3A_839] : memref<400x16xf32, #tpu.memory_space<vmem>>[vector<16xi32>, vector<16xi32>], vector<16xf32>,
      %parallel_loop3A_841 = arith.addf %parallel_loop3A_837, %parallel_loop3A_840 : vector<16xf32>
      %parallel_loop3A_842 = arith.constant 7 : i32
      %parallel_loop3A_843 = vector.broadcast %parallel_loop3A_842 : i32 to vector<16xi32>
      %parallel_loop3A_844 = tpu.vector_load_idx %arg11[%parallel_loop3A_814, %parallel_loop3A_843] : memref<400x16xf32, #tpu.memory_space<vmem>>[vector<16xi32>, vector<16xi32>], vector<16xf32>,
      %parallel_loop3A_845 = arith.addf %parallel_loop3A_841, %parallel_loop3A_844 : vector<16xf32>
      %parallel_loop3A_846 = arith.constant 8 : i32
      %parallel_loop3A_847 = vector.broadcast %parallel_loop3A_846 : i32 to vector<16xi32>
      %parallel_loop3A_848 = tpu.vector_load_idx %arg11[%parallel_loop3A_814, %parallel_loop3A_847] : memref<400x16xf32, #tpu.memory_space<vmem>>[vector<16xi32>, vector<16xi32>], vector<16xf32>,
      %parallel_loop3A_849 = arith.addf %parallel_loop3A_845, %parallel_loop3A_848 : vector<16xf32>
      %parallel_loop3A_850 = arith.constant 9 : i32
      %parallel_loop3A_851 = vector.broadcast %parallel_loop3A_850 : i32 to vector<16xi32>
      %parallel_loop3A_852 = tpu.vector_load_idx %arg11[%parallel_loop3A_814, %parallel_loop3A_851] : memref<400x16xf32, #tpu.memory_space<vmem>>[vector<16xi32>, vector<16xi32>], vector<16xf32>,
      %parallel_loop3A_853 = arith.addf %parallel_loop3A_849, %parallel_loop3A_852 : vector<16xf32>
      %parallel_loop3A_854 = arith.constant 10 : i32
      %parallel_loop3A_855 = vector.broadcast %parallel_loop3A_854 : i32 to vector<16xi32>
      %parallel_loop3A_856 = tpu.vector_load_idx %arg11[%parallel_loop3A_814, %parallel_loop3A_855] : memref<400x16xf32, #tpu.memory_space<vmem>>[vector<16xi32>, vector<16xi32>], vector<16xf32>,
      %parallel_loop3A_857 = arith.addf %parallel_loop3A_853, %parallel_loop3A_856 : vector<16xf32>
      %parallel_loop3A_858 = arith.constant 11 : i32
      %parallel_loop3A_859 = vector.broadcast %parallel_loop3A_858 : i32 to vector<16xi32>
      %parallel_loop3A_860 = tpu.vector_load_idx %arg11[%parallel_loop3A_814, %parallel_loop3A_859] : memref<400x16xf32, #tpu.memory_space<vmem>>[vector<16xi32>, vector<16xi32>], vector<16xf32>,
      %parallel_loop3A_861 = arith.addf %parallel_loop3A_857, %parallel_loop3A_860 : vector<16xf32>
      %parallel_loop3A_862 = arith.constant 12 : i32
      %parallel_loop3A_863 = vector.broadcast %parallel_loop3A_862 : i32 to vector<16xi32>
      %parallel_loop3A_864 = tpu.vector_load_idx %arg11[%parallel_loop3A_814, %parallel_loop3A_863] : memref<400x16xf32, #tpu.memory_space<vmem>>[vector<16xi32>, vector<16xi32>], vector<16xf32>,
      %parallel_loop3A_865 = arith.addf %parallel_loop3A_861, %parallel_loop3A_864 : vector<16xf32>
      %parallel_loop3A_866 = arith.constant 13 : i32
      %parallel_loop3A_867 = vector.broadcast %parallel_loop3A_866 : i32 to vector<16xi32>
      %parallel_loop3A_868 = tpu.vector_load_idx %arg11[%parallel_loop3A_814, %parallel_loop3A_867] : memref<400x16xf32, #tpu.memory_space<vmem>>[vector<16xi32>, vector<16xi32>], vector<16xf32>,
      %parallel_loop3A_869 = arith.addf %parallel_loop3A_865, %parallel_loop3A_868 : vector<16xf32>
      %parallel_loop3A_870 = arith.constant 14 : i32
      %parallel_loop3A_871 = vector.broadcast %parallel_loop3A_870 : i32 to vector<16xi32>
      %parallel_loop3A_872 = tpu.vector_load_idx %arg11[%parallel_loop3A_814, %parallel_loop3A_871] : memref<400x16xf32, #tpu.memory_space<vmem>>[vector<16xi32>, vector<16xi32>], vector<16xf32>,
      %parallel_loop3A_873 = arith.addf %parallel_loop3A_869, %parallel_loop3A_872 : vector<16xf32>
      %parallel_loop3A_874 = arith.constant 15 : i32
      %parallel_loop3A_875 = vector.broadcast %parallel_loop3A_874 : i32 to vector<16xi32>
      %parallel_loop3A_876 = tpu.vector_load_idx %arg11[%parallel_loop3A_814, %parallel_loop3A_875] : memref<400x16xf32, #tpu.memory_space<vmem>>[vector<16xi32>, vector<16xi32>], vector<16xf32>,
      %parallel_loop3A_877 = arith.addf %parallel_loop3A_873, %parallel_loop3A_876 : vector<16xf32>
      %parallel_loop3A_878 = arith.index_cast %parallel_loop3A_60 : i32 to index
      %parallel_loop3A_879 = tpu.vector_load %arg12[%parallel_loop3A_878] {strides = array<i32>} : memref<400xf32, #tpu.memory_space<vmem>>, vector<16xf32>,
      tpu.vector_store %arg12[%parallel_loop3A_878], %parallel_loop3A_877 {strides = array<i32>} : memref<400xf32, #tpu.memory_space<vmem>>, vector<16xf32>,
    } {sc.loop_unroll_factor = 1 : i64, sc.parallel_access}
    %add3A_43 = arith.constant 9600 : i32
    %add3A_44 = arith.addi %multiple_of3A, %add3A_43 : i32
    %multiple_of3A_45 = tpu.assume_multiple %add3A_44, 8 : i32
    %dma_start3A_46 = tpu.memref_slice %arg4[%multiple_of3A_45] : memref<320000xf32, #tpu.memory_space<hbm>> -> memref<400xf32, #tpu.memory_space<hbm>>
    %dma_start3A_47 = tpu.memref_slice %arg4[%multiple_of3A_45] : memref<320000xf32, #tpu.memory_space<hbm>> -> memref<400xf32, #tpu.memory_space<hbm>>
    tpu.enqueue_dma source(%arg12 : memref<400xf32, #tpu.memory_space<vmem>>) target(%dma_start3A_47 : memref<400xf32, #tpu.memory_space<hbm>>) target_semaphore(%arg16 : memref<!tpu.dma_semaphore, #tpu.memory_space<semaphore_mem>>)
    %add3A_48 = arith.constant 9200 : i32
    %add3A_49 = arith.addi %multiple_of3A, %add3A_48 : i32
    %multiple_of3A_50 = tpu.assume_multiple %add3A_49, 8 : i32
    %dma_wait3A_51 = tpu.memref_slice %arg4[%multiple_of3A_50] : memref<320000xf32, #tpu.memory_space<hbm>> -> memref<400xf32, #tpu.memory_space<hbm>>
    %dma_wait3A_52 = tpu.memref_slice %arg4[%multiple_of3A_50] : memref<320000xf32, #tpu.memory_space<hbm>> -> memref<400xf32, #tpu.memory_space<hbm>>
    tpu.wait_dma2 semaphore(%arg17 : memref<!tpu.dma_semaphore, #tpu.memory_space<semaphore_mem>>) src(%arg13 : memref<400xf32, #tpu.memory_space<vmem>>) dst(%dma_wait3A_52 : memref<400xf32, #tpu.memory_space<hbm>>)
    %add3A_53 = arith.constant 9600 : i32
    %add3A_54 = arith.addi %multiple_of3A, %add3A_53 : i32
    %multiple_of3A_55 = tpu.assume_multiple %add3A_54, 8 : i32
    %dma_wait3A_56 = tpu.memref_slice %arg4[%multiple_of3A_55] : memref<320000xf32, #tpu.memory_space<hbm>> -> memref<400xf32, #tpu.memory_space<hbm>>
    %dma_wait3A_57 = tpu.memref_slice %arg4[%multiple_of3A_55] : memref<320000xf32, #tpu.memory_space<hbm>> -> memref<400xf32, #tpu.memory_space<hbm>>
    tpu.wait_dma2 semaphore(%arg16 : memref<!tpu.dma_semaphore, #tpu.memory_space<semaphore_mem>>) src(%arg12 : memref<400xf32, #tpu.memory_space<vmem>>) dst(%dma_wait3A_57 : memref<400xf32, #tpu.memory_space<hbm>>)
    return
  }
}

</mosaic_0001>

<sc_bundles>
// kernel: _score_sc.3.cloned.1.call-start
scs
__scs_entry_jumppad:
0x0: {  	(pc) =	sbr.rel $0x88, $3  }
0x1: {  	(tag) =	ssettag $0x0;
	lr =	simm.s32 $0x1  }
0x2: {  	[smem:$0x3F9F] =	sst lr;
	_ =	strace $0xD0000000  }
0x3: {  	_ = 	snop  }
0x4: {  	_ = 	snop  }
0x5: {  	_ = 	snop  }
0x6: {  	_ = 	snop  }
0x7: {  	_ = 	snop  }
__scs_overlays_trampoline_lowered:
0x8: {  	[smem:$0x3FAE] =	sst s0  }
0x9: {  	[smem:$0x3FAF] =	sst s1  }
0xa: {  	[smem:$0x3FB0] =	sst s2  }
0xb: {  	[smem:$0x3FB1] =	sst s3  }
0xc: {  	[smem:$0x3FB2] =	sst s4  }
0xd: {  	[smem:$0x3FB3] =	sst s5  }
0xe: {  	[smem:$0x3FB4] =	sst s6  }
0xf: {  	[smem:$0x3FB5] =	sst s7  }
0x10: {  	[smem:$0x3FB6] =	sst s8  }
0x11: {  	[smem:$0x3FB7] =	sst s9;
	s0 =	simm.s32 @!p0 $0x0  }
0x12: {  	s1 =	sld [smem:$0x3F9D];
	s0 =	simm.s32 @p0 $0x1  }
0x13: {  	[smem:$0x3FB8] =	sst s0;
	s0 =	simm.s32 @!p1 $0x0  }
0x14: {  	s2 =	sld [smem:$0x3F9C];
	s0 =	simm.s32 @p1 $0x1  }
0x15: {  	[smem:$0x3FB9] =	sst s0;
	s0 =	simm.s32 @!p2 $0x0  }
0x16: {  	s3 =	sld [smem:$0x3FDB];
	s0 =	simm.s32 @p2 $0x1  }
0x17: {  	s4 =	simm.s32 $0x1BF5;
	[smem:$0x3FBB] =	sst s0  }
0x18: {  	s0 =	sld [smem:$0x3F9E];
	_ =	swait.ge [sflag:s4], $0x0  }
0x19: {  	s7 =	sld [smem:$0x3F9F]  }
0x1a: {  	s8 =	sadd.s32 $0xFFFFE003, lr  }
0x1b: {  	s9 =	sadd.s32 $0xFFFFFEF7, lr;
	s5 =	simm.s32 $0xFFFFFFFF;
	p2 =	slt.u32 s8, $0xFFFFF086  }
0x1c: {  	p1 =	slt.u32 s9, $0xF7A;
	s5 =	simm.s32 @!p2 $0x0  }
0x1d: {  	s5 =	simm.s32 @p1 $0x1;
	p0 =	seq.s32 s7, s2  }
0x1e: {  	s7 =	smul.u32 @!p0 $0xF7A, s2;
	p2 =	seq.s32 @!p0 s5, $0x0  }
0x1f: {  	s9 =	smul.u32 $0xF7A, s1;
	s8 =	simm.s32 @!p0 $0x1BF5;
	p2 =	por !p2, p0  }
0x20: {  	[sflag:s8] =	ssyncset.s32 @!p0 $0xFFFFF086;
	s6 =	sadd.s32 @!p0 s3, s7;
	s7 =	simm.s32 @!p0 $0x108  }
0x21: {  	s3 =	sadd.s32 s3, s9;
	s6 =	sadd.s32 @!p0 $0x88, s6;
	s7 =	simm.s32 @p2 $0x1082  }
0x22: {  	[simem:s7], [sflag:s8] =	dma.local @!p0 [hbm:s6], $0xF7A  }
0x23: {  	s9 =	sor.u32 $0xD0000000, s2;
	s6 =	simm.s32 $0x108;
	_ =	swait.ge @!p0 [sflag:s8], $0x0  }
0x24: {  	s3 =	sadd.s32 $0x88, s3;
	s6 =	simm.s32 @!p1 $0x1082;
	[sflag:s4] =	ssyncset.s32 $0xFFFFF086  }
0x25: {  	[simem:s6], [sflag:s4] =	dma.local [hbm:s3], $0xF7A  }
0x26: {  	[smem:$0x3F9F] =	sst s1;
	(tag) =	ssettag s2;
	_ =	strace s9  }
0x27: {  	s1 =	sld [smem:$0x3FAF]  }
0x28: {  	s2 =	sld [smem:$0x3FB0]  }
0x29: {  	s4 =	sld [smem:$0x3FB2]  }
0x2a: {  	p0 =	seq.s32 s5, $0x0;
	s5 =	sld [smem:$0x3FB3]  }
0x2b: {  	s6 =	sld [smem:$0x3FB4]  }
0x2c: {  	s7 =	sld [smem:$0x3FB5]  }
0x2d: {  	s3 =	simm.s32 $0x108;
	s8 =	sld [smem:$0x3FB6]  }
0x2e: {  	s3 =	simm.s32 @!p0 $0x1082;
	s9 =	sld [smem:$0x3FB7]  }
0x2f: {  	lr =	sadd.s32 s0, s3;
	s0 =	sld [smem:$0x3FAE]  }
0x30: {  	s3 =	sld [smem:$0x3FB1]  }
0x31: {  	[smem:$0x3FBA] =	sst s10  }
0x32: {  	s10 =	sld [smem:$0x3FB8];
	_ =	sdelay $0x3  }
0x33: {  	p0 =	seq.s32 s10, $0x1;
	s10 =	sld [smem:$0x3FBA];
	_ =	sdelay $0x3  }
0x34: {  	[smem:$0x3FBA] =	sst s10  }
0x35: {  	s10 =	sld [smem:$0x3FB9];
	_ =	sdelay $0x3  }
0x36: {  	p1 =	seq.s32 s10, $0x1;
	s10 =	sld [smem:$0x3FBA];
	_ =	sdelay $0x3  }
0x37: {  	[smem:$0x3FBA] =	sst s10  }
0x38: {  	s10 =	sld [smem:$0x3FBB]  }
0x39: {  	_ = 	snop;
	(pc) =	sbr.ind lr, $3  }
0x3a: {  	_ = 	snop  }
0x3b: {  	_ = 	snop  }
0x3c: {  	p2 =	seq.s32 s10, $0x1;
	s10 =	sld [smem:$0x3FBA]  }
0x3d: {  	_ =	shalt  }
0x3e: {  	_ =	shalt  }
0x3f: {  	_ =	shalt  }
0x40: {  	_ =	shalt  }
0x41: {  	_ =	shalt  }
0x42: {  	_ =	shalt  }
0x43: {  	_ =	shalt  }
0x44: {  	_ =	shalt  }
0x45: {  	_ =	shalt  }
0x46: {  	_ =	shalt  }
0x47: {  	_ =	shalt  }
0x48: {  	_ =	shalt  }
0x49: {  	_ =	shalt  }
0x4a: {  	_ =	shalt  }
0x4b: {  	_ =	shalt  }
0x4c: {  	_ =	shalt  }
0x4d: {  	_ =	shalt  }
0x4e: {  	_ =	shalt  }
0x4f: {  	_ =	shalt  }
0x50: {  	_ =	shalt  }
0x51: {  	_ =	shalt  }
0x52: {  	_ =	shalt  }
0x53: {  	_ =	shalt  }
0x54: {  	_ =	shalt  }
0x55: {  	_ =	shalt  }
0x56: {  	_ =	shalt  }
0x57: {  	_ =	shalt  }
0x58: {  	_ =	shalt  }
0x59: {  	_ =	shalt  }
0x5a: {  	_ =	shalt  }
0x5b: {  	_ =	shalt  }
0x5c: {  	_ =	shalt  }
0x5d: {  	_ =	shalt  }
0x5e: {  	_ =	shalt  }
0x5f: {  	_ =	shalt  }
0x60: {  	_ =	shalt  }
0x61: {  	_ =	shalt  }
0x62: {  	_ =	shalt  }
0x63: {  	_ =	shalt  }
0x64: {  	_ =	shalt  }
0x65: {  	_ =	shalt  }
0x66: {  	_ =	shalt  }
0x67: {  	_ =	shalt  }
0x68: {  	_ =	shalt  }
0x69: {  	_ =	shalt  }
0x6a: {  	_ =	shalt  }
0x6b: {  	_ =	shalt  }
0x6c: {  	_ =	shalt  }
0x6d: {  	_ =	shalt  }
0x6e: {  	_ =	shalt  }
0x6f: {  	_ =	shalt  }
0x70: {  	_ =	shalt  }
0x71: {  	_ =	shalt  }
0x72: {  	_ =	shalt  }
0x73: {  	_ =	shalt  }
0x74: {  	_ =	shalt  }
0x75: {  	_ =	shalt  }
0x76: {  	_ =	shalt  }
0x77: {  	_ =	shalt  }
0x78: {  	_ =	shalt  }
0x79: {  	_ =	shalt  }
0x7a: {  	_ =	shalt  }
0x7b: {  	_ =	shalt  }
0x7c: {  	_ =	shalt  }
0x7d: {  	_ =	shalt  }
0x7e: {  	_ =	shalt  }
0x7f: {  	_ =	shalt  }
0x80: {  	_ =	shalt  }
0x81: {  	_ =	shalt  }
0x82: {  	_ =	shalt  }
0x83: {  	_ =	shalt  }
0x84: {  	_ =	shalt  }
0x85: {  	_ =	shalt  }
0x86: {  	_ =	shalt  }
0x87: {  	_ =	shalt  }
.Lfunc_end0:
.L_simem_size_0:
called_computation_lowered:
.L_overlay_start_0:
0x88: {  	s2 =	sld [smem:$0x3FD9]  }
0x89: {  	s3 =	sld [smem:$0x3FFE];
	_ =	sdelay $0x1  }
0x8a: {  	s1 =	srdreg.scid  }
0x8b: {  	s0 =	sand.u32 $0x1, s1  }
0x8c: {  	s17 =	sshll.u32 s0, $0xA;
	s2 =	sadd.s32 s3, s2  }
0x8d: {  	s2 =	sadd.s32 s2, s17  }
0x8e: {  	[smem:$0x3FC6] =	sst s2  }
0x8f: {  	_ = 	snop  }
0x90: {  	s2 =	sld [smem:$0x3FD0];
	(tm) =	ssettm $0x1  }
0x91: {  	s18 =	sld [smem:$0x3FFB];
	_ =	sdelay $0x3  }
0x92: {  	_ =	strace s18  }
0x93: {  	s3 =	sld [smem:$0x3FFC];
	_ =	sdelay $0x3  }
0x94: {  	_ =	strace s3  }
0x95: {  	s3 =	sld [smem:$0x3FFD];
	_ =	sdelay $0x3  }
0x96: {  	_ =	strace s3  }
0x97: {  	_ =	strace $0x8FFFFFFF  }
0x98: {  	s19 =	sld [smem:$0x3FDB];
	_ =	sdelay $0x1  }
0x99: {  	s4 =	simm.s32 $_scs_section_size  }
0x9a: {  	s5 =	simm.s32 $_size__tile_overlayer_lowered;
	s6 =	simm.s32 $_tile_overlayer_lowered  }
0x9b: {  	s22 =	simm.s32 $0x1BFF;
	s21 =	sshll.u32 s6, $0x1;
	s3 =	sadd.s32 s4, s19  }
0x9c: {  	s7 =	simm.s32 $0x0;
	s20 =	sshll.u32 s5, $0x1;
	s5 =	sadd.s32 s21, s3  }
0x9d: {  	[timem:s7], [sflag:s22] =	dma.local [hbm:s5], s20  }
0x9e: {  	_ =	swait.ge [sflag:s22], s20  }
0x9f: {  	s4 =	ssub.s32 $0x0, s20;
	[sflag:s22] =	ssyncset.done $0x0  }
0xa0: {  	[sflag:s22] =	ssyncadd.s32 s4;
	_ =	sdelay $0x1  }
0xa1: {  	s23 =	simm.s32 $0x1B8B  }
0xa2: {  	_ =	swait.ge [sflag:s23], $0x1  }
0xa3: {  	[sflag:s23] =	ssyncset.done $0x0  }
0xa4: {  	s25 =	simm.s32 $0x1B8E;
	s24 =	sld [smem:$0x3FFE];
	[sflag:s23] =	ssyncadd.s32 $0xFFFFFFFF  }
0xa5: {  	s26 =	simm.s32 $execute0_lowered;
	[smem:$0x3FD2] =	sst s25  }
0xa6: {  	s5 =	sshll.u32 s26, $0x1;
	_ =	strace $0x80000046;
	[dreg:$0x1] =	wrdreg $0xFFFFFFFF  }
0xa7: {  	s28 =	simm.s32 $_size_execute0_lowered;
	s3 =	sadd.s32 s3, s5;
	[dreg:$0x0] =	wrdreg $0x0  }
0xa8: {  	s5 =	sshll.u32 s28, $0x1;
	[dreg:$0x2] =	wrdreg s3  }
0xa9: {  	[dreg:$0x3] =	wrdreg s5  }
0xaa: {  	[dreg:$0x4] =	wrdreg $0xC0  }
0xab: {  	_ =	task [dreg:s7], $0x5FFFF  }
0xac: {  	[dreg:$0x1] =	wrdreg $0xFFFFFFFF  }
0xad: {  	[dreg:$0x0] =	wrdreg $0x60  }
0xae: {  	[dreg:$0x2] =	wrdreg s24  }
0xaf: {  	[dreg:$0x3] =	wrdreg s2  }
0xb0: {  	[dreg:$0x4] =	wrdreg $0x9  }
0xb1: {  	_ =	task.clear_ibuf [dreg:s7], $0x5FFFF;
	_ =	strace $0x90000046  }
0xb2: {  	s29 =	simm.s32 $0x9;
	_ =	strace $0x80000048  }
0xb3: {  	_ =	swait.ge [sflag:s29], $0x1  }
0xb4: {  	[sflag:s29] =	ssyncadd.s32 $0xFFFFFFFF  }
0xb5: {  	_ =	strace $0x90000048  }
0xb6: {  	_ =	sfence  }
0xb7: {  	s30 =	sld [smem:$0x0];
	_ =	sdelay $0x2  }
0xb8: {  	s31 =	sshll.u32 s1, $0xD;
	s1 =	sshrl.u32 s1, $0x2  }
0xb9: {  	s3 =	sand.u32 $0x4000, s31;
	s1 =	sadd.s32 s1, s30  }
0xba: {  	s0 =	sor.u32 s3, s0;
	s1 =	sshll.u32 s1, $0x11  }
0xbb: {  	s0 =	sor.u32 s1, s0  }
0xbc: {  	s0 =	sadd.s32 $0x8F2B, s0  }
0xbd: {  	[sflag:s0] =	ssyncadd.remote.s32 $0x1  }
0xbe: {  	_ =	sfence.sel $0xFFFF  }
0xbf: {  	[dreg:$0x0] =	wrdreg $0xFFFFFFFF;
	(pc) =	sbr.abs _section_cstart, $3  }
0xc0: {  	[dreg:$0x1] =	wrdreg $0xFFFFFFFF  }
0xc1: {  	_ =	task.clear_ibuf [dreg:s7], $0x2FFFF;
	_ =	strace $0x9FFFFFFF  }
0xc2: {  	(tm) =	ssettm $0x7FFFFFFF  }
0xc3: {  	_ =	shalt  }
tec
execute0_lowered:
.L_overlay_start_1:
0x0: {  	(tag) =	ssettag $0x1  }
0x1: {  	s0 =	srdreg.scid;
	s5 =	rddreg [dreg:$0x0]  }
0x2: {  	s1 =	stileid.u32;
	s2 =	rddreg [dreg:$0x1];
	s4 =	simm.s32 $0x0  }
0x3: {  	s13 =	simm.s32 $0x190;
	s14 =	simm.s32 $0x4E20;
	s15 =	simm.s32 $0x11620  }
0x4: {  	s16 =	simm.s32 $0xB220;
	s0 =	sand.u32 $0x1, s0;
	s1 =	sshll.u32 s1, $0x1  }
0x5: {  	s18 =	simm.s32 $0x17A20;
	s19 =	simm.s32 $0x1;
	s1 =	sor.u32 s0, s1  }
0x6: {  	s20 =	simm.s32 $0x1DE20;
	s0 =	ssub.s32 $0x2, s0;
	s3 =	smul.u32 $0x2710, s1  }
0x7: {  	s21 =	simm.s32 $0x1F720;
	s22 =	simm.s32 $0x2;
	s7 =	sshrl.u32 s0, $0x1  }
0x8: {  	s23 =	simm.s32 $0x1F8B0;
	s0 =	ssub.s32 s0, s7;
	s1 =	sshrl.u32 s3, $0x3  }
0x9: {  	[smem:$0x7FF] =	sst s4;
	s0 =	smax.u32 s0, $0x1;
	s6 =	sadd.s32 s1, s5  }
0xa: {  	_ =	strace $0x80000047;
	[dreg:$0x6] =	wrdreg s0;
	s31 =	sadd.s32 $0x14000, s6  }
0xb: {  	s1 =	sadd.s32 s2, s1;
	s6 =	sadd.s32 $0x1DC40, s6;
	[dreg:$0x3] =	wrdreg s31  }
0xc: {  	v0 =	vlaneseq.u32;
	s26 =	simm.s32 $0x0;
	s1 =	sadd.s32 $0x4B0, s1;
	[dreg:$0x4] =	wrdreg s6  }
0xd: {  	v0 =	vmul.u32 $0x10, v0;
	s8 =	sadd.s32 $0x190, s3;
	s5 =	sadd.s32 $0x600, s5;
	[dreg:$0x5] =	wrdreg s1  }
.LBB2_1:
0xe: {  	s0 =	rddreg [dreg:$0x3];
	s1 =	simm.s32 $0x5  }
0xf: {  	[tilespmem:s4], [sflag:$0x5] =	stream.linear.gather [hbm4b:s0+s4], $0x2710, $0x38;
	[tilespmem:$0x1FA40] =	vst v63  }
0x10: {  	_ =	swait.ge [sflag:s1], $0x2710  }
0x11: {  	[sflag:s1] =	ssyncset.done $0x0  }
0x12: {  	s6 =	simm.s32 $0x2710;
	s30 =	rddreg [dreg:$0x4];
	[sflag:s1] =	ssyncadd.s32 $0xFFFFD8F0  }
0x13: {  	[tilespmem:s6], [sflag:$0x5] =	stream.linear.gather [hbm4b:s30+s4], $0x2710, $0x38;
	[tilespmem:$0x1FA40] =	vst v63  }
0x14: {  	_ =	swait.ge [sflag:s1], $0x2710  }
0x15: {  	[sflag:s1] =	ssyncset.done $0x0  }
0x16: {  	[sflag:s1] =	ssyncadd.s32 $0xFFFFD8F0  }
0x17: {  	[tilespmem:s14], [sflag:$0x1] =	stream.indirect.gather [hbm4b:s5+s13], $0x40, s4, s13, $0xb8;
	[tilespmem:$0x1FA40] =	vst v63  }
0x18: {  	_ = 	snop  }
0x19: {  	[tilespmem:s15], [sflag:$0x1] =	stream.indirect.gather [hbm4b:s5+s13], $0x40, s6, s13, $0xb8;
	[tilespmem:$0x1FA40] =	vst v63  }
0x1a: {  	_ = 	snop  }
0x1b: {  	[tilespmem:s16], [sflag:$0x2] =	stream.indirect.gather [hbm4b:s5+s13], $0x40, s13, s13, $0xb8;
	[tilespmem:$0x1FA40] =	vst v63  }
0x1c: {  	s31 =	simm.s32 $0x28A0;
	s28 =	simm.s32 $0x0  }
0x1d: {  	[tilespmem:s18], [sflag:$0x2] =	stream.indirect.gather [hbm4b:s5+s13], $0x40, s31, s13, $0xb8;
	[tilespmem:$0x1FA40] =	vst v63  }
.LBB2_2:
0x1e: {  	_ =	swait.ge [sflag:s19], $0x6400  }
0x1f: {  	[sflag:s19] =	ssyncset.done $0x0  }
0x20: {  	[sflag:s19] =	ssyncadd.s32 $0xFFFF9C00  }
0x21: {  	_ =	swait.ge [sflag:s19], $0x6400  }
0x22: {  	p0 =	seq.s32 s28, $0x0;
	[sflag:s19] =	ssyncset.done $0x0  }
0x23: {  	s0 =	simm.s32 @!p0 $0x3;
	[sflag:s19] =	ssyncadd.s32 $0xFFFF9C00  }
0x24: {  	_ =	swait.ge @!p0 [sflag:s0], $0x190  }
0x25: {  	[sflag:s0] =	ssyncset.done @!p0 $0x0  }
0x26: {  	s6 =	simm.s32 $0x5020;
	[sflag:s0] =	ssyncadd.s32 @!p0 $0xFFFFFE70  }
0x27: {  	s1 =	simm.s32 $0x11820;
	v1 =	vld [tilespmem:s6+$0xFFFFFE00]  }
0x28: {  	v2 =	vld [tilespmem:s1+$0xFFFFFE00]  }
0x29: {  	v3 =	vld [tilespmem:s6+$0xFFFFFE10]  }
0x2a: {  	v4 =	vld [tilespmem:s1+$0xFFFFFE10]  }
0x2b: {  	v5 =	vld [tilespmem:s6+$0xFFFFFE20]  }
0x2c: {  	v6 =	vld [tilespmem:s1+$0xFFFFFE20]  }
0x2d: {  	v7 =	vld [tilespmem:s6+$0xFFFFFE30]  }
0x2e: {  	v8 =	vld [tilespmem:s1+$0xFFFFFE30]  }
0x2f: {  	v1 =	vmul.bf16 v2, v1;
	v2 =	vmul.bf16 v4, v3;
	_ =	sdelay $0x1  }
0x30: {  	v1 =	vadd.bf16 v2, v1;
	v2 =	vmul.bf16 v6, v5;
	_ =	sdelay $0x1  }
0x31: {  	v1 =	vadd.bf16 v2, v1;
	v2 =	vmul.bf16 v8, v7;
	_ =	sdelay $0x1  }
0x32: {  	v1 =	vadd.bf16 v2, v1;
	_ =	sdelay $0x1  }
0x33: {  	v2 =	vunpack.i.u.bf16.f32 v1;
	v1 =	vunpack.i.l.bf16.f32 v1  }
0x34: {  	v1 =	vadd.f32 v1, v2  }
0x35: {  	s17 =	simm.s32 $0x1DEA0  }
0x36: {  	[tilespmem:s17+$0xFFFFFF80] =	vst v1  }
0x37: {  	v1 =	vld [tilespmem:s6+$0xFFFFFE40]  }
0x38: {  	v2 =	vld [tilespmem:s1+$0xFFFFFE40]  }
0x39: {  	v3 =	vld [tilespmem:s6+$0xFFFFFE50]  }
0x3a: {  	v4 =	vld [tilespmem:s1+$0xFFFFFE50]  }
0x3b: {  	v5 =	vld [tilespmem:s6+$0xFFFFFE60]  }
0x3c: {  	v6 =	vld [tilespmem:s1+$0xFFFFFE60]  }
0x3d: {  	v7 =	vld [tilespmem:s6+$0xFFFFFE70]  }
0x3e: {  	v8 =	vld [tilespmem:s1+$0xFFFFFE70]  }
0x3f: {  	v1 =	vmul.bf16 v2, v1;
	v2 =	vmul.bf16 v4, v3;
	_ =	sdelay $0x1  }
0x40: {  	v3 =	vmul.bf16 v6, v5;
	v1 =	vadd.bf16 v2, v1;
	_ =	sdelay $0x1  }
0x41: {  	v2 =	vmul.bf16 v8, v7;
	v1 =	vadd.bf16 v3, v1;
	_ =	sdelay $0x1  }
0x42: {  	v1 =	vadd.bf16 v2, v1;
	_ =	sdelay $0x1  }
0x43: {  	v2 =	vunpack.i.u.bf16.f32 v1;
	v1 =	vunpack.i.l.bf16.f32 v1  }
0x44: {  	v1 =	vadd.f32 v1, v2;
	_ =	sdelay $0x1  }
0x45: {  	[tilespmem:s17+$0xFFFFFF90] =	vst v1  }
0x46: {  	v1 =	vld [tilespmem:s6+$0xFFFFFE80]  }
0x47: {  	v2 =	vld [tilespmem:s1+$0xFFFFFE80]  }
0x48: {  	v3 =	vld [tilespmem:s6+$0xFFFFFE90]  }
0x49: {  	v4 =	vld [tilespmem:s1+$0xFFFFFE90]  }
0x4a: {  	v5 =	vld [tilespmem:s6+$0xFFFFFEA0]  }
0x4b: {  	v6 =	vld [tilespmem:s1+$0xFFFFFEA0]  }
0x4c: {  	v7 =	vld [tilespmem:s6+$0xFFFFFEB0]  }
0x4d: {  	v8 =	vld [tilespmem:s1+$0xFFFFFEB0]  }
0x4e: {  	v1 =	vmul.bf16 v2, v1;
	v2 =	vmul.bf16 v4, v3;
	_ =	sdelay $0x1  }
0x4f: {  	v1 =	vadd.bf16 v2, v1;
	v2 =	vmul.bf16 v6, v5;
	_ =	sdelay $0x1  }
0x50: {  	v1 =	vadd.bf16 v2, v1;
	v2 =	vmul.bf16 v8, v7;
	_ =	sdelay $0x1  }
0x51: {  	v1 =	vadd.bf16 v2, v1;
	_ =	sdelay $0x1  }
0x52: {  	v2 =	vunpack.i.u.bf16.f32 v1;
	v1 =	vunpack.i.l.bf16.f32 v1  }
0x53: {  	v1 =	vadd.f32 v1, v2;
	_ =	sdelay $0x1  }
0x54: {  	[tilespmem:s17+$0xFFFFFFA0] =	vst v1  }
0x55: {  	v1 =	vld [tilespmem:s6+$0xFFFFFEC0]  }
0x56: {  	v2 =	vld [tilespmem:s1+$0xFFFFFEC0]  }
0x57: {  	v3 =	vld [tilespmem:s6+$0xFFFFFED0]  }
0x58: {  	v4 =	vld [tilespmem:s1+$0xFFFFFED0]  }
0x59: {  	v5 =	vld [tilespmem:s6+$0xFFFFFEE0]  }
0x5a: {  	v6 =	vld [tilespmem:s1+$0xFFFFFEE0]  }
0x5b: {  	v7 =	vld [tilespmem:s6+$0xFFFFFEF0]  }
0x5c: {  	v8 =	vld [tilespmem:s1+$0xFFFFFEF0]  }
0x5d: {  	v1 =	vmul.bf16 v2, v1;
	v2 =	vmul.bf16 v4, v3;
	_ =	sdelay $0x1  }
0x5e: {  	v1 =	vadd.bf16 v2, v1;
	v2 =	vmul.bf16 v6, v5;
	_ =	sdelay $0x1  }
0x5f: {  	v1 =	vadd.bf16 v2, v1;
	v2 =	vmul.bf16 v8, v7;
	_ =	sdelay $0x1  }
0x60: {  	v1 =	vadd.bf16 v2, v1;
	_ =	sdelay $0x1  }
0x61: {  	v2 =	vunpack.i.u.bf16.f32 v1;
	v1 =	vunpack.i.l.bf16.f32 v1  }
0x62: {  	v1 =	vadd.f32 v1, v2;
	_ =	sdelay $0x1  }
0x63: {  	[tilespmem:s17+$0xFFFFFFB0] =	vst v1  }
0x64: {  	v1 =	vld [tilespmem:s6+$0xFFFFFF00]  }
0x65: {  	v2 =	vld [tilespmem:s1+$0xFFFFFF00]  }
0x66: {  	v3 =	vld [tilespmem:s6+$0xFFFFFF10]  }
0x67: {  	v4 =	vld [tilespmem:s1+$0xFFFFFF10]  }
0x68: {  	v5 =	vld [tilespmem:s6+$0xFFFFFF20]  }
0x69: {  	v6 =	vld [tilespmem:s1+$0xFFFFFF20]  }
0x6a: {  	v7 =	vld [tilespmem:s6+$0xFFFFFF30]  }
0x6b: {  	v8 =	vld [tilespmem:s1+$0xFFFFFF30]  }
0x6c: {  	v1 =	vmul.bf16 v2, v1;
	v2 =	vmul.bf16 v4, v3;
	_ =	sdelay $0x1  }
0x6d: {  	v1 =	vadd.bf16 v2, v1;
	v2 =	vmul.bf16 v6, v5;
	_ =	sdelay $0x1  }
0x6e: {  	v1 =	vadd.bf16 v2, v1;
	v2 =	vmul.bf16 v8, v7;
	_ =	sdelay $0x1  }
0x6f: {  	v1 =	vadd.bf16 v2, v1;
	_ =	sdelay $0x1  }
0x70: {  	v2 =	vunpack.i.u.bf16.f32 v1;
	v1 =	vunpack.i.l.bf16.f32 v1  }
0x71: {  	v1 =	vadd.f32 v1, v2;
	_ =	sdelay $0x1  }
0x72: {  	[tilespmem:s17+$0xFFFFFFC0] =	vst v1  }
0x73: {  	v1 =	vld [tilespmem:s6+$0xFFFFFF40]  }
0x74: {  	v2 =	vld [tilespmem:s1+$0xFFFFFF40]  }
0x75: {  	v3 =	vld [tilespmem:s6+$0xFFFFFF50]  }
0x76: {  	v4 =	vld [tilespmem:s1+$0xFFFFFF50]  }
0x77: {  	v5 =	vld [tilespmem:s6+$0xFFFFFF60]  }
0x78: {  	v6 =	vld [tilespmem:s1+$0xFFFFFF60]  }
0x79: {  	v7 =	vld [tilespmem:s6+$0xFFFFFF70]  }
0x7a: {  	v8 =	vld [tilespmem:s1+$0xFFFFFF70]  }
0x7b: {  	v1 =	vmul.bf16 v2, v1;
	v2 =	vmul.bf16 v4, v3;
	_ =	sdelay $0x1  }
0x7c: {  	v1 =	vadd.bf16 v2, v1;
	v2 =	vmul.bf16 v6, v5;
	_ =	sdelay $0x1  }
0x7d: {  	v1 =	vadd.bf16 v2, v1;
	v2 =	vmul.bf16 v8, v7;
	_ =	sdelay $0x1  }
0x7e: {  	v1 =	vadd.bf16 v2, v1;
	_ =	sdelay $0x1  }
0x7f: {  	v2 =	vunpack.i.u.bf16.f32 v1;
	v1 =	vunpack.i.l.bf16.f32 v1  }
0x80: {  	v1 =	vadd.f32 v1, v2;
	_ =	sdelay $0x1  }
0x81: {  	[tilespmem:s17+$0xFFFFFFD0] =	vst v1  }
0x82: {  	v1 =	vld [tilespmem:s6+$0xFFFFFF80]  }
0x83: {  	v2 =	vld [tilespmem:s1+$0xFFFFFF80]  }
0x84: {  	v3 =	vld [tilespmem:s6+$0xFFFFFF90]  }
0x85: {  	v4 =	vld [tilespmem:s1+$0xFFFFFF90]  }
0x86: {  	v5 =	vld [tilespmem:s6+$0xFFFFFFA0]  }
0x87: {  	v6 =	vld [tilespmem:s1+$0xFFFFFFA0]  }
0x88: {  	v7 =	vld [tilespmem:s6+$0xFFFFFFB0]  }
0x89: {  	v8 =	vld [tilespmem:s1+$0xFFFFFFB0]  }
0x8a: {  	v1 =	vmul.bf16 v2, v1;
	v2 =	vmul.bf16 v4, v3;
	_ =	sdelay $0x1  }
0x8b: {  	v1 =	vadd.bf16 v2, v1;
	v2 =	vmul.bf16 v6, v5;
	_ =	sdelay $0x1  }
0x8c: {  	v1 =	vadd.bf16 v2, v1;
	v2 =	vmul.bf16 v8, v7;
	_ =	sdelay $0x1  }
0x8d: {  	v1 =	vadd.bf16 v2, v1;
	_ =	sdelay $0x1  }
0x8e: {  	v2 =	vunpack.i.u.bf16.f32 v1;
	v1 =	vunpack.i.l.bf16.f32 v1  }
0x8f: {  	v1 =	vadd.f32 v1, v2;
	_ =	sdelay $0x1  }
0x90: {  	[tilespmem:s17+$0xFFFFFFE0] =	vst v1  }
0x91: {  	v1 =	vld [tilespmem:s6+$0xFFFFFFC0]  }
0x92: {  	v2 =	vld [tilespmem:s1+$0xFFFFFFC0]  }
0x93: {  	v3 =	vld [tilespmem:s6+$0xFFFFFFD0]  }
0x94: {  	v4 =	vld [tilespmem:s1+$0xFFFFFFD0]  }
0x95: {  	v5 =	vld [tilespmem:s6+$0xFFFFFFE0]  }
0x96: {  	v6 =	vld [tilespmem:s1+$0xFFFFFFE0]  }
0x97: {  	v7 =	vld [tilespmem:s6+$0xFFFFFFF0]  }
0x98: {  	s30 =	simm.s32 $0x5420;
	v8 =	vld [tilespmem:s1+$0xFFFFFFF0]  }
0x99: {  	s31 =	simm.s32 $0x11C20;
	v9 =	vld [tilespmem:s30+$0xFFFFFE00];
	v1 =	vmul.bf16 v2, v1;
	v2 =	vmul.bf16 v4, v3  }
0x9a: {  	v3 =	vld [tilespmem:s31+$0xFFFFFE00]  }
0x9b: {  	v4 =	vld [tilespmem:s30+$0xFFFFFE10];
	v1 =	vadd.bf16 v2, v1;
	v2 =	vmul.bf16 v6, v5  }
0x9c: {  	v5 =	vld [tilespmem:s31+$0xFFFFFE10]  }
0x9d: {  	v6 =	vld [tilespmem:s30+$0xFFFFFE20];
	v1 =	vadd.bf16 v2, v1;
	v2 =	vmul.bf16 v8, v7  }
0x9e: {  	v7 =	vld [tilespmem:s31+$0xFFFFFE20]  }
0x9f: {  	v8 =	vld [tilespmem:s30+$0xFFFFFE30];
	v1 =	vadd.bf16 v2, v1  }
0xa0: {  	v3 =	vmul.bf16 v3, v9;
	v2 =	vld [tilespmem:s31+$0xFFFFFE30]  }
0xa1: {  	v4 =	vmul.bf16 v5, v4;
	v5 =	vunpack.i.u.bf16.f32 v1;
	v1 =	vunpack.i.l.bf16.f32 v1  }
0xa2: {  	v1 =	vadd.f32 v1, v5  }
0xa3: {  	v3 =	vadd.bf16 v4, v3;
	v4 =	vmul.bf16 v7, v6  }
0xa4: {  	[tilespmem:s17+$0xFFFFFFF0] =	vst v1  }
0xa5: {  	v1 =	vadd.bf16 v4, v3;
	v2 =	vmul.bf16 v2, v8;
	v3 =	vld [tilespmem:s6+$0x0]  }
0xa6: {  	v4 =	vld [tilespmem:s1+$0x0]  }
0xa7: {  	v5 =	vld [tilespmem:s1+$0x10];
	v1 =	vadd.bf16 v2, v1  }
0xa8: {  	v2 =	vld [tilespmem:s6+$0x10]  }
0xa9: {  	v7 =	vld [tilespmem:s6+$0x20];
	v6 =	vunpack.i.u.bf16.f32 v1;
	v1 =	vunpack.i.l.bf16.f32 v1  }
0xaa: {  	v1 =	vadd.f32 v1, v6;
	v6 =	vld [tilespmem:s1+$0x20]  }
0xab: {  	s29 =	simm.s32 $0x1DFA0;
	v8 =	vld [tilespmem:s6+$0x30]  }
0xac: {  	[tilespmem:s29+$0xFFFFFF80] =	vst v1;
	v1 =	vld [tilespmem:s1+$0x30]  }
0xad: {  	v3 =	vmul.bf16 v4, v3;
	v2 =	vmul.bf16 v5, v2;
	v12 =	vld [tilespmem:s30+$0xFFFFFE40]  }
0xae: {  	v4 =	vld [tilespmem:s31+$0xFFFFFE40]  }
0xaf: {  	v5 =	vld [tilespmem:s30+$0xFFFFFE50];
	v2 =	vadd.bf16 v2, v3;
	v3 =	vmul.bf16 v6, v7  }
0xb0: {  	v6 =	vld [tilespmem:s31+$0xFFFFFE50]  }
0xb1: {  	v7 =	vld [tilespmem:s30+$0xFFFFFE60];
	v2 =	vadd.bf16 v3, v2;
	v1 =	vmul.bf16 v1, v8  }
0xb2: {  	v3 =	vld [tilespmem:s31+$0xFFFFFE60]  }
0xb3: {  	v8 =	vld [tilespmem:s30+$0xFFFFFE70];
	v1 =	vadd.bf16 v1, v2  }
0xb4: {  	v4 =	vmul.bf16 v4, v12;
	v2 =	vld [tilespmem:s31+$0xFFFFFE70]  }
0xb5: {  	v5 =	vmul.bf16 v6, v5;
	v6 =	vunpack.i.u.bf16.f32 v1;
	v1 =	vunpack.i.l.bf16.f32 v1  }
0xb6: {  	v1 =	vadd.f32 v1, v6  }
0xb7: {  	v3 =	vmul.bf16 v3, v7;
	v4 =	vadd.bf16 v5, v4  }
0xb8: {  	[tilespmem:s17+$0x0] =	vst v1  }
0xb9: {  	v1 =	vmul.bf16 v2, v8;
	v2 =	vadd.bf16 v3, v4;
	v3 =	vld [tilespmem:s6+$0x40]  }
0xba: {  	v4 =	vld [tilespmem:s1+$0x40]  }
0xbb: {  	v5 =	vld [tilespmem:s1+$0x50];
	v1 =	vadd.bf16 v1, v2  }
0xbc: {  	v2 =	vld [tilespmem:s6+$0x50]  }
0xbd: {  	v7 =	vld [tilespmem:s6+$0x60];
	v6 =	vunpack.i.u.bf16.f32 v1;
	v1 =	vunpack.i.l.bf16.f32 v1  }
0xbe: {  	v1 =	vadd.f32 v1, v6;
	v6 =	vld [tilespmem:s1+$0x60]  }
0xbf: {  	v8 =	vld [tilespmem:s6+$0x70]  }
0xc0: {  	[tilespmem:s29+$0xFFFFFF90] =	vst v1;
	v1 =	vld [tilespmem:s1+$0x70]  }
0xc1: {  	v3 =	vmul.bf16 v4, v3;
	v2 =	vmul.bf16 v5, v2;
	v13 =	vld [tilespmem:s30+$0xFFFFFE80]  }
0xc2: {  	v4 =	vld [tilespmem:s31+$0xFFFFFE80]  }
0xc3: {  	v5 =	vld [tilespmem:s30+$0xFFFFFE90];
	v2 =	vadd.bf16 v2, v3;
	v3 =	vmul.bf16 v6, v7  }
0xc4: {  	v6 =	vld [tilespmem:s31+$0xFFFFFE90]  }
0xc5: {  	v7 =	vld [tilespmem:s30+$0xFFFFFEA0];
	v2 =	vadd.bf16 v3, v2;
	v1 =	vmul.bf16 v1, v8  }
0xc6: {  	v3 =	vld [tilespmem:s31+$0xFFFFFEA0]  }
0xc7: {  	v8 =	vld [tilespmem:s30+$0xFFFFFEB0];
	v1 =	vadd.bf16 v1, v2  }
0xc8: {  	v2 =	vmul.bf16 v4, v13;
	v4 =	vld [tilespmem:s31+$0xFFFFFEB0]  }
0xc9: {  	v5 =	vmul.bf16 v6, v5;
	v6 =	vunpack.i.u.bf16.f32 v1;
	v1 =	vunpack.i.l.bf16.f32 v1  }
0xca: {  	v1 =	vadd.f32 v1, v6  }
0xcb: {  	v2 =	vadd.bf16 v5, v2;
	v3 =	vmul.bf16 v3, v7  }
0xcc: {  	[tilespmem:s17+$0x10] =	vst v1  }
0xcd: {  	v1 =	vadd.bf16 v3, v2;
	v2 =	vmul.bf16 v4, v8;
	v3 =	vld [tilespmem:s6+$0x80]  }
0xce: {  	v4 =	vld [tilespmem:s1+$0x80]  }
0xcf: {  	v5 =	vld [tilespmem:s1+$0x90];
	v1 =	vadd.bf16 v2, v1  }
0xd0: {  	v2 =	vld [tilespmem:s6+$0x90]  }
0xd1: {  	v7 =	vld [tilespmem:s6+$0xA0];
	v6 =	vunpack.i.u.bf16.f32 v1;
	v1 =	vunpack.i.l.bf16.f32 v1  }
0xd2: {  	v1 =	vadd.f32 v1, v6;
	v6 =	vld [tilespmem:s1+$0xA0]  }
0xd3: {  	v8 =	vld [tilespmem:s6+$0xB0]  }
0xd4: {  	[tilespmem:s29+$0xFFFFFFA0] =	vst v1;
	v1 =	vld [tilespmem:s1+$0xB0]  }
0xd5: {  	v3 =	vmul.bf16 v4, v3;
	v2 =	vmul.bf16 v5, v2;
	v14 =	vld [tilespmem:s30+$0xFFFFFEC0]  }
0xd6: {  	v4 =	vld [tilespmem:s31+$0xFFFFFEC0]  }
0xd7: {  	v5 =	vld [tilespmem:s30+$0xFFFFFED0];
	v2 =	vadd.bf16 v2, v3;
	v3 =	vmul.bf16 v6, v7  }
0xd8: {  	v6 =	vld [tilespmem:s31+$0xFFFFFED0]  }
0xd9: {  	v7 =	vld [tilespmem:s30+$0xFFFFFEE0];
	v2 =	vadd.bf16 v3, v2;
	v1 =	vmul.bf16 v1, v8  }
0xda: {  	v3 =	vld [tilespmem:s31+$0xFFFFFEE0]  }
0xdb: {  	v8 =	vld [tilespmem:s30+$0xFFFFFEF0];
	v1 =	vadd.bf16 v1, v2  }
0xdc: {  	v2 =	vmul.bf16 v4, v14;
	v4 =	vld [tilespmem:s31+$0xFFFFFEF0]  }
0xdd: {  	v5 =	vmul.bf16 v6, v5;
	v6 =	vunpack.i.u.bf16.f32 v1;
	v1 =	vunpack.i.l.bf16.f32 v1  }
0xde: {  	v1 =	vadd.f32 v1, v6  }
0xdf: {  	v2 =	vadd.bf16 v5, v2;
	v3 =	vmul.bf16 v3, v7  }
0xe0: {  	[tilespmem:s17+$0x20] =	vst v1  }
0xe1: {  	v1 =	vadd.bf16 v3, v2;
	v2 =	vmul.bf16 v4, v8;
	v3 =	vld [tilespmem:s6+$0xC0]  }
0xe2: {  	v4 =	vld [tilespmem:s1+$0xC0]  }
0xe3: {  	v5 =	vld [tilespmem:s1+$0xD0];
	v1 =	vadd.bf16 v2, v1  }
0xe4: {  	v2 =	vld [tilespmem:s6+$0xD0]  }
0xe5: {  	v7 =	vld [tilespmem:s6+$0xE0];
	v6 =	vunpack.i.u.bf16.f32 v1;
	v1 =	vunpack.i.l.bf16.f32 v1  }
0xe6: {  	v1 =	vadd.f32 v1, v6;
	v6 =	vld [tilespmem:s1+$0xE0]  }
0xe7: {  	v8 =	vld [tilespmem:s6+$0xF0]  }
0xe8: {  	[tilespmem:s29+$0xFFFFFFB0] =	vst v1;
	v1 =	vld [tilespmem:s1+$0xF0]  }
0xe9: {  	v3 =	vmul.bf16 v4, v3;
	v2 =	vmul.bf16 v5, v2;
	v15 =	vld [tilespmem:s30+$0xFFFFFF00]  }
0xea: {  	v4 =	vld [tilespmem:s31+$0xFFFFFF00]  }
0xeb: {  	v5 =	vld [tilespmem:s30+$0xFFFFFF10];
	v2 =	vadd.bf16 v2, v3;
	v3 =	vmul.bf16 v6, v7  }
0xec: {  	v6 =	vld [tilespmem:s31+$0xFFFFFF10]  }
0xed: {  	v7 =	vld [tilespmem:s30+$0xFFFFFF20];
	v2 =	vadd.bf16 v3, v2;
	v1 =	vmul.bf16 v1, v8  }
0xee: {  	v3 =	vld [tilespmem:s31+$0xFFFFFF20]  }
0xef: {  	v8 =	vld [tilespmem:s30+$0xFFFFFF30];
	v1 =	vadd.bf16 v1, v2  }
0xf0: {  	s9 =	simm.s32 $0x5820;
	v2 =	vmul.bf16 v4, v15;
	v4 =	vld [tilespmem:s31+$0xFFFFFF30]  }
0xf1: {  	s10 =	simm.s32 $0x12020;
	v16 =	vld [tilespmem:s9+$0xFFFFFE30];
	v5 =	vmul.bf16 v6, v5;
	v6 =	vunpack.i.u.bf16.f32 v1;
	v1 =	vunpack.i.l.bf16.f32 v1  }
0xf2: {  	v10 =	vld [tilespmem:s10+$0xFFFFFE30];
	v1 =	vadd.f32 v1, v6  }
0xf3: {  	v19 =	vld [tilespmem:s10+$0xFFFFFE00];
	v2 =	vadd.bf16 v5, v2;
	v3 =	vmul.bf16 v3, v7  }
0xf4: {  	v14 =	vld [tilespmem:s9+$0xFFFFFE10];
	[tilespmem:s17+$0x30] =	vst v1  }
0xf5: {  	v1 =	vadd.bf16 v3, v2;
	v2 =	vmul.bf16 v4, v8;
	v3 =	vld [tilespmem:s6+$0x100]  }
0xf6: {  	v4 =	vld [tilespmem:s1+$0x100]  }
0xf7: {  	v7 =	vld [tilespmem:s1+$0x110];
	v1 =	vadd.bf16 v2, v1  }
0xf8: {  	v2 =	vld [tilespmem:s6+$0x110]  }
0xf9: {  	v11 =	vld [tilespmem:s6+$0x120];
	v8 =	vunpack.i.u.bf16.f32 v1;
	v1 =	vunpack.i.l.bf16.f32 v1  }
0xfa: {  	v1 =	vadd.f32 v1, v8;
	v8 =	vld [tilespmem:s1+$0x120]  }
0xfb: {  	v12 =	vld [tilespmem:s6+$0x130]  }
0xfc: {  	[tilespmem:s29+$0xFFFFFFC0] =	vst v1;
	v1 =	vld [tilespmem:s1+$0x130]  }
0xfd: {  	v3 =	vmul.bf16 v4, v3;
	v2 =	vmul.bf16 v7, v2;
	v13 =	vld [tilespmem:s30+$0xFFFFFF40]  }
0xfe: {  	v4 =	vld [tilespmem:s31+$0xFFFFFF40]  }
0xff: {  	v7 =	vld [tilespmem:s30+$0xFFFFFF50];
	v2 =	vadd.bf16 v2, v3;
	v3 =	vmul.bf16 v8, v11  }
0x100: {  	v8 =	vld [tilespmem:s31+$0xFFFFFF50]  }
0x101: {  	v17 =	vld [tilespmem:s30+$0xFFFFFF60];
	v2 =	vadd.bf16 v3, v2;
	v1 =	vmul.bf16 v1, v12  }
0x102: {  	v3 =	vld [tilespmem:s31+$0xFFFFFF60]  }
0x103: {  	v18 =	vld [tilespmem:s30+$0xFFFFFF70];
	v1 =	vadd.bf16 v1, v2  }
0x104: {  	v2 =	vmul.bf16 v4, v13;
	v4 =	vld [tilespmem:s31+$0xFFFFFF70]  }
0x105: {  	v6 =	vld [tilespmem:s9+$0xFFFFFE20];
	v7 =	vmul.bf16 v8, v7;
	v8 =	vunpack.i.u.bf16.f32 v1;
	v1 =	vunpack.i.l.bf16.f32 v1  }
0x106: {  	v5 =	vld [tilespmem:s9+$0xFFFFFE00];
	v1 =	vadd.f32 v1, v8  }
0x107: {  	v8 =	vld [tilespmem:s10+$0xFFFFFE10];
	v2 =	vadd.bf16 v7, v2;
	v3 =	vmul.bf16 v3, v17  }
0x108: {  	v7 =	vld [tilespmem:s10+$0xFFFFFE20];
	[tilespmem:s17+$0x40] =	vst v1  }
0x109: {  	v1 =	vadd.bf16 v3, v2;
	v2 =	vmul.bf16 v4, v18;
	v3 =	vld [tilespmem:s6+$0x140]  }
0x10a: {  	v4 =	vld [tilespmem:s1+$0x140]  }
0x10b: {  	v20 =	vld [tilespmem:s1+$0x150];
	v1 =	vadd.bf16 v2, v1  }
0x10c: {  	v5 =	vmul.bf16 v19, v5;
	v2 =	vld [tilespmem:s6+$0x150];
	v8 =	vmul.bf16 v8, v14  }
0x10d: {  	v22 =	vld [tilespmem:s6+$0x160];
	v21 =	vunpack.i.u.bf16.f32 v1;
	v1 =	vunpack.i.l.bf16.f32 v1  }
0x10e: {  	v6 =	vmul.bf16 v7, v6;
	v7 =	vld [tilespmem:s1+$0x160];
	v5 =	vadd.bf16 v8, v5;
	v1 =	vadd.f32 v1, v21  }
0x10f: {  	v8 =	vld [tilespmem:s6+$0x170]  }
0x110: {  	v5 =	vadd.bf16 v6, v5;
	v6 =	vmul.bf16 v10, v16;
	[tilespmem:s29+$0xFFFFFFD0] =	vst v1;
	v1 =	vld [tilespmem:s1+$0x170]  }
0x111: {  	v3 =	vmul.bf16 v4, v3;
	v2 =	vmul.bf16 v20, v2;
	v23 =	vld [tilespmem:s30+$0xFFFFFF80]  }
0x112: {  	v24 =	vld [tilespmem:s31+$0xFFFFFF90];
	v4 =	vadd.bf16 v6, v5  }
0x113: {  	v5 =	vld [tilespmem:s31+$0xFFFFFF80];
	v2 =	vadd.bf16 v2, v3;
	v3 =	vmul.bf16 v7, v22  }
0x114: {  	v6 =	vld [tilespmem:s30+$0xFFFFFF90];
	v7 =	vunpack.i.u.bf16.f32 v4  }
0x115: {  	v25 =	vld [tilespmem:s30+$0xFFFFFFA0];
	v4 =	vunpack.i.l.bf16.f32 v4;
	v2 =	vadd.bf16 v3, v2;
	v1 =	vmul.bf16 v1, v8  }
0x116: {  	v3 =	vadd.f32 v4, v7;
	v4 =	vld [tilespmem:s31+$0xFFFFFFA0]  }
0x117: {  	s25 =	simm.s32 $0x1E0A0;
	v7 =	vld [tilespmem:s30+$0xFFFFFFB0];
	v1 =	vadd.bf16 v1, v2  }
0x118: {  	[tilespmem:s25+$0xFFFFFF80] =	vst v3;
	v2 =	vmul.bf16 v5, v23;
	v3 =	vld [tilespmem:s31+$0xFFFFFFB0]  }
0x119: {  	v6 =	vmul.bf16 v24, v6;
	v5 =	vld [tilespmem:s9+$0xFFFFFE70];
	v8 =	vunpack.i.u.bf16.f32 v1;
	v1 =	vunpack.i.l.bf16.f32 v1  }
0x11a: {  	v26 =	vld [tilespmem:s10+$0xFFFFFE70];
	v1 =	vadd.f32 v1, v8  }
0x11b: {  	v35 =	vld [tilespmem:s9+$0xFFFFFE40];
	v2 =	vadd.bf16 v6, v2;
	v4 =	vmul.bf16 v4, v25  }
0x11c: {  	v37 =	vld [tilespmem:s10+$0xFFFFFE40];
	[tilespmem:s17+$0x50] =	vst v1  }
0x11d: {  	v1 =	vadd.bf16 v4, v2;
	v2 =	vmul.bf16 v3, v7;
	v3 =	vld [tilespmem:s6+$0x180]  }
0x11e: {  	v4 =	vld [tilespmem:s1+$0x180]  }
0x11f: {  	v7 =	vld [tilespmem:s1+$0x190];
	v1 =	vadd.bf16 v2, v1  }
0x120: {  	v2 =	vld [tilespmem:s6+$0x190]  }
0x121: {  	v28 =	vld [tilespmem:s6+$0x1A0];
	v27 =	vunpack.i.u.bf16.f32 v1;
	v1 =	vunpack.i.l.bf16.f32 v1  }
0x122: {  	v29 =	vld [tilespmem:s1+$0x1A0];
	v1 =	vadd.f32 v1, v27  }
0x123: {  	v30 =	vld [tilespmem:s6+$0x1B0]  }
0x124: {  	[tilespmem:s29+$0xFFFFFFE0] =	vst v1;
	v1 =	vld [tilespmem:s1+$0x1B0]  }
0x125: {  	v3 =	vmul.bf16 v4, v3;
	v2 =	vmul.bf16 v7, v2;
	v31 =	vld [tilespmem:s30+$0xFFFFFFC0]  }
0x126: {  	v4 =	vld [tilespmem:s31+$0xFFFFFFC0]  }
0x127: {  	v7 =	vld [tilespmem:s30+$0xFFFFFFD0];
	v2 =	vadd.bf16 v2, v3;
	v3 =	vmul.bf16 v29, v28  }
0x128: {  	v32 =	vld [tilespmem:s31+$0xFFFFFFD0]  }
0x129: {  	v33 =	vld [tilespmem:s30+$0xFFFFFFE0];
	v2 =	vadd.bf16 v3, v2;
	v1 =	vmul.bf16 v1, v30  }
0x12a: {  	v3 =	vld [tilespmem:s31+$0xFFFFFFE0]  }
0x12b: {  	v34 =	vld [tilespmem:s30+$0xFFFFFFF0];
	v1 =	vadd.bf16 v1, v2  }
0x12c: {  	v2 =	vmul.bf16 v4, v31;
	v4 =	vld [tilespmem:s31+$0xFFFFFFF0]  }
0x12d: {  	v38 =	vld [tilespmem:s9+$0xFFFFFE50];
	v7 =	vmul.bf16 v32, v7;
	v36 =	vunpack.i.u.bf16.f32 v1;
	v1 =	vunpack.i.l.bf16.f32 v1  }
0x12e: {  	v6 =	vld [tilespmem:s10+$0xFFFFFE60];
	v1 =	vadd.f32 v1, v36  }
0x12f: {  	v8 =	vld [tilespmem:s9+$0xFFFFFE60];
	v2 =	vadd.bf16 v7, v2;
	v3 =	vmul.bf16 v3, v33  }
0x130: {  	v7 =	vld [tilespmem:s10+$0xFFFFFE50];
	[tilespmem:s17+$0x60] =	vst v1  }
0x131: {  	v1 =	vadd.bf16 v3, v2;
	v2 =	vmul.bf16 v4, v34;
	v3 =	vld [tilespmem:s6+$0x1C0]  }
0x132: {  	v4 =	vld [tilespmem:s1+$0x1C0]  }
0x133: {  	v39 =	vld [tilespmem:s1+$0x1D0];
	v1 =	vadd.bf16 v2, v1  }
0x134: {  	v15 =	vld [tilespmem:s6+$0x1E0]  }
0x135: {  	v2 =	vld [tilespmem:s6+$0x1D0];
	v40 =	vunpack.i.u.bf16.f32 v1;
	v1 =	vunpack.i.l.bf16.f32 v1  }
0x136: {  	v41 =	vld [tilespmem:s1+$0x1E0];
	v1 =	vadd.f32 v1, v40  }
0x137: {  	v13 =	vmul.bf16 v37, v35;
	v42 =	vld [tilespmem:s6+$0x1F0];
	v7 =	vmul.bf16 v7, v38  }
0x138: {  	[tilespmem:s29+$0xFFFFFFF0] =	vst v1;
	v1 =	vld [tilespmem:s1+$0x1F0]  }
0x139: {  	v6 =	vmul.bf16 v6, v8;
	v7 =	vadd.bf16 v7, v13;
	v3 =	vmul.bf16 v4, v3;
	v8 =	vld [tilespmem:s30+$0x0]  }
0x13a: {  	v4 =	vmul.bf16 v26, v5;
	v2 =	vmul.bf16 v39, v2;
	v5 =	vld [tilespmem:s31+$0x0]  }
0x13b: {  	v6 =	vadd.bf16 v6, v7;
	v7 =	vld [tilespmem:s30+$0x10]  }
0x13c: {  	v44 =	vld [tilespmem:s31+$0x10];
	v2 =	vadd.bf16 v2, v3;
	v3 =	vmul.bf16 v41, v15  }
0x13d: {  	s24 =	simm.s32 $0x0;
	v4 =	vadd.bf16 v4, v6;
	v6 =	vld [tilespmem:s30+$0x20]  }
0x13e: {  	v43 =	vmov s24;
	v2 =	vadd.bf16 v3, v2;
	v3 =	vld [tilespmem:s31+$0x20];
	v1 =	vmul.bf16 v1, v42  }
0x13f: {  	v9 =	vshll.u32 v43, $0x4;
	v46 =	vld [tilespmem:s30+$0x30];
	v45 =	vunpack.i.u.bf16.f32 v4;
	v4 =	vunpack.i.l.bf16.f32 v4  }
0x140: {  	v1 =	vadd.bf16 v1, v2;
	v2 =	vadd.f32 v4, v45;
	v4 =	vmul.bf16 v5, v8;
	v5 =	vld [tilespmem:s31+$0x30]  }
0x141: {  	v9 =	vor.u32 v0, v9;
	v7 =	vmul.bf16 v44, v7  }
0x142: {  	v8 =	vor.u32 $0x1, v9;
	v47 =	vunpack.i.u.bf16.f32 v1;
	v1 =	vunpack.i.l.bf16.f32 v1  }
0x143: {  	[tilespmem:s25+$0xFFFFFF90] =	vst v2;
	v2 =	vadd.bf16 v7, v4;
	v3 =	vmul.bf16 v3, v6;
	v1 =	vadd.f32 v1, v47  }
0x144: {  	v4 =	vor.u32 $0x2, v9;
	v6 =	vld [tilespmem:s9+$0xFFFFFEB0]  }
0x145: {  	v48 =	vld [tilespmem:s10+$0xFFFFFE80];
	[tilespmem:s17+$0x70] =	vst v1;
	v1 =	vadd.bf16 v3, v2;
	v2 =	vmul.bf16 v5, v46  }
0x146: {  	v5 =	vor.u32 $0x3, v9;
	v3 =	vld.idx.msk [tilespmem:v9+s20+$0x0], $0xffff  }
0x147: {  	v56 =	vor.u32 $0x9, v9;
	v7 =	vld.idx.msk [tilespmem:v8+s20+$0x0], $0xffff;
	v1 =	vadd.bf16 v2, v1  }
0x148: {  	v51 =	vld [tilespmem:s9+$0xFFFFFE90];
	v2 =	vor.u32 $0x4, v9  }
0x149: {  	v16 =	vor.u32 $0xA, v9;
	v4 =	vld.idx.msk [tilespmem:v4+s20+$0x0], $0xffff;
	v49 =	vunpack.i.u.bf16.f32 v1;
	v1 =	vunpack.i.l.bf16.f32 v1  }
0x14a: {  	v50 =	vor.u32 $0x5, v9;
	v60 =	vld [tilespmem:s10+$0xFFFFFE90];
	v1 =	vadd.f32 v1, v49  }
0x14b: {  	v5 =	vld.idx.msk [tilespmem:v5+s20+$0x0], $0xffff  }
0x14c: {  	v52 =	vor.u32 $0x6, v9;
	v15 =	vld.idx.msk [tilespmem:v56+s20+$0x0], $0xffff;
	[tilespmem:s29+$0x0] =	vst v1;
	v1 =	vadd.f32 v7, v3  }
0x14d: {  	v2 =	vld.idx.msk [tilespmem:v2+s20+$0x0], $0xffff  }
0x14e: {  	v16 =	vld.idx.msk [tilespmem:v16+s20+$0x0], $0xffff;
	v7 =	vor.u32 $0x7, v9;
	v1 =	vadd.f32 v4, v1  }
0x14f: {  	v4 =	vld.idx.msk [tilespmem:v50+s20+$0x0], $0xffff  }
0x150: {  	v54 =	vor.u32 $0x8, v9;
	v55 =	vld [tilespmem:s30+$0x40];
	v1 =	vadd.f32 v5, v1  }
0x151: {  	v5 =	vld.idx.msk [tilespmem:v52+s20+$0x0], $0xffff  }
0x152: {  	v57 =	vld [tilespmem:s30+$0x50];
	v1 =	vadd.f32 v2, v1  }
0x153: {  	v2 =	vld.idx.msk [tilespmem:v7+s20+$0x0], $0xffff  }
0x154: {  	v7 =	vld [tilespmem:s31+$0x40];
	v1 =	vadd.f32 v4, v1  }
0x155: {  	v4 =	vld.idx.msk [tilespmem:v54+s20+$0x0], $0xffff  }
0x156: {  	v1 =	vadd.f32 v5, v1;
	v5 =	vld [tilespmem:s31+$0x50]  }
0x157: {  	v17 =	vor.u32 $0xB, v9;
	v53 =	vld [tilespmem:s30+$0x60]  }
0x158: {  	v1 =	vadd.f32 v2, v1;
	v2 =	vld [tilespmem:s31+$0x60]  }
0x159: {  	v18 =	vor.u32 $0xC, v9;
	v3 =	vld [tilespmem:s30+$0x70]  }
0x15a: {  	v19 =	vor.u32 $0xD, v9;
	v1 =	vadd.f32 v4, v1;
	v4 =	vld [tilespmem:s31+$0x70]  }
0x15b: {  	v61 =	vld [tilespmem:s9+$0xFFFFFEA0];
	v7 =	vmul.bf16 v7, v55;
	v5 =	vmul.bf16 v5, v57  }
0x15c: {  	v58 =	vor.u32 $0xE, v9;
	v17 =	vld.idx.msk [tilespmem:v17+s20+$0x0], $0xffff  }
0x15d: {  	v8 =	vld [tilespmem:s9+$0xFFFFFE80];
	v1 =	vadd.f32 v15, v1;
	v5 =	vadd.bf16 v5, v7;
	v2 =	vmul.bf16 v2, v53  }
0x15e: {  	v59 =	vld.idx.msk [tilespmem:v18+s20+$0x0], $0xffff;
	v9 =	vor.u32 $0xF, v9  }
0x15f: {  	v7 =	vld.idx.msk [tilespmem:v19+s20+$0x0], $0xffff;
	v1 =	vadd.f32 v16, v1;
	v2 =	vadd.bf16 v2, v5;
	v3 =	vmul.bf16 v4, v3  }
0x160: {  	v4 =	vld [tilespmem:s10+$0xFFFFFEA0]  }
0x161: {  	v5 =	vld.idx.msk [tilespmem:v58+s20+$0x0], $0xffff;
	v1 =	vadd.f32 v17, v1;
	v2 =	vadd.bf16 v3, v2  }
0x162: {  	v62 =	vmul.bf16 v60, v51;
	v3 =	vmul.bf16 v48, v8;
	v8 =	vld [tilespmem:s10+$0xFFFFFEB0]  }
0x163: {  	v1 =	vadd.f32 v59, v1;
	v63 =	vunpack.i.u.bf16.f32 v2;
	v2 =	vunpack.i.l.bf16.f32 v2  }
0x164: {  	v9 =	vld.idx.msk [tilespmem:v9+s20+$0x0], $0xffff;
	v2 =	vadd.f32 v2, v63  }
0x165: {  	v3 =	vadd.bf16 v62, v3;
	v1 =	vadd.f32 v7, v1;
	v4 =	vmul.bf16 v4, v61  }
0x166: {  	[tilespmem:s29+$0x10] =	vst v2  }
0x167: {  	v5 =	vadd.f32 v5, v1;
	v3 =	vadd.bf16 v4, v3;
	v4 =	vmul.bf16 v8, v6;
	v1 =	vld [tilespmem:s30+$0x80]  }
0x168: {  	v2 =	vld [tilespmem:s31+$0x80]  }
0x169: {  	s12 =	simm.s32 $0x10;
	v5 =	vadd.f32 v9, v5;
	v7 =	vadd.bf16 v4, v3;
	v3 =	vld [tilespmem:s30+$0x90]  }
0x16a: {  	s11 =	simm.s32 $0x30;
	s7 =	simm.s32 $0x5820;
	s1 =	simm.s32 $0x1F720;
	v4 =	vld [tilespmem:s31+$0x90]  }
0x16b: {  	s0 =	simm.s32 $0x1E0A0;
	s6 =	simm.s32 $0x12020;
	s17 =	simm.s32 $0x20;
	[tilespmem:s1+$0x0] =	vst v5;
	v6 =	vunpack.i.u.bf16.f32 v7;
	v7 =	vunpack.i.l.bf16.f32 v7;
	v5 =	vld [tilespmem:s30+$0xA0]  }
.LBB2_3:
0x16c: {  	p1 =	sne.s32 s11, $0x180;
	v6 =	vadd.f32 v7, v6;
	v7 =	vld [tilespmem:s31+$0xA0]  }
0x16d: {  	v8 =	vld [tilespmem:s30+$0xB0]  }
0x16e: {  	[tilespmem:s25+$0xFFFFFFA0] =	vst v6;
	v6 =	vld [tilespmem:s31+$0xB0]  }
0x16f: {  	v1 =	vmul.bf16 v2, v1;
	v9 =	vld [tilespmem:s9+$0xFFFFFEC0];
	v2 =	vmul.bf16 v4, v3  }
0x170: {  	v3 =	vld [tilespmem:s10+$0xFFFFFEC0]  }
0x171: {  	v4 =	vld [tilespmem:s9+$0xFFFFFED0];
	v1 =	vadd.bf16 v2, v1;
	v2 =	vmul.bf16 v7, v5  }
0x172: {  	v5 =	vld [tilespmem:s10+$0xFFFFFED0]  }
0x173: {  	v7 =	vld [tilespmem:s9+$0xFFFFFEE0];
	v1 =	vadd.bf16 v2, v1;
	v2 =	vmul.bf16 v6, v8  }
0x174: {  	v6 =	vld [tilespmem:s10+$0xFFFFFEE0]  }
0x175: {  	v8 =	vld [tilespmem:s9+$0xFFFFFEF0];
	v1 =	vadd.bf16 v2, v1  }
0x176: {  	v2 =	vmul.bf16 v3, v9;
	v3 =	vld [tilespmem:s10+$0xFFFFFEF0]  }
0x177: {  	v4 =	vmul.bf16 v5, v4;
	v5 =	vunpack.i.u.bf16.f32 v1;
	v1 =	vunpack.i.l.bf16.f32 v1  }
0x178: {  	v1 =	vadd.f32 v1, v5  }
0x179: {  	v2 =	vadd.bf16 v4, v2;
	v4 =	vmul.bf16 v6, v7  }
0x17a: {  	[tilespmem:s29+$0x20] =	vst v1  }
0x17b: {  	v1 =	vadd.bf16 v4, v2;
	v2 =	vmul.bf16 v3, v8;
	v3 =	vld [tilespmem:s30+$0xC0]  }
0x17c: {  	v4 =	vld [tilespmem:s31+$0xC0]  }
0x17d: {  	v1 =	vadd.bf16 v2, v1;
	v2 =	vld [tilespmem:s30+$0xD0]  }
0x17e: {  	v5 =	vld [tilespmem:s31+$0xD0]  }
0x17f: {  	v6 =	vunpack.i.u.bf16.f32 v1;
	v1 =	vunpack.i.l.bf16.f32 v1;
	v7 =	vld [tilespmem:s30+$0xE0]  }
0x180: {  	v1 =	vadd.f32 v1, v6;
	v6 =	vld [tilespmem:s31+$0xE0]  }
0x181: {  	v8 =	vld [tilespmem:s30+$0xF0]  }
0x182: {  	[tilespmem:s25+$0xFFFFFFB0] =	vst v1;
	v1 =	vld [tilespmem:s31+$0xF0]  }
0x183: {  	v3 =	vmul.bf16 v4, v3;
	v9 =	vld [tilespmem:s9+$0xFFFFFF00];
	v2 =	vmul.bf16 v5, v2  }
0x184: {  	v4 =	vld [tilespmem:s10+$0xFFFFFF00]  }
0x185: {  	v5 =	vld [tilespmem:s9+$0xFFFFFF10];
	v2 =	vadd.bf16 v2, v3;
	v3 =	vmul.bf16 v6, v7  }
0x186: {  	v6 =	vld [tilespmem:s10+$0xFFFFFF10]  }
0x187: {  	v7 =	vld [tilespmem:s9+$0xFFFFFF20];
	v2 =	vadd.bf16 v3, v2;
	v1 =	vmul.bf16 v1, v8  }
0x188: {  	v3 =	vld [tilespmem:s10+$0xFFFFFF20]  }
0x189: {  	v8 =	vld [tilespmem:s9+$0xFFFFFF30];
	v1 =	vadd.bf16 v1, v2  }
0x18a: {  	v2 =	vmul.bf16 v4, v9;
	s9 =	sadd.s32 $0x400, s9;
	v4 =	vld [tilespmem:s10+$0xFFFFFF30]  }
0x18b: {  	s10 =	sadd.s32 $0x400, s10;
	v9 =	vld [tilespmem:s9+$0xFFFFFE30];
	v5 =	vmul.bf16 v6, v5;
	v6 =	vunpack.i.u.bf16.f32 v1;
	v1 =	vunpack.i.l.bf16.f32 v1  }
0x18c: {  	v10 =	vld [tilespmem:s10+$0xFFFFFE30];
	v1 =	vadd.f32 v1, v6  }
0x18d: {  	v6 =	vld [tilespmem:s9+$0xFFFFFE20];
	v2 =	vadd.bf16 v5, v2;
	v3 =	vmul.bf16 v3, v7  }
0x18e: {  	v5 =	vld [tilespmem:s9+$0xFFFFFE00];
	[tilespmem:s29+$0x30] =	vst v1  }
0x18f: {  	v1 =	vadd.bf16 v3, v2;
	v2 =	vmul.bf16 v4, v8;
	v3 =	vld [tilespmem:s30+$0x100]  }
0x190: {  	v4 =	vld [tilespmem:s31+$0x100]  }
0x191: {  	v1 =	vadd.bf16 v2, v1;
	v2 =	vld [tilespmem:s30+$0x110]  }
0x192: {  	v7 =	vld [tilespmem:s31+$0x110]  }
0x193: {  	v8 =	vunpack.i.u.bf16.f32 v1;
	v1 =	vunpack.i.l.bf16.f32 v1;
	v11 =	vld [tilespmem:s30+$0x120]  }
0x194: {  	v1 =	vadd.f32 v1, v8;
	v8 =	vld [tilespmem:s31+$0x120]  }
0x195: {  	v12 =	vld [tilespmem:s30+$0x130]  }
0x196: {  	[tilespmem:s25+$0xFFFFFFC0] =	vst v1;
	v1 =	vld [tilespmem:s31+$0x130]  }
0x197: {  	v3 =	vmul.bf16 v4, v3;
	v13 =	vld [tilespmem:s7+$0xFFFFFF40];
	v2 =	vmul.bf16 v7, v2  }
0x198: {  	v4 =	vld [tilespmem:s6+$0xFFFFFF40]  }
0x199: {  	v7 =	vld [tilespmem:s7+$0xFFFFFF50];
	v2 =	vadd.bf16 v2, v3;
	v3 =	vmul.bf16 v8, v11  }
0x19a: {  	v8 =	vld [tilespmem:s6+$0xFFFFFF50]  }
0x19b: {  	v11 =	vld [tilespmem:s7+$0xFFFFFF60];
	v2 =	vadd.bf16 v3, v2;
	v1 =	vmul.bf16 v1, v12  }
0x19c: {  	v3 =	vld [tilespmem:s6+$0xFFFFFF60]  }
0x19d: {  	v12 =	vld [tilespmem:s7+$0xFFFFFF70];
	v1 =	vadd.bf16 v1, v2  }
0x19e: {  	v2 =	vmul.bf16 v4, v13;
	v4 =	vld [tilespmem:s6+$0xFFFFFF70]  }
0x19f: {  	v13 =	vld [tilespmem:s10+$0xFFFFFE00];
	v7 =	vmul.bf16 v8, v7;
	v8 =	vunpack.i.u.bf16.f32 v1;
	v1 =	vunpack.i.l.bf16.f32 v1  }
0x1a0: {  	v14 =	vld [tilespmem:s9+$0xFFFFFE10];
	v1 =	vadd.f32 v1, v8  }
0x1a1: {  	v8 =	vld [tilespmem:s10+$0xFFFFFE10];
	v2 =	vadd.bf16 v7, v2;
	v3 =	vmul.bf16 v3, v11  }
0x1a2: {  	v7 =	vld [tilespmem:s10+$0xFFFFFE20];
	[tilespmem:s29+$0x40] =	vst v1  }
0x1a3: {  	v1 =	vadd.bf16 v3, v2;
	v2 =	vmul.bf16 v4, v12;
	v3 =	vld [tilespmem:s30+$0x140]  }
0x1a4: {  	v4 =	vld [tilespmem:s31+$0x140]  }
0x1a5: {  	v1 =	vadd.bf16 v2, v1;
	v2 =	vld [tilespmem:s30+$0x150]  }
0x1a6: {  	v5 =	vmul.bf16 v13, v5;
	v8 =	vmul.bf16 v8, v14;
	v11 =	vld [tilespmem:s31+$0x150]  }
0x1a7: {  	v12 =	vunpack.i.u.bf16.f32 v1;
	v1 =	vunpack.i.l.bf16.f32 v1;
	v13 =	vld [tilespmem:s30+$0x160]  }
0x1a8: {  	v6 =	vmul.bf16 v7, v6;
	v5 =	vadd.bf16 v8, v5;
	v1 =	vadd.f32 v1, v12;
	v7 =	vld [tilespmem:s31+$0x160]  }
0x1a9: {  	v8 =	vld [tilespmem:s30+$0x170]  }
0x1aa: {  	v5 =	vadd.bf16 v6, v5;
	v6 =	vmul.bf16 v10, v9;
	[tilespmem:s25+$0xFFFFFFD0] =	vst v1;
	v1 =	vld [tilespmem:s31+$0x170]  }
0x1ab: {  	v3 =	vmul.bf16 v4, v3;
	v9 =	vld [tilespmem:s7+$0xFFFFFF80];
	v2 =	vmul.bf16 v11, v2  }
0x1ac: {  	v4 =	vadd.bf16 v6, v5;
	v5 =	vld [tilespmem:s6+$0xFFFFFF80]  }
0x1ad: {  	v6 =	vld [tilespmem:s7+$0xFFFFFF90];
	v2 =	vadd.bf16 v2, v3;
	v3 =	vmul.bf16 v7, v13  }
0x1ae: {  	v7 =	vunpack.i.u.bf16.f32 v4;
	v10 =	vld [tilespmem:s6+$0xFFFFFF90]  }
0x1af: {  	v4 =	vunpack.i.l.bf16.f32 v4;
	v11 =	vld [tilespmem:s7+$0xFFFFFFA0];
	v2 =	vadd.bf16 v3, v2;
	v1 =	vmul.bf16 v1, v8  }
0x1b0: {  	v3 =	vadd.f32 v4, v7;
	v4 =	vld [tilespmem:s6+$0xFFFFFFA0]  }
0x1b1: {  	s25 =	sadd.s32 $0x100, s25;
	v7 =	vld [tilespmem:s7+$0xFFFFFFB0];
	v1 =	vadd.bf16 v1, v2  }
0x1b2: {  	v2 =	vmul.bf16 v5, v9;
	[tilespmem:s25+$0xFFFFFF80] =	vst v3;
	v3 =	vld [tilespmem:s6+$0xFFFFFFB0]  }
0x1b3: {  	v5 =	vld [tilespmem:s9+$0xFFFFFE70];
	v6 =	vmul.bf16 v10, v6;
	v8 =	vunpack.i.u.bf16.f32 v1;
	v1 =	vunpack.i.l.bf16.f32 v1  }
0x1b4: {  	v9 =	vld [tilespmem:s10+$0xFFFFFE70];
	v1 =	vadd.f32 v1, v8  }
0x1b5: {  	v8 =	vld [tilespmem:s9+$0xFFFFFE60];
	v2 =	vadd.bf16 v6, v2;
	v4 =	vmul.bf16 v4, v11  }
0x1b6: {  	v6 =	vld [tilespmem:s10+$0xFFFFFE60];
	[tilespmem:s29+$0x50] =	vst v1  }
0x1b7: {  	v1 =	vadd.bf16 v4, v2;
	v2 =	vmul.bf16 v3, v7;
	v3 =	vld [tilespmem:s30+$0x180]  }
0x1b8: {  	v4 =	vld [tilespmem:s31+$0x180]  }
0x1b9: {  	v1 =	vadd.bf16 v2, v1;
	v2 =	vld [tilespmem:s30+$0x190]  }
0x1ba: {  	v7 =	vld [tilespmem:s31+$0x190]  }
0x1bb: {  	v10 =	vunpack.i.u.bf16.f32 v1;
	v1 =	vunpack.i.l.bf16.f32 v1;
	v11 =	vld [tilespmem:s30+$0x1A0]  }
0x1bc: {  	v1 =	vadd.f32 v1, v10;
	v10 =	vld [tilespmem:s31+$0x1A0]  }
0x1bd: {  	v12 =	vld [tilespmem:s30+$0x1B0]  }
0x1be: {  	[tilespmem:s0+$0xFFFFFFE0] =	vst v1;
	v1 =	vld [tilespmem:s31+$0x1B0]  }
0x1bf: {  	v3 =	vmul.bf16 v4, v3;
	v13 =	vld [tilespmem:s7+$0xFFFFFFC0];
	v2 =	vmul.bf16 v7, v2  }
0x1c0: {  	v4 =	vld [tilespmem:s6+$0xFFFFFFC0]  }
0x1c1: {  	v7 =	vld [tilespmem:s7+$0xFFFFFFD0];
	v2 =	vadd.bf16 v2, v3;
	v3 =	vmul.bf16 v10, v11  }
0x1c2: {  	v10 =	vld [tilespmem:s6+$0xFFFFFFD0]  }
0x1c3: {  	v11 =	vld [tilespmem:s7+$0xFFFFFFE0];
	v2 =	vadd.bf16 v3, v2;
	v1 =	vmul.bf16 v1, v12  }
0x1c4: {  	v3 =	vld [tilespmem:s6+$0xFFFFFFE0]  }
0x1c5: {  	v12 =	vld [tilespmem:s7+$0xFFFFFFF0];
	v1 =	vadd.bf16 v1, v2  }
0x1c6: {  	v2 =	vmul.bf16 v4, v13;
	v4 =	vld [tilespmem:s6+$0xFFFFFFF0]  }
0x1c7: {  	v13 =	vld [tilespmem:s9+$0xFFFFFE40];
	v7 =	vmul.bf16 v10, v7;
	v10 =	vunpack.i.u.bf16.f32 v1;
	v1 =	vunpack.i.l.bf16.f32 v1  }
0x1c8: {  	v14 =	vld [tilespmem:s10+$0xFFFFFE40];
	v1 =	vadd.f32 v1, v10  }
0x1c9: {  	v10 =	vld [tilespmem:s9+$0xFFFFFE50];
	v2 =	vadd.bf16 v7, v2;
	v3 =	vmul.bf16 v3, v11  }
0x1ca: {  	v7 =	vld [tilespmem:s10+$0xFFFFFE50];
	[tilespmem:s29+$0x60] =	vst v1  }
0x1cb: {  	v1 =	vadd.bf16 v3, v2;
	v2 =	vmul.bf16 v4, v12;
	v3 =	vld [tilespmem:s30+$0x1C0]  }
0x1cc: {  	v4 =	vld [tilespmem:s31+$0x1C0]  }
0x1cd: {  	v1 =	vadd.bf16 v2, v1;
	v2 =	vld [tilespmem:s30+$0x1D0]  }
0x1ce: {  	v11 =	vld [tilespmem:s31+$0x1D0]  }
0x1cf: {  	v12 =	vunpack.i.u.bf16.f32 v1;
	v1 =	vunpack.i.l.bf16.f32 v1;
	v15 =	vld [tilespmem:s30+$0x1E0]  }
0x1d0: {  	v1 =	vadd.f32 v1, v12;
	v12 =	vld [tilespmem:s31+$0x1E0]  }
0x1d1: {  	v13 =	vmul.bf16 v14, v13;
	v7 =	vmul.bf16 v7, v10;
	v10 =	vld [tilespmem:s30+$0x1F0];
	s30 =	smov.u32 s7;
	s7 =	smov.u32 s9  }
0x1d2: {  	v6 =	vmul.bf16 v6, v8;
	[tilespmem:s0+$0xFFFFFFF0] =	vst v1;
	v1 =	vld [tilespmem:s31+$0x1F0];
	s31 =	smov.u32 s6;
	s6 =	smov.u32 s10  }
0x1d3: {  	v7 =	vadd.bf16 v7, v13;
	v3 =	vmul.bf16 v4, v3;
	v8 =	vld [tilespmem:s30+$0x0];
	v2 =	vmul.bf16 v11, v2  }
0x1d4: {  	v4 =	vmul.bf16 v9, v5;
	v9 =	vmov s12;
	s12 =	smov.u32 s17;
	s17 =	smov.u32 s11;
	v5 =	vld [tilespmem:s31+$0x0]  }
0x1d5: {  	v6 =	vadd.bf16 v6, v7;
	v7 =	vld [tilespmem:s30+$0x10];
	v2 =	vadd.bf16 v2, v3;
	v3 =	vmul.bf16 v12, v15  }
0x1d6: {  	v9 =	vshll.u32 v9, $0x4;
	v11 =	vld [tilespmem:s31+$0x10]  }
0x1d7: {  	v4 =	vadd.bf16 v4, v6;
	v6 =	vld [tilespmem:s30+$0x20];
	v2 =	vadd.bf16 v3, v2;
	v1 =	vmul.bf16 v1, v10  }
0x1d8: {  	v9 =	vor.u32 v0, v9;
	v3 =	vld [tilespmem:s31+$0x20]  }
0x1d9: {  	v10 =	vunpack.i.u.bf16.f32 v4;
	v4 =	vunpack.i.l.bf16.f32 v4;
	v12 =	vld [tilespmem:s30+$0x30];
	v1 =	vadd.bf16 v1, v2  }
0x1da: {  	v2 =	vadd.f32 v4, v10;
	v4 =	vmul.bf16 v5, v8;
	v8 =	vor.u32 $0x1, v9;
	v5 =	vld [tilespmem:s31+$0x30]  }
0x1db: {  	v7 =	vmul.bf16 v11, v7;
	v10 =	vunpack.i.u.bf16.f32 v1;
	v1 =	vunpack.i.l.bf16.f32 v1  }
0x1dc: {  	v1 =	vadd.f32 v1, v10  }
0x1dd: {  	[tilespmem:s25+$0xFFFFFF90] =	vst v2;
	v2 =	vadd.bf16 v7, v4;
	v3 =	vmul.bf16 v3, v6;
	v4 =	vor.u32 $0x2, v9  }
0x1de: {  	v6 =	vld [tilespmem:s9+$0xFFFFFEB0];
	[tilespmem:s29+$0x70] =	vst v1;
	s29 =	smov.u32 s0;
	s0 =	smov.u32 s25  }
0x1df: {  	v1 =	vadd.bf16 v3, v2;
	v2 =	vmul.bf16 v5, v12;
	v3 =	vld.idx.msk [tilespmem:v9+s20+$0x0], $0xffff;
	v5 =	vor.u32 $0x3, v9  }
0x1e0: {  	v7 =	vld.idx.msk [tilespmem:v8+s20+$0x0], $0xffff  }
0x1e1: {  	v8 =	vld [tilespmem:s9+$0xFFFFFE80];
	v1 =	vadd.bf16 v2, v1;
	v2 =	vor.u32 $0x4, v9  }
0x1e2: {  	v4 =	vld.idx.msk [tilespmem:v4+s20+$0x0], $0xffff  }
0x1e3: {  	v12 =	vor.u32 $0x5, v9;
	v10 =	vld [tilespmem:s10+$0xFFFFFE80];
	v11 =	vunpack.i.u.bf16.f32 v1;
	v1 =	vunpack.i.l.bf16.f32 v1  }
0x1e4: {  	v1 =	vadd.f32 v1, v11;
	v5 =	vld.idx.msk [tilespmem:v5+s20+$0x0], $0xffff  }
0x1e5: {  	v13 =	vor.u32 $0x6, v9;
	v11 =	vld [tilespmem:s9+$0xFFFFFE90]  }
0x1e6: {  	[tilespmem:s29+$0x0] =	vst v1;
	v1 =	vadd.f32 v7, v3;
	v2 =	vld.idx.msk [tilespmem:v2+s20+$0x0], $0xffff  }
0x1e7: {  	v7 =	vor.u32 $0x7, v9;
	v3 =	vld [tilespmem:s30+$0x70]  }
0x1e8: {  	v1 =	vadd.f32 v4, v1;
	v4 =	vld.idx.msk [tilespmem:v12+s20+$0x0], $0xffff  }
0x1e9: {  	v14 =	vor.u32 $0x8, v9;
	v12 =	vld [tilespmem:s30+$0x60]  }
0x1ea: {  	v1 =	vadd.f32 v5, v1;
	v5 =	vld.idx.msk [tilespmem:v13+s20+$0x0], $0xffff  }
0x1eb: {  	v15 =	vor.u32 $0x9, v9;
	v13 =	vld [tilespmem:s30+$0x40]  }
0x1ec: {  	v1 =	vadd.f32 v2, v1;
	v2 =	vld.idx.msk [tilespmem:v7+s20+$0x0], $0xffff  }
0x1ed: {  	v16 =	vor.u32 $0xA, v9;
	v7 =	vld [tilespmem:s31+$0x40]  }
0x1ee: {  	v1 =	vadd.f32 v4, v1;
	v4 =	vld.idx.msk [tilespmem:v14+s20+$0x0], $0xffff  }
0x1ef: {  	v17 =	vor.u32 $0xB, v9;
	v14 =	vld [tilespmem:s30+$0x50]  }
0x1f0: {  	v1 =	vadd.f32 v5, v1;
	v5 =	vld.idx.msk [tilespmem:v15+s20+$0x0], $0xffff  }
0x1f1: {  	v18 =	vor.u32 $0xC, v9;
	v15 =	vld [tilespmem:s31+$0x50]  }
0x1f2: {  	v1 =	vadd.f32 v2, v1;
	v2 =	vld.idx.msk [tilespmem:v16+s20+$0x0], $0xffff  }
0x1f3: {  	v19 =	vor.u32 $0xD, v9;
	v16 =	vld [tilespmem:s31+$0x60]  }
0x1f4: {  	v1 =	vadd.f32 v4, v1;
	v4 =	vld.idx.msk [tilespmem:v17+s20+$0x0], $0xffff  }
0x1f5: {  	v20 =	vor.u32 $0xE, v9;
	v17 =	vld [tilespmem:s31+$0x70]  }
0x1f6: {  	v7 =	vmul.bf16 v7, v13;
	v13 =	vmul.bf16 v15, v14;
	v1 =	vadd.f32 v5, v1;
	v5 =	vld.idx.msk [tilespmem:v18+s20+$0x0], $0xffff  }
0x1f7: {  	v9 =	vor.u32 $0xF, v9;
	v14 =	vld [tilespmem:s10+$0xFFFFFE90]  }
0x1f8: {  	v7 =	vadd.bf16 v13, v7;
	v12 =	vmul.bf16 v16, v12;
	v1 =	vadd.f32 v2, v1;
	v2 =	vld.idx.msk [tilespmem:v19+s20+$0x0], $0xffff  }
0x1f9: {  	v13 =	vld [tilespmem:s9+$0xFFFFFEA0]  }
0x1fa: {  	v7 =	vadd.bf16 v12, v7;
	v3 =	vmul.bf16 v17, v3;
	v1 =	vadd.f32 v4, v1;
	v4 =	vld.idx.msk [tilespmem:v20+s20+$0x0], $0xffff  }
0x1fb: {  	v12 =	vld [tilespmem:s10+$0xFFFFFEA0]  }
0x1fc: {  	v3 =	vadd.bf16 v3, v7;
	v1 =	vadd.f32 v5, v1;
	v5 =	vld.idx.msk [tilespmem:v9+s20+$0x0], $0xffff  }
0x1fd: {  	v7 =	vmul.bf16 v10, v8;
	v8 =	vmul.bf16 v14, v11;
	v9 =	vld [tilespmem:s10+$0xFFFFFEB0]  }
0x1fe: {  	v10 =	vunpack.i.u.bf16.f32 v3;
	v3 =	vunpack.i.l.bf16.f32 v3;
	v1 =	vadd.f32 v2, v1  }
0x1ff: {  	v2 =	vadd.f32 v3, v10  }
0x200: {  	v3 =	vadd.bf16 v8, v7;
	v7 =	vmul.bf16 v12, v13;
	v4 =	vadd.f32 v4, v1  }
0x201: {  	[tilespmem:s29+$0x10] =	vst v2  }
.Ltmp0:
0x202: {  	v3 =	vadd.bf16 v7, v3;
	v6 =	vmul.bf16 v9, v6;
	v1 =	vld [tilespmem:s30+$0x80];
	v4 =	vadd.f32 v5, v4;
	(pc) =	sbr.rel @p1 .LBB2_3-.Ltmp0, $4  }
0x203: {  	s1 =	sadd.s32 $0x10, s1;
	v2 =	vld [tilespmem:s31+$0x80]  }
0x204: {  	v5 =	vadd.bf16 v6, v3;
	v3 =	vld [tilespmem:s30+$0x90];
	[tilespmem:s1+$0x0] =	vst v4  }
0x205: {  	v4 =	vld [tilespmem:s31+$0x90]  }
0x206: {  	s11 =	sadd.s32 $0x10, s11;
	v6 =	vunpack.i.u.bf16.f32 v5;
	v7 =	vunpack.i.l.bf16.f32 v5;
	v5 =	vld [tilespmem:s30+$0xA0]  }
0x207: {  	v6 =	vadd.f32 v7, v6;
	_ =	sdelay $0x1  }
0x208: {  	[tilespmem:s25+$0xFFFFFFA0] =	vst v6  }
0x209: {  	v6 =	vld [tilespmem:s9+$0xFFFFFEC0]  }
0x20a: {  	v7 =	vld [tilespmem:s10+$0xFFFFFEC0]  }
0x20b: {  	v8 =	vld [tilespmem:s9+$0xFFFFFED0]  }
0x20c: {  	v9 =	vld [tilespmem:s10+$0xFFFFFED0]  }
0x20d: {  	v10 =	vld [tilespmem:s9+$0xFFFFFEE0]  }
0x20e: {  	v11 =	vld [tilespmem:s10+$0xFFFFFEE0]  }
0x20f: {  	v12 =	vld [tilespmem:s9+$0xFFFFFEF0]  }
0x210: {  	v13 =	vld [tilespmem:s10+$0xFFFFFEF0]  }
0x211: {  	v6 =	vmul.bf16 v7, v6;
	v7 =	vmul.bf16 v9, v8;
	_ =	sdelay $0x1  }
0x212: {  	v6 =	vadd.bf16 v7, v6;
	v7 =	vmul.bf16 v11, v10;
	_ =	sdelay $0x1  }
0x213: {  	v6 =	vadd.bf16 v7, v6;
	v7 =	vmul.bf16 v13, v12;
	_ =	sdelay $0x1  }
0x214: {  	v6 =	vadd.bf16 v7, v6;
	_ =	sdelay $0x1  }
0x215: {  	v7 =	vunpack.i.u.bf16.f32 v6;
	v6 =	vunpack.i.l.bf16.f32 v6  }
0x216: {  	v6 =	vadd.f32 v6, v7;
	_ =	sdelay $0x1  }
0x217: {  	[tilespmem:s25+$0xFFFFFFB0] =	vst v6  }
0x218: {  	v6 =	vld [tilespmem:s9+$0xFFFFFF00]  }
0x219: {  	v7 =	vld [tilespmem:s10+$0xFFFFFF00]  }
0x21a: {  	v8 =	vld [tilespmem:s9+$0xFFFFFF10]  }
0x21b: {  	v29 =	vld [tilespmem:s10+$0xFFFFFF10]  }
0x21c: {  	v30 =	vld [tilespmem:s9+$0xFFFFFF20]  }
0x21d: {  	v31 =	vld [tilespmem:s10+$0xFFFFFF20]  }
0x21e: {  	v32 =	vld [tilespmem:s9+$0xFFFFFF30]  }
0x21f: {  	v33 =	vld [tilespmem:s10+$0xFFFFFF30]  }
0x220: {  	v6 =	vmul.bf16 v7, v6;
	v7 =	vmul.bf16 v29, v8;
	_ =	sdelay $0x1  }
0x221: {  	v6 =	vadd.bf16 v7, v6;
	v7 =	vmul.bf16 v31, v30;
	_ =	sdelay $0x1  }
0x222: {  	v6 =	vadd.bf16 v7, v6;
	v7 =	vmul.bf16 v33, v32;
	_ =	sdelay $0x1  }
0x223: {  	v6 =	vadd.bf16 v7, v6;
	_ =	sdelay $0x1  }
0x224: {  	v7 =	vunpack.i.u.bf16.f32 v6;
	v6 =	vunpack.i.l.bf16.f32 v6  }
0x225: {  	v6 =	vadd.f32 v6, v7;
	_ =	sdelay $0x1  }
0x226: {  	[tilespmem:s25+$0xFFFFFFC0] =	vst v6  }
0x227: {  	v6 =	vld [tilespmem:s7+$0xFFFFFF40]  }
0x228: {  	v7 =	vld [tilespmem:s6+$0xFFFFFF40]  }
0x229: {  	v8 =	vld [tilespmem:s7+$0xFFFFFF50]  }
0x22a: {  	v34 =	vld [tilespmem:s6+$0xFFFFFF50]  }
0x22b: {  	v35 =	vld [tilespmem:s7+$0xFFFFFF60]  }
0x22c: {  	v36 =	vld [tilespmem:s6+$0xFFFFFF60]  }
0x22d: {  	v37 =	vld [tilespmem:s7+$0xFFFFFF70]  }
0x22e: {  	v38 =	vld [tilespmem:s6+$0xFFFFFF70]  }
0x22f: {  	v6 =	vmul.bf16 v7, v6;
	v7 =	vmul.bf16 v34, v8;
	_ =	sdelay $0x1  }
0x230: {  	v6 =	vadd.bf16 v7, v6;
	v7 =	vmul.bf16 v36, v35;
	_ =	sdelay $0x1  }
0x231: {  	v6 =	vadd.bf16 v7, v6;
	v7 =	vmul.bf16 v38, v37;
	_ =	sdelay $0x1  }
0x232: {  	v6 =	vadd.bf16 v7, v6;
	_ =	sdelay $0x1  }
0x233: {  	v7 =	vunpack.i.u.bf16.f32 v6;
	v6 =	vunpack.i.l.bf16.f32 v6  }
0x234: {  	v6 =	vadd.f32 v6, v7;
	_ =	sdelay $0x1  }
0x235: {  	[tilespmem:s25+$0xFFFFFFD0] =	vst v6  }
0x236: {  	v6 =	vld [tilespmem:s7+$0xFFFFFF80]  }
0x237: {  	v7 =	vld [tilespmem:s6+$0xFFFFFF80]  }
0x238: {  	v8 =	vld [tilespmem:s7+$0xFFFFFF90]  }
0x239: {  	v39 =	vld [tilespmem:s6+$0xFFFFFF90]  }
0x23a: {  	v40 =	vld [tilespmem:s7+$0xFFFFFFA0]  }
0x23b: {  	v41 =	vld [tilespmem:s6+$0xFFFFFFA0]  }
0x23c: {  	v42 =	vld [tilespmem:s7+$0xFFFFFFB0]  }
0x23d: {  	v43 =	vld [tilespmem:s6+$0xFFFFFFB0]  }
0x23e: {  	v6 =	vmul.bf16 v7, v6;
	v7 =	vmul.bf16 v39, v8;
	_ =	sdelay $0x1  }
0x23f: {  	v6 =	vadd.bf16 v7, v6;
	v7 =	vmul.bf16 v41, v40;
	_ =	sdelay $0x1  }
0x240: {  	v6 =	vadd.bf16 v7, v6;
	v7 =	vmul.bf16 v43, v42;
	_ =	sdelay $0x1  }
0x241: {  	v6 =	vadd.bf16 v7, v6;
	_ =	sdelay $0x1  }
0x242: {  	v7 =	vunpack.i.u.bf16.f32 v6;
	v6 =	vunpack.i.l.bf16.f32 v6  }
0x243: {  	v6 =	vadd.f32 v6, v7;
	_ =	sdelay $0x1  }
0x244: {  	[tilespmem:s0+$0xFFFFFFE0] =	vst v6  }
0x245: {  	v6 =	vld [tilespmem:s7+$0xFFFFFFC0]  }
0x246: {  	v7 =	vld [tilespmem:s6+$0xFFFFFFC0]  }
0x247: {  	v8 =	vld [tilespmem:s7+$0xFFFFFFD0]  }
0x248: {  	v44 =	vld [tilespmem:s6+$0xFFFFFFD0]  }
0x249: {  	v45 =	vld [tilespmem:s7+$0xFFFFFFE0]  }
0x24a: {  	v46 =	vld [tilespmem:s6+$0xFFFFFFE0]  }
0x24b: {  	v47 =	vld [tilespmem:s7+$0xFFFFFFF0]  }
0x24c: {  	v48 =	vld [tilespmem:s6+$0xFFFFFFF0]  }
0x24d: {  	v6 =	vmul.bf16 v7, v6;
	v7 =	vmul.bf16 v44, v8;
	_ =	sdelay $0x1  }
0x24e: {  	v6 =	vadd.bf16 v7, v6;
	v7 =	vmul.bf16 v46, v45;
	_ =	sdelay $0x1  }
0x24f: {  	v6 =	vadd.bf16 v7, v6;
	v7 =	vmul.bf16 v48, v47;
	_ =	sdelay $0x1  }
0x250: {  	v6 =	vadd.bf16 v7, v6;
	_ =	sdelay $0x1  }
0x251: {  	v7 =	vunpack.i.u.bf16.f32 v6;
	v6 =	vunpack.i.l.bf16.f32 v6  }
0x252: {  	v6 =	vadd.f32 v6, v7;
	_ =	sdelay $0x1  }
0x253: {  	[tilespmem:s0+$0xFFFFFFF0] =	vst v6  }
0x254: {  	v6 =	vld [tilespmem:s7+$0x0]  }
0x255: {  	v7 =	vld [tilespmem:s6+$0x0]  }
0x256: {  	v8 =	vld [tilespmem:s7+$0x10]  }
0x257: {  	v49 =	vld [tilespmem:s6+$0x10]  }
0x258: {  	v50 =	vld [tilespmem:s7+$0x20]  }
0x259: {  	v51 =	vld [tilespmem:s6+$0x20]  }
0x25a: {  	v52 =	vld [tilespmem:s7+$0x30]  }
0x25b: {  	v53 =	vld [tilespmem:s6+$0x30]  }
0x25c: {  	v6 =	vmul.bf16 v7, v6;
	v7 =	vmul.bf16 v49, v8;
	_ =	sdelay $0x1  }
0x25d: {  	v6 =	vadd.bf16 v7, v6;
	v7 =	vmul.bf16 v51, v50;
	_ =	sdelay $0x1  }
0x25e: {  	v6 =	vadd.bf16 v7, v6;
	v7 =	vmul.bf16 v53, v52;
	_ =	sdelay $0x1  }
0x25f: {  	v6 =	vadd.bf16 v7, v6;
	_ =	sdelay $0x1  }
0x260: {  	v7 =	vunpack.i.u.bf16.f32 v6;
	v6 =	vunpack.i.l.bf16.f32 v6  }
0x261: {  	v6 =	vadd.f32 v6, v7;
	_ =	sdelay $0x1  }
0x262: {  	[tilespmem:s0+$0x0] =	vst v6  }
0x263: {  	v6 =	vld [tilespmem:s7+$0x40]  }
0x264: {  	v7 =	vld [tilespmem:s6+$0x40]  }
0x265: {  	v8 =	vld [tilespmem:s7+$0x50]  }
0x266: {  	v54 =	vld [tilespmem:s6+$0x50]  }
0x267: {  	v55 =	vld [tilespmem:s7+$0x60]  }
0x268: {  	v56 =	vld [tilespmem:s6+$0x60]  }
0x269: {  	v57 =	vld [tilespmem:s7+$0x70]  }
0x26a: {  	v58 =	vld [tilespmem:s6+$0x70]  }
0x26b: {  	v6 =	vmul.bf16 v7, v6;
	v7 =	vmul.bf16 v54, v8;
	_ =	sdelay $0x1  }
0x26c: {  	v6 =	vadd.bf16 v7, v6;
	v7 =	vmul.bf16 v56, v55;
	_ =	sdelay $0x1  }
0x26d: {  	v6 =	vadd.bf16 v7, v6;
	v7 =	vmul.bf16 v58, v57;
	_ =	sdelay $0x1  }
0x26e: {  	v6 =	vadd.bf16 v7, v6;
	_ =	sdelay $0x1  }
0x26f: {  	v7 =	vld [tilespmem:s31+$0xA0];
	v8 =	vunpack.i.u.bf16.f32 v6;
	v6 =	vunpack.i.l.bf16.f32 v6  }
0x270: {  	v59 =	vld [tilespmem:s30+$0xB0];
	v6 =	vadd.f32 v6, v8  }
0x271: {  	v8 =	vld [tilespmem:s31+$0xB0]  }
0x272: {  	v1 =	vmul.bf16 v2, v1;
	v2 =	vmul.bf16 v4, v3;
	[tilespmem:s0+$0x10] =	vst v6  }
0x273: {  	v3 =	vld [tilespmem:s7+$0x80]  }
0x274: {  	v1 =	vadd.bf16 v2, v1;
	v2 =	vmul.bf16 v7, v5;
	v4 =	vld [tilespmem:s6+$0x80]  }
0x275: {  	v5 =	vld [tilespmem:s7+$0x90]  }
0x276: {  	v6 =	vld [tilespmem:s6+$0x90];
	v1 =	vadd.bf16 v2, v1;
	v2 =	vmul.bf16 v8, v59  }
0x277: {  	v7 =	vld [tilespmem:s7+$0xA0]  }
0x278: {  	v1 =	vadd.bf16 v2, v1;
	v2 =	vld [tilespmem:s6+$0xA0]  }
0x279: {  	v61 =	vld [tilespmem:s6+$0xB0]  }
0x27a: {  	v8 =	vld [tilespmem:s7+$0xB0];
	v60 =	vunpack.i.u.bf16.f32 v1;
	v1 =	vunpack.i.l.bf16.f32 v1  }
0x27b: {  	v3 =	vmul.bf16 v4, v3;
	v4 =	vmul.bf16 v6, v5;
	v1 =	vadd.f32 v1, v60;
	_ =	sdelay $0x1  }
0x27c: {  	[tilespmem:s29+$0x20] =	vst v1;
	v1 =	vadd.bf16 v4, v3;
	v2 =	vmul.bf16 v2, v7  }
0x27d: {  	v3 =	vld [tilespmem:s30+$0xC0]  }
0x27e: {  	v4 =	vld [tilespmem:s31+$0xC0];
	v1 =	vadd.bf16 v2, v1;
	v2 =	vmul.bf16 v61, v8  }
0x27f: {  	v5 =	vld [tilespmem:s30+$0xD0]  }
0x280: {  	v6 =	vld [tilespmem:s31+$0xD0];
	v1 =	vadd.bf16 v2, v1  }
0x281: {  	v7 =	vld [tilespmem:s31+$0xE0]  }
0x282: {  	v2 =	vld [tilespmem:s30+$0xE0];
	v8 =	vunpack.i.u.bf16.f32 v1;
	v1 =	vunpack.i.l.bf16.f32 v1  }
0x283: {  	v62 =	vld [tilespmem:s30+$0xF0];
	v1 =	vadd.f32 v1, v8  }
0x284: {  	v8 =	vld [tilespmem:s31+$0xF0]  }
0x285: {  	v3 =	vmul.bf16 v4, v3;
	v4 =	vmul.bf16 v6, v5;
	[tilespmem:s0+$0x20] =	vst v1  }
0x286: {  	v1 =	vld [tilespmem:s7+$0xC0]  }
0x287: {  	v3 =	vadd.bf16 v4, v3;
	v2 =	vmul.bf16 v7, v2;
	v4 =	vld [tilespmem:s6+$0xC0]  }
0x288: {  	v5 =	vld [tilespmem:s7+$0xD0]  }
0x289: {  	v6 =	vld [tilespmem:s6+$0xD0];
	v2 =	vadd.bf16 v2, v3;
	v3 =	vmul.bf16 v8, v62  }
0x28a: {  	v7 =	vld [tilespmem:s7+$0xE0]  }
0x28b: {  	v2 =	vadd.bf16 v3, v2;
	v3 =	vld [tilespmem:s6+$0xE0]  }
0x28c: {  	v12 =	vld [tilespmem:s6+$0xF0]  }
0x28d: {  	v8 =	vld [tilespmem:s7+$0xF0];
	v63 =	vunpack.i.u.bf16.f32 v2;
	v2 =	vunpack.i.l.bf16.f32 v2  }
0x28e: {  	v1 =	vmul.bf16 v4, v1;
	v4 =	vmul.bf16 v6, v5;
	v2 =	vadd.f32 v2, v63;
	_ =	sdelay $0x1  }
0x28f: {  	v1 =	vadd.bf16 v4, v1;
	[tilespmem:s29+$0x30] =	vst v2;
	v2 =	vmul.bf16 v3, v7  }
0x290: {  	v3 =	vld [tilespmem:s30+$0x100]  }
0x291: {  	v4 =	vld [tilespmem:s31+$0x100];
	v1 =	vadd.bf16 v2, v1;
	v2 =	vmul.bf16 v12, v8  }
0x292: {  	v5 =	vld [tilespmem:s30+$0x110]  }
0x293: {  	v6 =	vld [tilespmem:s31+$0x110];
	v1 =	vadd.bf16 v2, v1  }
0x294: {  	v7 =	vld [tilespmem:s31+$0x120]  }
0x295: {  	v2 =	vld [tilespmem:s30+$0x120];
	v8 =	vunpack.i.u.bf16.f32 v1;
	v1 =	vunpack.i.l.bf16.f32 v1  }
0x296: {  	v13 =	vld [tilespmem:s30+$0x130];
	v1 =	vadd.f32 v1, v8  }
0x297: {  	v8 =	vld [tilespmem:s31+$0x130]  }
0x298: {  	v3 =	vmul.bf16 v4, v3;
	v4 =	vmul.bf16 v6, v5;
	[tilespmem:s0+$0x30] =	vst v1  }
0x299: {  	v1 =	vld [tilespmem:s7+$0x100]  }
0x29a: {  	v3 =	vadd.bf16 v4, v3;
	v2 =	vmul.bf16 v7, v2;
	v4 =	vld [tilespmem:s6+$0x100]  }
0x29b: {  	v5 =	vld [tilespmem:s7+$0x110]  }
0x29c: {  	v6 =	vld [tilespmem:s6+$0x110];
	v2 =	vadd.bf16 v2, v3;
	v3 =	vmul.bf16 v8, v13  }
0x29d: {  	v7 =	vld [tilespmem:s7+$0x120]  }
0x29e: {  	v2 =	vadd.bf16 v3, v2;
	v3 =	vld [tilespmem:s6+$0x120]  }
0x29f: {  	v15 =	vld [tilespmem:s6+$0x130]  }
0x2a0: {  	v8 =	vld [tilespmem:s7+$0x130];
	v14 =	vunpack.i.u.bf16.f32 v2;
	v2 =	vunpack.i.l.bf16.f32 v2  }
0x2a1: {  	v1 =	vmul.bf16 v4, v1;
	v4 =	vmul.bf16 v6, v5;
	v2 =	vadd.f32 v2, v14;
	_ =	sdelay $0x1  }
0x2a2: {  	v1 =	vadd.bf16 v4, v1;
	[tilespmem:s29+$0x40] =	vst v2;
	v2 =	vmul.bf16 v3, v7  }
0x2a3: {  	v3 =	vld [tilespmem:s30+$0x140]  }
0x2a4: {  	v4 =	vld [tilespmem:s31+$0x140];
	v1 =	vadd.bf16 v2, v1;
	v2 =	vmul.bf16 v15, v8  }
0x2a5: {  	v5 =	vld [tilespmem:s30+$0x150]  }
0x2a6: {  	v6 =	vld [tilespmem:s31+$0x150];
	v1 =	vadd.bf16 v2, v1  }
0x2a7: {  	v7 =	vld [tilespmem:s31+$0x160]  }
0x2a8: {  	v2 =	vld [tilespmem:s30+$0x160];
	v8 =	vunpack.i.u.bf16.f32 v1;
	v1 =	vunpack.i.l.bf16.f32 v1  }
0x2a9: {  	v16 =	vld [tilespmem:s30+$0x170];
	v1 =	vadd.f32 v1, v8  }
0x2aa: {  	v8 =	vld [tilespmem:s31+$0x170]  }
0x2ab: {  	v3 =	vmul.bf16 v4, v3;
	v4 =	vmul.bf16 v6, v5;
	[tilespmem:s0+$0x40] =	vst v1  }
0x2ac: {  	v1 =	vld [tilespmem:s7+$0x140]  }
0x2ad: {  	v3 =	vadd.bf16 v4, v3;
	v2 =	vmul.bf16 v7, v2;
	v4 =	vld [tilespmem:s6+$0x140]  }
0x2ae: {  	v5 =	vld [tilespmem:s7+$0x150]  }
0x2af: {  	v6 =	vld [tilespmem:s6+$0x150];
	v2 =	vadd.bf16 v2, v3;
	v3 =	vmul.bf16 v8, v16  }
0x2b0: {  	v7 =	vld [tilespmem:s7+$0x160]  }
0x2b1: {  	v2 =	vadd.bf16 v3, v2;
	v3 =	vld [tilespmem:s6+$0x160]  }
0x2b2: {  	v18 =	vld [tilespmem:s6+$0x170]  }
0x2b3: {  	v8 =	vld [tilespmem:s7+$0x170];
	v17 =	vunpack.i.u.bf16.f32 v2;
	v2 =	vunpack.i.l.bf16.f32 v2  }
0x2b4: {  	v1 =	vmul.bf16 v4, v1;
	v4 =	vmul.bf16 v6, v5;
	v2 =	vadd.f32 v2, v17;
	_ =	sdelay $0x1  }
0x2b5: {  	v1 =	vadd.bf16 v4, v1;
	[tilespmem:s29+$0x50] =	vst v2;
	v2 =	vmul.bf16 v3, v7  }
0x2b6: {  	v3 =	vld [tilespmem:s30+$0x180]  }
0x2b7: {  	v4 =	vld [tilespmem:s31+$0x180];
	v1 =	vadd.bf16 v2, v1;
	v2 =	vmul.bf16 v18, v8  }
0x2b8: {  	v5 =	vld [tilespmem:s30+$0x190]  }
0x2b9: {  	v6 =	vld [tilespmem:s31+$0x190];
	v1 =	vadd.bf16 v2, v1  }
0x2ba: {  	v7 =	vld [tilespmem:s31+$0x1A0]  }
0x2bb: {  	v2 =	vld [tilespmem:s30+$0x1A0];
	v8 =	vunpack.i.u.bf16.f32 v1;
	v1 =	vunpack.i.l.bf16.f32 v1  }
0x2bc: {  	v19 =	vld [tilespmem:s30+$0x1B0];
	v1 =	vadd.f32 v1, v8  }
0x2bd: {  	v8 =	vld [tilespmem:s31+$0x1B0]  }
0x2be: {  	v3 =	vmul.bf16 v4, v3;
	v4 =	vmul.bf16 v6, v5;
	[tilespmem:s0+$0x50] =	vst v1  }
0x2bf: {  	v1 =	vld [tilespmem:s7+$0x180]  }
0x2c0: {  	v3 =	vadd.bf16 v4, v3;
	v2 =	vmul.bf16 v7, v2;
	v4 =	vld [tilespmem:s6+$0x180]  }
0x2c1: {  	v5 =	vld [tilespmem:s7+$0x190]  }
0x2c2: {  	v6 =	vld [tilespmem:s6+$0x190];
	v2 =	vadd.bf16 v2, v3;
	v3 =	vmul.bf16 v8, v19  }
0x2c3: {  	v7 =	vld [tilespmem:s7+$0x1A0]  }
0x2c4: {  	v2 =	vadd.bf16 v3, v2;
	v3 =	vld [tilespmem:s6+$0x1A0]  }
0x2c5: {  	v21 =	vld [tilespmem:s6+$0x1B0]  }
0x2c6: {  	v8 =	vld [tilespmem:s7+$0x1B0];
	v1 =	vmul.bf16 v4, v1  }
0x2c7: {  	v4 =	vmul.bf16 v6, v5;
	v20 =	vunpack.i.u.bf16.f32 v2;
	v2 =	vunpack.i.l.bf16.f32 v2  }
0x2c8: {  	v2 =	vadd.f32 v2, v20  }
0x2c9: {  	v1 =	vadd.bf16 v4, v1;
	v3 =	vmul.bf16 v3, v7  }
0x2ca: {  	[tilespmem:s29+$0x60] =	vst v2  }
0x2cb: {  	v2 =	vld [tilespmem:s30+$0x1C0];
	v1 =	vadd.bf16 v3, v1;
	v3 =	vmul.bf16 v21, v8  }
0x2cc: {  	v4 =	vld [tilespmem:s31+$0x1C0]  }
0x2cd: {  	v5 =	vld [tilespmem:s30+$0x1D0];
	v1 =	vadd.bf16 v3, v1  }
0x2ce: {  	v6 =	vld [tilespmem:s30+$0x1E0]  }
0x2cf: {  	v22 =	vld [tilespmem:s31+$0x1F0];
	v7 =	vunpack.i.u.bf16.f32 v1;
	v1 =	vunpack.i.l.bf16.f32 v1  }
0x2d0: {  	v8 =	vld [tilespmem:s31+$0x1E0];
	v1 =	vadd.f32 v1, v7  }
0x2d1: {  	v3 =	vld [tilespmem:s31+$0x1D0]  }
0x2d2: {  	v7 =	vld [tilespmem:s30+$0x1F0];
	[tilespmem:s0+$0x60] =	vst v1  }
0x2d3: {  	v1 =	vld [tilespmem:s7+$0x1C0]  }
0x2d4: {  	v23 =	vld [tilespmem:s6+$0x1C0]  }
0x2d5: {  	v24 =	vld [tilespmem:s7+$0x1D0]  }
0x2d6: {  	v25 =	vld [tilespmem:s6+$0x1D0]  }
0x2d7: {  	v26 =	vld [tilespmem:s7+$0x1E0]  }
0x2d8: {  	v2 =	vmul.bf16 v4, v2;
	v3 =	vmul.bf16 v3, v5;
	v4 =	vld [tilespmem:s6+$0x1E0]  }
0x2d9: {  	v5 =	vld [tilespmem:s7+$0x1F0]  }
0x2da: {  	v2 =	vadd.bf16 v3, v2;
	v3 =	vmul.bf16 v8, v6;
	v6 =	vld [tilespmem:s6+$0x1F0]  }
0x2db: {  	v1 =	vmul.bf16 v23, v1;
	v8 =	vmul.bf16 v25, v24  }
0x2dc: {  	v2 =	vadd.bf16 v3, v2;
	v3 =	vmul.bf16 v22, v7;
	v7 =	vmov s12  }
0x2dd: {  	v7 =	vshll.u32 v7, $0x4;
	v4 =	vmul.bf16 v4, v26;
	v1 =	vadd.bf16 v8, v1  }
0x2de: {  	v2 =	vadd.bf16 v3, v2;
	v3 =	vor.u32 v0, v7  }
0x2df: {  	v7 =	vmov s17;
	v1 =	vadd.bf16 v4, v1;
	v4 =	vmul.bf16 v6, v5  }
0x2e0: {  	v7 =	vshll.u32 v7, $0x4;
	v5 =	vor.u32 $0x1, v3  }
0x2e1: {  	v6 =	vunpack.i.u.bf16.f32 v2;
	v2 =	vunpack.i.l.bf16.f32 v2;
	v1 =	vadd.bf16 v4, v1  }
0x2e2: {  	v2 =	vadd.f32 v2, v6;
	v4 =	vor.u32 v0, v7  }
0x2e3: {  	v6 =	vor.u32 $0x1, v4;
	v7 =	vunpack.i.u.bf16.f32 v1;
	v1 =	vunpack.i.l.bf16.f32 v1  }
0x2e4: {  	v8 =	vor.u32 $0x2, v3;
	[tilespmem:s29+$0x70] =	vst v2;
	v1 =	vadd.f32 v1, v7  }
0x2e5: {  	v2 =	vld.idx.msk [tilespmem:v3+s20+$0x0], $0xffff;
	v7 =	vor.u32 $0x2, v4  }
0x2e6: {  	v27 =	vor.u32 $0x3, v3;
	v5 =	vld.idx.msk [tilespmem:v5+s20+$0x0], $0xffff;
	[tilespmem:s0+$0x70] =	vst v1  }
0x2e7: {  	v28 =	vor.u32 $0x3, v4;
	v1 =	vld.idx.msk [tilespmem:v4+s20+$0x0], $0xffff  }
0x2e8: {  	v29 =	vor.u32 $0x4, v3;
	v6 =	vld.idx.msk [tilespmem:v6+s20+$0x0], $0xffff  }
0x2e9: {  	v30 =	vor.u32 $0x4, v4;
	v8 =	vld.idx.msk [tilespmem:v8+s20+$0x0], $0xffff  }
0x2ea: {  	v31 =	vor.u32 $0x5, v3;
	v7 =	vld.idx.msk [tilespmem:v7+s20+$0x0], $0xffff  }
0x2eb: {  	v14 =	vor.u32 $0x5, v4;
	v9 =	vld.idx.msk [tilespmem:v27+s20+$0x0], $0xffff  }
0x2ec: {  	v15 =	vor.u32 $0x6, v3;
	v2 =	vadd.f32 v5, v2;
	v5 =	vld.idx.msk [tilespmem:v28+s20+$0x0], $0xffff  }
0x2ed: {  	v33 =	vor.u32 $0x6, v4;
	v32 =	vld.idx.msk [tilespmem:v29+s20+$0x0], $0xffff;
	v1 =	vadd.f32 v6, v1  }
0x2ee: {  	v2 =	vadd.f32 v8, v2;
	v8 =	vld.idx.msk [tilespmem:v30+s20+$0x0], $0xffff;
	v6 =	vor.u32 $0x7, v3  }
0x2ef: {  	v35 =	vor.u32 $0x7, v4;
	v34 =	vld.idx.msk [tilespmem:v31+s20+$0x0], $0xffff;
	v1 =	vadd.f32 v7, v1  }
0x2f0: {  	v36 =	vld.idx.msk [tilespmem:v14+s20+$0x0], $0xffff;
	v2 =	vadd.f32 v9, v2;
	v7 =	vor.u32 $0x8, v3  }
0x2f1: {  	v38 =	vor.u32 $0x8, v4;
	v37 =	vld.idx.msk [tilespmem:v15+s20+$0x0], $0xffff;
	v1 =	vadd.f32 v5, v1  }
0x2f2: {  	v39 =	vld.idx.msk [tilespmem:v33+s20+$0x0], $0xffff;
	v2 =	vadd.f32 v32, v2;
	v5 =	vor.u32 $0x9, v3  }
0x2f3: {  	v40 =	vor.u32 $0x9, v4;
	v6 =	vld.idx.msk [tilespmem:v6+s20+$0x0], $0xffff;
	v1 =	vadd.f32 v8, v1  }
0x2f4: {  	v41 =	vld.idx.msk [tilespmem:v35+s20+$0x0], $0xffff;
	v2 =	vadd.f32 v34, v2;
	v8 =	vor.u32 $0xA, v3  }
0x2f5: {  	v42 =	vor.u32 $0xA, v4;
	v7 =	vld.idx.msk [tilespmem:v7+s20+$0x0], $0xffff;
	v1 =	vadd.f32 v36, v1  }
0x2f6: {  	v43 =	vor.u32 $0xB, v3;
	v44 =	vld.idx.msk [tilespmem:v38+s20+$0x0], $0xffff;
	v2 =	vadd.f32 v37, v2  }
0x2f7: {  	v45 =	vor.u32 $0xB, v4;
	v5 =	vld.idx.msk [tilespmem:v5+s20+$0x0], $0xffff;
	v1 =	vadd.f32 v39, v1  }
0x2f8: {  	v46 =	vor.u32 $0xC, v3;
	v2 =	vadd.f32 v6, v2;
	v6 =	vld.idx.msk [tilespmem:v40+s20+$0x0], $0xffff  }
0x2f9: {  	v47 =	vor.u32 $0xC, v4;
	v8 =	vld.idx.msk [tilespmem:v8+s20+$0x0], $0xffff;
	v1 =	vadd.f32 v41, v1  }
0x2fa: {  	v48 =	vor.u32 $0xD, v3;
	v2 =	vadd.f32 v7, v2;
	v7 =	vld.idx.msk [tilespmem:v42+s20+$0x0], $0xffff  }
0x2fb: {  	v49 =	vor.u32 $0xD, v4;
	v9 =	vld.idx.msk [tilespmem:v43+s20+$0x0], $0xffff;
	v1 =	vadd.f32 v44, v1  }
0x2fc: {  	v50 =	vor.u32 $0xE, v3;
	v2 =	vadd.f32 v5, v2;
	v5 =	vld.idx.msk [tilespmem:v45+s20+$0x0], $0xffff  }
0x2fd: {  	v51 =	vor.u32 $0xE, v4;
	v10 =	vld.idx.msk [tilespmem:v46+s20+$0x0], $0xffff;
	v1 =	vadd.f32 v6, v1  }
0x2fe: {  	v3 =	vor.u32 $0xF, v3;
	v2 =	vadd.f32 v8, v2;
	v6 =	vld.idx.msk [tilespmem:v47+s20+$0x0], $0xffff  }
0x2ff: {  	v4 =	vor.u32 $0xF, v4;
	v8 =	vld.idx.msk [tilespmem:v48+s20+$0x0], $0xffff;
	v1 =	vadd.f32 v7, v1  }
0x300: {  	v2 =	vadd.f32 v9, v2;
	v7 =	vld.idx.msk [tilespmem:v49+s20+$0x0], $0xffff  }
0x301: {  	v52 =	vld.idx.msk [tilespmem:v50+s20+$0x0], $0xffff;
	v1 =	vadd.f32 v5, v1  }
0x302: {  	v2 =	vadd.f32 v10, v2;
	v5 =	vld.idx.msk [tilespmem:v51+s20+$0x0], $0xffff  }
0x303: {  	v3 =	vld.idx.msk [tilespmem:v3+s20+$0x0], $0xffff;
	v1 =	vadd.f32 v6, v1  }
0x304: {  	v4 =	vld.idx.msk [tilespmem:v4+s20+$0x0], $0xffff;
	v2 =	vadd.f32 v8, v2  }
0x305: {  	v1 =	vadd.f32 v7, v1  }
0x306: {  	v2 =	vadd.f32 v52, v2  }
0x307: {  	s29 =	smul.u32 $0x320, s28;
	v1 =	vadd.f32 v5, v1  }
0x308: {  	v2 =	vadd.f32 v3, v2  }
0x309: {  	s24 =	sadd.s32 $0x10, s1;
	s25 =	sadd.s32 s3, s29;
	v1 =	vadd.f32 v4, v1  }
0x30a: {  	s1 =	sshrl.u32 s25, $0x3;
	s0 =	sadd.s32 $0x10, s24;
	[tilespmem:s24+$0x0] =	vst v2  }
0x30b: {  	s1 =	sadd.s32 s2, s1;
	[tilespmem:s0+$0x0] =	vst v1  }
0x30c: {  	[hbm4b:s1+s4] =	stream.linear.scatter [tilespmem:s21], [sflag:$0x3], $0x190, $0x38;
	[tilespmem:$0x1FA40] =	vst v63  }
0x30d: {  	s6 =	sadd.s32 $0x320, s29  }
0x30e: {  	[tilespmem:s14], [sflag:$0x1] =	stream.indirect.gather [hbm4b:s5+s13], $0x40, s6, s13, $0xb8;
	[tilespmem:$0x1FA40] =	vst v63  }
0x30f: {  	s7 =	sadd.s32 $0x2A30, s29  }
0x310: {  	[tilespmem:s15], [sflag:$0x1] =	stream.indirect.gather [hbm4b:s5+s13], $0x40, s7, s13, $0xb8;
	[tilespmem:$0x1FA40] =	vst v63  }
0x311: {  	_ =	swait.ge [sflag:s22], $0x6400  }
0x312: {  	[sflag:s22] =	ssyncset.done $0x0  }
0x313: {  	[sflag:s22] =	ssyncadd.s32 $0xFFFF9C00  }
0x314: {  	_ =	swait.ge [sflag:s22], $0x6400  }
0x315: {  	[sflag:s22] =	ssyncset.done $0x0  }
0x316: {  	s0 =	simm.s32 @!p0 $0x4;
	[sflag:s22] =	ssyncadd.s32 $0xFFFF9C00  }
0x317: {  	_ =	swait.ge @!p0 [sflag:s0], $0x190  }
0x318: {  	[sflag:s0] =	ssyncset.done @!p0 $0x0  }
0x319: {  	s9 =	simm.s32 $0xB420;
	[sflag:s0] =	ssyncadd.s32 @!p0 $0xFFFFFE70  }
0x31a: {  	s12 =	simm.s32 $0x17C20;
	v1 =	vld [tilespmem:s9+$0xFFFFFE00]  }
0x31b: {  	v2 =	vld [tilespmem:s12+$0xFFFFFE00]  }
0x31c: {  	v3 =	vld [tilespmem:s9+$0xFFFFFE10]  }
0x31d: {  	v4 =	vld [tilespmem:s12+$0xFFFFFE10]  }
0x31e: {  	v5 =	vld [tilespmem:s9+$0xFFFFFE20]  }
0x31f: {  	v6 =	vld [tilespmem:s12+$0xFFFFFE20]  }
0x320: {  	v7 =	vld [tilespmem:s9+$0xFFFFFE30]  }
0x321: {  	v8 =	vld [tilespmem:s12+$0xFFFFFE30]  }
0x322: {  	v1 =	vmul.bf16 v2, v1;
	v2 =	vmul.bf16 v4, v3;
	_ =	sdelay $0x1  }
0x323: {  	v1 =	vadd.bf16 v2, v1;
	v2 =	vmul.bf16 v6, v5;
	_ =	sdelay $0x1  }
0x324: {  	v1 =	vadd.bf16 v2, v1;
	v2 =	vmul.bf16 v8, v7;
	_ =	sdelay $0x1  }
0x325: {  	v1 =	vadd.bf16 v2, v1;
	_ =	sdelay $0x1  }
0x326: {  	v2 =	vunpack.i.u.bf16.f32 v1;
	v1 =	vunpack.i.l.bf16.f32 v1  }
0x327: {  	v1 =	vadd.f32 v1, v2  }
0x328: {  	s17 =	simm.s32 $0x1DEA0  }
0x329: {  	[tilespmem:s17+$0xFFFFFF80] =	vst v1  }
0x32a: {  	v1 =	vld [tilespmem:s9+$0xFFFFFE40]  }
0x32b: {  	v2 =	vld [tilespmem:s12+$0xFFFFFE40]  }
0x32c: {  	v3 =	vld [tilespmem:s9+$0xFFFFFE50]  }
0x32d: {  	v4 =	vld [tilespmem:s12+$0xFFFFFE50]  }
0x32e: {  	v5 =	vld [tilespmem:s9+$0xFFFFFE60]  }
0x32f: {  	v6 =	vld [tilespmem:s12+$0xFFFFFE60]  }
0x330: {  	v7 =	vld [tilespmem:s9+$0xFFFFFE70]  }
0x331: {  	v8 =	vld [tilespmem:s12+$0xFFFFFE70]  }
0x332: {  	v1 =	vmul.bf16 v2, v1;
	v2 =	vmul.bf16 v4, v3;
	_ =	sdelay $0x1  }
0x333: {  	v3 =	vmul.bf16 v6, v5;
	v1 =	vadd.bf16 v2, v1;
	_ =	sdelay $0x1  }
0x334: {  	v2 =	vmul.bf16 v8, v7;
	v1 =	vadd.bf16 v3, v1;
	_ =	sdelay $0x1  }
0x335: {  	v1 =	vadd.bf16 v2, v1;
	_ =	sdelay $0x1  }
0x336: {  	v2 =	vunpack.i.u.bf16.f32 v1;
	v1 =	vunpack.i.l.bf16.f32 v1  }
0x337: {  	v1 =	vadd.f32 v1, v2;
	_ =	sdelay $0x1  }
0x338: {  	[tilespmem:s17+$0xFFFFFF90] =	vst v1  }
0x339: {  	v1 =	vld [tilespmem:s9+$0xFFFFFE80]  }
0x33a: {  	v2 =	vld [tilespmem:s12+$0xFFFFFE80]  }
0x33b: {  	v3 =	vld [tilespmem:s9+$0xFFFFFE90]  }
0x33c: {  	v4 =	vld [tilespmem:s12+$0xFFFFFE90]  }
0x33d: {  	v5 =	vld [tilespmem:s9+$0xFFFFFEA0]  }
0x33e: {  	v6 =	vld [tilespmem:s12+$0xFFFFFEA0]  }
0x33f: {  	v7 =	vld [tilespmem:s9+$0xFFFFFEB0]  }
0x340: {  	v8 =	vld [tilespmem:s12+$0xFFFFFEB0]  }
0x341: {  	v1 =	vmul.bf16 v2, v1;
	v2 =	vmul.bf16 v4, v3;
	_ =	sdelay $0x1  }
0x342: {  	v1 =	vadd.bf16 v2, v1;
	v2 =	vmul.bf16 v6, v5;
	_ =	sdelay $0x1  }
0x343: {  	v1 =	vadd.bf16 v2, v1;
	v2 =	vmul.bf16 v8, v7;
	_ =	sdelay $0x1  }
0x344: {  	v1 =	vadd.bf16 v2, v1;
	_ =	sdelay $0x1  }
0x345: {  	v2 =	vunpack.i.u.bf16.f32 v1;
	v1 =	vunpack.i.l.bf16.f32 v1  }
0x346: {  	v1 =	vadd.f32 v1, v2;
	_ =	sdelay $0x1  }
0x347: {  	[tilespmem:s17+$0xFFFFFFA0] =	vst v1  }
0x348: {  	v1 =	vld [tilespmem:s9+$0xFFFFFEC0]  }
0x349: {  	v2 =	vld [tilespmem:s12+$0xFFFFFEC0]  }
0x34a: {  	v3 =	vld [tilespmem:s9+$0xFFFFFED0]  }
0x34b: {  	v4 =	vld [tilespmem:s12+$0xFFFFFED0]  }
0x34c: {  	v5 =	vld [tilespmem:s9+$0xFFFFFEE0]  }
0x34d: {  	v6 =	vld [tilespmem:s12+$0xFFFFFEE0]  }
0x34e: {  	v7 =	vld [tilespmem:s9+$0xFFFFFEF0]  }
0x34f: {  	v8 =	vld [tilespmem:s12+$0xFFFFFEF0]  }
0x350: {  	v1 =	vmul.bf16 v2, v1;
	v2 =	vmul.bf16 v4, v3;
	_ =	sdelay $0x1  }
0x351: {  	v1 =	vadd.bf16 v2, v1;
	v2 =	vmul.bf16 v6, v5;
	_ =	sdelay $0x1  }
0x352: {  	v1 =	vadd.bf16 v2, v1;
	v2 =	vmul.bf16 v8, v7;
	_ =	sdelay $0x1  }
0x353: {  	v1 =	vadd.bf16 v2, v1;
	_ =	sdelay $0x1  }
0x354: {  	v2 =	vunpack.i.u.bf16.f32 v1;
	v1 =	vunpack.i.l.bf16.f32 v1  }
0x355: {  	v1 =	vadd.f32 v1, v2;
	_ =	sdelay $0x1  }
0x356: {  	[tilespmem:s17+$0xFFFFFFB0] =	vst v1  }
0x357: {  	v1 =	vld [tilespmem:s9+$0xFFFFFF00]  }
0x358: {  	v2 =	vld [tilespmem:s12+$0xFFFFFF00]  }
0x359: {  	v3 =	vld [tilespmem:s9+$0xFFFFFF10]  }
0x35a: {  	v4 =	vld [tilespmem:s12+$0xFFFFFF10]  }
0x35b: {  	v5 =	vld [tilespmem:s9+$0xFFFFFF20]  }
0x35c: {  	v6 =	vld [tilespmem:s12+$0xFFFFFF20]  }
0x35d: {  	v7 =	vld [tilespmem:s9+$0xFFFFFF30]  }
0x35e: {  	v8 =	vld [tilespmem:s12+$0xFFFFFF30]  }
0x35f: {  	v1 =	vmul.bf16 v2, v1;
	v2 =	vmul.bf16 v4, v3;
	_ =	sdelay $0x1  }
0x360: {  	v1 =	vadd.bf16 v2, v1;
	v2 =	vmul.bf16 v6, v5;
	_ =	sdelay $0x1  }
0x361: {  	v1 =	vadd.bf16 v2, v1;
	v2 =	vmul.bf16 v8, v7;
	_ =	sdelay $0x1  }
0x362: {  	v1 =	vadd.bf16 v2, v1;
	_ =	sdelay $0x1  }
0x363: {  	v2 =	vunpack.i.u.bf16.f32 v1;
	v1 =	vunpack.i.l.bf16.f32 v1  }
0x364: {  	v1 =	vadd.f32 v1, v2;
	_ =	sdelay $0x1  }
0x365: {  	[tilespmem:s17+$0xFFFFFFC0] =	vst v1  }
0x366: {  	v1 =	vld [tilespmem:s9+$0xFFFFFF40]  }
0x367: {  	v2 =	vld [tilespmem:s12+$0xFFFFFF40]  }
0x368: {  	v3 =	vld [tilespmem:s9+$0xFFFFFF50]  }
0x369: {  	v4 =	vld [tilespmem:s12+$0xFFFFFF50]  }
0x36a: {  	v5 =	vld [tilespmem:s9+$0xFFFFFF60]  }
0x36b: {  	v6 =	vld [tilespmem:s12+$0xFFFFFF60]  }
0x36c: {  	v7 =	vld [tilespmem:s9+$0xFFFFFF70]  }
0x36d: {  	v8 =	vld [tilespmem:s12+$0xFFFFFF70]  }
0x36e: {  	v1 =	vmul.bf16 v2, v1;
	v2 =	vmul.bf16 v4, v3;
	_ =	sdelay $0x1  }
0x36f: {  	v1 =	vadd.bf16 v2, v1;
	v2 =	vmul.bf16 v6, v5;
	_ =	sdelay $0x1  }
0x370: {  	v1 =	vadd.bf16 v2, v1;
	v2 =	vmul.bf16 v8, v7;
	_ =	sdelay $0x1  }
0x371: {  	v1 =	vadd.bf16 v2, v1;
	_ =	sdelay $0x1  }
0x372: {  	v2 =	vunpack.i.u.bf16.f32 v1;
	v1 =	vunpack.i.l.bf16.f32 v1  }
0x373: {  	v1 =	vadd.f32 v1, v2;
	_ =	sdelay $0x1  }
0x374: {  	[tilespmem:s17+$0xFFFFFFD0] =	vst v1  }
0x375: {  	v1 =	vld [tilespmem:s9+$0xFFFFFF80]  }
0x376: {  	v2 =	vld [tilespmem:s12+$0xFFFFFF80]  }
0x377: {  	v3 =	vld [tilespmem:s9+$0xFFFFFF90]  }
0x378: {  	v4 =	vld [tilespmem:s12+$0xFFFFFF90]  }
0x379: {  	v5 =	vld [tilespmem:s9+$0xFFFFFFA0]  }
0x37a: {  	v6 =	vld [tilespmem:s12+$0xFFFFFFA0]  }
0x37b: {  	v7 =	vld [tilespmem:s9+$0xFFFFFFB0]  }
0x37c: {  	v8 =	vld [tilespmem:s12+$0xFFFFFFB0]  }
0x37d: {  	v1 =	vmul.bf16 v2, v1;
	v2 =	vmul.bf16 v4, v3;
	_ =	sdelay $0x1  }
0x37e: {  	v1 =	vadd.bf16 v2, v1;
	v2 =	vmul.bf16 v6, v5;
	_ =	sdelay $0x1  }
0x37f: {  	v1 =	vadd.bf16 v2, v1;
	v2 =	vmul.bf16 v8, v7;
	_ =	sdelay $0x1  }
0x380: {  	v1 =	vadd.bf16 v2, v1;
	_ =	sdelay $0x1  }
0x381: {  	v2 =	vunpack.i.u.bf16.f32 v1;
	v1 =	vunpack.i.l.bf16.f32 v1  }
0x382: {  	v1 =	vadd.f32 v1, v2;
	_ =	sdelay $0x1  }
0x383: {  	[tilespmem:s17+$0xFFFFFFE0] =	vst v1  }
0x384: {  	v1 =	vld [tilespmem:s9+$0xFFFFFFC0]  }
0x385: {  	v2 =	vld [tilespmem:s12+$0xFFFFFFC0]  }
0x386: {  	v3 =	vld [tilespmem:s9+$0xFFFFFFD0]  }
0x387: {  	v4 =	vld [tilespmem:s12+$0xFFFFFFD0]  }
0x388: {  	v5 =	vld [tilespmem:s9+$0xFFFFFFE0]  }
0x389: {  	v6 =	vld [tilespmem:s12+$0xFFFFFFE0]  }
0x38a: {  	v7 =	vld [tilespmem:s9+$0xFFFFFFF0]  }
0x38b: {  	s31 =	simm.s32 $0xB820;
	v8 =	vld [tilespmem:s12+$0xFFFFFFF0]  }
0x38c: {  	s1 =	simm.s32 $0x18020;
	v53 =	vld [tilespmem:s31+$0xFFFFFE00];
	v1 =	vmul.bf16 v2, v1;
	v2 =	vmul.bf16 v4, v3  }
0x38d: {  	v3 =	vld [tilespmem:s1+$0xFFFFFE00]  }
0x38e: {  	v4 =	vld [tilespmem:s31+$0xFFFFFE10];
	v1 =	vadd.bf16 v2, v1;
	v2 =	vmul.bf16 v6, v5  }
0x38f: {  	v5 =	vld [tilespmem:s1+$0xFFFFFE10]  }
0x390: {  	v6 =	vld [tilespmem:s31+$0xFFFFFE20];
	v1 =	vadd.bf16 v2, v1;
	v2 =	vmul.bf16 v8, v7  }
0x391: {  	v7 =	vld [tilespmem:s1+$0xFFFFFE20]  }
0x392: {  	v8 =	vld [tilespmem:s31+$0xFFFFFE30];
	v1 =	vadd.bf16 v2, v1  }
0x393: {  	v3 =	vmul.bf16 v3, v53;
	v2 =	vld [tilespmem:s1+$0xFFFFFE30]  }
0x394: {  	v4 =	vmul.bf16 v5, v4;
	v5 =	vunpack.i.u.bf16.f32 v1;
	v1 =	vunpack.i.l.bf16.f32 v1  }
0x395: {  	v1 =	vadd.f32 v1, v5  }
0x396: {  	v3 =	vadd.bf16 v4, v3;
	v4 =	vmul.bf16 v7, v6  }
0x397: {  	[tilespmem:s17+$0xFFFFFFF0] =	vst v1  }
0x398: {  	v1 =	vadd.bf16 v4, v3;
	v2 =	vmul.bf16 v2, v8;
	v3 =	vld [tilespmem:s9+$0x0]  }
0x399: {  	v4 =	vld [tilespmem:s12+$0x0]  }
0x39a: {  	v5 =	vld [tilespmem:s12+$0x10];
	v1 =	vadd.bf16 v2, v1  }
0x39b: {  	v2 =	vld [tilespmem:s9+$0x10]  }
0x39c: {  	v7 =	vld [tilespmem:s9+$0x20];
	v6 =	vunpack.i.u.bf16.f32 v1;
	v1 =	vunpack.i.l.bf16.f32 v1  }
0x39d: {  	v1 =	vadd.f32 v1, v6;
	v6 =	vld [tilespmem:s12+$0x20]  }
0x39e: {  	s30 =	simm.s32 $0x1DFA0;
	v8 =	vld [tilespmem:s9+$0x30]  }
0x39f: {  	[tilespmem:s30+$0xFFFFFF80] =	vst v1;
	v1 =	vld [tilespmem:s12+$0x30]  }
0x3a0: {  	v3 =	vmul.bf16 v4, v3;
	v2 =	vmul.bf16 v5, v2;
	v54 =	vld [tilespmem:s31+$0xFFFFFE40]  }
0x3a1: {  	v4 =	vld [tilespmem:s1+$0xFFFFFE40]  }
0x3a2: {  	v5 =	vld [tilespmem:s31+$0xFFFFFE50];
	v2 =	vadd.bf16 v2, v3;
	v3 =	vmul.bf16 v6, v7  }
0x3a3: {  	v6 =	vld [tilespmem:s1+$0xFFFFFE50]  }
0x3a4: {  	v7 =	vld [tilespmem:s31+$0xFFFFFE60];
	v2 =	vadd.bf16 v3, v2;
	v1 =	vmul.bf16 v1, v8  }
0x3a5: {  	v3 =	vld [tilespmem:s1+$0xFFFFFE60]  }
0x3a6: {  	v8 =	vld [tilespmem:s31+$0xFFFFFE70];
	v1 =	vadd.bf16 v1, v2  }
0x3a7: {  	v4 =	vmul.bf16 v4, v54;
	v2 =	vld [tilespmem:s1+$0xFFFFFE70]  }
0x3a8: {  	v5 =	vmul.bf16 v6, v5;
	v6 =	vunpack.i.u.bf16.f32 v1;
	v1 =	vunpack.i.l.bf16.f32 v1  }
0x3a9: {  	v1 =	vadd.f32 v1, v6  }
0x3aa: {  	v3 =	vmul.bf16 v3, v7;
	v4 =	vadd.bf16 v5, v4  }
0x3ab: {  	[tilespmem:s17+$0x0] =	vst v1  }
0x3ac: {  	v1 =	vmul.bf16 v2, v8;
	v2 =	vadd.bf16 v3, v4;
	v3 =	vld [tilespmem:s9+$0x40]  }
0x3ad: {  	v4 =	vld [tilespmem:s12+$0x40]  }
0x3ae: {  	v5 =	vld [tilespmem:s12+$0x50];
	v1 =	vadd.bf16 v1, v2  }
0x3af: {  	v2 =	vld [tilespmem:s9+$0x50]  }
0x3b0: {  	v7 =	vld [tilespmem:s9+$0x60];
	v6 =	vunpack.i.u.bf16.f32 v1;
	v1 =	vunpack.i.l.bf16.f32 v1  }
0x3b1: {  	v1 =	vadd.f32 v1, v6;
	v6 =	vld [tilespmem:s12+$0x60]  }
0x3b2: {  	v8 =	vld [tilespmem:s9+$0x70]  }
0x3b3: {  	[tilespmem:s30+$0xFFFFFF90] =	vst v1;
	v1 =	vld [tilespmem:s12+$0x70]  }
0x3b4: {  	v3 =	vmul.bf16 v4, v3;
	v2 =	vmul.bf16 v5, v2;
	v55 =	vld [tilespmem:s31+$0xFFFFFE80]  }
0x3b5: {  	v4 =	vld [tilespmem:s1+$0xFFFFFE80]  }
0x3b6: {  	v5 =	vld [tilespmem:s31+$0xFFFFFE90];
	v2 =	vadd.bf16 v2, v3;
	v3 =	vmul.bf16 v6, v7  }
0x3b7: {  	v6 =	vld [tilespmem:s1+$0xFFFFFE90]  }
0x3b8: {  	v7 =	vld [tilespmem:s31+$0xFFFFFEA0];
	v2 =	vadd.bf16 v3, v2;
	v1 =	vmul.bf16 v1, v8  }
0x3b9: {  	v3 =	vld [tilespmem:s1+$0xFFFFFEA0]  }
0x3ba: {  	v8 =	vld [tilespmem:s31+$0xFFFFFEB0];
	v1 =	vadd.bf16 v1, v2  }
0x3bb: {  	v2 =	vmul.bf16 v4, v55;
	v4 =	vld [tilespmem:s1+$0xFFFFFEB0]  }
0x3bc: {  	v5 =	vmul.bf16 v6, v5;
	v6 =	vunpack.i.u.bf16.f32 v1;
	v1 =	vunpack.i.l.bf16.f32 v1  }
0x3bd: {  	v1 =	vadd.f32 v1, v6  }
0x3be: {  	v2 =	vadd.bf16 v5, v2;
	v3 =	vmul.bf16 v3, v7  }
0x3bf: {  	[tilespmem:s17+$0x10] =	vst v1  }
0x3c0: {  	v1 =	vadd.bf16 v3, v2;
	v2 =	vmul.bf16 v4, v8;
	v3 =	vld [tilespmem:s9+$0x80]  }
0x3c1: {  	v4 =	vld [tilespmem:s12+$0x80]  }
0x3c2: {  	v5 =	vld [tilespmem:s12+$0x90];
	v1 =	vadd.bf16 v2, v1  }
0x3c3: {  	v2 =	vld [tilespmem:s9+$0x90]  }
0x3c4: {  	v7 =	vld [tilespmem:s9+$0xA0];
	v6 =	vunpack.i.u.bf16.f32 v1;
	v1 =	vunpack.i.l.bf16.f32 v1  }
0x3c5: {  	v1 =	vadd.f32 v1, v6;
	v6 =	vld [tilespmem:s12+$0xA0]  }
0x3c6: {  	v8 =	vld [tilespmem:s9+$0xB0]  }
0x3c7: {  	[tilespmem:s30+$0xFFFFFFA0] =	vst v1;
	v1 =	vld [tilespmem:s12+$0xB0]  }
0x3c8: {  	v3 =	vmul.bf16 v4, v3;
	v2 =	vmul.bf16 v5, v2;
	v56 =	vld [tilespmem:s31+$0xFFFFFEC0]  }
0x3c9: {  	v4 =	vld [tilespmem:s1+$0xFFFFFEC0]  }
0x3ca: {  	v5 =	vld [tilespmem:s31+$0xFFFFFED0];
	v2 =	vadd.bf16 v2, v3;
	v3 =	vmul.bf16 v6, v7  }
0x3cb: {  	v6 =	vld [tilespmem:s1+$0xFFFFFED0]  }
0x3cc: {  	v7 =	vld [tilespmem:s31+$0xFFFFFEE0];
	v2 =	vadd.bf16 v3, v2;
	v1 =	vmul.bf16 v1, v8  }
0x3cd: {  	v3 =	vld [tilespmem:s1+$0xFFFFFEE0]  }
0x3ce: {  	v8 =	vld [tilespmem:s31+$0xFFFFFEF0];
	v1 =	vadd.bf16 v1, v2  }
0x3cf: {  	v2 =	vmul.bf16 v4, v56;
	v4 =	vld [tilespmem:s1+$0xFFFFFEF0]  }
0x3d0: {  	v5 =	vmul.bf16 v6, v5;
	v6 =	vunpack.i.u.bf16.f32 v1;
	v1 =	vunpack.i.l.bf16.f32 v1  }
0x3d1: {  	v1 =	vadd.f32 v1, v6  }
0x3d2: {  	v2 =	vadd.bf16 v5, v2;
	v3 =	vmul.bf16 v3, v7  }
0x3d3: {  	[tilespmem:s17+$0x20] =	vst v1  }
0x3d4: {  	v1 =	vadd.bf16 v3, v2;
	v2 =	vmul.bf16 v4, v8;
	v3 =	vld [tilespmem:s9+$0xC0]  }
0x3d5: {  	v4 =	vld [tilespmem:s12+$0xC0]  }
0x3d6: {  	v5 =	vld [tilespmem:s12+$0xD0];
	v1 =	vadd.bf16 v2, v1  }
0x3d7: {  	v2 =	vld [tilespmem:s9+$0xD0]  }
0x3d8: {  	v7 =	vld [tilespmem:s9+$0xE0];
	v6 =	vunpack.i.u.bf16.f32 v1;
	v1 =	vunpack.i.l.bf16.f32 v1  }
0x3d9: {  	v1 =	vadd.f32 v1, v6;
	v6 =	vld [tilespmem:s12+$0xE0]  }
0x3da: {  	v8 =	vld [tilespmem:s9+$0xF0]  }
0x3db: {  	[tilespmem:s30+$0xFFFFFFB0] =	vst v1;
	v1 =	vld [tilespmem:s12+$0xF0]  }
0x3dc: {  	v3 =	vmul.bf16 v4, v3;
	v2 =	vmul.bf16 v5, v2;
	v57 =	vld [tilespmem:s31+$0xFFFFFF00]  }
0x3dd: {  	v4 =	vld [tilespmem:s1+$0xFFFFFF00]  }
0x3de: {  	v5 =	vld [tilespmem:s31+$0xFFFFFF10];
	v2 =	vadd.bf16 v2, v3;
	v3 =	vmul.bf16 v6, v7  }
0x3df: {  	v6 =	vld [tilespmem:s1+$0xFFFFFF10]  }
0x3e0: {  	v7 =	vld [tilespmem:s31+$0xFFFFFF20];
	v2 =	vadd.bf16 v3, v2;
	v1 =	vmul.bf16 v1, v8  }
0x3e1: {  	v3 =	vld [tilespmem:s1+$0xFFFFFF20]  }
0x3e2: {  	v8 =	vld [tilespmem:s31+$0xFFFFFF30];
	v1 =	vadd.bf16 v1, v2  }
0x3e3: {  	s10 =	simm.s32 $0xBC20;
	v2 =	vmul.bf16 v4, v57;
	v4 =	vld [tilespmem:s1+$0xFFFFFF30]  }
0x3e4: {  	s25 =	simm.s32 $0x18420;
	v58 =	vld [tilespmem:s10+$0xFFFFFE30];
	v5 =	vmul.bf16 v6, v5;
	v6 =	vunpack.i.u.bf16.f32 v1;
	v1 =	vunpack.i.l.bf16.f32 v1  }
0x3e5: {  	v59 =	vld [tilespmem:s25+$0xFFFFFE30];
	v1 =	vadd.f32 v1, v6  }
0x3e6: {  	v17 =	vld [tilespmem:s25+$0xFFFFFE00];
	v2 =	vadd.bf16 v5, v2;
	v3 =	vmul.bf16 v3, v7  }
0x3e7: {  	v18 =	vld [tilespmem:s10+$0xFFFFFE10];
	[tilespmem:s17+$0x30] =	vst v1  }
0x3e8: {  	v1 =	vadd.bf16 v3, v2;
	v2 =	vmul.bf16 v4, v8;
	v3 =	vld [tilespmem:s9+$0x100]  }
0x3e9: {  	v4 =	vld [tilespmem:s12+$0x100]  }
0x3ea: {  	v7 =	vld [tilespmem:s12+$0x110];
	v1 =	vadd.bf16 v2, v1  }
0x3eb: {  	v2 =	vld [tilespmem:s9+$0x110]  }
0x3ec: {  	v60 =	vld [tilespmem:s9+$0x120];
	v8 =	vunpack.i.u.bf16.f32 v1;
	v1 =	vunpack.i.l.bf16.f32 v1  }
0x3ed: {  	v1 =	vadd.f32 v1, v8;
	v8 =	vld [tilespmem:s12+$0x120]  }
0x3ee: {  	v61 =	vld [tilespmem:s9+$0x130]  }
0x3ef: {  	[tilespmem:s30+$0xFFFFFFC0] =	vst v1;
	v1 =	vld [tilespmem:s12+$0x130]  }
0x3f0: {  	v3 =	vmul.bf16 v4, v3;
	v2 =	vmul.bf16 v7, v2;
	v62 =	vld [tilespmem:s31+$0xFFFFFF40]  }
0x3f1: {  	v4 =	vld [tilespmem:s1+$0xFFFFFF40]  }
0x3f2: {  	v7 =	vld [tilespmem:s31+$0xFFFFFF50];
	v2 =	vadd.bf16 v2, v3;
	v3 =	vmul.bf16 v8, v60  }
0x3f3: {  	v8 =	vld [tilespmem:s1+$0xFFFFFF50]  }
0x3f4: {  	v63 =	vld [tilespmem:s31+$0xFFFFFF60];
	v2 =	vadd.bf16 v3, v2;
	v1 =	vmul.bf16 v1, v61  }
0x3f5: {  	v3 =	vld [tilespmem:s1+$0xFFFFFF60]  }
0x3f6: {  	v16 =	vld [tilespmem:s31+$0xFFFFFF70];
	v1 =	vadd.bf16 v1, v2  }
0x3f7: {  	v2 =	vmul.bf16 v4, v62;
	v4 =	vld [tilespmem:s1+$0xFFFFFF70]  }
0x3f8: {  	v6 =	vld [tilespmem:s10+$0xFFFFFE20];
	v7 =	vmul.bf16 v8, v7;
	v8 =	vunpack.i.u.bf16.f32 v1;
	v1 =	vunpack.i.l.bf16.f32 v1  }
0x3f9: {  	v5 =	vld [tilespmem:s10+$0xFFFFFE00];
	v1 =	vadd.f32 v1, v8  }
0x3fa: {  	v8 =	vld [tilespmem:s25+$0xFFFFFE10];
	v2 =	vadd.bf16 v7, v2;
	v3 =	vmul.bf16 v3, v63  }
0x3fb: {  	v7 =	vld [tilespmem:s25+$0xFFFFFE20];
	[tilespmem:s17+$0x40] =	vst v1  }
0x3fc: {  	v1 =	vadd.bf16 v3, v2;
	v2 =	vmul.bf16 v4, v16;
	v3 =	vld [tilespmem:s9+$0x140]  }
0x3fd: {  	v4 =	vld [tilespmem:s12+$0x140]  }
0x3fe: {  	v19 =	vld [tilespmem:s12+$0x150];
	v1 =	vadd.bf16 v2, v1  }
0x3ff: {  	v5 =	vmul.bf16 v17, v5;
	v2 =	vld [tilespmem:s9+$0x150];
	v8 =	vmul.bf16 v8, v18  }
0x400: {  	v21 =	vld [tilespmem:s9+$0x160];
	v20 =	vunpack.i.u.bf16.f32 v1;
	v1 =	vunpack.i.l.bf16.f32 v1  }
0x401: {  	v6 =	vmul.bf16 v7, v6;
	v7 =	vld [tilespmem:s12+$0x160];
	v5 =	vadd.bf16 v8, v5;
	v1 =	vadd.f32 v1, v20  }
0x402: {  	v8 =	vld [tilespmem:s9+$0x170]  }
0x403: {  	v5 =	vadd.bf16 v6, v5;
	v6 =	vmul.bf16 v59, v58;
	[tilespmem:s30+$0xFFFFFFD0] =	vst v1;
	v1 =	vld [tilespmem:s12+$0x170]  }
0x404: {  	v3 =	vmul.bf16 v4, v3;
	v2 =	vmul.bf16 v19, v2;
	v22 =	vld [tilespmem:s31+$0xFFFFFF80]  }
0x405: {  	v23 =	vld [tilespmem:s1+$0xFFFFFF90];
	v4 =	vadd.bf16 v6, v5  }
0x406: {  	v5 =	vld [tilespmem:s1+$0xFFFFFF80];
	v2 =	vadd.bf16 v2, v3;
	v3 =	vmul.bf16 v7, v21  }
0x407: {  	v6 =	vld [tilespmem:s31+$0xFFFFFF90];
	v7 =	vunpack.i.u.bf16.f32 v4  }
0x408: {  	v24 =	vld [tilespmem:s31+$0xFFFFFFA0];
	v4 =	vunpack.i.l.bf16.f32 v4;
	v2 =	vadd.bf16 v3, v2;
	v1 =	vmul.bf16 v1, v8  }
0x409: {  	v3 =	vadd.f32 v4, v7;
	v4 =	vld [tilespmem:s1+$0xFFFFFFA0]  }
0x40a: {  	s11 =	simm.s32 $0x1E0A0;
	v7 =	vld [tilespmem:s31+$0xFFFFFFB0];
	v1 =	vadd.bf16 v1, v2  }
0x40b: {  	[tilespmem:s11+$0xFFFFFF80] =	vst v3;
	v2 =	vmul.bf16 v5, v22;
	v3 =	vld [tilespmem:s1+$0xFFFFFFB0]  }
0x40c: {  	v6 =	vmul.bf16 v23, v6;
	v5 =	vld [tilespmem:s10+$0xFFFFFE70];
	v8 =	vunpack.i.u.bf16.f32 v1;
	v1 =	vunpack.i.l.bf16.f32 v1  }
0x40d: {  	v25 =	vld [tilespmem:s25+$0xFFFFFE70];
	v1 =	vadd.f32 v1, v8  }
0x40e: {  	v34 =	vld [tilespmem:s10+$0xFFFFFE40];
	v2 =	vadd.bf16 v6, v2;
	v4 =	vmul.bf16 v4, v24  }
0x40f: {  	v36 =	vld [tilespmem:s25+$0xFFFFFE40];
	[tilespmem:s17+$0x50] =	vst v1  }
0x410: {  	v1 =	vadd.bf16 v4, v2;
	v2 =	vmul.bf16 v3, v7;
	v3 =	vld [tilespmem:s9+$0x180]  }
0x411: {  	v4 =	vld [tilespmem:s12+$0x180]  }
0x412: {  	v7 =	vld [tilespmem:s12+$0x190];
	v1 =	vadd.bf16 v2, v1  }
0x413: {  	v2 =	vld [tilespmem:s9+$0x190]  }
0x414: {  	v27 =	vld [tilespmem:s9+$0x1A0];
	v26 =	vunpack.i.u.bf16.f32 v1;
	v1 =	vunpack.i.l.bf16.f32 v1  }
0x415: {  	v28 =	vld [tilespmem:s12+$0x1A0];
	v1 =	vadd.f32 v1, v26  }
0x416: {  	v29 =	vld [tilespmem:s9+$0x1B0]  }
0x417: {  	[tilespmem:s30+$0xFFFFFFE0] =	vst v1;
	v1 =	vld [tilespmem:s12+$0x1B0]  }
0x418: {  	v3 =	vmul.bf16 v4, v3;
	v2 =	vmul.bf16 v7, v2;
	v30 =	vld [tilespmem:s31+$0xFFFFFFC0]  }
0x419: {  	v4 =	vld [tilespmem:s1+$0xFFFFFFC0]  }
0x41a: {  	v7 =	vld [tilespmem:s31+$0xFFFFFFD0];
	v2 =	vadd.bf16 v2, v3;
	v3 =	vmul.bf16 v28, v27  }
0x41b: {  	v31 =	vld [tilespmem:s1+$0xFFFFFFD0]  }
0x41c: {  	v32 =	vld [tilespmem:s31+$0xFFFFFFE0];
	v2 =	vadd.bf16 v3, v2;
	v1 =	vmul.bf16 v1, v29  }
0x41d: {  	v3 =	vld [tilespmem:s1+$0xFFFFFFE0]  }
0x41e: {  	v33 =	vld [tilespmem:s31+$0xFFFFFFF0];
	v1 =	vadd.bf16 v1, v2  }
0x41f: {  	v2 =	vmul.bf16 v4, v30;
	v4 =	vld [tilespmem:s1+$0xFFFFFFF0]  }
0x420: {  	v37 =	vld [tilespmem:s10+$0xFFFFFE50];
	v7 =	vmul.bf16 v31, v7;
	v35 =	vunpack.i.u.bf16.f32 v1;
	v1 =	vunpack.i.l.bf16.f32 v1  }
0x421: {  	v6 =	vld [tilespmem:s25+$0xFFFFFE60];
	v1 =	vadd.f32 v1, v35  }
0x422: {  	v8 =	vld [tilespmem:s10+$0xFFFFFE60];
	v2 =	vadd.bf16 v7, v2;
	v3 =	vmul.bf16 v3, v32  }
0x423: {  	v7 =	vld [tilespmem:s25+$0xFFFFFE50];
	[tilespmem:s17+$0x60] =	vst v1  }
0x424: {  	v1 =	vadd.bf16 v3, v2;
	v2 =	vmul.bf16 v4, v33;
	v3 =	vld [tilespmem:s9+$0x1C0]  }
0x425: {  	v4 =	vld [tilespmem:s12+$0x1C0]  }
0x426: {  	v38 =	vld [tilespmem:s12+$0x1D0];
	v1 =	vadd.bf16 v2, v1  }
0x427: {  	v40 =	vld [tilespmem:s9+$0x1E0]  }
0x428: {  	v2 =	vld [tilespmem:s9+$0x1D0];
	v39 =	vunpack.i.u.bf16.f32 v1;
	v1 =	vunpack.i.l.bf16.f32 v1  }
0x429: {  	v41 =	vld [tilespmem:s12+$0x1E0];
	v1 =	vadd.f32 v1, v39  }
0x42a: {  	v13 =	vmul.bf16 v36, v34;
	v42 =	vld [tilespmem:s9+$0x1F0];
	v7 =	vmul.bf16 v7, v37  }
0x42b: {  	[tilespmem:s30+$0xFFFFFFF0] =	vst v1;
	v1 =	vld [tilespmem:s12+$0x1F0]  }
0x42c: {  	v6 =	vmul.bf16 v6, v8;
	v7 =	vadd.bf16 v7, v13;
	v3 =	vmul.bf16 v4, v3;
	v8 =	vld [tilespmem:s31+$0x0]  }
0x42d: {  	v4 =	vmul.bf16 v25, v5;
	v2 =	vmul.bf16 v38, v2;
	v5 =	vld [tilespmem:s1+$0x0]  }
0x42e: {  	v6 =	vadd.bf16 v6, v7;
	v7 =	vld [tilespmem:s31+$0x10]  }
0x42f: {  	v44 =	vld [tilespmem:s1+$0x10];
	v2 =	vadd.bf16 v2, v3;
	v3 =	vmul.bf16 v41, v40  }
0x430: {  	s24 =	simm.s32 $0x0;
	v4 =	vadd.bf16 v4, v6;
	v6 =	vld [tilespmem:s31+$0x20]  }
0x431: {  	v43 =	vmov s24;
	v2 =	vadd.bf16 v3, v2;
	v3 =	vld [tilespmem:s1+$0x20];
	v1 =	vmul.bf16 v1, v42  }
0x432: {  	v9 =	vshll.u32 v43, $0x4;
	v46 =	vld [tilespmem:s31+$0x30];
	v45 =	vunpack.i.u.bf16.f32 v4;
	v4 =	vunpack.i.l.bf16.f32 v4  }
0x433: {  	v1 =	vadd.bf16 v1, v2;
	v2 =	vadd.f32 v4, v45;
	v4 =	vmul.bf16 v5, v8;
	v5 =	vld [tilespmem:s1+$0x30]  }
0x434: {  	v9 =	vor.u32 v0, v9;
	v7 =	vmul.bf16 v44, v7  }
0x435: {  	v8 =	vor.u32 $0x1, v9;
	v47 =	vunpack.i.u.bf16.f32 v1;
	v1 =	vunpack.i.l.bf16.f32 v1  }
0x436: {  	[tilespmem:s11+$0xFFFFFF90] =	vst v2;
	v2 =	vadd.bf16 v7, v4;
	v3 =	vmul.bf16 v3, v6;
	v1 =	vadd.f32 v1, v47  }
0x437: {  	v4 =	vor.u32 $0x2, v9;
	v6 =	vld [tilespmem:s10+$0xFFFFFEB0]  }
0x438: {  	v48 =	vld [tilespmem:s25+$0xFFFFFE80];
	[tilespmem:s17+$0x70] =	vst v1;
	v1 =	vadd.bf16 v3, v2;
	v2 =	vmul.bf16 v5, v46  }
0x439: {  	v5 =	vor.u32 $0x3, v9;
	v3 =	vld.idx.msk [tilespmem:v9+s20+$0x0], $0xffff  }
0x43a: {  	v56 =	vor.u32 $0x9, v9;
	v7 =	vld.idx.msk [tilespmem:v8+s20+$0x0], $0xffff;
	v1 =	vadd.bf16 v2, v1  }
0x43b: {  	v51 =	vld [tilespmem:s10+$0xFFFFFE90];
	v2 =	vor.u32 $0x4, v9  }
0x43c: {  	v16 =	vor.u32 $0xA, v9;
	v4 =	vld.idx.msk [tilespmem:v4+s20+$0x0], $0xffff;
	v49 =	vunpack.i.u.bf16.f32 v1;
	v1 =	vunpack.i.l.bf16.f32 v1  }
0x43d: {  	v50 =	vor.u32 $0x5, v9;
	v60 =	vld [tilespmem:s25+$0xFFFFFE90];
	v1 =	vadd.f32 v1, v49  }
0x43e: {  	v5 =	vld.idx.msk [tilespmem:v5+s20+$0x0], $0xffff  }
0x43f: {  	v52 =	vor.u32 $0x6, v9;
	v15 =	vld.idx.msk [tilespmem:v56+s20+$0x0], $0xffff;
	[tilespmem:s30+$0x0] =	vst v1;
	v1 =	vadd.f32 v7, v3  }
0x440: {  	v2 =	vld.idx.msk [tilespmem:v2+s20+$0x0], $0xffff  }
0x441: {  	v16 =	vld.idx.msk [tilespmem:v16+s20+$0x0], $0xffff;
	v7 =	vor.u32 $0x7, v9;
	v1 =	vadd.f32 v4, v1  }
0x442: {  	v4 =	vld.idx.msk [tilespmem:v50+s20+$0x0], $0xffff  }
0x443: {  	v54 =	vor.u32 $0x8, v9;
	v55 =	vld [tilespmem:s31+$0x40];
	v1 =	vadd.f32 v5, v1  }
0x444: {  	v5 =	vld.idx.msk [tilespmem:v52+s20+$0x0], $0xffff  }
0x445: {  	v57 =	vld [tilespmem:s31+$0x50];
	v1 =	vadd.f32 v2, v1  }
0x446: {  	v2 =	vld.idx.msk [tilespmem:v7+s20+$0x0], $0xffff  }
0x447: {  	v7 =	vld [tilespmem:s1+$0x40];
	v1 =	vadd.f32 v4, v1  }
0x448: {  	v4 =	vld.idx.msk [tilespmem:v54+s20+$0x0], $0xffff  }
0x449: {  	v1 =	vadd.f32 v5, v1;
	v5 =	vld [tilespmem:s1+$0x50]  }
0x44a: {  	v17 =	vor.u32 $0xB, v9;
	v53 =	vld [tilespmem:s31+$0x60]  }
0x44b: {  	v1 =	vadd.f32 v2, v1;
	v2 =	vld [tilespmem:s1+$0x60]  }
0x44c: {  	v18 =	vor.u32 $0xC, v9;
	v3 =	vld [tilespmem:s31+$0x70]  }
0x44d: {  	v19 =	vor.u32 $0xD, v9;
	v1 =	vadd.f32 v4, v1;
	v4 =	vld [tilespmem:s1+$0x70]  }
0x44e: {  	v61 =	vld [tilespmem:s10+$0xFFFFFEA0];
	v7 =	vmul.bf16 v7, v55;
	v5 =	vmul.bf16 v5, v57  }
0x44f: {  	v58 =	vor.u32 $0xE, v9;
	v17 =	vld.idx.msk [tilespmem:v17+s20+$0x0], $0xffff  }
0x450: {  	v8 =	vld [tilespmem:s10+$0xFFFFFE80];
	v1 =	vadd.f32 v15, v1;
	v5 =	vadd.bf16 v5, v7;
	v2 =	vmul.bf16 v2, v53  }
0x451: {  	v59 =	vld.idx.msk [tilespmem:v18+s20+$0x0], $0xffff;
	v9 =	vor.u32 $0xF, v9  }
0x452: {  	v7 =	vld.idx.msk [tilespmem:v19+s20+$0x0], $0xffff;
	v1 =	vadd.f32 v16, v1;
	v2 =	vadd.bf16 v2, v5;
	v3 =	vmul.bf16 v4, v3  }
0x453: {  	v4 =	vld [tilespmem:s25+$0xFFFFFEA0]  }
0x454: {  	v5 =	vld.idx.msk [tilespmem:v58+s20+$0x0], $0xffff;
	v1 =	vadd.f32 v17, v1;
	v2 =	vadd.bf16 v3, v2  }
0x455: {  	v62 =	vmul.bf16 v60, v51;
	v3 =	vmul.bf16 v48, v8;
	v8 =	vld [tilespmem:s25+$0xFFFFFEB0]  }
0x456: {  	v1 =	vadd.f32 v59, v1;
	v63 =	vunpack.i.u.bf16.f32 v2;
	v2 =	vunpack.i.l.bf16.f32 v2  }
0x457: {  	v9 =	vld.idx.msk [tilespmem:v9+s20+$0x0], $0xffff;
	v2 =	vadd.f32 v2, v63  }
0x458: {  	v3 =	vadd.bf16 v62, v3;
	v1 =	vadd.f32 v7, v1;
	v4 =	vmul.bf16 v4, v61  }
0x459: {  	[tilespmem:s30+$0x10] =	vst v2  }
0x45a: {  	v5 =	vadd.f32 v5, v1;
	v3 =	vadd.bf16 v4, v3;
	v4 =	vmul.bf16 v8, v6;
	v1 =	vld [tilespmem:s31+$0x80]  }
0x45b: {  	v2 =	vld [tilespmem:s1+$0x80]  }
0x45c: {  	s24 =	simm.s32 $0x30;
	v5 =	vadd.f32 v9, v5;
	v7 =	vadd.bf16 v4, v3;
	v3 =	vld [tilespmem:s31+$0x90]  }
0x45d: {  	s6 =	simm.s32 $0x10;
	s7 =	simm.s32 $0x18420;
	s0 =	simm.s32 $0x1F8B0;
	v4 =	vld [tilespmem:s1+$0x90]  }
0x45e: {  	s9 =	simm.s32 $0xBC20;
	s12 =	simm.s32 $0x20;
	s17 =	simm.s32 $0x1E0A0;
	[tilespmem:s0+$0x0] =	vst v5;
	v6 =	vunpack.i.u.bf16.f32 v7;
	v7 =	vunpack.i.l.bf16.f32 v7;
	v5 =	vld [tilespmem:s31+$0xA0]  }
.LBB2_5:
0x45f: {  	p0 =	sne.s32 s24, $0x180;
	v6 =	vadd.f32 v7, v6;
	v7 =	vld [tilespmem:s1+$0xA0]  }
0x460: {  	v8 =	vld [tilespmem:s31+$0xB0]  }
0x461: {  	[tilespmem:s11+$0xFFFFFFA0] =	vst v6;
	v6 =	vld [tilespmem:s1+$0xB0]  }
0x462: {  	v1 =	vmul.bf16 v2, v1;
	v9 =	vld [tilespmem:s10+$0xFFFFFEC0];
	v2 =	vmul.bf16 v4, v3  }
0x463: {  	v3 =	vld [tilespmem:s25+$0xFFFFFEC0]  }
0x464: {  	v4 =	vld [tilespmem:s10+$0xFFFFFED0];
	v1 =	vadd.bf16 v2, v1;
	v2 =	vmul.bf16 v7, v5  }
0x465: {  	v5 =	vld [tilespmem:s25+$0xFFFFFED0]  }
0x466: {  	v7 =	vld [tilespmem:s10+$0xFFFFFEE0];
	v1 =	vadd.bf16 v2, v1;
	v2 =	vmul.bf16 v6, v8  }
0x467: {  	v6 =	vld [tilespmem:s25+$0xFFFFFEE0]  }
0x468: {  	v8 =	vld [tilespmem:s10+$0xFFFFFEF0];
	v1 =	vadd.bf16 v2, v1  }
0x469: {  	v2 =	vmul.bf16 v3, v9;
	v3 =	vld [tilespmem:s25+$0xFFFFFEF0]  }
0x46a: {  	v4 =	vmul.bf16 v5, v4;
	v5 =	vunpack.i.u.bf16.f32 v1;
	v1 =	vunpack.i.l.bf16.f32 v1  }
0x46b: {  	v1 =	vadd.f32 v1, v5  }
0x46c: {  	v2 =	vadd.bf16 v4, v2;
	v4 =	vmul.bf16 v6, v7  }
0x46d: {  	[tilespmem:s30+$0x20] =	vst v1  }
0x46e: {  	v1 =	vadd.bf16 v4, v2;
	v2 =	vmul.bf16 v3, v8;
	v3 =	vld [tilespmem:s31+$0xC0]  }
0x46f: {  	v4 =	vld [tilespmem:s1+$0xC0]  }
0x470: {  	v1 =	vadd.bf16 v2, v1;
	v2 =	vld [tilespmem:s31+$0xD0]  }
0x471: {  	v5 =	vld [tilespmem:s1+$0xD0]  }
0x472: {  	v6 =	vunpack.i.u.bf16.f32 v1;
	v1 =	vunpack.i.l.bf16.f32 v1;
	v7 =	vld [tilespmem:s31+$0xE0]  }
0x473: {  	v1 =	vadd.f32 v1, v6;
	v6 =	vld [tilespmem:s1+$0xE0]  }
0x474: {  	v8 =	vld [tilespmem:s31+$0xF0]  }
0x475: {  	[tilespmem:s11+$0xFFFFFFB0] =	vst v1;
	v1 =	vld [tilespmem:s1+$0xF0]  }
0x476: {  	v3 =	vmul.bf16 v4, v3;
	v9 =	vld [tilespmem:s10+$0xFFFFFF00];
	v2 =	vmul.bf16 v5, v2  }
0x477: {  	v4 =	vld [tilespmem:s25+$0xFFFFFF00]  }
0x478: {  	v5 =	vld [tilespmem:s10+$0xFFFFFF10];
	v2 =	vadd.bf16 v2, v3;
	v3 =	vmul.bf16 v6, v7  }
0x479: {  	v6 =	vld [tilespmem:s25+$0xFFFFFF10]  }
0x47a: {  	v7 =	vld [tilespmem:s10+$0xFFFFFF20];
	v2 =	vadd.bf16 v3, v2;
	v1 =	vmul.bf16 v1, v8  }
0x47b: {  	v3 =	vld [tilespmem:s25+$0xFFFFFF20]  }
0x47c: {  	v8 =	vld [tilespmem:s10+$0xFFFFFF30];
	v1 =	vadd.bf16 v1, v2  }
0x47d: {  	v2 =	vmul.bf16 v4, v9;
	s10 =	sadd.s32 $0x400, s10;
	v4 =	vld [tilespmem:s25+$0xFFFFFF30]  }
0x47e: {  	s25 =	sadd.s32 $0x400, s25;
	v9 =	vld [tilespmem:s10+$0xFFFFFE30];
	v5 =	vmul.bf16 v6, v5;
	v6 =	vunpack.i.u.bf16.f32 v1;
	v1 =	vunpack.i.l.bf16.f32 v1  }
0x47f: {  	v10 =	vld [tilespmem:s25+$0xFFFFFE30];
	v1 =	vadd.f32 v1, v6  }
0x480: {  	v6 =	vld [tilespmem:s10+$0xFFFFFE20];
	v2 =	vadd.bf16 v5, v2;
	v3 =	vmul.bf16 v3, v7  }
0x481: {  	v5 =	vld [tilespmem:s10+$0xFFFFFE00];
	[tilespmem:s30+$0x30] =	vst v1  }
0x482: {  	v1 =	vadd.bf16 v3, v2;
	v2 =	vmul.bf16 v4, v8;
	v3 =	vld [tilespmem:s31+$0x100]  }
0x483: {  	v4 =	vld [tilespmem:s1+$0x100]  }
0x484: {  	v1 =	vadd.bf16 v2, v1;
	v2 =	vld [tilespmem:s31+$0x110]  }
0x485: {  	v7 =	vld [tilespmem:s1+$0x110]  }
0x486: {  	v8 =	vunpack.i.u.bf16.f32 v1;
	v1 =	vunpack.i.l.bf16.f32 v1;
	v11 =	vld [tilespmem:s31+$0x120]  }
0x487: {  	v1 =	vadd.f32 v1, v8;
	v8 =	vld [tilespmem:s1+$0x120]  }
0x488: {  	v12 =	vld [tilespmem:s31+$0x130]  }
0x489: {  	[tilespmem:s11+$0xFFFFFFC0] =	vst v1;
	v1 =	vld [tilespmem:s1+$0x130]  }
0x48a: {  	v3 =	vmul.bf16 v4, v3;
	v13 =	vld [tilespmem:s9+$0xFFFFFF40];
	v2 =	vmul.bf16 v7, v2  }
0x48b: {  	v4 =	vld [tilespmem:s7+$0xFFFFFF40]  }
0x48c: {  	v7 =	vld [tilespmem:s9+$0xFFFFFF50];
	v2 =	vadd.bf16 v2, v3;
	v3 =	vmul.bf16 v8, v11  }
0x48d: {  	v8 =	vld [tilespmem:s7+$0xFFFFFF50]  }
0x48e: {  	v11 =	vld [tilespmem:s9+$0xFFFFFF60];
	v2 =	vadd.bf16 v3, v2;
	v1 =	vmul.bf16 v1, v12  }
0x48f: {  	v3 =	vld [tilespmem:s7+$0xFFFFFF60]  }
0x490: {  	v12 =	vld [tilespmem:s9+$0xFFFFFF70];
	v1 =	vadd.bf16 v1, v2  }
0x491: {  	v2 =	vmul.bf16 v4, v13;
	v4 =	vld [tilespmem:s7+$0xFFFFFF70]  }
0x492: {  	v13 =	vld [tilespmem:s25+$0xFFFFFE00];
	v7 =	vmul.bf16 v8, v7;
	v8 =	vunpack.i.u.bf16.f32 v1;
	v1 =	vunpack.i.l.bf16.f32 v1  }
0x493: {  	v14 =	vld [tilespmem:s10+$0xFFFFFE10];
	v1 =	vadd.f32 v1, v8  }
0x494: {  	v8 =	vld [tilespmem:s25+$0xFFFFFE10];
	v2 =	vadd.bf16 v7, v2;
	v3 =	vmul.bf16 v3, v11  }
0x495: {  	v7 =	vld [tilespmem:s25+$0xFFFFFE20];
	[tilespmem:s30+$0x40] =	vst v1  }
0x496: {  	v1 =	vadd.bf16 v3, v2;
	v2 =	vmul.bf16 v4, v12;
	v3 =	vld [tilespmem:s31+$0x140]  }
0x497: {  	v4 =	vld [tilespmem:s1+$0x140]  }
0x498: {  	v1 =	vadd.bf16 v2, v1;
	v2 =	vld [tilespmem:s31+$0x150]  }
0x499: {  	v5 =	vmul.bf16 v13, v5;
	v8 =	vmul.bf16 v8, v14;
	v11 =	vld [tilespmem:s1+$0x150]  }
0x49a: {  	v12 =	vunpack.i.u.bf16.f32 v1;
	v1 =	vunpack.i.l.bf16.f32 v1;
	v13 =	vld [tilespmem:s31+$0x160]  }
0x49b: {  	v6 =	vmul.bf16 v7, v6;
	v5 =	vadd.bf16 v8, v5;
	v1 =	vadd.f32 v1, v12;
	v7 =	vld [tilespmem:s1+$0x160]  }
0x49c: {  	v8 =	vld [tilespmem:s31+$0x170]  }
0x49d: {  	v5 =	vadd.bf16 v6, v5;
	v6 =	vmul.bf16 v10, v9;
	[tilespmem:s11+$0xFFFFFFD0] =	vst v1;
	v1 =	vld [tilespmem:s1+$0x170]  }
0x49e: {  	v3 =	vmul.bf16 v4, v3;
	v9 =	vld [tilespmem:s9+$0xFFFFFF80];
	v2 =	vmul.bf16 v11, v2  }
0x49f: {  	v4 =	vadd.bf16 v6, v5;
	v5 =	vld [tilespmem:s7+$0xFFFFFF80]  }
0x4a0: {  	v6 =	vld [tilespmem:s9+$0xFFFFFF90];
	v2 =	vadd.bf16 v2, v3;
	v3 =	vmul.bf16 v7, v13  }
0x4a1: {  	v7 =	vunpack.i.u.bf16.f32 v4;
	v10 =	vld [tilespmem:s7+$0xFFFFFF90]  }
0x4a2: {  	v4 =	vunpack.i.l.bf16.f32 v4;
	v11 =	vld [tilespmem:s9+$0xFFFFFFA0];
	v2 =	vadd.bf16 v3, v2;
	v1 =	vmul.bf16 v1, v8  }
0x4a3: {  	v3 =	vadd.f32 v4, v7;
	v4 =	vld [tilespmem:s7+$0xFFFFFFA0]  }
0x4a4: {  	s11 =	sadd.s32 $0x100, s11;
	v7 =	vld [tilespmem:s9+$0xFFFFFFB0];
	v1 =	vadd.bf16 v1, v2  }
0x4a5: {  	v2 =	vmul.bf16 v5, v9;
	[tilespmem:s11+$0xFFFFFF80] =	vst v3;
	v3 =	vld [tilespmem:s7+$0xFFFFFFB0]  }
0x4a6: {  	v5 =	vld [tilespmem:s10+$0xFFFFFE70];
	v6 =	vmul.bf16 v10, v6;
	v8 =	vunpack.i.u.bf16.f32 v1;
	v1 =	vunpack.i.l.bf16.f32 v1  }
0x4a7: {  	v9 =	vld [tilespmem:s25+$0xFFFFFE70];
	v1 =	vadd.f32 v1, v8  }
0x4a8: {  	v8 =	vld [tilespmem:s10+$0xFFFFFE60];
	v2 =	vadd.bf16 v6, v2;
	v4 =	vmul.bf16 v4, v11  }
0x4a9: {  	v6 =	vld [tilespmem:s25+$0xFFFFFE60];
	[tilespmem:s30+$0x50] =	vst v1  }
0x4aa: {  	v1 =	vadd.bf16 v4, v2;
	v2 =	vmul.bf16 v3, v7;
	v3 =	vld [tilespmem:s31+$0x180]  }
0x4ab: {  	v4 =	vld [tilespmem:s1+$0x180]  }
0x4ac: {  	v1 =	vadd.bf16 v2, v1;
	v2 =	vld [tilespmem:s31+$0x190]  }
0x4ad: {  	v7 =	vld [tilespmem:s1+$0x190]  }
0x4ae: {  	v10 =	vunpack.i.u.bf16.f32 v1;
	v1 =	vunpack.i.l.bf16.f32 v1;
	v11 =	vld [tilespmem:s31+$0x1A0]  }
0x4af: {  	v1 =	vadd.f32 v1, v10;
	v10 =	vld [tilespmem:s1+$0x1A0]  }
0x4b0: {  	v12 =	vld [tilespmem:s31+$0x1B0]  }
0x4b1: {  	[tilespmem:s17+$0xFFFFFFE0] =	vst v1;
	v1 =	vld [tilespmem:s1+$0x1B0]  }
0x4b2: {  	v3 =	vmul.bf16 v4, v3;
	v13 =	vld [tilespmem:s9+$0xFFFFFFC0];
	v2 =	vmul.bf16 v7, v2  }
0x4b3: {  	v4 =	vld [tilespmem:s7+$0xFFFFFFC0]  }
0x4b4: {  	v7 =	vld [tilespmem:s9+$0xFFFFFFD0];
	v2 =	vadd.bf16 v2, v3;
	v3 =	vmul.bf16 v10, v11  }
0x4b5: {  	v10 =	vld [tilespmem:s7+$0xFFFFFFD0]  }
0x4b6: {  	v11 =	vld [tilespmem:s9+$0xFFFFFFE0];
	v2 =	vadd.bf16 v3, v2;
	v1 =	vmul.bf16 v1, v12  }
0x4b7: {  	v3 =	vld [tilespmem:s7+$0xFFFFFFE0]  }
0x4b8: {  	v12 =	vld [tilespmem:s9+$0xFFFFFFF0];
	v1 =	vadd.bf16 v1, v2  }
0x4b9: {  	v2 =	vmul.bf16 v4, v13;
	v4 =	vld [tilespmem:s7+$0xFFFFFFF0]  }
0x4ba: {  	v13 =	vld [tilespmem:s10+$0xFFFFFE40];
	v7 =	vmul.bf16 v10, v7;
	v10 =	vunpack.i.u.bf16.f32 v1;
	v1 =	vunpack.i.l.bf16.f32 v1  }
0x4bb: {  	v14 =	vld [tilespmem:s25+$0xFFFFFE40];
	v1 =	vadd.f32 v1, v10  }
0x4bc: {  	v10 =	vld [tilespmem:s10+$0xFFFFFE50];
	v2 =	vadd.bf16 v7, v2;
	v3 =	vmul.bf16 v3, v11  }
0x4bd: {  	v7 =	vld [tilespmem:s25+$0xFFFFFE50];
	[tilespmem:s30+$0x60] =	vst v1  }
0x4be: {  	v1 =	vadd.bf16 v3, v2;
	v2 =	vmul.bf16 v4, v12;
	v3 =	vld [tilespmem:s31+$0x1C0]  }
0x4bf: {  	v4 =	vld [tilespmem:s1+$0x1C0]  }
0x4c0: {  	v1 =	vadd.bf16 v2, v1;
	v2 =	vld [tilespmem:s31+$0x1D0]  }
0x4c1: {  	v11 =	vld [tilespmem:s1+$0x1D0]  }
0x4c2: {  	v12 =	vunpack.i.u.bf16.f32 v1;
	v1 =	vunpack.i.l.bf16.f32 v1;
	v15 =	vld [tilespmem:s31+$0x1E0]  }
0x4c3: {  	v1 =	vadd.f32 v1, v12;
	v12 =	vld [tilespmem:s1+$0x1E0]  }
0x4c4: {  	v13 =	vmul.bf16 v14, v13;
	v7 =	vmul.bf16 v7, v10;
	v10 =	vld [tilespmem:s31+$0x1F0];
	s31 =	smov.u32 s9;
	s9 =	smov.u32 s10  }
0x4c5: {  	v6 =	vmul.bf16 v6, v8;
	[tilespmem:s17+$0xFFFFFFF0] =	vst v1;
	v1 =	vld [tilespmem:s1+$0x1F0];
	s1 =	smov.u32 s7;
	s7 =	smov.u32 s25  }
0x4c6: {  	v7 =	vadd.bf16 v7, v13;
	v3 =	vmul.bf16 v4, v3;
	v8 =	vld [tilespmem:s31+$0x0];
	v2 =	vmul.bf16 v11, v2  }
0x4c7: {  	v4 =	vmul.bf16 v9, v5;
	v9 =	vmov s6;
	s6 =	smov.u32 s12;
	s12 =	smov.u32 s24;
	v5 =	vld [tilespmem:s1+$0x0]  }
0x4c8: {  	v6 =	vadd.bf16 v6, v7;
	v7 =	vld [tilespmem:s31+$0x10];
	v2 =	vadd.bf16 v2, v3;
	v3 =	vmul.bf16 v12, v15  }
0x4c9: {  	v9 =	vshll.u32 v9, $0x4;
	v11 =	vld [tilespmem:s1+$0x10]  }
0x4ca: {  	v4 =	vadd.bf16 v4, v6;
	v6 =	vld [tilespmem:s31+$0x20];
	v2 =	vadd.bf16 v3, v2;
	v1 =	vmul.bf16 v1, v10  }
0x4cb: {  	v9 =	vor.u32 v0, v9;
	v3 =	vld [tilespmem:s1+$0x20]  }
0x4cc: {  	v10 =	vunpack.i.u.bf16.f32 v4;
	v4 =	vunpack.i.l.bf16.f32 v4;
	v12 =	vld [tilespmem:s31+$0x30];
	v1 =	vadd.bf16 v1, v2  }
0x4cd: {  	v2 =	vadd.f32 v4, v10;
	v4 =	vmul.bf16 v5, v8;
	v8 =	vor.u32 $0x1, v9;
	v5 =	vld [tilespmem:s1+$0x30]  }
0x4ce: {  	v7 =	vmul.bf16 v11, v7;
	v10 =	vunpack.i.u.bf16.f32 v1;
	v1 =	vunpack.i.l.bf16.f32 v1  }
0x4cf: {  	v1 =	vadd.f32 v1, v10  }
0x4d0: {  	[tilespmem:s11+$0xFFFFFF90] =	vst v2;
	v2 =	vadd.bf16 v7, v4;
	v3 =	vmul.bf16 v3, v6;
	v4 =	vor.u32 $0x2, v9  }
0x4d1: {  	v6 =	vld [tilespmem:s10+$0xFFFFFEB0];
	[tilespmem:s30+$0x70] =	vst v1;
	s30 =	smov.u32 s17;
	s17 =	smov.u32 s11  }
0x4d2: {  	v1 =	vadd.bf16 v3, v2;
	v2 =	vmul.bf16 v5, v12;
	v3 =	vld.idx.msk [tilespmem:v9+s20+$0x0], $0xffff;
	v5 =	vor.u32 $0x3, v9  }
0x4d3: {  	v7 =	vld.idx.msk [tilespmem:v8+s20+$0x0], $0xffff  }
0x4d4: {  	v8 =	vld [tilespmem:s10+$0xFFFFFE80];
	v1 =	vadd.bf16 v2, v1;
	v2 =	vor.u32 $0x4, v9  }
0x4d5: {  	v4 =	vld.idx.msk [tilespmem:v4+s20+$0x0], $0xffff  }
0x4d6: {  	v12 =	vor.u32 $0x5, v9;
	v10 =	vld [tilespmem:s25+$0xFFFFFE80];
	v11 =	vunpack.i.u.bf16.f32 v1;
	v1 =	vunpack.i.l.bf16.f32 v1  }
0x4d7: {  	v1 =	vadd.f32 v1, v11;
	v5 =	vld.idx.msk [tilespmem:v5+s20+$0x0], $0xffff  }
0x4d8: {  	v13 =	vor.u32 $0x6, v9;
	v11 =	vld [tilespmem:s10+$0xFFFFFE90]  }
0x4d9: {  	[tilespmem:s30+$0x0] =	vst v1;
	v1 =	vadd.f32 v7, v3;
	v2 =	vld.idx.msk [tilespmem:v2+s20+$0x0], $0xffff  }
0x4da: {  	v7 =	vor.u32 $0x7, v9;
	v3 =	vld [tilespmem:s31+$0x70]  }
0x4db: {  	v1 =	vadd.f32 v4, v1;
	v4 =	vld.idx.msk [tilespmem:v12+s20+$0x0], $0xffff  }
0x4dc: {  	v14 =	vor.u32 $0x8, v9;
	v12 =	vld [tilespmem:s31+$0x60]  }
0x4dd: {  	v1 =	vadd.f32 v5, v1;
	v5 =	vld.idx.msk [tilespmem:v13+s20+$0x0], $0xffff  }
0x4de: {  	v15 =	vor.u32 $0x9, v9;
	v13 =	vld [tilespmem:s31+$0x40]  }
0x4df: {  	v1 =	vadd.f32 v2, v1;
	v2 =	vld.idx.msk [tilespmem:v7+s20+$0x0], $0xffff  }
0x4e0: {  	v16 =	vor.u32 $0xA, v9;
	v7 =	vld [tilespmem:s1+$0x40]  }
0x4e1: {  	v1 =	vadd.f32 v4, v1;
	v4 =	vld.idx.msk [tilespmem:v14+s20+$0x0], $0xffff  }
0x4e2: {  	v17 =	vor.u32 $0xB, v9;
	v14 =	vld [tilespmem:s31+$0x50]  }
0x4e3: {  	v1 =	vadd.f32 v5, v1;
	v5 =	vld.idx.msk [tilespmem:v15+s20+$0x0], $0xffff  }
0x4e4: {  	v18 =	vor.u32 $0xC, v9;
	v15 =	vld [tilespmem:s1+$0x50]  }
0x4e5: {  	v1 =	vadd.f32 v2, v1;
	v2 =	vld.idx.msk [tilespmem:v16+s20+$0x0], $0xffff  }
0x4e6: {  	v19 =	vor.u32 $0xD, v9;
	v16 =	vld [tilespmem:s1+$0x60]  }
0x4e7: {  	v1 =	vadd.f32 v4, v1;
	v4 =	vld.idx.msk [tilespmem:v17+s20+$0x0], $0xffff  }
0x4e8: {  	v20 =	vor.u32 $0xE, v9;
	v17 =	vld [tilespmem:s1+$0x70]  }
0x4e9: {  	v7 =	vmul.bf16 v7, v13;
	v13 =	vmul.bf16 v15, v14;
	v1 =	vadd.f32 v5, v1;
	v5 =	vld.idx.msk [tilespmem:v18+s20+$0x0], $0xffff  }
0x4ea: {  	v9 =	vor.u32 $0xF, v9;
	v14 =	vld [tilespmem:s25+$0xFFFFFE90]  }
0x4eb: {  	v7 =	vadd.bf16 v13, v7;
	v12 =	vmul.bf16 v16, v12;
	v1 =	vadd.f32 v2, v1;
	v2 =	vld.idx.msk [tilespmem:v19+s20+$0x0], $0xffff  }
0x4ec: {  	v13 =	vld [tilespmem:s10+$0xFFFFFEA0]  }
0x4ed: {  	v7 =	vadd.bf16 v12, v7;
	v3 =	vmul.bf16 v17, v3;
	v1 =	vadd.f32 v4, v1;
	v4 =	vld.idx.msk [tilespmem:v20+s20+$0x0], $0xffff  }
0x4ee: {  	v12 =	vld [tilespmem:s25+$0xFFFFFEA0]  }
0x4ef: {  	v3 =	vadd.bf16 v3, v7;
	v1 =	vadd.f32 v5, v1;
	v5 =	vld.idx.msk [tilespmem:v9+s20+$0x0], $0xffff  }
0x4f0: {  	v7 =	vmul.bf16 v10, v8;
	v8 =	vmul.bf16 v14, v11;
	v9 =	vld [tilespmem:s25+$0xFFFFFEB0]  }
0x4f1: {  	v10 =	vunpack.i.u.bf16.f32 v3;
	v3 =	vunpack.i.l.bf16.f32 v3;
	v1 =	vadd.f32 v2, v1  }
0x4f2: {  	v2 =	vadd.f32 v3, v10  }
0x4f3: {  	v3 =	vadd.bf16 v8, v7;
	v7 =	vmul.bf16 v12, v13;
	v4 =	vadd.f32 v4, v1  }
0x4f4: {  	[tilespmem:s30+$0x10] =	vst v2  }
.Ltmp1:
0x4f5: {  	v3 =	vadd.bf16 v7, v3;
	v6 =	vmul.bf16 v9, v6;
	v1 =	vld [tilespmem:s31+$0x80];
	v4 =	vadd.f32 v5, v4;
	(pc) =	sbr.rel @p0 .LBB2_5-.Ltmp1, $4  }
0x4f6: {  	s0 =	sadd.s32 $0x10, s0;
	v2 =	vld [tilespmem:s1+$0x80]  }
0x4f7: {  	v5 =	vadd.bf16 v6, v3;
	v3 =	vld [tilespmem:s31+$0x90];
	[tilespmem:s0+$0x0] =	vst v4  }
0x4f8: {  	v4 =	vld [tilespmem:s1+$0x90]  }
0x4f9: {  	s24 =	sadd.s32 $0x10, s24;
	v6 =	vunpack.i.u.bf16.f32 v5;
	v7 =	vunpack.i.l.bf16.f32 v5;
	v5 =	vld [tilespmem:s31+$0xA0]  }
0x4fa: {  	v6 =	vadd.f32 v7, v6;
	_ =	sdelay $0x1  }
0x4fb: {  	[tilespmem:s11+$0xFFFFFFA0] =	vst v6  }
0x4fc: {  	v6 =	vld [tilespmem:s10+$0xFFFFFEC0]  }
0x4fd: {  	v63 =	vld [tilespmem:s25+$0xFFFFFEC0]  }
0x4fe: {  	v8 =	vld [tilespmem:s10+$0xFFFFFED0]  }
0x4ff: {  	v9 =	vld [tilespmem:s25+$0xFFFFFED0]  }
0x500: {  	v10 =	vld [tilespmem:s10+$0xFFFFFEE0]  }
0x501: {  	v11 =	vld [tilespmem:s25+$0xFFFFFEE0]  }
0x502: {  	v12 =	vld [tilespmem:s10+$0xFFFFFEF0]  }
0x503: {  	v13 =	vld [tilespmem:s25+$0xFFFFFEF0]  }
0x504: {  	v6 =	vmul.bf16 v63, v6;
	v14 =	vmul.bf16 v9, v8;
	_ =	sdelay $0x1  }
0x505: {  	v15 =	vmul.bf16 v11, v10;
	v6 =	vadd.bf16 v14, v6;
	_ =	sdelay $0x1  }
0x506: {  	v16 =	vmul.bf16 v13, v12;
	v6 =	vadd.bf16 v15, v6;
	_ =	sdelay $0x1  }
0x507: {  	v6 =	vadd.bf16 v16, v6;
	_ =	sdelay $0x1  }
0x508: {  	v7 =	vunpack.i.u.bf16.f32 v6;
	v6 =	vunpack.i.l.bf16.f32 v6  }
0x509: {  	v6 =	vadd.f32 v6, v7;
	_ =	sdelay $0x1  }
0x50a: {  	[tilespmem:s11+$0xFFFFFFB0] =	vst v6  }
0x50b: {  	v6 =	vld [tilespmem:s10+$0xFFFFFF00]  }
0x50c: {  	v17 =	vld [tilespmem:s25+$0xFFFFFF00]  }
0x50d: {  	v18 =	vld [tilespmem:s10+$0xFFFFFF10]  }
0x50e: {  	v19 =	vld [tilespmem:s25+$0xFFFFFF10]  }
0x50f: {  	v20 =	vld [tilespmem:s10+$0xFFFFFF20]  }
0x510: {  	v21 =	vld [tilespmem:s25+$0xFFFFFF20]  }
0x511: {  	v22 =	vld [tilespmem:s10+$0xFFFFFF30]  }
0x512: {  	v23 =	vld [tilespmem:s25+$0xFFFFFF30]  }
0x513: {  	v6 =	vmul.bf16 v17, v6;
	v24 =	vmul.bf16 v19, v18;
	_ =	sdelay $0x1  }
0x514: {  	v25 =	vmul.bf16 v21, v20;
	v6 =	vadd.bf16 v24, v6;
	_ =	sdelay $0x1  }
0x515: {  	v26 =	vmul.bf16 v23, v22;
	v6 =	vadd.bf16 v25, v6;
	_ =	sdelay $0x1  }
0x516: {  	v6 =	vadd.bf16 v26, v6;
	_ =	sdelay $0x1  }
0x517: {  	v7 =	vunpack.i.u.bf16.f32 v6;
	v6 =	vunpack.i.l.bf16.f32 v6  }
0x518: {  	v6 =	vadd.f32 v6, v7;
	_ =	sdelay $0x1  }
0x519: {  	[tilespmem:s11+$0xFFFFFFC0] =	vst v6  }
0x51a: {  	v6 =	vld [tilespmem:s9+$0xFFFFFF40]  }
0x51b: {  	v27 =	vld [tilespmem:s7+$0xFFFFFF40]  }
0x51c: {  	v28 =	vld [tilespmem:s9+$0xFFFFFF50]  }
0x51d: {  	v29 =	vld [tilespmem:s7+$0xFFFFFF50]  }
0x51e: {  	v30 =	vld [tilespmem:s9+$0xFFFFFF60]  }
0x51f: {  	v31 =	vld [tilespmem:s7+$0xFFFFFF60]  }
0x520: {  	v32 =	vld [tilespmem:s9+$0xFFFFFF70]  }
0x521: {  	v33 =	vld [tilespmem:s7+$0xFFFFFF70]  }
0x522: {  	v6 =	vmul.bf16 v27, v6;
	v34 =	vmul.bf16 v29, v28;
	_ =	sdelay $0x1  }
0x523: {  	v35 =	vmul.bf16 v31, v30;
	v6 =	vadd.bf16 v34, v6;
	_ =	sdelay $0x1  }
0x524: {  	v36 =	vmul.bf16 v33, v32;
	v6 =	vadd.bf16 v35, v6;
	_ =	sdelay $0x1  }
0x525: {  	v6 =	vadd.bf16 v36, v6;
	_ =	sdelay $0x1  }
0x526: {  	v7 =	vunpack.i.u.bf16.f32 v6;
	v6 =	vunpack.i.l.bf16.f32 v6  }
0x527: {  	v6 =	vadd.f32 v6, v7;
	_ =	sdelay $0x1  }
0x528: {  	[tilespmem:s11+$0xFFFFFFD0] =	vst v6  }
0x529: {  	v6 =	vld [tilespmem:s9+$0xFFFFFF80]  }
0x52a: {  	v37 =	vld [tilespmem:s7+$0xFFFFFF80]  }
0x52b: {  	v38 =	vld [tilespmem:s9+$0xFFFFFF90]  }
0x52c: {  	v39 =	vld [tilespmem:s7+$0xFFFFFF90]  }
0x52d: {  	v40 =	vld [tilespmem:s9+$0xFFFFFFA0]  }
0x52e: {  	v41 =	vld [tilespmem:s7+$0xFFFFFFA0]  }
0x52f: {  	v42 =	vld [tilespmem:s9+$0xFFFFFFB0]  }
0x530: {  	v43 =	vld [tilespmem:s7+$0xFFFFFFB0]  }
0x531: {  	v6 =	vmul.bf16 v37, v6;
	v44 =	vmul.bf16 v39, v38;
	_ =	sdelay $0x1  }
0x532: {  	v45 =	vmul.bf16 v41, v40;
	v6 =	vadd.bf16 v44, v6;
	_ =	sdelay $0x1  }
0x533: {  	v46 =	vmul.bf16 v43, v42;
	v6 =	vadd.bf16 v45, v6;
	_ =	sdelay $0x1  }
0x534: {  	v6 =	vadd.bf16 v46, v6;
	_ =	sdelay $0x1  }
0x535: {  	v7 =	vunpack.i.u.bf16.f32 v6;
	v6 =	vunpack.i.l.bf16.f32 v6  }
0x536: {  	v6 =	vadd.f32 v6, v7;
	_ =	sdelay $0x1  }
0x537: {  	[tilespmem:s17+$0xFFFFFFE0] =	vst v6  }
0x538: {  	v6 =	vld [tilespmem:s9+$0xFFFFFFC0]  }
0x539: {  	v47 =	vld [tilespmem:s7+$0xFFFFFFC0]  }
0x53a: {  	v48 =	vld [tilespmem:s9+$0xFFFFFFD0]  }
0x53b: {  	v49 =	vld [tilespmem:s7+$0xFFFFFFD0]  }
0x53c: {  	v50 =	vld [tilespmem:s9+$0xFFFFFFE0]  }
0x53d: {  	v51 =	vld [tilespmem:s7+$0xFFFFFFE0]  }
0x53e: {  	v52 =	vld [tilespmem:s9+$0xFFFFFFF0]  }
0x53f: {  	v53 =	vld [tilespmem:s7+$0xFFFFFFF0]  }
0x540: {  	v6 =	vmul.bf16 v47, v6;
	v54 =	vmul.bf16 v49, v48;
	_ =	sdelay $0x1  }
0x541: {  	v55 =	vmul.bf16 v51, v50;
	v6 =	vadd.bf16 v54, v6;
	_ =	sdelay $0x1  }
0x542: {  	v56 =	vmul.bf16 v53, v52;
	v6 =	vadd.bf16 v55, v6;
	_ =	sdelay $0x1  }
0x543: {  	v6 =	vadd.bf16 v56, v6;
	_ =	sdelay $0x1  }
0x544: {  	v7 =	vunpack.i.u.bf16.f32 v6;
	v6 =	vunpack.i.l.bf16.f32 v6  }
0x545: {  	v6 =	vadd.f32 v6, v7;
	_ =	sdelay $0x1  }
0x546: {  	[tilespmem:s17+$0xFFFFFFF0] =	vst v6  }
0x547: {  	v6 =	vld [tilespmem:s9+$0x0]  }
0x548: {  	v57 =	vld [tilespmem:s7+$0x0]  }
0x549: {  	v58 =	vld [tilespmem:s9+$0x10]  }
0x54a: {  	v59 =	vld [tilespmem:s7+$0x10]  }
0x54b: {  	v60 =	vld [tilespmem:s9+$0x20]  }
0x54c: {  	v61 =	vld [tilespmem:s7+$0x20]  }
0x54d: {  	v62 =	vld [tilespmem:s9+$0x30]  }
0x54e: {  	v63 =	vld [tilespmem:s7+$0x30]  }
0x54f: {  	v6 =	vmul.bf16 v57, v6;
	v14 =	vmul.bf16 v59, v58;
	_ =	sdelay $0x1  }
0x550: {  	v15 =	vmul.bf16 v61, v60;
	v6 =	vadd.bf16 v14, v6;
	_ =	sdelay $0x1  }
0x551: {  	v16 =	vmul.bf16 v63, v62;
	v6 =	vadd.bf16 v15, v6;
	_ =	sdelay $0x1  }
0x552: {  	v6 =	vadd.bf16 v16, v6;
	_ =	sdelay $0x1  }
0x553: {  	v7 =	vunpack.i.u.bf16.f32 v6;
	v6 =	vunpack.i.l.bf16.f32 v6  }
0x554: {  	v6 =	vadd.f32 v6, v7;
	_ =	sdelay $0x1  }
0x555: {  	[tilespmem:s17+$0x0] =	vst v6  }
0x556: {  	v6 =	vld [tilespmem:s9+$0x40]  }
0x557: {  	v17 =	vld [tilespmem:s7+$0x40]  }
0x558: {  	v18 =	vld [tilespmem:s9+$0x50]  }
0x559: {  	v19 =	vld [tilespmem:s7+$0x50]  }
0x55a: {  	v20 =	vld [tilespmem:s9+$0x60]  }
0x55b: {  	v21 =	vld [tilespmem:s7+$0x60]  }
0x55c: {  	v22 =	vld [tilespmem:s9+$0x70]  }
0x55d: {  	v23 =	vld [tilespmem:s7+$0x70]  }
0x55e: {  	v6 =	vmul.bf16 v17, v6;
	v24 =	vmul.bf16 v19, v18;
	_ =	sdelay $0x1  }
0x55f: {  	v25 =	vmul.bf16 v21, v20;
	v6 =	vadd.bf16 v24, v6;
	_ =	sdelay $0x1  }
0x560: {  	v26 =	vmul.bf16 v23, v22;
	v6 =	vadd.bf16 v25, v6;
	_ =	sdelay $0x1  }
0x561: {  	v6 =	vadd.bf16 v26, v6;
	_ =	sdelay $0x1  }
0x562: {  	v27 =	vld [tilespmem:s1+$0xA0];
	v28 =	vunpack.i.u.bf16.f32 v6;
	v6 =	vunpack.i.l.bf16.f32 v6  }
0x563: {  	v29 =	vld [tilespmem:s31+$0xB0];
	v6 =	vadd.f32 v6, v28  }
0x564: {  	v30 =	vld [tilespmem:s1+$0xB0]  }
0x565: {  	v1 =	vmul.bf16 v2, v1;
	v2 =	vmul.bf16 v4, v3;
	[tilespmem:s17+$0x10] =	vst v6  }
0x566: {  	v3 =	vld [tilespmem:s9+$0x80]  }
0x567: {  	v1 =	vadd.bf16 v2, v1;
	v2 =	vmul.bf16 v27, v5;
	v31 =	vld [tilespmem:s7+$0x80]  }
0x568: {  	v32 =	vld [tilespmem:s9+$0x90]  }
0x569: {  	v1 =	vadd.bf16 v2, v1;
	v2 =	vmul.bf16 v30, v29;
	v6 =	vld [tilespmem:s7+$0x90]  }
0x56a: {  	v33 =	vld [tilespmem:s9+$0xA0]  }
0x56b: {  	v1 =	vadd.bf16 v2, v1;
	v2 =	vld [tilespmem:s7+$0xA0]  }
0x56c: {  	v34 =	vld [tilespmem:s9+$0xB0]  }
0x56d: {  	v35 =	vunpack.i.u.bf16.f32 v1;
	v1 =	vunpack.i.l.bf16.f32 v1;
	v36 =	vld [tilespmem:s7+$0xB0]  }
0x56e: {  	v1 =	vadd.f32 v1, v35;
	v3 =	vmul.bf16 v31, v3;
	v37 =	vmul.bf16 v6, v32;
	_ =	sdelay $0x1  }
0x56f: {  	[tilespmem:s30+$0x20] =	vst v1;
	v2 =	vmul.bf16 v2, v33;
	v1 =	vadd.bf16 v37, v3  }
0x570: {  	v38 =	vld [tilespmem:s1+$0xC0]  }
0x571: {  	v39 =	vld [tilespmem:s31+$0xD0];
	v1 =	vadd.bf16 v2, v1;
	v2 =	vmul.bf16 v36, v34  }
0x572: {  	v40 =	vld [tilespmem:s1+$0xD0]  }
0x573: {  	v3 =	vld [tilespmem:s31+$0xC0];
	v1 =	vadd.bf16 v2, v1  }
0x574: {  	v41 =	vld [tilespmem:s1+$0xE0]  }
0x575: {  	v2 =	vld [tilespmem:s31+$0xE0];
	v42 =	vunpack.i.u.bf16.f32 v1;
	v1 =	vunpack.i.l.bf16.f32 v1  }
0x576: {  	v43 =	vld [tilespmem:s31+$0xF0];
	v1 =	vadd.f32 v1, v42  }
0x577: {  	v44 =	vld [tilespmem:s1+$0xF0]  }
0x578: {  	v45 =	vmul.bf16 v40, v39;
	v3 =	vmul.bf16 v38, v3;
	[tilespmem:s17+$0x20] =	vst v1  }
0x579: {  	v1 =	vld [tilespmem:s9+$0xC0]  }
0x57a: {  	v3 =	vadd.bf16 v45, v3;
	v2 =	vmul.bf16 v41, v2;
	v46 =	vld [tilespmem:s7+$0xC0]  }
0x57b: {  	v47 =	vld [tilespmem:s9+$0xD0]  }
0x57c: {  	v48 =	vld [tilespmem:s7+$0xD0];
	v2 =	vadd.bf16 v2, v3;
	v3 =	vmul.bf16 v44, v43  }
0x57d: {  	v49 =	vld [tilespmem:s9+$0xE0]  }
0x57e: {  	v2 =	vadd.bf16 v3, v2;
	v3 =	vld [tilespmem:s7+$0xE0]  }
0x57f: {  	v50 =	vld [tilespmem:s9+$0xF0]  }
0x580: {  	v52 =	vld [tilespmem:s7+$0xF0];
	v51 =	vunpack.i.u.bf16.f32 v2;
	v2 =	vunpack.i.l.bf16.f32 v2  }
0x581: {  	v1 =	vmul.bf16 v46, v1;
	v53 =	vmul.bf16 v48, v47;
	v2 =	vadd.f32 v2, v51;
	_ =	sdelay $0x1  }
0x582: {  	v1 =	vadd.bf16 v53, v1;
	[tilespmem:s30+$0x30] =	vst v2;
	v2 =	vmul.bf16 v3, v49  }
0x583: {  	v3 =	vld [tilespmem:s31+$0x100]  }
0x584: {  	v54 =	vld [tilespmem:s1+$0x100];
	v1 =	vadd.bf16 v2, v1;
	v2 =	vmul.bf16 v52, v50  }
0x585: {  	v55 =	vld [tilespmem:s31+$0x110]  }
0x586: {  	v56 =	vld [tilespmem:s1+$0x110];
	v1 =	vadd.bf16 v2, v1  }
0x587: {  	v57 =	vld [tilespmem:s1+$0x120]  }
0x588: {  	v2 =	vld [tilespmem:s31+$0x120];
	v58 =	vunpack.i.u.bf16.f32 v1;
	v1 =	vunpack.i.l.bf16.f32 v1  }
0x589: {  	v59 =	vld [tilespmem:s31+$0x130];
	v1 =	vadd.f32 v1, v58  }
0x58a: {  	v60 =	vld [tilespmem:s1+$0x130]  }
0x58b: {  	v3 =	vmul.bf16 v54, v3;
	v61 =	vmul.bf16 v56, v55;
	[tilespmem:s17+$0x30] =	vst v1  }
0x58c: {  	v1 =	vld [tilespmem:s9+$0x100]  }
0x58d: {  	v3 =	vadd.bf16 v61, v3;
	v2 =	vmul.bf16 v57, v2;
	v62 =	vld [tilespmem:s7+$0x100]  }
0x58e: {  	v63 =	vld [tilespmem:s9+$0x110]  }
0x58f: {  	v12 =	vld [tilespmem:s7+$0x110];
	v2 =	vadd.bf16 v2, v3;
	v3 =	vmul.bf16 v60, v59  }
0x590: {  	v13 =	vld [tilespmem:s9+$0x120]  }
0x591: {  	v2 =	vadd.bf16 v3, v2;
	v3 =	vld [tilespmem:s7+$0x120]  }
0x592: {  	v14 =	vld [tilespmem:s9+$0x130]  }
0x593: {  	v16 =	vld [tilespmem:s7+$0x130];
	v15 =	vunpack.i.u.bf16.f32 v2;
	v2 =	vunpack.i.l.bf16.f32 v2  }
0x594: {  	v1 =	vmul.bf16 v62, v1;
	v17 =	vmul.bf16 v12, v63;
	v2 =	vadd.f32 v2, v15;
	_ =	sdelay $0x1  }
0x595: {  	v1 =	vadd.bf16 v17, v1;
	[tilespmem:s30+$0x40] =	vst v2;
	v2 =	vmul.bf16 v3, v13  }
0x596: {  	v3 =	vld [tilespmem:s31+$0x140]  }
0x597: {  	v18 =	vld [tilespmem:s1+$0x140];
	v1 =	vadd.bf16 v2, v1;
	v2 =	vmul.bf16 v16, v14  }
0x598: {  	v19 =	vld [tilespmem:s31+$0x150]  }
0x599: {  	v20 =	vld [tilespmem:s1+$0x150];
	v1 =	vadd.bf16 v2, v1  }
0x59a: {  	v21 =	vld [tilespmem:s1+$0x160]  }
0x59b: {  	v2 =	vld [tilespmem:s31+$0x160];
	v22 =	vunpack.i.u.bf16.f32 v1;
	v1 =	vunpack.i.l.bf16.f32 v1  }
0x59c: {  	v23 =	vld [tilespmem:s31+$0x170];
	v1 =	vadd.f32 v1, v22  }
0x59d: {  	v24 =	vld [tilespmem:s1+$0x170]  }
0x59e: {  	v3 =	vmul.bf16 v18, v3;
	v25 =	vmul.bf16 v20, v19;
	[tilespmem:s17+$0x40] =	vst v1  }
0x59f: {  	v1 =	vld [tilespmem:s9+$0x140]  }
0x5a0: {  	v3 =	vadd.bf16 v25, v3;
	v2 =	vmul.bf16 v21, v2;
	v26 =	vld [tilespmem:s7+$0x140]  }
0x5a1: {  	v27 =	vld [tilespmem:s9+$0x150]  }
0x5a2: {  	v28 =	vld [tilespmem:s7+$0x150];
	v2 =	vadd.bf16 v2, v3;
	v3 =	vmul.bf16 v24, v23  }
0x5a3: {  	v29 =	vld [tilespmem:s9+$0x160]  }
0x5a4: {  	v2 =	vadd.bf16 v3, v2;
	v3 =	vld [tilespmem:s7+$0x160]  }
0x5a5: {  	v30 =	vld [tilespmem:s9+$0x170]  }
0x5a6: {  	v32 =	vld [tilespmem:s7+$0x170];
	v31 =	vunpack.i.u.bf16.f32 v2;
	v2 =	vunpack.i.l.bf16.f32 v2  }
0x5a7: {  	v1 =	vmul.bf16 v26, v1;
	v33 =	vmul.bf16 v28, v27;
	v2 =	vadd.f32 v2, v31;
	_ =	sdelay $0x1  }
0x5a8: {  	v1 =	vadd.bf16 v33, v1;
	[tilespmem:s30+$0x50] =	vst v2;
	v2 =	vmul.bf16 v3, v29  }
0x5a9: {  	v3 =	vld [tilespmem:s31+$0x180]  }
0x5aa: {  	v34 =	vld [tilespmem:s1+$0x180];
	v1 =	vadd.bf16 v2, v1;
	v2 =	vmul.bf16 v32, v30  }
0x5ab: {  	v35 =	vld [tilespmem:s31+$0x190]  }
0x5ac: {  	v36 =	vld [tilespmem:s1+$0x190];
	v1 =	vadd.bf16 v2, v1  }
0x5ad: {  	v37 =	vld [tilespmem:s1+$0x1A0]  }
0x5ae: {  	v2 =	vld [tilespmem:s31+$0x1A0];
	v38 =	vunpack.i.u.bf16.f32 v1;
	v1 =	vunpack.i.l.bf16.f32 v1  }
0x5af: {  	v39 =	vld [tilespmem:s31+$0x1B0];
	v1 =	vadd.f32 v1, v38  }
0x5b0: {  	v40 =	vld [tilespmem:s1+$0x1B0]  }
0x5b1: {  	v3 =	vmul.bf16 v34, v3;
	v41 =	vmul.bf16 v36, v35;
	[tilespmem:s17+$0x50] =	vst v1  }
0x5b2: {  	v1 =	vld [tilespmem:s9+$0x180]  }
0x5b3: {  	v3 =	vadd.bf16 v41, v3;
	v2 =	vmul.bf16 v37, v2;
	v42 =	vld [tilespmem:s7+$0x180]  }
0x5b4: {  	v43 =	vld [tilespmem:s9+$0x190]  }
0x5b5: {  	v44 =	vld [tilespmem:s7+$0x190];
	v2 =	vadd.bf16 v2, v3;
	v3 =	vmul.bf16 v40, v39  }
0x5b6: {  	v45 =	vld [tilespmem:s9+$0x1A0]  }
0x5b7: {  	v2 =	vadd.bf16 v3, v2;
	v3 =	vld [tilespmem:s7+$0x1A0]  }
0x5b8: {  	v46 =	vld [tilespmem:s9+$0x1B0]  }
0x5b9: {  	v48 =	vld [tilespmem:s7+$0x1B0];
	v47 =	vunpack.i.u.bf16.f32 v2  }
0x5ba: {  	v2 =	vunpack.i.l.bf16.f32 v2;
	v1 =	vmul.bf16 v42, v1;
	v49 =	vmul.bf16 v44, v43  }
0x5bb: {  	v2 =	vadd.f32 v2, v47  }
0x5bc: {  	v1 =	vadd.bf16 v49, v1;
	v3 =	vmul.bf16 v3, v45  }
0x5bd: {  	[tilespmem:s30+$0x60] =	vst v2  }
0x5be: {  	v2 =	vld [tilespmem:s31+$0x1C0];
	v1 =	vadd.bf16 v3, v1;
	v3 =	vmul.bf16 v48, v46  }
0x5bf: {  	v50 =	vld [tilespmem:s1+$0x1C0]  }
0x5c0: {  	v51 =	vld [tilespmem:s31+$0x1D0];
	v1 =	vadd.bf16 v3, v1  }
0x5c1: {  	v52 =	vld [tilespmem:s31+$0x1E0]  }
0x5c2: {  	v54 =	vld [tilespmem:s1+$0x1E0];
	v53 =	vunpack.i.u.bf16.f32 v1;
	v1 =	vunpack.i.l.bf16.f32 v1  }
0x5c3: {  	v55 =	vld [tilespmem:s31+$0x1F0];
	v1 =	vadd.f32 v1, v53  }
0x5c4: {  	v56 =	vld [tilespmem:s1+$0x1F0]  }
0x5c5: {  	v3 =	vld [tilespmem:s1+$0x1D0];
	[tilespmem:s17+$0x60] =	vst v1  }
0x5c6: {  	v1 =	vld [tilespmem:s9+$0x1C0]  }
0x5c7: {  	v57 =	vld [tilespmem:s7+$0x1C0]  }
0x5c8: {  	v58 =	vld [tilespmem:s9+$0x1D0]  }
0x5c9: {  	v59 =	vld [tilespmem:s7+$0x1D0]  }
0x5ca: {  	v60 =	vld [tilespmem:s9+$0x1E0]  }
0x5cb: {  	v2 =	vmul.bf16 v50, v2;
	v3 =	vmul.bf16 v3, v51;
	v61 =	vld [tilespmem:s7+$0x1E0]  }
0x5cc: {  	v62 =	vld [tilespmem:s9+$0x1F0]  }
0x5cd: {  	v63 =	vld [tilespmem:s7+$0x1F0];
	v2 =	vadd.bf16 v3, v2;
	v3 =	vmul.bf16 v54, v52  }
0x5ce: {  	v1 =	vmul.bf16 v57, v1;
	v14 =	vmul.bf16 v59, v58  }
0x5cf: {  	v2 =	vadd.bf16 v3, v2;
	v3 =	vmul.bf16 v56, v55  }
0x5d0: {  	v15 =	vmov s6;
	v4 =	vmul.bf16 v61, v60;
	v1 =	vadd.bf16 v14, v1  }
0x5d1: {  	v7 =	vshll.u32 v15, $0x4;
	v19 =	vmov s12;
	v2 =	vadd.bf16 v3, v2  }
0x5d2: {  	v3 =	vor.u32 v0, v7;
	v16 =	vmul.bf16 v63, v62;
	v1 =	vadd.bf16 v4, v1  }
0x5d3: {  	v7 =	vshll.u32 v19, $0x4;
	v17 =	vor.u32 $0x1, v3  }
0x5d4: {  	v18 =	vunpack.i.u.bf16.f32 v2;
	v2 =	vunpack.i.l.bf16.f32 v2;
	v1 =	vadd.bf16 v16, v1  }
0x5d5: {  	v20 =	vor.u32 v0, v7;
	v2 =	vadd.f32 v2, v18  }
0x5d6: {  	v21 =	vor.u32 $0x1, v20;
	v22 =	vunpack.i.u.bf16.f32 v1;
	v1 =	vunpack.i.l.bf16.f32 v1  }
0x5d7: {  	v23 =	vor.u32 $0x2, v3;
	[tilespmem:s30+$0x70] =	vst v2;
	v1 =	vadd.f32 v1, v22  }
0x5d8: {  	v24 =	vor.u32 $0x2, v20;
	v2 =	vld.idx.msk [tilespmem:v3+s20+$0x0], $0xffff  }
0x5d9: {  	v25 =	vor.u32 $0x3, v3;
	v5 =	vld.idx.msk [tilespmem:v17+s20+$0x0], $0xffff;
	[tilespmem:s17+$0x70] =	vst v1  }
0x5da: {  	v26 =	vor.u32 $0x3, v20;
	v1 =	vld.idx.msk [tilespmem:v20+s20+$0x0], $0xffff  }
0x5db: {  	v27 =	vor.u32 $0x4, v3;
	v6 =	vld.idx.msk [tilespmem:v21+s20+$0x0], $0xffff  }
0x5dc: {  	v28 =	vor.u32 $0x4, v20;
	v8 =	vld.idx.msk [tilespmem:v23+s20+$0x0], $0xffff  }
0x5dd: {  	v29 =	vor.u32 $0x5, v3;
	v7 =	vld.idx.msk [tilespmem:v24+s20+$0x0], $0xffff  }
0x5de: {  	v14 =	vor.u32 $0x5, v20;
	v9 =	vld.idx.msk [tilespmem:v25+s20+$0x0], $0xffff  }
0x5df: {  	v15 =	vor.u32 $0x6, v3;
	v2 =	vadd.f32 v5, v2;
	v30 =	vld.idx.msk [tilespmem:v26+s20+$0x0], $0xffff  }
0x5e0: {  	v32 =	vor.u32 $0x6, v20;
	v31 =	vld.idx.msk [tilespmem:v27+s20+$0x0], $0xffff;
	v1 =	vadd.f32 v6, v1  }
0x5e1: {  	v33 =	vor.u32 $0x7, v3;
	v34 =	vld.idx.msk [tilespmem:v28+s20+$0x0], $0xffff;
	v2 =	vadd.f32 v8, v2  }
0x5e2: {  	v36 =	vor.u32 $0x7, v20;
	v35 =	vld.idx.msk [tilespmem:v29+s20+$0x0], $0xffff;
	v1 =	vadd.f32 v7, v1  }
0x5e3: {  	v37 =	vor.u32 $0x8, v3;
	v38 =	vld.idx.msk [tilespmem:v14+s20+$0x0], $0xffff;
	v2 =	vadd.f32 v9, v2  }
0x5e4: {  	v40 =	vor.u32 $0x8, v20;
	v39 =	vld.idx.msk [tilespmem:v15+s20+$0x0], $0xffff;
	v1 =	vadd.f32 v30, v1  }
0x5e5: {  	v41 =	vor.u32 $0x9, v3;
	v42 =	vld.idx.msk [tilespmem:v32+s20+$0x0], $0xffff;
	v2 =	vadd.f32 v31, v2  }
0x5e6: {  	v43 =	vor.u32 $0x9, v20;
	v6 =	vld.idx.msk [tilespmem:v33+s20+$0x0], $0xffff;
	v1 =	vadd.f32 v34, v1  }
0x5e7: {  	v44 =	vor.u32 $0xA, v3;
	v45 =	vld.idx.msk [tilespmem:v36+s20+$0x0], $0xffff;
	v2 =	vadd.f32 v35, v2  }
0x5e8: {  	v46 =	vor.u32 $0xA, v20;
	v7 =	vld.idx.msk [tilespmem:v37+s20+$0x0], $0xffff;
	v1 =	vadd.f32 v38, v1  }
0x5e9: {  	v47 =	vor.u32 $0xB, v3;
	v48 =	vld.idx.msk [tilespmem:v40+s20+$0x0], $0xffff;
	v2 =	vadd.f32 v39, v2  }
0x5ea: {  	v49 =	vor.u32 $0xB, v20;
	v5 =	vld.idx.msk [tilespmem:v41+s20+$0x0], $0xffff;
	v1 =	vadd.f32 v42, v1  }
0x5eb: {  	v50 =	vor.u32 $0xC, v3;
	v51 =	vld.idx.msk [tilespmem:v43+s20+$0x0], $0xffff;
	v2 =	vadd.f32 v6, v2  }
0x5ec: {  	v52 =	vor.u32 $0xC, v20;
	v8 =	vld.idx.msk [tilespmem:v44+s20+$0x0], $0xffff;
	v1 =	vadd.f32 v45, v1  }
0x5ed: {  	v53 =	vor.u32 $0xD, v3;
	v54 =	vld.idx.msk [tilespmem:v46+s20+$0x0], $0xffff;
	v2 =	vadd.f32 v7, v2  }
0x5ee: {  	v55 =	vor.u32 $0xD, v20;
	v9 =	vld.idx.msk [tilespmem:v47+s20+$0x0], $0xffff;
	v1 =	vadd.f32 v48, v1  }
0x5ef: {  	v56 =	vor.u32 $0xE, v3;
	v57 =	vld.idx.msk [tilespmem:v49+s20+$0x0], $0xffff;
	v2 =	vadd.f32 v5, v2  }
0x5f0: {  	v58 =	vor.u32 $0xE, v20;
	v10 =	vld.idx.msk [tilespmem:v50+s20+$0x0], $0xffff;
	v1 =	vadd.f32 v51, v1  }
0x5f1: {  	v3 =	vor.u32 $0xF, v3;
	v59 =	vld.idx.msk [tilespmem:v52+s20+$0x0], $0xffff;
	v2 =	vadd.f32 v8, v2  }
0x5f2: {  	v4 =	vor.u32 $0xF, v20;
	v60 =	vld.idx.msk [tilespmem:v53+s20+$0x0], $0xffff;
	v1 =	vadd.f32 v54, v1  }
0x5f3: {  	v61 =	vld.idx.msk [tilespmem:v55+s20+$0x0], $0xffff;
	v2 =	vadd.f32 v9, v2  }
0x5f4: {  	v62 =	vld.idx.msk [tilespmem:v56+s20+$0x0], $0xffff;
	v1 =	vadd.f32 v57, v1  }
0x5f5: {  	v63 =	vld.idx.msk [tilespmem:v58+s20+$0x0], $0xffff;
	v2 =	vadd.f32 v10, v2  }
0x5f6: {  	v3 =	vld.idx.msk [tilespmem:v3+s20+$0x0], $0xffff;
	v1 =	vadd.f32 v59, v1  }
0x5f7: {  	v4 =	vld.idx.msk [tilespmem:v4+s20+$0x0], $0xffff;
	v2 =	vadd.f32 v60, v2  }
0x5f8: {  	v1 =	vadd.f32 v61, v1  }
0x5f9: {  	v2 =	vadd.f32 v62, v2  }
0x5fa: {  	p0 =	seq.s32 s28, $0xB;
	v1 =	vadd.f32 v63, v1  }
.Ltmp2:
0x5fb: {  	v2 =	vadd.f32 v3, v2;
	(pc) =	sbr.rel @p0 .LBB2_8-.Ltmp2, $4  }
0x5fc: {  	s0 =	sadd.s32 $0x10, s0;
	s30 =	sadd.s32 s29, s8;
	v1 =	vadd.f32 v4, v1  }
0x5fd: {  	s1 =	sshrl.u32 s30, $0x3;
	[tilespmem:s0+$0x0] =	vst v2;
	s0 =	sadd.s32 $0x10, s0  }
0x5fe: {  	s31 =	sadd.s32 s2, s1;
	[tilespmem:s0+$0x0] =	vst v1  }
0x5ff: {  	[hbm4b:s31+s4] =	stream.linear.scatter [tilespmem:s23], [sflag:$0x4], $0x190, $0x38;
	[tilespmem:$0x1FA40] =	vst v63  }
.Ltmp3:
0x600: {  	(pc) =	sbr.rel .LBB2_2-.Ltmp3, $4  }
0x601: {  	s0 =	sadd.s32 $0x4B0, s29  }
0x602: {  	[tilespmem:s16], [sflag:$0x2] =	stream.indirect.gather [hbm4b:s5+s13], $0x40, s0, s13, $0xb8;
	[tilespmem:$0x1FA40] =	vst v63  }
0x603: {  	s31 =	sadd.s32 $0x2BC0, s29;
	s28 =	sadd.s32 $0x1, s28  }
0x604: {  	[tilespmem:s18], [sflag:$0x2] =	stream.indirect.gather [hbm4b:s5+s13], $0x40, s31, s13, $0xb8;
	[tilespmem:$0x1FA40] =	vst v63  }
.LBB2_8:
0x605: {  	_ =	swait.ge [sflag:s19], $0x6400  }
0x606: {  	[sflag:s19] =	ssyncset.done $0x0  }
0x607: {  	[sflag:s19] =	ssyncadd.s32 $0xFFFF9C00  }
0x608: {  	_ =	swait.ge [sflag:s19], $0x6400  }
0x609: {  	[sflag:s19] =	ssyncset.done $0x0  }
0x60a: {  	s30 =	simm.s32 $0x3;
	[sflag:s19] =	ssyncadd.s32 $0xFFFF9C00  }
0x60b: {  	_ =	swait.ge [sflag:s30], $0x190  }
0x60c: {  	[sflag:s30] =	ssyncset.done $0x0  }
0x60d: {  	s7 =	simm.s32 $0x5020;
	[sflag:s30] =	ssyncadd.s32 $0xFFFFFE70  }
0x60e: {  	s6 =	simm.s32 $0x11820;
	v1 =	vld [tilespmem:s7+$0xFFFFFE00]  }
0x60f: {  	v2 =	vld [tilespmem:s6+$0xFFFFFE00]  }
0x610: {  	v3 =	vld [tilespmem:s7+$0xFFFFFE10]  }
0x611: {  	v4 =	vld [tilespmem:s6+$0xFFFFFE10]  }
0x612: {  	v5 =	vld [tilespmem:s7+$0xFFFFFE20]  }
0x613: {  	v6 =	vld [tilespmem:s6+$0xFFFFFE20]  }
0x614: {  	v7 =	vld [tilespmem:s7+$0xFFFFFE30]  }
0x615: {  	v8 =	vld [tilespmem:s6+$0xFFFFFE30]  }
0x616: {  	v1 =	vmul.bf16 v2, v1;
	v2 =	vmul.bf16 v4, v3;
	_ =	sdelay $0x1  }
0x617: {  	v1 =	vadd.bf16 v2, v1;
	v2 =	vmul.bf16 v6, v5;
	_ =	sdelay $0x1  }
0x618: {  	v1 =	vadd.bf16 v2, v1;
	v2 =	vmul.bf16 v8, v7;
	_ =	sdelay $0x1  }
0x619: {  	v1 =	vadd.bf16 v2, v1;
	_ =	sdelay $0x1  }
0x61a: {  	v2 =	vunpack.i.u.bf16.f32 v1;
	v1 =	vunpack.i.l.bf16.f32 v1  }
0x61b: {  	v1 =	vadd.f32 v1, v2  }
0x61c: {  	s0 =	simm.s32 $0x1DEA0  }
0x61d: {  	[tilespmem:s0+$0xFFFFFF80] =	vst v1  }
0x61e: {  	v1 =	vld [tilespmem:s7+$0xFFFFFE40]  }
0x61f: {  	v2 =	vld [tilespmem:s6+$0xFFFFFE40]  }
0x620: {  	v3 =	vld [tilespmem:s7+$0xFFFFFE50]  }
0x621: {  	v4 =	vld [tilespmem:s6+$0xFFFFFE50]  }
0x622: {  	v5 =	vld [tilespmem:s7+$0xFFFFFE60]  }
0x623: {  	v6 =	vld [tilespmem:s6+$0xFFFFFE60]  }
0x624: {  	v7 =	vld [tilespmem:s7+$0xFFFFFE70]  }
0x625: {  	v8 =	vld [tilespmem:s6+$0xFFFFFE70]  }
0x626: {  	v1 =	vmul.bf16 v2, v1;
	v2 =	vmul.bf16 v4, v3;
	_ =	sdelay $0x1  }
0x627: {  	v3 =	vmul.bf16 v6, v5;
	v1 =	vadd.bf16 v2, v1;
	_ =	sdelay $0x1  }
0x628: {  	v2 =	vmul.bf16 v8, v7;
	v1 =	vadd.bf16 v3, v1;
	_ =	sdelay $0x1  }
0x629: {  	v1 =	vadd.bf16 v2, v1;
	_ =	sdelay $0x1  }
0x62a: {  	v2 =	vunpack.i.u.bf16.f32 v1;
	v1 =	vunpack.i.l.bf16.f32 v1  }
0x62b: {  	v1 =	vadd.f32 v1, v2;
	_ =	sdelay $0x1  }
0x62c: {  	[tilespmem:s0+$0xFFFFFF90] =	vst v1  }
0x62d: {  	v1 =	vld [tilespmem:s7+$0xFFFFFE80]  }
0x62e: {  	v2 =	vld [tilespmem:s6+$0xFFFFFE80]  }
0x62f: {  	v3 =	vld [tilespmem:s7+$0xFFFFFE90]  }
0x630: {  	v4 =	vld [tilespmem:s6+$0xFFFFFE90]  }
0x631: {  	v5 =	vld [tilespmem:s7+$0xFFFFFEA0]  }
0x632: {  	v6 =	vld [tilespmem:s6+$0xFFFFFEA0]  }
0x633: {  	v7 =	vld [tilespmem:s7+$0xFFFFFEB0]  }
0x634: {  	v8 =	vld [tilespmem:s6+$0xFFFFFEB0]  }
0x635: {  	v1 =	vmul.bf16 v2, v1;
	v2 =	vmul.bf16 v4, v3;
	_ =	sdelay $0x1  }
0x636: {  	v1 =	vadd.bf16 v2, v1;
	v2 =	vmul.bf16 v6, v5;
	_ =	sdelay $0x1  }
0x637: {  	v1 =	vadd.bf16 v2, v1;
	v2 =	vmul.bf16 v8, v7;
	_ =	sdelay $0x1  }
0x638: {  	v1 =	vadd.bf16 v2, v1;
	_ =	sdelay $0x1  }
0x639: {  	v2 =	vunpack.i.u.bf16.f32 v1;
	v1 =	vunpack.i.l.bf16.f32 v1  }
0x63a: {  	v1 =	vadd.f32 v1, v2;
	_ =	sdelay $0x1  }
0x63b: {  	[tilespmem:s0+$0xFFFFFFA0] =	vst v1  }
0x63c: {  	v1 =	vld [tilespmem:s7+$0xFFFFFEC0]  }
0x63d: {  	v2 =	vld [tilespmem:s6+$0xFFFFFEC0]  }
0x63e: {  	v3 =	vld [tilespmem:s7+$0xFFFFFED0]  }
0x63f: {  	v4 =	vld [tilespmem:s6+$0xFFFFFED0]  }
0x640: {  	v5 =	vld [tilespmem:s7+$0xFFFFFEE0]  }
0x641: {  	v6 =	vld [tilespmem:s6+$0xFFFFFEE0]  }
0x642: {  	v7 =	vld [tilespmem:s7+$0xFFFFFEF0]  }
0x643: {  	v8 =	vld [tilespmem:s6+$0xFFFFFEF0]  }
0x644: {  	v1 =	vmul.bf16 v2, v1;
	v2 =	vmul.bf16 v4, v3;
	_ =	sdelay $0x1  }
0x645: {  	v1 =	vadd.bf16 v2, v1;
	v2 =	vmul.bf16 v6, v5;
	_ =	sdelay $0x1  }
0x646: {  	v1 =	vadd.bf16 v2, v1;
	v2 =	vmul.bf16 v8, v7;
	_ =	sdelay $0x1  }
0x647: {  	v1 =	vadd.bf16 v2, v1;
	_ =	sdelay $0x1  }
0x648: {  	v2 =	vunpack.i.u.bf16.f32 v1;
	v1 =	vunpack.i.l.bf16.f32 v1  }
0x649: {  	v1 =	vadd.f32 v1, v2;
	_ =	sdelay $0x1  }
0x64a: {  	[tilespmem:s0+$0xFFFFFFB0] =	vst v1  }
0x64b: {  	v1 =	vld [tilespmem:s7+$0xFFFFFF00]  }
0x64c: {  	v2 =	vld [tilespmem:s6+$0xFFFFFF00]  }
0x64d: {  	v3 =	vld [tilespmem:s7+$0xFFFFFF10]  }
0x64e: {  	v4 =	vld [tilespmem:s6+$0xFFFFFF10]  }
0x64f: {  	v5 =	vld [tilespmem:s7+$0xFFFFFF20]  }
0x650: {  	v6 =	vld [tilespmem:s6+$0xFFFFFF20]  }
0x651: {  	v7 =	vld [tilespmem:s7+$0xFFFFFF30]  }
0x652: {  	v8 =	vld [tilespmem:s6+$0xFFFFFF30]  }
0x653: {  	v1 =	vmul.bf16 v2, v1;
	v2 =	vmul.bf16 v4, v3;
	_ =	sdelay $0x1  }
0x654: {  	v1 =	vadd.bf16 v2, v1;
	v2 =	vmul.bf16 v6, v5;
	_ =	sdelay $0x1  }
0x655: {  	v1 =	vadd.bf16 v2, v1;
	v2 =	vmul.bf16 v8, v7;
	_ =	sdelay $0x1  }
0x656: {  	v1 =	vadd.bf16 v2, v1;
	_ =	sdelay $0x1  }
0x657: {  	v2 =	vunpack.i.u.bf16.f32 v1;
	v1 =	vunpack.i.l.bf16.f32 v1  }
0x658: {  	v1 =	vadd.f32 v1, v2;
	_ =	sdelay $0x1  }
0x659: {  	[tilespmem:s0+$0xFFFFFFC0] =	vst v1  }
0x65a: {  	v1 =	vld [tilespmem:s7+$0xFFFFFF40]  }
0x65b: {  	v2 =	vld [tilespmem:s6+$0xFFFFFF40]  }
0x65c: {  	v3 =	vld [tilespmem:s7+$0xFFFFFF50]  }
0x65d: {  	v4 =	vld [tilespmem:s6+$0xFFFFFF50]  }
0x65e: {  	v5 =	vld [tilespmem:s7+$0xFFFFFF60]  }
0x65f: {  	v6 =	vld [tilespmem:s6+$0xFFFFFF60]  }
0x660: {  	v7 =	vld [tilespmem:s7+$0xFFFFFF70]  }
0x661: {  	v8 =	vld [tilespmem:s6+$0xFFFFFF70]  }
0x662: {  	v1 =	vmul.bf16 v2, v1;
	v2 =	vmul.bf16 v4, v3;
	_ =	sdelay $0x1  }
0x663: {  	v1 =	vadd.bf16 v2, v1;
	v2 =	vmul.bf16 v6, v5;
	_ =	sdelay $0x1  }
0x664: {  	v1 =	vadd.bf16 v2, v1;
	v2 =	vmul.bf16 v8, v7;
	_ =	sdelay $0x1  }
0x665: {  	v1 =	vadd.bf16 v2, v1;
	_ =	sdelay $0x1  }
0x666: {  	v2 =	vunpack.i.u.bf16.f32 v1;
	v1 =	vunpack.i.l.bf16.f32 v1  }
0x667: {  	v1 =	vadd.f32 v1, v2;
	_ =	sdelay $0x1  }
0x668: {  	[tilespmem:s0+$0xFFFFFFD0] =	vst v1  }
0x669: {  	v1 =	vld [tilespmem:s7+$0xFFFFFF80]  }
0x66a: {  	v2 =	vld [tilespmem:s6+$0xFFFFFF80]  }
0x66b: {  	v3 =	vld [tilespmem:s7+$0xFFFFFF90]  }
0x66c: {  	v4 =	vld [tilespmem:s6+$0xFFFFFF90]  }
0x66d: {  	v5 =	vld [tilespmem:s7+$0xFFFFFFA0]  }
0x66e: {  	v6 =	vld [tilespmem:s6+$0xFFFFFFA0]  }
0x66f: {  	v7 =	vld [tilespmem:s7+$0xFFFFFFB0]  }
0x670: {  	v8 =	vld [tilespmem:s6+$0xFFFFFFB0]  }
0x671: {  	v1 =	vmul.bf16 v2, v1;
	v2 =	vmul.bf16 v4, v3;
	_ =	sdelay $0x1  }
0x672: {  	v1 =	vadd.bf16 v2, v1;
	v2 =	vmul.bf16 v6, v5;
	_ =	sdelay $0x1  }
0x673: {  	v1 =	vadd.bf16 v2, v1;
	v2 =	vmul.bf16 v8, v7;
	_ =	sdelay $0x1  }
0x674: {  	v1 =	vadd.bf16 v2, v1;
	_ =	sdelay $0x1  }
0x675: {  	v2 =	vunpack.i.u.bf16.f32 v1;
	v1 =	vunpack.i.l.bf16.f32 v1  }
0x676: {  	v1 =	vadd.f32 v1, v2;
	_ =	sdelay $0x1  }
0x677: {  	[tilespmem:s0+$0xFFFFFFE0] =	vst v1  }
0x678: {  	v1 =	vld [tilespmem:s7+$0xFFFFFFC0]  }
0x679: {  	v2 =	vld [tilespmem:s6+$0xFFFFFFC0]  }
0x67a: {  	v3 =	vld [tilespmem:s7+$0xFFFFFFD0]  }
0x67b: {  	v4 =	vld [tilespmem:s6+$0xFFFFFFD0]  }
0x67c: {  	v5 =	vld [tilespmem:s7+$0xFFFFFFE0]  }
0x67d: {  	v6 =	vld [tilespmem:s6+$0xFFFFFFE0]  }
0x67e: {  	v7 =	vld [tilespmem:s7+$0xFFFFFFF0]  }
0x67f: {  	s29 =	simm.s32 $0x5420;
	v8 =	vld [tilespmem:s6+$0xFFFFFFF0]  }
0x680: {  	s1 =	simm.s32 $0x11C20;
	v9 =	vld [tilespmem:s29+$0xFFFFFE00];
	v1 =	vmul.bf16 v2, v1;
	v2 =	vmul.bf16 v4, v3  }
0x681: {  	v3 =	vld [tilespmem:s1+$0xFFFFFE00]  }
0x682: {  	v4 =	vld [tilespmem:s29+$0xFFFFFE10];
	v1 =	vadd.bf16 v2, v1;
	v2 =	vmul.bf16 v6, v5  }
0x683: {  	v5 =	vld [tilespmem:s1+$0xFFFFFE10]  }
0x684: {  	v6 =	vld [tilespmem:s29+$0xFFFFFE20];
	v1 =	vadd.bf16 v2, v1;
	v2 =	vmul.bf16 v8, v7  }
0x685: {  	v7 =	vld [tilespmem:s1+$0xFFFFFE20]  }
0x686: {  	v8 =	vld [tilespmem:s29+$0xFFFFFE30];
	v1 =	vadd.bf16 v2, v1  }
0x687: {  	v3 =	vmul.bf16 v3, v9;
	v2 =	vld [tilespmem:s1+$0xFFFFFE30]  }
0x688: {  	v4 =	vmul.bf16 v5, v4;
	v5 =	vunpack.i.u.bf16.f32 v1;
	v1 =	vunpack.i.l.bf16.f32 v1  }
0x689: {  	v1 =	vadd.f32 v1, v5  }
0x68a: {  	v3 =	vadd.bf16 v4, v3;
	v4 =	vmul.bf16 v7, v6  }
0x68b: {  	[tilespmem:s0+$0xFFFFFFF0] =	vst v1  }
0x68c: {  	v1 =	vadd.bf16 v4, v3;
	v2 =	vmul.bf16 v2, v8;
	v3 =	vld [tilespmem:s7+$0x0]  }
0x68d: {  	v4 =	vld [tilespmem:s6+$0x0]  }
0x68e: {  	v5 =	vld [tilespmem:s6+$0x10];
	v1 =	vadd.bf16 v2, v1  }
0x68f: {  	v2 =	vld [tilespmem:s7+$0x10]  }
0x690: {  	v7 =	vld [tilespmem:s7+$0x20];
	v6 =	vunpack.i.u.bf16.f32 v1;
	v1 =	vunpack.i.l.bf16.f32 v1  }
0x691: {  	v1 =	vadd.f32 v1, v6;
	v6 =	vld [tilespmem:s6+$0x20]  }
0x692: {  	s28 =	simm.s32 $0x1DFA0;
	v8 =	vld [tilespmem:s7+$0x30]  }
0x693: {  	[tilespmem:s28+$0xFFFFFF80] =	vst v1;
	v1 =	vld [tilespmem:s6+$0x30]  }
0x694: {  	v3 =	vmul.bf16 v4, v3;
	v2 =	vmul.bf16 v5, v2;
	v12 =	vld [tilespmem:s29+$0xFFFFFE40]  }
0x695: {  	v4 =	vld [tilespmem:s1+$0xFFFFFE40]  }
0x696: {  	v5 =	vld [tilespmem:s29+$0xFFFFFE50];
	v2 =	vadd.bf16 v2, v3;
	v3 =	vmul.bf16 v6, v7  }
0x697: {  	v6 =	vld [tilespmem:s1+$0xFFFFFE50]  }
0x698: {  	v7 =	vld [tilespmem:s29+$0xFFFFFE60];
	v2 =	vadd.bf16 v3, v2;
	v1 =	vmul.bf16 v1, v8  }
0x699: {  	v3 =	vld [tilespmem:s1+$0xFFFFFE60]  }
0x69a: {  	v8 =	vld [tilespmem:s29+$0xFFFFFE70];
	v1 =	vadd.bf16 v1, v2  }
0x69b: {  	v4 =	vmul.bf16 v4, v12;
	v2 =	vld [tilespmem:s1+$0xFFFFFE70]  }
0x69c: {  	v5 =	vmul.bf16 v6, v5;
	v6 =	vunpack.i.u.bf16.f32 v1;
	v1 =	vunpack.i.l.bf16.f32 v1  }
0x69d: {  	v1 =	vadd.f32 v1, v6  }
0x69e: {  	v3 =	vmul.bf16 v3, v7;
	v4 =	vadd.bf16 v5, v4  }
0x69f: {  	[tilespmem:s0+$0x0] =	vst v1  }
0x6a0: {  	v1 =	vmul.bf16 v2, v8;
	v2 =	vadd.bf16 v3, v4;
	v3 =	vld [tilespmem:s7+$0x40]  }
0x6a1: {  	v4 =	vld [tilespmem:s6+$0x40]  }
0x6a2: {  	v5 =	vld [tilespmem:s6+$0x50];
	v1 =	vadd.bf16 v1, v2  }
0x6a3: {  	v2 =	vld [tilespmem:s7+$0x50]  }
0x6a4: {  	v7 =	vld [tilespmem:s7+$0x60];
	v6 =	vunpack.i.u.bf16.f32 v1;
	v1 =	vunpack.i.l.bf16.f32 v1  }
0x6a5: {  	v1 =	vadd.f32 v1, v6;
	v6 =	vld [tilespmem:s6+$0x60]  }
0x6a6: {  	v8 =	vld [tilespmem:s7+$0x70]  }
0x6a7: {  	[tilespmem:s28+$0xFFFFFF90] =	vst v1;
	v1 =	vld [tilespmem:s6+$0x70]  }
0x6a8: {  	v3 =	vmul.bf16 v4, v3;
	v2 =	vmul.bf16 v5, v2;
	v13 =	vld [tilespmem:s29+$0xFFFFFE80]  }
0x6a9: {  	v4 =	vld [tilespmem:s1+$0xFFFFFE80]  }
0x6aa: {  	v5 =	vld [tilespmem:s29+$0xFFFFFE90];
	v2 =	vadd.bf16 v2, v3;
	v3 =	vmul.bf16 v6, v7  }
0x6ab: {  	v6 =	vld [tilespmem:s1+$0xFFFFFE90]  }
0x6ac: {  	v7 =	vld [tilespmem:s29+$0xFFFFFEA0];
	v2 =	vadd.bf16 v3, v2;
	v1 =	vmul.bf16 v1, v8  }
0x6ad: {  	v3 =	vld [tilespmem:s1+$0xFFFFFEA0]  }
0x6ae: {  	v8 =	vld [tilespmem:s29+$0xFFFFFEB0];
	v1 =	vadd.bf16 v1, v2  }
0x6af: {  	v2 =	vmul.bf16 v4, v13;
	v4 =	vld [tilespmem:s1+$0xFFFFFEB0]  }
0x6b0: {  	v5 =	vmul.bf16 v6, v5;
	v6 =	vunpack.i.u.bf16.f32 v1;
	v1 =	vunpack.i.l.bf16.f32 v1  }
0x6b1: {  	v1 =	vadd.f32 v1, v6  }
0x6b2: {  	v2 =	vadd.bf16 v5, v2;
	v3 =	vmul.bf16 v3, v7  }
0x6b3: {  	[tilespmem:s0+$0x10] =	vst v1  }
0x6b4: {  	v1 =	vadd.bf16 v3, v2;
	v2 =	vmul.bf16 v4, v8;
	v3 =	vld [tilespmem:s7+$0x80]  }
0x6b5: {  	v4 =	vld [tilespmem:s6+$0x80]  }
0x6b6: {  	v5 =	vld [tilespmem:s6+$0x90];
	v1 =	vadd.bf16 v2, v1  }
0x6b7: {  	v2 =	vld [tilespmem:s7+$0x90]  }
0x6b8: {  	v7 =	vld [tilespmem:s7+$0xA0];
	v6 =	vunpack.i.u.bf16.f32 v1;
	v1 =	vunpack.i.l.bf16.f32 v1  }
0x6b9: {  	v1 =	vadd.f32 v1, v6;
	v6 =	vld [tilespmem:s6+$0xA0]  }
0x6ba: {  	v8 =	vld [tilespmem:s7+$0xB0]  }
0x6bb: {  	[tilespmem:s28+$0xFFFFFFA0] =	vst v1;
	v1 =	vld [tilespmem:s6+$0xB0]  }
0x6bc: {  	v3 =	vmul.bf16 v4, v3;
	v2 =	vmul.bf16 v5, v2;
	v14 =	vld [tilespmem:s29+$0xFFFFFEC0]  }
0x6bd: {  	v4 =	vld [tilespmem:s1+$0xFFFFFEC0]  }
0x6be: {  	v5 =	vld [tilespmem:s29+$0xFFFFFED0];
	v2 =	vadd.bf16 v2, v3;
	v3 =	vmul.bf16 v6, v7  }
0x6bf: {  	v6 =	vld [tilespmem:s1+$0xFFFFFED0]  }
0x6c0: {  	v7 =	vld [tilespmem:s29+$0xFFFFFEE0];
	v2 =	vadd.bf16 v3, v2;
	v1 =	vmul.bf16 v1, v8  }
0x6c1: {  	v3 =	vld [tilespmem:s1+$0xFFFFFEE0]  }
0x6c2: {  	v8 =	vld [tilespmem:s29+$0xFFFFFEF0];
	v1 =	vadd.bf16 v1, v2  }
0x6c3: {  	v2 =	vmul.bf16 v4, v14;
	v4 =	vld [tilespmem:s1+$0xFFFFFEF0]  }
0x6c4: {  	v5 =	vmul.bf16 v6, v5;
	v6 =	vunpack.i.u.bf16.f32 v1;
	v1 =	vunpack.i.l.bf16.f32 v1  }
0x6c5: {  	v1 =	vadd.f32 v1, v6  }
0x6c6: {  	v2 =	vadd.bf16 v5, v2;
	v3 =	vmul.bf16 v3, v7  }
0x6c7: {  	[tilespmem:s0+$0x20] =	vst v1  }
0x6c8: {  	v1 =	vadd.bf16 v3, v2;
	v2 =	vmul.bf16 v4, v8;
	v3 =	vld [tilespmem:s7+$0xC0]  }
0x6c9: {  	v4 =	vld [tilespmem:s6+$0xC0]  }
0x6ca: {  	v5 =	vld [tilespmem:s6+$0xD0];
	v1 =	vadd.bf16 v2, v1  }
0x6cb: {  	v2 =	vld [tilespmem:s7+$0xD0]  }
0x6cc: {  	v7 =	vld [tilespmem:s7+$0xE0];
	v6 =	vunpack.i.u.bf16.f32 v1;
	v1 =	vunpack.i.l.bf16.f32 v1  }
0x6cd: {  	v1 =	vadd.f32 v1, v6;
	v6 =	vld [tilespmem:s6+$0xE0]  }
0x6ce: {  	v8 =	vld [tilespmem:s7+$0xF0]  }
0x6cf: {  	[tilespmem:s28+$0xFFFFFFB0] =	vst v1;
	v1 =	vld [tilespmem:s6+$0xF0]  }
0x6d0: {  	v3 =	vmul.bf16 v4, v3;
	v2 =	vmul.bf16 v5, v2;
	v15 =	vld [tilespmem:s29+$0xFFFFFF00]  }
0x6d1: {  	v4 =	vld [tilespmem:s1+$0xFFFFFF00]  }
0x6d2: {  	v5 =	vld [tilespmem:s29+$0xFFFFFF10];
	v2 =	vadd.bf16 v2, v3;
	v3 =	vmul.bf16 v6, v7  }
0x6d3: {  	v6 =	vld [tilespmem:s1+$0xFFFFFF10]  }
0x6d4: {  	v7 =	vld [tilespmem:s29+$0xFFFFFF20];
	v2 =	vadd.bf16 v3, v2;
	v1 =	vmul.bf16 v1, v8  }
0x6d5: {  	v3 =	vld [tilespmem:s1+$0xFFFFFF20]  }
0x6d6: {  	v8 =	vld [tilespmem:s29+$0xFFFFFF30];
	v1 =	vadd.bf16 v1, v2  }
0x6d7: {  	s10 =	simm.s32 $0x5820;
	v2 =	vmul.bf16 v4, v15;
	v4 =	vld [tilespmem:s1+$0xFFFFFF30]  }
0x6d8: {  	s25 =	simm.s32 $0x12020;
	v16 =	vld [tilespmem:s10+$0xFFFFFE30];
	v5 =	vmul.bf16 v6, v5;
	v6 =	vunpack.i.u.bf16.f32 v1;
	v1 =	vunpack.i.l.bf16.f32 v1  }
0x6d9: {  	v10 =	vld [tilespmem:s25+$0xFFFFFE30];
	v1 =	vadd.f32 v1, v6  }
0x6da: {  	v19 =	vld [tilespmem:s25+$0xFFFFFE00];
	v2 =	vadd.bf16 v5, v2;
	v3 =	vmul.bf16 v3, v7  }
0x6db: {  	v14 =	vld [tilespmem:s10+$0xFFFFFE10];
	[tilespmem:s0+$0x30] =	vst v1  }
0x6dc: {  	v1 =	vadd.bf16 v3, v2;
	v2 =	vmul.bf16 v4, v8;
	v3 =	vld [tilespmem:s7+$0x100]  }
0x6dd: {  	v4 =	vld [tilespmem:s6+$0x100]  }
0x6de: {  	v7 =	vld [tilespmem:s6+$0x110];
	v1 =	vadd.bf16 v2, v1  }
0x6df: {  	v2 =	vld [tilespmem:s7+$0x110]  }
0x6e0: {  	v11 =	vld [tilespmem:s7+$0x120];
	v8 =	vunpack.i.u.bf16.f32 v1;
	v1 =	vunpack.i.l.bf16.f32 v1  }
0x6e1: {  	v1 =	vadd.f32 v1, v8;
	v8 =	vld [tilespmem:s6+$0x120]  }
0x6e2: {  	v12 =	vld [tilespmem:s7+$0x130]  }
0x6e3: {  	[tilespmem:s28+$0xFFFFFFC0] =	vst v1;
	v1 =	vld [tilespmem:s6+$0x130]  }
0x6e4: {  	v3 =	vmul.bf16 v4, v3;
	v2 =	vmul.bf16 v7, v2;
	v13 =	vld [tilespmem:s29+$0xFFFFFF40]  }
0x6e5: {  	v4 =	vld [tilespmem:s1+$0xFFFFFF40]  }
0x6e6: {  	v7 =	vld [tilespmem:s29+$0xFFFFFF50];
	v2 =	vadd.bf16 v2, v3;
	v3 =	vmul.bf16 v8, v11  }
0x6e7: {  	v8 =	vld [tilespmem:s1+$0xFFFFFF50]  }
0x6e8: {  	v17 =	vld [tilespmem:s29+$0xFFFFFF60];
	v2 =	vadd.bf16 v3, v2;
	v1 =	vmul.bf16 v1, v12  }
0x6e9: {  	v3 =	vld [tilespmem:s1+$0xFFFFFF60]  }
0x6ea: {  	v18 =	vld [tilespmem:s29+$0xFFFFFF70];
	v1 =	vadd.bf16 v1, v2  }
0x6eb: {  	v2 =	vmul.bf16 v4, v13;
	v4 =	vld [tilespmem:s1+$0xFFFFFF70]  }
0x6ec: {  	v6 =	vld [tilespmem:s10+$0xFFFFFE20];
	v7 =	vmul.bf16 v8, v7;
	v8 =	vunpack.i.u.bf16.f32 v1;
	v1 =	vunpack.i.l.bf16.f32 v1  }
0x6ed: {  	v5 =	vld [tilespmem:s10+$0xFFFFFE00];
	v1 =	vadd.f32 v1, v8  }
0x6ee: {  	v8 =	vld [tilespmem:s25+$0xFFFFFE10];
	v2 =	vadd.bf16 v7, v2;
	v3 =	vmul.bf16 v3, v17  }
0x6ef: {  	v7 =	vld [tilespmem:s25+$0xFFFFFE20];
	[tilespmem:s0+$0x40] =	vst v1  }
0x6f0: {  	v1 =	vadd.bf16 v3, v2;
	v2 =	vmul.bf16 v4, v18;
	v3 =	vld [tilespmem:s7+$0x140]  }
0x6f1: {  	v4 =	vld [tilespmem:s6+$0x140]  }
0x6f2: {  	v20 =	vld [tilespmem:s6+$0x150];
	v1 =	vadd.bf16 v2, v1  }
0x6f3: {  	v5 =	vmul.bf16 v19, v5;
	v2 =	vld [tilespmem:s7+$0x150];
	v8 =	vmul.bf16 v8, v14  }
0x6f4: {  	v22 =	vld [tilespmem:s7+$0x160];
	v21 =	vunpack.i.u.bf16.f32 v1;
	v1 =	vunpack.i.l.bf16.f32 v1  }
0x6f5: {  	v6 =	vmul.bf16 v7, v6;
	v7 =	vld [tilespmem:s6+$0x160];
	v5 =	vadd.bf16 v8, v5;
	v1 =	vadd.f32 v1, v21  }
0x6f6: {  	v8 =	vld [tilespmem:s7+$0x170]  }
0x6f7: {  	v5 =	vadd.bf16 v6, v5;
	v6 =	vmul.bf16 v10, v16;
	[tilespmem:s28+$0xFFFFFFD0] =	vst v1;
	v1 =	vld [tilespmem:s6+$0x170]  }
0x6f8: {  	v3 =	vmul.bf16 v4, v3;
	v2 =	vmul.bf16 v20, v2;
	v23 =	vld [tilespmem:s29+$0xFFFFFF80]  }
0x6f9: {  	v24 =	vld [tilespmem:s1+$0xFFFFFF90];
	v4 =	vadd.bf16 v6, v5  }
0x6fa: {  	v5 =	vld [tilespmem:s1+$0xFFFFFF80];
	v2 =	vadd.bf16 v2, v3;
	v3 =	vmul.bf16 v7, v22  }
0x6fb: {  	v6 =	vld [tilespmem:s29+$0xFFFFFF90];
	v7 =	vunpack.i.u.bf16.f32 v4  }
0x6fc: {  	v25 =	vld [tilespmem:s29+$0xFFFFFFA0];
	v4 =	vunpack.i.l.bf16.f32 v4;
	v2 =	vadd.bf16 v3, v2;
	v1 =	vmul.bf16 v1, v8  }
0x6fd: {  	v3 =	vadd.f32 v4, v7;
	v4 =	vld [tilespmem:s1+$0xFFFFFFA0]  }
0x6fe: {  	s11 =	simm.s32 $0x1E0A0;
	v7 =	vld [tilespmem:s29+$0xFFFFFFB0];
	v1 =	vadd.bf16 v1, v2  }
0x6ff: {  	[tilespmem:s11+$0xFFFFFF80] =	vst v3;
	v2 =	vmul.bf16 v5, v23;
	v3 =	vld [tilespmem:s1+$0xFFFFFFB0]  }
0x700: {  	v6 =	vmul.bf16 v24, v6;
	v5 =	vld [tilespmem:s10+$0xFFFFFE70];
	v8 =	vunpack.i.u.bf16.f32 v1;
	v1 =	vunpack.i.l.bf16.f32 v1  }
0x701: {  	v26 =	vld [tilespmem:s25+$0xFFFFFE70];
	v1 =	vadd.f32 v1, v8  }
0x702: {  	v35 =	vld [tilespmem:s10+$0xFFFFFE40];
	v2 =	vadd.bf16 v6, v2;
	v4 =	vmul.bf16 v4, v25  }
0x703: {  	v37 =	vld [tilespmem:s25+$0xFFFFFE40];
	[tilespmem:s0+$0x50] =	vst v1  }
0x704: {  	v1 =	vadd.bf16 v4, v2;
	v2 =	vmul.bf16 v3, v7;
	v3 =	vld [tilespmem:s7+$0x180]  }
0x705: {  	v4 =	vld [tilespmem:s6+$0x180]  }
0x706: {  	v7 =	vld [tilespmem:s6+$0x190];
	v1 =	vadd.bf16 v2, v1  }
0x707: {  	v2 =	vld [tilespmem:s7+$0x190]  }
0x708: {  	v28 =	vld [tilespmem:s7+$0x1A0];
	v27 =	vunpack.i.u.bf16.f32 v1;
	v1 =	vunpack.i.l.bf16.f32 v1  }
0x709: {  	v29 =	vld [tilespmem:s6+$0x1A0];
	v1 =	vadd.f32 v1, v27  }
0x70a: {  	v30 =	vld [tilespmem:s7+$0x1B0]  }
0x70b: {  	[tilespmem:s28+$0xFFFFFFE0] =	vst v1;
	v1 =	vld [tilespmem:s6+$0x1B0]  }
0x70c: {  	v3 =	vmul.bf16 v4, v3;
	v2 =	vmul.bf16 v7, v2;
	v31 =	vld [tilespmem:s29+$0xFFFFFFC0]  }
0x70d: {  	v4 =	vld [tilespmem:s1+$0xFFFFFFC0]  }
0x70e: {  	v7 =	vld [tilespmem:s29+$0xFFFFFFD0];
	v2 =	vadd.bf16 v2, v3;
	v3 =	vmul.bf16 v29, v28  }
0x70f: {  	v32 =	vld [tilespmem:s1+$0xFFFFFFD0]  }
0x710: {  	v33 =	vld [tilespmem:s29+$0xFFFFFFE0];
	v2 =	vadd.bf16 v3, v2;
	v1 =	vmul.bf16 v1, v30  }
0x711: {  	v3 =	vld [tilespmem:s1+$0xFFFFFFE0]  }
0x712: {  	v34 =	vld [tilespmem:s29+$0xFFFFFFF0];
	v1 =	vadd.bf16 v1, v2  }
0x713: {  	v2 =	vmul.bf16 v4, v31;
	v4 =	vld [tilespmem:s1+$0xFFFFFFF0]  }
0x714: {  	v38 =	vld [tilespmem:s10+$0xFFFFFE50];
	v7 =	vmul.bf16 v32, v7;
	v36 =	vunpack.i.u.bf16.f32 v1;
	v1 =	vunpack.i.l.bf16.f32 v1  }
0x715: {  	v6 =	vld [tilespmem:s25+$0xFFFFFE60];
	v1 =	vadd.f32 v1, v36  }
0x716: {  	v8 =	vld [tilespmem:s10+$0xFFFFFE60];
	v2 =	vadd.bf16 v7, v2;
	v3 =	vmul.bf16 v3, v33  }
0x717: {  	v7 =	vld [tilespmem:s25+$0xFFFFFE50];
	[tilespmem:s0+$0x60] =	vst v1  }
0x718: {  	v1 =	vadd.bf16 v3, v2;
	v2 =	vmul.bf16 v4, v34;
	v3 =	vld [tilespmem:s7+$0x1C0]  }
0x719: {  	v4 =	vld [tilespmem:s6+$0x1C0]  }
0x71a: {  	v39 =	vld [tilespmem:s6+$0x1D0];
	v1 =	vadd.bf16 v2, v1  }
0x71b: {  	v15 =	vld [tilespmem:s7+$0x1E0]  }
0x71c: {  	v2 =	vld [tilespmem:s7+$0x1D0];
	v40 =	vunpack.i.u.bf16.f32 v1;
	v1 =	vunpack.i.l.bf16.f32 v1  }
0x71d: {  	v41 =	vld [tilespmem:s6+$0x1E0];
	v1 =	vadd.f32 v1, v40  }
0x71e: {  	v13 =	vmul.bf16 v37, v35;
	v42 =	vld [tilespmem:s7+$0x1F0];
	v7 =	vmul.bf16 v7, v38  }
0x71f: {  	[tilespmem:s28+$0xFFFFFFF0] =	vst v1;
	v1 =	vld [tilespmem:s6+$0x1F0]  }
0x720: {  	v6 =	vmul.bf16 v6, v8;
	v7 =	vadd.bf16 v7, v13;
	v3 =	vmul.bf16 v4, v3;
	v8 =	vld [tilespmem:s29+$0x0]  }
0x721: {  	v4 =	vmul.bf16 v26, v5;
	v2 =	vmul.bf16 v39, v2;
	v5 =	vld [tilespmem:s1+$0x0]  }
0x722: {  	v6 =	vadd.bf16 v6, v7;
	v7 =	vld [tilespmem:s29+$0x10]  }
0x723: {  	v44 =	vld [tilespmem:s1+$0x10];
	v2 =	vadd.bf16 v2, v3;
	v3 =	vmul.bf16 v41, v15  }
0x724: {  	s31 =	simm.s32 $0x0;
	v4 =	vadd.bf16 v4, v6;
	v6 =	vld [tilespmem:s29+$0x20]  }
0x725: {  	v43 =	vmov s31;
	v2 =	vadd.bf16 v3, v2;
	v3 =	vld [tilespmem:s1+$0x20];
	v1 =	vmul.bf16 v1, v42  }
0x726: {  	v9 =	vshll.u32 v43, $0x4;
	v46 =	vld [tilespmem:s29+$0x30];
	v45 =	vunpack.i.u.bf16.f32 v4;
	v4 =	vunpack.i.l.bf16.f32 v4  }
0x727: {  	v1 =	vadd.bf16 v1, v2;
	v2 =	vadd.f32 v4, v45;
	v4 =	vmul.bf16 v5, v8;
	v5 =	vld [tilespmem:s1+$0x30]  }
0x728: {  	v9 =	vor.u32 v0, v9;
	v7 =	vmul.bf16 v44, v7  }
0x729: {  	v8 =	vor.u32 $0x1, v9;
	v47 =	vunpack.i.u.bf16.f32 v1;
	v1 =	vunpack.i.l.bf16.f32 v1  }
0x72a: {  	[tilespmem:s11+$0xFFFFFF90] =	vst v2;
	v2 =	vadd.bf16 v7, v4;
	v3 =	vmul.bf16 v3, v6;
	v1 =	vadd.f32 v1, v47  }
0x72b: {  	v4 =	vor.u32 $0x2, v9;
	v6 =	vld [tilespmem:s10+$0xFFFFFEB0]  }
0x72c: {  	v48 =	vld [tilespmem:s25+$0xFFFFFE80];
	[tilespmem:s0+$0x70] =	vst v1;
	v1 =	vadd.bf16 v3, v2;
	v2 =	vmul.bf16 v5, v46  }
0x72d: {  	v5 =	vor.u32 $0x3, v9;
	v3 =	vld.idx.msk [tilespmem:v9+s20+$0x0], $0xffff  }
0x72e: {  	v56 =	vor.u32 $0x9, v9;
	v7 =	vld.idx.msk [tilespmem:v8+s20+$0x0], $0xffff;
	v1 =	vadd.bf16 v2, v1  }
0x72f: {  	v51 =	vld [tilespmem:s10+$0xFFFFFE90];
	v2 =	vor.u32 $0x4, v9  }
0x730: {  	v16 =	vor.u32 $0xA, v9;
	v4 =	vld.idx.msk [tilespmem:v4+s20+$0x0], $0xffff;
	v49 =	vunpack.i.u.bf16.f32 v1;
	v1 =	vunpack.i.l.bf16.f32 v1  }
0x731: {  	v50 =	vor.u32 $0x5, v9;
	v60 =	vld [tilespmem:s25+$0xFFFFFE90];
	v1 =	vadd.f32 v1, v49  }
0x732: {  	v5 =	vld.idx.msk [tilespmem:v5+s20+$0x0], $0xffff  }
0x733: {  	v52 =	vor.u32 $0x6, v9;
	v15 =	vld.idx.msk [tilespmem:v56+s20+$0x0], $0xffff;
	[tilespmem:s28+$0x0] =	vst v1;
	v1 =	vadd.f32 v7, v3  }
0x734: {  	v2 =	vld.idx.msk [tilespmem:v2+s20+$0x0], $0xffff  }
0x735: {  	v16 =	vld.idx.msk [tilespmem:v16+s20+$0x0], $0xffff;
	v7 =	vor.u32 $0x7, v9;
	v1 =	vadd.f32 v4, v1  }
0x736: {  	v4 =	vld.idx.msk [tilespmem:v50+s20+$0x0], $0xffff  }
0x737: {  	v54 =	vor.u32 $0x8, v9;
	v55 =	vld [tilespmem:s29+$0x40];
	v1 =	vadd.f32 v5, v1  }
0x738: {  	v5 =	vld.idx.msk [tilespmem:v52+s20+$0x0], $0xffff  }
0x739: {  	v57 =	vld [tilespmem:s29+$0x50];
	v1 =	vadd.f32 v2, v1  }
0x73a: {  	v2 =	vld.idx.msk [tilespmem:v7+s20+$0x0], $0xffff  }
0x73b: {  	v7 =	vld [tilespmem:s1+$0x40];
	v1 =	vadd.f32 v4, v1  }
0x73c: {  	v4 =	vld.idx.msk [tilespmem:v54+s20+$0x0], $0xffff  }
0x73d: {  	v1 =	vadd.f32 v5, v1;
	v5 =	vld [tilespmem:s1+$0x50]  }
0x73e: {  	v17 =	vor.u32 $0xB, v9;
	v53 =	vld [tilespmem:s29+$0x60]  }
0x73f: {  	v1 =	vadd.f32 v2, v1;
	v2 =	vld [tilespmem:s1+$0x60]  }
0x740: {  	v18 =	vor.u32 $0xC, v9;
	v3 =	vld [tilespmem:s29+$0x70]  }
0x741: {  	v19 =	vor.u32 $0xD, v9;
	v1 =	vadd.f32 v4, v1;
	v4 =	vld [tilespmem:s1+$0x70]  }
0x742: {  	v61 =	vld [tilespmem:s10+$0xFFFFFEA0];
	v7 =	vmul.bf16 v7, v55;
	v5 =	vmul.bf16 v5, v57  }
0x743: {  	v58 =	vor.u32 $0xE, v9;
	v17 =	vld.idx.msk [tilespmem:v17+s20+$0x0], $0xffff  }
0x744: {  	v8 =	vld [tilespmem:s10+$0xFFFFFE80];
	v1 =	vadd.f32 v15, v1;
	v5 =	vadd.bf16 v5, v7;
	v2 =	vmul.bf16 v2, v53  }
0x745: {  	v59 =	vld.idx.msk [tilespmem:v18+s20+$0x0], $0xffff;
	v9 =	vor.u32 $0xF, v9  }
0x746: {  	v7 =	vld.idx.msk [tilespmem:v19+s20+$0x0], $0xffff;
	v1 =	vadd.f32 v16, v1;
	v2 =	vadd.bf16 v2, v5;
	v3 =	vmul.bf16 v4, v3  }
0x747: {  	v4 =	vld [tilespmem:s25+$0xFFFFFEA0]  }
0x748: {  	v5 =	vld.idx.msk [tilespmem:v58+s20+$0x0], $0xffff;
	v1 =	vadd.f32 v17, v1;
	v2 =	vadd.bf16 v3, v2  }
0x749: {  	v62 =	vmul.bf16 v60, v51;
	v3 =	vmul.bf16 v48, v8;
	v8 =	vld [tilespmem:s25+$0xFFFFFEB0]  }
0x74a: {  	v1 =	vadd.f32 v59, v1;
	v63 =	vunpack.i.u.bf16.f32 v2;
	v2 =	vunpack.i.l.bf16.f32 v2  }
0x74b: {  	v9 =	vld.idx.msk [tilespmem:v9+s20+$0x0], $0xffff;
	v2 =	vadd.f32 v2, v63  }
0x74c: {  	v3 =	vadd.bf16 v62, v3;
	v1 =	vadd.f32 v7, v1;
	v4 =	vmul.bf16 v4, v61  }
0x74d: {  	[tilespmem:s28+$0x10] =	vst v2  }
0x74e: {  	v5 =	vadd.f32 v5, v1;
	v3 =	vadd.bf16 v4, v3;
	v4 =	vmul.bf16 v8, v6;
	v1 =	vld [tilespmem:s29+$0x80]  }
0x74f: {  	v2 =	vld [tilespmem:s1+$0x80]  }
0x750: {  	s12 =	simm.s32 $0x20;
	v5 =	vadd.f32 v9, v5;
	v7 =	vadd.bf16 v4, v3;
	v3 =	vld [tilespmem:s29+$0x90]  }
0x751: {  	s24 =	simm.s32 $0x30;
	s9 =	simm.s32 $0x5820;
	s0 =	simm.s32 $0x1F720;
	v4 =	vld [tilespmem:s1+$0x90]  }
0x752: {  	s17 =	simm.s32 $0x1E0A0;
	s7 =	simm.s32 $0x12020;
	s6 =	simm.s32 $0x10;
	[tilespmem:s0+$0x0] =	vst v5;
	v6 =	vunpack.i.u.bf16.f32 v7;
	v7 =	vunpack.i.l.bf16.f32 v7;
	v5 =	vld [tilespmem:s29+$0xA0]  }
.LBB2_9:
0x753: {  	p0 =	sne.s32 s24, $0x180;
	v6 =	vadd.f32 v7, v6;
	v7 =	vld [tilespmem:s1+$0xA0]  }
0x754: {  	v8 =	vld [tilespmem:s29+$0xB0]  }
0x755: {  	[tilespmem:s11+$0xFFFFFFA0] =	vst v6;
	v6 =	vld [tilespmem:s1+$0xB0]  }
0x756: {  	v1 =	vmul.bf16 v2, v1;
	v9 =	vld [tilespmem:s10+$0xFFFFFEC0];
	v2 =	vmul.bf16 v4, v3  }
0x757: {  	v3 =	vld [tilespmem:s25+$0xFFFFFEC0]  }
0x758: {  	v4 =	vld [tilespmem:s10+$0xFFFFFED0];
	v1 =	vadd.bf16 v2, v1;
	v2 =	vmul.bf16 v7, v5  }
0x759: {  	v5 =	vld [tilespmem:s25+$0xFFFFFED0]  }
0x75a: {  	v7 =	vld [tilespmem:s10+$0xFFFFFEE0];
	v1 =	vadd.bf16 v2, v1;
	v2 =	vmul.bf16 v6, v8  }
0x75b: {  	v6 =	vld [tilespmem:s25+$0xFFFFFEE0]  }
0x75c: {  	v8 =	vld [tilespmem:s10+$0xFFFFFEF0];
	v1 =	vadd.bf16 v2, v1  }
0x75d: {  	v2 =	vmul.bf16 v3, v9;
	v3 =	vld [tilespmem:s25+$0xFFFFFEF0]  }
0x75e: {  	v4 =	vmul.bf16 v5, v4;
	v5 =	vunpack.i.u.bf16.f32 v1;
	v1 =	vunpack.i.l.bf16.f32 v1  }
0x75f: {  	v1 =	vadd.f32 v1, v5  }
0x760: {  	v2 =	vadd.bf16 v4, v2;
	v4 =	vmul.bf16 v6, v7  }
0x761: {  	[tilespmem:s28+$0x20] =	vst v1  }
0x762: {  	v1 =	vadd.bf16 v4, v2;
	v2 =	vmul.bf16 v3, v8;
	v3 =	vld [tilespmem:s29+$0xC0]  }
0x763: {  	v4 =	vld [tilespmem:s1+$0xC0]  }
0x764: {  	v1 =	vadd.bf16 v2, v1;
	v2 =	vld [tilespmem:s29+$0xD0]  }
0x765: {  	v5 =	vld [tilespmem:s1+$0xD0]  }
0x766: {  	v6 =	vunpack.i.u.bf16.f32 v1;
	v1 =	vunpack.i.l.bf16.f32 v1;
	v7 =	vld [tilespmem:s29+$0xE0]  }
0x767: {  	v1 =	vadd.f32 v1, v6;
	v6 =	vld [tilespmem:s1+$0xE0]  }
0x768: {  	v8 =	vld [tilespmem:s29+$0xF0]  }
0x769: {  	[tilespmem:s11+$0xFFFFFFB0] =	vst v1;
	v1 =	vld [tilespmem:s1+$0xF0]  }
0x76a: {  	v3 =	vmul.bf16 v4, v3;
	v9 =	vld [tilespmem:s10+$0xFFFFFF00];
	v2 =	vmul.bf16 v5, v2  }
0x76b: {  	v4 =	vld [tilespmem:s25+$0xFFFFFF00]  }
0x76c: {  	v5 =	vld [tilespmem:s10+$0xFFFFFF10];
	v2 =	vadd.bf16 v2, v3;
	v3 =	vmul.bf16 v6, v7  }
0x76d: {  	v6 =	vld [tilespmem:s25+$0xFFFFFF10]  }
0x76e: {  	v7 =	vld [tilespmem:s10+$0xFFFFFF20];
	v2 =	vadd.bf16 v3, v2;
	v1 =	vmul.bf16 v1, v8  }
0x76f: {  	v3 =	vld [tilespmem:s25+$0xFFFFFF20]  }
0x770: {  	v8 =	vld [tilespmem:s10+$0xFFFFFF30];
	v1 =	vadd.bf16 v1, v2  }
0x771: {  	v2 =	vmul.bf16 v4, v9;
	s10 =	sadd.s32 $0x400, s10;
	v4 =	vld [tilespmem:s25+$0xFFFFFF30]  }
0x772: {  	s25 =	sadd.s32 $0x400, s25;
	v9 =	vld [tilespmem:s10+$0xFFFFFE30];
	v5 =	vmul.bf16 v6, v5;
	v6 =	vunpack.i.u.bf16.f32 v1;
	v1 =	vunpack.i.l.bf16.f32 v1  }
0x773: {  	v10 =	vld [tilespmem:s25+$0xFFFFFE30];
	v1 =	vadd.f32 v1, v6  }
0x774: {  	v6 =	vld [tilespmem:s10+$0xFFFFFE20];
	v2 =	vadd.bf16 v5, v2;
	v3 =	vmul.bf16 v3, v7  }
0x775: {  	v5 =	vld [tilespmem:s10+$0xFFFFFE00];
	[tilespmem:s28+$0x30] =	vst v1  }
0x776: {  	v1 =	vadd.bf16 v3, v2;
	v2 =	vmul.bf16 v4, v8;
	v3 =	vld [tilespmem:s29+$0x100]  }
0x777: {  	v4 =	vld [tilespmem:s1+$0x100]  }
0x778: {  	v1 =	vadd.bf16 v2, v1;
	v2 =	vld [tilespmem:s29+$0x110]  }
0x779: {  	v7 =	vld [tilespmem:s1+$0x110]  }
0x77a: {  	v8 =	vunpack.i.u.bf16.f32 v1;
	v1 =	vunpack.i.l.bf16.f32 v1;
	v11 =	vld [tilespmem:s29+$0x120]  }
0x77b: {  	v1 =	vadd.f32 v1, v8;
	v8 =	vld [tilespmem:s1+$0x120]  }
0x77c: {  	v12 =	vld [tilespmem:s29+$0x130]  }
0x77d: {  	[tilespmem:s11+$0xFFFFFFC0] =	vst v1;
	v1 =	vld [tilespmem:s1+$0x130]  }
0x77e: {  	v3 =	vmul.bf16 v4, v3;
	v13 =	vld [tilespmem:s9+$0xFFFFFF40];
	v2 =	vmul.bf16 v7, v2  }
0x77f: {  	v4 =	vld [tilespmem:s7+$0xFFFFFF40]  }
0x780: {  	v7 =	vld [tilespmem:s9+$0xFFFFFF50];
	v2 =	vadd.bf16 v2, v3;
	v3 =	vmul.bf16 v8, v11  }
0x781: {  	v8 =	vld [tilespmem:s7+$0xFFFFFF50]  }
0x782: {  	v11 =	vld [tilespmem:s9+$0xFFFFFF60];
	v2 =	vadd.bf16 v3, v2;
	v1 =	vmul.bf16 v1, v12  }
0x783: {  	v3 =	vld [tilespmem:s7+$0xFFFFFF60]  }
0x784: {  	v12 =	vld [tilespmem:s9+$0xFFFFFF70];
	v1 =	vadd.bf16 v1, v2  }
0x785: {  	v2 =	vmul.bf16 v4, v13;
	v4 =	vld [tilespmem:s7+$0xFFFFFF70]  }
0x786: {  	v13 =	vld [tilespmem:s25+$0xFFFFFE00];
	v7 =	vmul.bf16 v8, v7;
	v8 =	vunpack.i.u.bf16.f32 v1;
	v1 =	vunpack.i.l.bf16.f32 v1  }
0x787: {  	v14 =	vld [tilespmem:s10+$0xFFFFFE10];
	v1 =	vadd.f32 v1, v8  }
0x788: {  	v8 =	vld [tilespmem:s25+$0xFFFFFE10];
	v2 =	vadd.bf16 v7, v2;
	v3 =	vmul.bf16 v3, v11  }
0x789: {  	v7 =	vld [tilespmem:s25+$0xFFFFFE20];
	[tilespmem:s28+$0x40] =	vst v1  }
0x78a: {  	v1 =	vadd.bf16 v3, v2;
	v2 =	vmul.bf16 v4, v12;
	v3 =	vld [tilespmem:s29+$0x140]  }
0x78b: {  	v4 =	vld [tilespmem:s1+$0x140]  }
0x78c: {  	v1 =	vadd.bf16 v2, v1;
	v2 =	vld [tilespmem:s29+$0x150]  }
0x78d: {  	v5 =	vmul.bf16 v13, v5;
	v8 =	vmul.bf16 v8, v14;
	v11 =	vld [tilespmem:s1+$0x150]  }
0x78e: {  	v12 =	vunpack.i.u.bf16.f32 v1;
	v1 =	vunpack.i.l.bf16.f32 v1;
	v13 =	vld [tilespmem:s29+$0x160]  }
0x78f: {  	v6 =	vmul.bf16 v7, v6;
	v5 =	vadd.bf16 v8, v5;
	v1 =	vadd.f32 v1, v12;
	v7 =	vld [tilespmem:s1+$0x160]  }
0x790: {  	v8 =	vld [tilespmem:s29+$0x170]  }
0x791: {  	v5 =	vadd.bf16 v6, v5;
	v6 =	vmul.bf16 v10, v9;
	[tilespmem:s11+$0xFFFFFFD0] =	vst v1;
	v1 =	vld [tilespmem:s1+$0x170]  }
0x792: {  	v3 =	vmul.bf16 v4, v3;
	v9 =	vld [tilespmem:s9+$0xFFFFFF80];
	v2 =	vmul.bf16 v11, v2  }
0x793: {  	v4 =	vadd.bf16 v6, v5;
	v5 =	vld [tilespmem:s7+$0xFFFFFF80]  }
0x794: {  	v6 =	vld [tilespmem:s9+$0xFFFFFF90];
	v2 =	vadd.bf16 v2, v3;
	v3 =	vmul.bf16 v7, v13  }
0x795: {  	v7 =	vunpack.i.u.bf16.f32 v4;
	v10 =	vld [tilespmem:s7+$0xFFFFFF90]  }
0x796: {  	v4 =	vunpack.i.l.bf16.f32 v4;
	v11 =	vld [tilespmem:s9+$0xFFFFFFA0];
	v2 =	vadd.bf16 v3, v2;
	v1 =	vmul.bf16 v1, v8  }
0x797: {  	v3 =	vadd.f32 v4, v7;
	v4 =	vld [tilespmem:s7+$0xFFFFFFA0]  }
0x798: {  	s11 =	sadd.s32 $0x100, s11;
	v7 =	vld [tilespmem:s9+$0xFFFFFFB0];
	v1 =	vadd.bf16 v1, v2  }
0x799: {  	v2 =	vmul.bf16 v5, v9;
	[tilespmem:s11+$0xFFFFFF80] =	vst v3;
	v3 =	vld [tilespmem:s7+$0xFFFFFFB0]  }
0x79a: {  	v5 =	vld [tilespmem:s10+$0xFFFFFE70];
	v6 =	vmul.bf16 v10, v6;
	v8 =	vunpack.i.u.bf16.f32 v1;
	v1 =	vunpack.i.l.bf16.f32 v1  }
0x79b: {  	v9 =	vld [tilespmem:s25+$0xFFFFFE70];
	v1 =	vadd.f32 v1, v8  }
0x79c: {  	v8 =	vld [tilespmem:s10+$0xFFFFFE60];
	v2 =	vadd.bf16 v6, v2;
	v4 =	vmul.bf16 v4, v11  }
0x79d: {  	v6 =	vld [tilespmem:s25+$0xFFFFFE60];
	[tilespmem:s28+$0x50] =	vst v1  }
0x79e: {  	v1 =	vadd.bf16 v4, v2;
	v2 =	vmul.bf16 v3, v7;
	v3 =	vld [tilespmem:s29+$0x180]  }
0x79f: {  	v4 =	vld [tilespmem:s1+$0x180]  }
0x7a0: {  	v1 =	vadd.bf16 v2, v1;
	v2 =	vld [tilespmem:s29+$0x190]  }
0x7a1: {  	v7 =	vld [tilespmem:s1+$0x190]  }
0x7a2: {  	v10 =	vunpack.i.u.bf16.f32 v1;
	v1 =	vunpack.i.l.bf16.f32 v1;
	v11 =	vld [tilespmem:s29+$0x1A0]  }
0x7a3: {  	v1 =	vadd.f32 v1, v10;
	v10 =	vld [tilespmem:s1+$0x1A0]  }
0x7a4: {  	v12 =	vld [tilespmem:s29+$0x1B0]  }
0x7a5: {  	[tilespmem:s17+$0xFFFFFFE0] =	vst v1;
	v1 =	vld [tilespmem:s1+$0x1B0]  }
0x7a6: {  	v3 =	vmul.bf16 v4, v3;
	v13 =	vld [tilespmem:s9+$0xFFFFFFC0];
	v2 =	vmul.bf16 v7, v2  }
0x7a7: {  	v4 =	vld [tilespmem:s7+$0xFFFFFFC0]  }
0x7a8: {  	v7 =	vld [tilespmem:s9+$0xFFFFFFD0];
	v2 =	vadd.bf16 v2, v3;
	v3 =	vmul.bf16 v10, v11  }
0x7a9: {  	v10 =	vld [tilespmem:s7+$0xFFFFFFD0]  }
0x7aa: {  	v11 =	vld [tilespmem:s9+$0xFFFFFFE0];
	v2 =	vadd.bf16 v3, v2;
	v1 =	vmul.bf16 v1, v12  }
0x7ab: {  	v3 =	vld [tilespmem:s7+$0xFFFFFFE0]  }
0x7ac: {  	v12 =	vld [tilespmem:s9+$0xFFFFFFF0];
	v1 =	vadd.bf16 v1, v2  }
0x7ad: {  	v2 =	vmul.bf16 v4, v13;
	v4 =	vld [tilespmem:s7+$0xFFFFFFF0]  }
0x7ae: {  	v13 =	vld [tilespmem:s10+$0xFFFFFE40];
	v7 =	vmul.bf16 v10, v7;
	v10 =	vunpack.i.u.bf16.f32 v1;
	v1 =	vunpack.i.l.bf16.f32 v1  }
0x7af: {  	v14 =	vld [tilespmem:s25+$0xFFFFFE40];
	v1 =	vadd.f32 v1, v10  }
0x7b0: {  	v10 =	vld [tilespmem:s10+$0xFFFFFE50];
	v2 =	vadd.bf16 v7, v2;
	v3 =	vmul.bf16 v3, v11  }
0x7b1: {  	v7 =	vld [tilespmem:s25+$0xFFFFFE50];
	[tilespmem:s28+$0x60] =	vst v1  }
0x7b2: {  	v1 =	vadd.bf16 v3, v2;
	v2 =	vmul.bf16 v4, v12;
	v3 =	vld [tilespmem:s29+$0x1C0]  }
0x7b3: {  	v4 =	vld [tilespmem:s1+$0x1C0]  }
0x7b4: {  	v1 =	vadd.bf16 v2, v1;
	v2 =	vld [tilespmem:s29+$0x1D0]  }
0x7b5: {  	v11 =	vld [tilespmem:s1+$0x1D0]  }
0x7b6: {  	v12 =	vunpack.i.u.bf16.f32 v1;
	v1 =	vunpack.i.l.bf16.f32 v1;
	v15 =	vld [tilespmem:s29+$0x1E0]  }
0x7b7: {  	v1 =	vadd.f32 v1, v12;
	v12 =	vld [tilespmem:s1+$0x1E0]  }
0x7b8: {  	v13 =	vmul.bf16 v14, v13;
	v7 =	vmul.bf16 v7, v10;
	v10 =	vld [tilespmem:s29+$0x1F0];
	s29 =	smov.u32 s9;
	s9 =	smov.u32 s10  }
0x7b9: {  	v6 =	vmul.bf16 v6, v8;
	[tilespmem:s17+$0xFFFFFFF0] =	vst v1;
	v1 =	vld [tilespmem:s1+$0x1F0];
	s1 =	smov.u32 s7;
	s7 =	smov.u32 s25  }
0x7ba: {  	v7 =	vadd.bf16 v7, v13;
	v3 =	vmul.bf16 v4, v3;
	v8 =	vld [tilespmem:s29+$0x0];
	v2 =	vmul.bf16 v11, v2  }
0x7bb: {  	v4 =	vmul.bf16 v9, v5;
	v9 =	vmov s6;
	s6 =	smov.u32 s12;
	s12 =	smov.u32 s24;
	v5 =	vld [tilespmem:s1+$0x0]  }
0x7bc: {  	v6 =	vadd.bf16 v6, v7;
	v7 =	vld [tilespmem:s29+$0x10];
	v2 =	vadd.bf16 v2, v3;
	v3 =	vmul.bf16 v12, v15  }
0x7bd: {  	v9 =	vshll.u32 v9, $0x4;
	v11 =	vld [tilespmem:s1+$0x10]  }
0x7be: {  	v4 =	vadd.bf16 v4, v6;
	v6 =	vld [tilespmem:s29+$0x20];
	v2 =	vadd.bf16 v3, v2;
	v1 =	vmul.bf16 v1, v10  }
0x7bf: {  	v9 =	vor.u32 v0, v9;
	v3 =	vld [tilespmem:s1+$0x20]  }
0x7c0: {  	v10 =	vunpack.i.u.bf16.f32 v4;
	v4 =	vunpack.i.l.bf16.f32 v4;
	v12 =	vld [tilespmem:s29+$0x30];
	v1 =	vadd.bf16 v1, v2  }
0x7c1: {  	v2 =	vadd.f32 v4, v10;
	v4 =	vmul.bf16 v5, v8;
	v8 =	vor.u32 $0x1, v9;
	v5 =	vld [tilespmem:s1+$0x30]  }
0x7c2: {  	v7 =	vmul.bf16 v11, v7;
	v10 =	vunpack.i.u.bf16.f32 v1;
	v1 =	vunpack.i.l.bf16.f32 v1  }
0x7c3: {  	v1 =	vadd.f32 v1, v10  }
0x7c4: {  	[tilespmem:s11+$0xFFFFFF90] =	vst v2;
	v2 =	vadd.bf16 v7, v4;
	v3 =	vmul.bf16 v3, v6;
	v4 =	vor.u32 $0x2, v9  }
0x7c5: {  	v6 =	vld [tilespmem:s10+$0xFFFFFEB0];
	[tilespmem:s28+$0x70] =	vst v1;
	s28 =	smov.u32 s17;
	s17 =	smov.u32 s11  }
0x7c6: {  	v1 =	vadd.bf16 v3, v2;
	v2 =	vmul.bf16 v5, v12;
	v3 =	vld.idx.msk [tilespmem:v9+s20+$0x0], $0xffff;
	v5 =	vor.u32 $0x3, v9  }
0x7c7: {  	v7 =	vld.idx.msk [tilespmem:v8+s20+$0x0], $0xffff  }
0x7c8: {  	v8 =	vld [tilespmem:s10+$0xFFFFFE80];
	v1 =	vadd.bf16 v2, v1;
	v2 =	vor.u32 $0x4, v9  }
0x7c9: {  	v4 =	vld.idx.msk [tilespmem:v4+s20+$0x0], $0xffff  }
0x7ca: {  	v12 =	vor.u32 $0x5, v9;
	v10 =	vld [tilespmem:s25+$0xFFFFFE80];
	v11 =	vunpack.i.u.bf16.f32 v1;
	v1 =	vunpack.i.l.bf16.f32 v1  }
0x7cb: {  	v1 =	vadd.f32 v1, v11;
	v5 =	vld.idx.msk [tilespmem:v5+s20+$0x0], $0xffff  }
0x7cc: {  	v13 =	vor.u32 $0x6, v9;
	v11 =	vld [tilespmem:s10+$0xFFFFFE90]  }
0x7cd: {  	[tilespmem:s28+$0x0] =	vst v1;
	v1 =	vadd.f32 v7, v3;
	v2 =	vld.idx.msk [tilespmem:v2+s20+$0x0], $0xffff  }
0x7ce: {  	v7 =	vor.u32 $0x7, v9;
	v3 =	vld [tilespmem:s29+$0x70]  }
0x7cf: {  	v1 =	vadd.f32 v4, v1;
	v4 =	vld.idx.msk [tilespmem:v12+s20+$0x0], $0xffff  }
0x7d0: {  	v14 =	vor.u32 $0x8, v9;
	v12 =	vld [tilespmem:s29+$0x60]  }
0x7d1: {  	v1 =	vadd.f32 v5, v1;
	v5 =	vld.idx.msk [tilespmem:v13+s20+$0x0], $0xffff  }
0x7d2: {  	v15 =	vor.u32 $0x9, v9;
	v13 =	vld [tilespmem:s29+$0x40]  }
0x7d3: {  	v1 =	vadd.f32 v2, v1;
	v2 =	vld.idx.msk [tilespmem:v7+s20+$0x0], $0xffff  }
0x7d4: {  	v16 =	vor.u32 $0xA, v9;
	v7 =	vld [tilespmem:s1+$0x40]  }
0x7d5: {  	v1 =	vadd.f32 v4, v1;
	v4 =	vld.idx.msk [tilespmem:v14+s20+$0x0], $0xffff  }
0x7d6: {  	v17 =	vor.u32 $0xB, v9;
	v14 =	vld [tilespmem:s29+$0x50]  }
0x7d7: {  	v1 =	vadd.f32 v5, v1;
	v5 =	vld.idx.msk [tilespmem:v15+s20+$0x0], $0xffff  }
0x7d8: {  	v18 =	vor.u32 $0xC, v9;
	v15 =	vld [tilespmem:s1+$0x50]  }
0x7d9: {  	v1 =	vadd.f32 v2, v1;
	v2 =	vld.idx.msk [tilespmem:v16+s20+$0x0], $0xffff  }
0x7da: {  	v19 =	vor.u32 $0xD, v9;
	v16 =	vld [tilespmem:s1+$0x60]  }
0x7db: {  	v1 =	vadd.f32 v4, v1;
	v4 =	vld.idx.msk [tilespmem:v17+s20+$0x0], $0xffff  }
0x7dc: {  	v20 =	vor.u32 $0xE, v9;
	v17 =	vld [tilespmem:s1+$0x70]  }
0x7dd: {  	v7 =	vmul.bf16 v7, v13;
	v13 =	vmul.bf16 v15, v14;
	v1 =	vadd.f32 v5, v1;
	v5 =	vld.idx.msk [tilespmem:v18+s20+$0x0], $0xffff  }
0x7de: {  	v9 =	vor.u32 $0xF, v9;
	v14 =	vld [tilespmem:s25+$0xFFFFFE90]  }
0x7df: {  	v7 =	vadd.bf16 v13, v7;
	v12 =	vmul.bf16 v16, v12;
	v1 =	vadd.f32 v2, v1;
	v2 =	vld.idx.msk [tilespmem:v19+s20+$0x0], $0xffff  }
0x7e0: {  	v13 =	vld [tilespmem:s10+$0xFFFFFEA0]  }
0x7e1: {  	v7 =	vadd.bf16 v12, v7;
	v3 =	vmul.bf16 v17, v3;
	v1 =	vadd.f32 v4, v1;
	v4 =	vld.idx.msk [tilespmem:v20+s20+$0x0], $0xffff  }
0x7e2: {  	v12 =	vld [tilespmem:s25+$0xFFFFFEA0]  }
0x7e3: {  	v3 =	vadd.bf16 v3, v7;
	v1 =	vadd.f32 v5, v1;
	v5 =	vld.idx.msk [tilespmem:v9+s20+$0x0], $0xffff  }
0x7e4: {  	v7 =	vmul.bf16 v10, v8;
	v8 =	vmul.bf16 v14, v11;
	v9 =	vld [tilespmem:s25+$0xFFFFFEB0]  }
0x7e5: {  	v10 =	vunpack.i.u.bf16.f32 v3;
	v3 =	vunpack.i.l.bf16.f32 v3;
	v1 =	vadd.f32 v2, v1  }
0x7e6: {  	v2 =	vadd.f32 v3, v10  }
0x7e7: {  	v3 =	vadd.bf16 v8, v7;
	v7 =	vmul.bf16 v12, v13;
	v4 =	vadd.f32 v4, v1  }
0x7e8: {  	[tilespmem:s28+$0x10] =	vst v2  }
.Ltmp4:
0x7e9: {  	v3 =	vadd.bf16 v7, v3;
	v6 =	vmul.bf16 v9, v6;
	v1 =	vld [tilespmem:s29+$0x80];
	v4 =	vadd.f32 v5, v4;
	(pc) =	sbr.rel @p0 .LBB2_9-.Ltmp4, $4  }
0x7ea: {  	s0 =	sadd.s32 $0x10, s0;
	v2 =	vld [tilespmem:s1+$0x80]  }
0x7eb: {  	v5 =	vadd.bf16 v6, v3;
	v3 =	vld [tilespmem:s29+$0x90];
	[tilespmem:s0+$0x0] =	vst v4  }
0x7ec: {  	v4 =	vld [tilespmem:s1+$0x90]  }
0x7ed: {  	s24 =	sadd.s32 $0x10, s24;
	v6 =	vunpack.i.u.bf16.f32 v5;
	v7 =	vunpack.i.l.bf16.f32 v5;
	v5 =	vld [tilespmem:s29+$0xA0]  }
0x7ee: {  	v6 =	vadd.f32 v7, v6;
	_ =	sdelay $0x1  }
0x7ef: {  	[tilespmem:s11+$0xFFFFFFA0] =	vst v6  }
0x7f0: {  	v6 =	vld [tilespmem:s10+$0xFFFFFEC0]  }
0x7f1: {  	v63 =	vld [tilespmem:s25+$0xFFFFFEC0]  }
0x7f2: {  	v8 =	vld [tilespmem:s10+$0xFFFFFED0]  }
0x7f3: {  	v9 =	vld [tilespmem:s25+$0xFFFFFED0]  }
0x7f4: {  	v10 =	vld [tilespmem:s10+$0xFFFFFEE0]  }
0x7f5: {  	v11 =	vld [tilespmem:s25+$0xFFFFFEE0]  }
0x7f6: {  	v12 =	vld [tilespmem:s10+$0xFFFFFEF0]  }
0x7f7: {  	v13 =	vld [tilespmem:s25+$0xFFFFFEF0]  }
0x7f8: {  	v6 =	vmul.bf16 v63, v6;
	v14 =	vmul.bf16 v9, v8;
	_ =	sdelay $0x1  }
0x7f9: {  	v15 =	vmul.bf16 v11, v10;
	v6 =	vadd.bf16 v14, v6;
	_ =	sdelay $0x1  }
0x7fa: {  	v16 =	vmul.bf16 v13, v12;
	v6 =	vadd.bf16 v15, v6;
	_ =	sdelay $0x1  }
0x7fb: {  	v6 =	vadd.bf16 v16, v6;
	_ =	sdelay $0x1  }
0x7fc: {  	v7 =	vunpack.i.u.bf16.f32 v6;
	v6 =	vunpack.i.l.bf16.f32 v6  }
0x7fd: {  	v6 =	vadd.f32 v6, v7;
	_ =	sdelay $0x1  }
0x7fe: {  	[tilespmem:s11+$0xFFFFFFB0] =	vst v6  }
0x7ff: {  	v6 =	vld [tilespmem:s10+$0xFFFFFF00]  }
0x800: {  	v17 =	vld [tilespmem:s25+$0xFFFFFF00]  }
0x801: {  	v18 =	vld [tilespmem:s10+$0xFFFFFF10]  }
0x802: {  	v19 =	vld [tilespmem:s25+$0xFFFFFF10]  }
0x803: {  	v20 =	vld [tilespmem:s10+$0xFFFFFF20]  }
0x804: {  	v21 =	vld [tilespmem:s25+$0xFFFFFF20]  }
0x805: {  	v22 =	vld [tilespmem:s10+$0xFFFFFF30]  }
0x806: {  	v23 =	vld [tilespmem:s25+$0xFFFFFF30]  }
0x807: {  	v6 =	vmul.bf16 v17, v6;
	v24 =	vmul.bf16 v19, v18;
	_ =	sdelay $0x1  }
0x808: {  	v25 =	vmul.bf16 v21, v20;
	v6 =	vadd.bf16 v24, v6;
	_ =	sdelay $0x1  }
0x809: {  	v26 =	vmul.bf16 v23, v22;
	v6 =	vadd.bf16 v25, v6;
	_ =	sdelay $0x1  }
0x80a: {  	v6 =	vadd.bf16 v26, v6;
	_ =	sdelay $0x1  }
0x80b: {  	v7 =	vunpack.i.u.bf16.f32 v6;
	v6 =	vunpack.i.l.bf16.f32 v6  }
0x80c: {  	v6 =	vadd.f32 v6, v7;
	_ =	sdelay $0x1  }
0x80d: {  	[tilespmem:s11+$0xFFFFFFC0] =	vst v6  }
0x80e: {  	v6 =	vld [tilespmem:s9+$0xFFFFFF40]  }
0x80f: {  	v27 =	vld [tilespmem:s7+$0xFFFFFF40]  }
0x810: {  	v28 =	vld [tilespmem:s9+$0xFFFFFF50]  }
0x811: {  	v29 =	vld [tilespmem:s7+$0xFFFFFF50]  }
0x812: {  	v30 =	vld [tilespmem:s9+$0xFFFFFF60]  }
0x813: {  	v31 =	vld [tilespmem:s7+$0xFFFFFF60]  }
0x814: {  	v32 =	vld [tilespmem:s9+$0xFFFFFF70]  }
0x815: {  	v33 =	vld [tilespmem:s7+$0xFFFFFF70]  }
0x816: {  	v6 =	vmul.bf16 v27, v6;
	v34 =	vmul.bf16 v29, v28;
	_ =	sdelay $0x1  }
0x817: {  	v35 =	vmul.bf16 v31, v30;
	v6 =	vadd.bf16 v34, v6;
	_ =	sdelay $0x1  }
0x818: {  	v36 =	vmul.bf16 v33, v32;
	v6 =	vadd.bf16 v35, v6;
	_ =	sdelay $0x1  }
0x819: {  	v6 =	vadd.bf16 v36, v6;
	_ =	sdelay $0x1  }
0x81a: {  	v7 =	vunpack.i.u.bf16.f32 v6;
	v6 =	vunpack.i.l.bf16.f32 v6  }
0x81b: {  	v6 =	vadd.f32 v6, v7;
	_ =	sdelay $0x1  }
0x81c: {  	[tilespmem:s11+$0xFFFFFFD0] =	vst v6  }
0x81d: {  	v6 =	vld [tilespmem:s9+$0xFFFFFF80]  }
0x81e: {  	v37 =	vld [tilespmem:s7+$0xFFFFFF80]  }
0x81f: {  	v38 =	vld [tilespmem:s9+$0xFFFFFF90]  }
0x820: {  	v39 =	vld [tilespmem:s7+$0xFFFFFF90]  }
0x821: {  	v40 =	vld [tilespmem:s9+$0xFFFFFFA0]  }
0x822: {  	v41 =	vld [tilespmem:s7+$0xFFFFFFA0]  }
0x823: {  	v42 =	vld [tilespmem:s9+$0xFFFFFFB0]  }
0x824: {  	v43 =	vld [tilespmem:s7+$0xFFFFFFB0]  }
0x825: {  	v6 =	vmul.bf16 v37, v6;
	v44 =	vmul.bf16 v39, v38;
	_ =	sdelay $0x1  }
0x826: {  	v45 =	vmul.bf16 v41, v40;
	v6 =	vadd.bf16 v44, v6;
	_ =	sdelay $0x1  }
0x827: {  	v46 =	vmul.bf16 v43, v42;
	v6 =	vadd.bf16 v45, v6;
	_ =	sdelay $0x1  }
0x828: {  	v6 =	vadd.bf16 v46, v6;
	_ =	sdelay $0x1  }
0x829: {  	v7 =	vunpack.i.u.bf16.f32 v6;
	v6 =	vunpack.i.l.bf16.f32 v6  }
0x82a: {  	v6 =	vadd.f32 v6, v7;
	_ =	sdelay $0x1  }
0x82b: {  	[tilespmem:s17+$0xFFFFFFE0] =	vst v6  }
0x82c: {  	v6 =	vld [tilespmem:s9+$0xFFFFFFC0]  }
0x82d: {  	v47 =	vld [tilespmem:s7+$0xFFFFFFC0]  }
0x82e: {  	v48 =	vld [tilespmem:s9+$0xFFFFFFD0]  }
0x82f: {  	v49 =	vld [tilespmem:s7+$0xFFFFFFD0]  }
0x830: {  	v50 =	vld [tilespmem:s9+$0xFFFFFFE0]  }
0x831: {  	v51 =	vld [tilespmem:s7+$0xFFFFFFE0]  }
0x832: {  	v52 =	vld [tilespmem:s9+$0xFFFFFFF0]  }
0x833: {  	v53 =	vld [tilespmem:s7+$0xFFFFFFF0]  }
0x834: {  	v6 =	vmul.bf16 v47, v6;
	v54 =	vmul.bf16 v49, v48;
	_ =	sdelay $0x1  }
0x835: {  	v55 =	vmul.bf16 v51, v50;
	v6 =	vadd.bf16 v54, v6;
	_ =	sdelay $0x1  }
0x836: {  	v56 =	vmul.bf16 v53, v52;
	v6 =	vadd.bf16 v55, v6;
	_ =	sdelay $0x1  }
0x837: {  	v6 =	vadd.bf16 v56, v6;
	_ =	sdelay $0x1  }
0x838: {  	v7 =	vunpack.i.u.bf16.f32 v6;
	v6 =	vunpack.i.l.bf16.f32 v6  }
0x839: {  	v6 =	vadd.f32 v6, v7;
	_ =	sdelay $0x1  }
0x83a: {  	[tilespmem:s17+$0xFFFFFFF0] =	vst v6  }
0x83b: {  	v6 =	vld [tilespmem:s9+$0x0]  }
0x83c: {  	v57 =	vld [tilespmem:s7+$0x0]  }
0x83d: {  	v58 =	vld [tilespmem:s9+$0x10]  }
0x83e: {  	v59 =	vld [tilespmem:s7+$0x10]  }
0x83f: {  	v60 =	vld [tilespmem:s9+$0x20]  }
0x840: {  	v61 =	vld [tilespmem:s7+$0x20]  }
0x841: {  	v62 =	vld [tilespmem:s9+$0x30]  }
0x842: {  	v63 =	vld [tilespmem:s7+$0x30]  }
0x843: {  	v6 =	vmul.bf16 v57, v6;
	v14 =	vmul.bf16 v59, v58;
	_ =	sdelay $0x1  }
0x844: {  	v15 =	vmul.bf16 v61, v60;
	v6 =	vadd.bf16 v14, v6;
	_ =	sdelay $0x1  }
0x845: {  	v16 =	vmul.bf16 v63, v62;
	v6 =	vadd.bf16 v15, v6;
	_ =	sdelay $0x1  }
0x846: {  	v6 =	vadd.bf16 v16, v6;
	_ =	sdelay $0x1  }
0x847: {  	v7 =	vunpack.i.u.bf16.f32 v6;
	v6 =	vunpack.i.l.bf16.f32 v6  }
0x848: {  	v6 =	vadd.f32 v6, v7;
	_ =	sdelay $0x1  }
0x849: {  	[tilespmem:s17+$0x0] =	vst v6  }
0x84a: {  	v6 =	vld [tilespmem:s9+$0x40]  }
0x84b: {  	v17 =	vld [tilespmem:s7+$0x40]  }
0x84c: {  	v18 =	vld [tilespmem:s9+$0x50]  }
0x84d: {  	v19 =	vld [tilespmem:s7+$0x50]  }
0x84e: {  	v20 =	vld [tilespmem:s9+$0x60]  }
0x84f: {  	v21 =	vld [tilespmem:s7+$0x60]  }
0x850: {  	v22 =	vld [tilespmem:s9+$0x70]  }
0x851: {  	v23 =	vld [tilespmem:s7+$0x70]  }
0x852: {  	v6 =	vmul.bf16 v17, v6;
	v24 =	vmul.bf16 v19, v18;
	_ =	sdelay $0x1  }
0x853: {  	v25 =	vmul.bf16 v21, v20;
	v6 =	vadd.bf16 v24, v6;
	_ =	sdelay $0x1  }
0x854: {  	v26 =	vmul.bf16 v23, v22;
	v6 =	vadd.bf16 v25, v6;
	_ =	sdelay $0x1  }
0x855: {  	v6 =	vadd.bf16 v26, v6;
	_ =	sdelay $0x1  }
0x856: {  	v27 =	vld [tilespmem:s1+$0xA0];
	v28 =	vunpack.i.u.bf16.f32 v6;
	v6 =	vunpack.i.l.bf16.f32 v6  }
0x857: {  	v29 =	vld [tilespmem:s29+$0xB0];
	v6 =	vadd.f32 v6, v28  }
0x858: {  	v30 =	vld [tilespmem:s1+$0xB0]  }
0x859: {  	v1 =	vmul.bf16 v2, v1;
	v2 =	vmul.bf16 v4, v3;
	[tilespmem:s17+$0x10] =	vst v6  }
0x85a: {  	v3 =	vld [tilespmem:s9+$0x80]  }
0x85b: {  	v1 =	vadd.bf16 v2, v1;
	v2 =	vmul.bf16 v27, v5;
	v31 =	vld [tilespmem:s7+$0x80]  }
0x85c: {  	v32 =	vld [tilespmem:s9+$0x90]  }
0x85d: {  	v1 =	vadd.bf16 v2, v1;
	v2 =	vmul.bf16 v30, v29;
	v6 =	vld [tilespmem:s7+$0x90]  }
0x85e: {  	v33 =	vld [tilespmem:s9+$0xA0]  }
0x85f: {  	v1 =	vadd.bf16 v2, v1;
	v2 =	vld [tilespmem:s7+$0xA0]  }
0x860: {  	v34 =	vld [tilespmem:s9+$0xB0]  }
0x861: {  	v35 =	vunpack.i.u.bf16.f32 v1;
	v1 =	vunpack.i.l.bf16.f32 v1;
	v36 =	vld [tilespmem:s7+$0xB0]  }
0x862: {  	v1 =	vadd.f32 v1, v35;
	v3 =	vmul.bf16 v31, v3;
	v37 =	vmul.bf16 v6, v32;
	_ =	sdelay $0x1  }
0x863: {  	[tilespmem:s28+$0x20] =	vst v1;
	v2 =	vmul.bf16 v2, v33;
	v1 =	vadd.bf16 v37, v3  }
0x864: {  	v38 =	vld [tilespmem:s1+$0xC0]  }
0x865: {  	v39 =	vld [tilespmem:s29+$0xD0];
	v1 =	vadd.bf16 v2, v1;
	v2 =	vmul.bf16 v36, v34  }
0x866: {  	v40 =	vld [tilespmem:s1+$0xD0]  }
0x867: {  	v3 =	vld [tilespmem:s29+$0xC0];
	v1 =	vadd.bf16 v2, v1  }
0x868: {  	v41 =	vld [tilespmem:s1+$0xE0]  }
0x869: {  	v2 =	vld [tilespmem:s29+$0xE0];
	v42 =	vunpack.i.u.bf16.f32 v1;
	v1 =	vunpack.i.l.bf16.f32 v1  }
0x86a: {  	v43 =	vld [tilespmem:s29+$0xF0];
	v1 =	vadd.f32 v1, v42  }
0x86b: {  	v44 =	vld [tilespmem:s1+$0xF0]  }
0x86c: {  	v45 =	vmul.bf16 v40, v39;
	v3 =	vmul.bf16 v38, v3;
	[tilespmem:s17+$0x20] =	vst v1  }
0x86d: {  	v1 =	vld [tilespmem:s9+$0xC0]  }
0x86e: {  	v3 =	vadd.bf16 v45, v3;
	v2 =	vmul.bf16 v41, v2;
	v46 =	vld [tilespmem:s7+$0xC0]  }
0x86f: {  	v47 =	vld [tilespmem:s9+$0xD0]  }
0x870: {  	v48 =	vld [tilespmem:s7+$0xD0];
	v2 =	vadd.bf16 v2, v3;
	v3 =	vmul.bf16 v44, v43  }
0x871: {  	v49 =	vld [tilespmem:s9+$0xE0]  }
0x872: {  	v2 =	vadd.bf16 v3, v2;
	v3 =	vld [tilespmem:s7+$0xE0]  }
0x873: {  	v50 =	vld [tilespmem:s9+$0xF0]  }
0x874: {  	v52 =	vld [tilespmem:s7+$0xF0];
	v51 =	vunpack.i.u.bf16.f32 v2;
	v2 =	vunpack.i.l.bf16.f32 v2  }
0x875: {  	v1 =	vmul.bf16 v46, v1;
	v53 =	vmul.bf16 v48, v47;
	v2 =	vadd.f32 v2, v51;
	_ =	sdelay $0x1  }
0x876: {  	v1 =	vadd.bf16 v53, v1;
	[tilespmem:s28+$0x30] =	vst v2;
	v2 =	vmul.bf16 v3, v49  }
0x877: {  	v3 =	vld [tilespmem:s29+$0x100]  }
0x878: {  	v54 =	vld [tilespmem:s1+$0x100];
	v1 =	vadd.bf16 v2, v1;
	v2 =	vmul.bf16 v52, v50  }
0x879: {  	v55 =	vld [tilespmem:s29+$0x110]  }
0x87a: {  	v56 =	vld [tilespmem:s1+$0x110];
	v1 =	vadd.bf16 v2, v1  }
0x87b: {  	v57 =	vld [tilespmem:s1+$0x120]  }
0x87c: {  	v2 =	vld [tilespmem:s29+$0x120];
	v58 =	vunpack.i.u.bf16.f32 v1;
	v1 =	vunpack.i.l.bf16.f32 v1  }
0x87d: {  	v59 =	vld [tilespmem:s29+$0x130];
	v1 =	vadd.f32 v1, v58  }
0x87e: {  	v60 =	vld [tilespmem:s1+$0x130]  }
0x87f: {  	v3 =	vmul.bf16 v54, v3;
	v61 =	vmul.bf16 v56, v55;
	[tilespmem:s17+$0x30] =	vst v1  }
0x880: {  	v1 =	vld [tilespmem:s9+$0x100]  }
0x881: {  	v3 =	vadd.bf16 v61, v3;
	v2 =	vmul.bf16 v57, v2;
	v62 =	vld [tilespmem:s7+$0x100]  }
0x882: {  	v63 =	vld [tilespmem:s9+$0x110]  }
0x883: {  	v12 =	vld [tilespmem:s7+$0x110];
	v2 =	vadd.bf16 v2, v3;
	v3 =	vmul.bf16 v60, v59  }
0x884: {  	v13 =	vld [tilespmem:s9+$0x120]  }
0x885: {  	v2 =	vadd.bf16 v3, v2;
	v3 =	vld [tilespmem:s7+$0x120]  }
0x886: {  	v14 =	vld [tilespmem:s9+$0x130]  }
0x887: {  	v16 =	vld [tilespmem:s7+$0x130];
	v15 =	vunpack.i.u.bf16.f32 v2;
	v2 =	vunpack.i.l.bf16.f32 v2  }
0x888: {  	v1 =	vmul.bf16 v62, v1;
	v17 =	vmul.bf16 v12, v63;
	v2 =	vadd.f32 v2, v15;
	_ =	sdelay $0x1  }
0x889: {  	v1 =	vadd.bf16 v17, v1;
	[tilespmem:s28+$0x40] =	vst v2;
	v2 =	vmul.bf16 v3, v13  }
0x88a: {  	v3 =	vld [tilespmem:s29+$0x140]  }
0x88b: {  	v18 =	vld [tilespmem:s1+$0x140];
	v1 =	vadd.bf16 v2, v1;
	v2 =	vmul.bf16 v16, v14  }
0x88c: {  	v19 =	vld [tilespmem:s29+$0x150]  }
0x88d: {  	v20 =	vld [tilespmem:s1+$0x150];
	v1 =	vadd.bf16 v2, v1  }
0x88e: {  	v21 =	vld [tilespmem:s1+$0x160]  }
0x88f: {  	v2 =	vld [tilespmem:s29+$0x160];
	v22 =	vunpack.i.u.bf16.f32 v1;
	v1 =	vunpack.i.l.bf16.f32 v1  }
0x890: {  	v23 =	vld [tilespmem:s29+$0x170];
	v1 =	vadd.f32 v1, v22  }
0x891: {  	v24 =	vld [tilespmem:s1+$0x170]  }
0x892: {  	v3 =	vmul.bf16 v18, v3;
	v25 =	vmul.bf16 v20, v19;
	[tilespmem:s17+$0x40] =	vst v1  }
0x893: {  	v1 =	vld [tilespmem:s9+$0x140]  }
0x894: {  	v3 =	vadd.bf16 v25, v3;
	v2 =	vmul.bf16 v21, v2;
	v26 =	vld [tilespmem:s7+$0x140]  }
0x895: {  	v27 =	vld [tilespmem:s9+$0x150]  }
0x896: {  	v28 =	vld [tilespmem:s7+$0x150];
	v2 =	vadd.bf16 v2, v3;
	v3 =	vmul.bf16 v24, v23  }
0x897: {  	v29 =	vld [tilespmem:s9+$0x160]  }
0x898: {  	v2 =	vadd.bf16 v3, v2;
	v3 =	vld [tilespmem:s7+$0x160]  }
0x899: {  	v30 =	vld [tilespmem:s9+$0x170]  }
0x89a: {  	v32 =	vld [tilespmem:s7+$0x170];
	v31 =	vunpack.i.u.bf16.f32 v2;
	v2 =	vunpack.i.l.bf16.f32 v2  }
0x89b: {  	v1 =	vmul.bf16 v26, v1;
	v33 =	vmul.bf16 v28, v27;
	v2 =	vadd.f32 v2, v31;
	_ =	sdelay $0x1  }
0x89c: {  	v1 =	vadd.bf16 v33, v1;
	[tilespmem:s28+$0x50] =	vst v2;
	v2 =	vmul.bf16 v3, v29  }
0x89d: {  	v3 =	vld [tilespmem:s29+$0x180]  }
0x89e: {  	v34 =	vld [tilespmem:s1+$0x180];
	v1 =	vadd.bf16 v2, v1;
	v2 =	vmul.bf16 v32, v30  }
0x89f: {  	v35 =	vld [tilespmem:s29+$0x190]  }
0x8a0: {  	v36 =	vld [tilespmem:s1+$0x190];
	v1 =	vadd.bf16 v2, v1  }
0x8a1: {  	v37 =	vld [tilespmem:s1+$0x1A0]  }
0x8a2: {  	v2 =	vld [tilespmem:s29+$0x1A0];
	v38 =	vunpack.i.u.bf16.f32 v1;
	v1 =	vunpack.i.l.bf16.f32 v1  }
0x8a3: {  	v39 =	vld [tilespmem:s29+$0x1B0];
	v1 =	vadd.f32 v1, v38  }
0x8a4: {  	v40 =	vld [tilespmem:s1+$0x1B0]  }
0x8a5: {  	v3 =	vmul.bf16 v34, v3;
	v41 =	vmul.bf16 v36, v35;
	[tilespmem:s17+$0x50] =	vst v1  }
0x8a6: {  	v1 =	vld [tilespmem:s9+$0x180]  }
0x8a7: {  	v3 =	vadd.bf16 v41, v3;
	v2 =	vmul.bf16 v37, v2;
	v42 =	vld [tilespmem:s7+$0x180]  }
0x8a8: {  	v43 =	vld [tilespmem:s9+$0x190]  }
0x8a9: {  	v44 =	vld [tilespmem:s7+$0x190];
	v2 =	vadd.bf16 v2, v3;
	v3 =	vmul.bf16 v40, v39  }
0x8aa: {  	v45 =	vld [tilespmem:s9+$0x1A0]  }
0x8ab: {  	v2 =	vadd.bf16 v3, v2;
	v3 =	vld [tilespmem:s7+$0x1A0]  }
0x8ac: {  	v46 =	vld [tilespmem:s9+$0x1B0]  }
0x8ad: {  	v48 =	vld [tilespmem:s7+$0x1B0];
	v47 =	vunpack.i.u.bf16.f32 v2  }
0x8ae: {  	v2 =	vunpack.i.l.bf16.f32 v2;
	v1 =	vmul.bf16 v42, v1;
	v49 =	vmul.bf16 v44, v43  }
0x8af: {  	v2 =	vadd.f32 v2, v47  }
0x8b0: {  	v1 =	vadd.bf16 v49, v1;
	v3 =	vmul.bf16 v3, v45  }
0x8b1: {  	[tilespmem:s28+$0x60] =	vst v2  }
0x8b2: {  	v2 =	vld [tilespmem:s29+$0x1C0];
	v1 =	vadd.bf16 v3, v1;
	v3 =	vmul.bf16 v48, v46  }
0x8b3: {  	v50 =	vld [tilespmem:s1+$0x1C0]  }
0x8b4: {  	v51 =	vld [tilespmem:s29+$0x1D0];
	v1 =	vadd.bf16 v3, v1  }
0x8b5: {  	v52 =	vld [tilespmem:s29+$0x1E0]  }
0x8b6: {  	v54 =	vld [tilespmem:s1+$0x1E0];
	v53 =	vunpack.i.u.bf16.f32 v1;
	v1 =	vunpack.i.l.bf16.f32 v1  }
0x8b7: {  	v55 =	vld [tilespmem:s29+$0x1F0];
	v1 =	vadd.f32 v1, v53  }
0x8b8: {  	v56 =	vld [tilespmem:s1+$0x1F0]  }
0x8b9: {  	v3 =	vld [tilespmem:s1+$0x1D0];
	[tilespmem:s17+$0x60] =	vst v1  }
0x8ba: {  	v1 =	vld [tilespmem:s9+$0x1C0]  }
0x8bb: {  	v57 =	vld [tilespmem:s7+$0x1C0]  }
0x8bc: {  	v58 =	vld [tilespmem:s9+$0x1D0]  }
0x8bd: {  	v59 =	vld [tilespmem:s7+$0x1D0]  }
0x8be: {  	v60 =	vld [tilespmem:s9+$0x1E0]  }
0x8bf: {  	v2 =	vmul.bf16 v50, v2;
	v3 =	vmul.bf16 v3, v51;
	v61 =	vld [tilespmem:s7+$0x1E0]  }
0x8c0: {  	v62 =	vld [tilespmem:s9+$0x1F0]  }
0x8c1: {  	v63 =	vld [tilespmem:s7+$0x1F0];
	v2 =	vadd.bf16 v3, v2;
	v3 =	vmul.bf16 v54, v52  }
0x8c2: {  	v1 =	vmul.bf16 v57, v1;
	v14 =	vmul.bf16 v59, v58  }
0x8c3: {  	v2 =	vadd.bf16 v3, v2;
	v3 =	vmul.bf16 v56, v55  }
0x8c4: {  	v15 =	vmov s6;
	v4 =	vmul.bf16 v61, v60;
	v1 =	vadd.bf16 v14, v1  }
0x8c5: {  	v7 =	vshll.u32 v15, $0x4;
	v19 =	vmov s12;
	v2 =	vadd.bf16 v3, v2  }
0x8c6: {  	v3 =	vor.u32 v0, v7;
	v16 =	vmul.bf16 v63, v62;
	v1 =	vadd.bf16 v4, v1  }
0x8c7: {  	v7 =	vshll.u32 v19, $0x4;
	v17 =	vor.u32 $0x1, v3  }
0x8c8: {  	v18 =	vunpack.i.u.bf16.f32 v2;
	v2 =	vunpack.i.l.bf16.f32 v2;
	v1 =	vadd.bf16 v16, v1  }
0x8c9: {  	v20 =	vor.u32 v0, v7;
	v2 =	vadd.f32 v2, v18  }
0x8ca: {  	v21 =	vor.u32 $0x1, v20;
	v22 =	vunpack.i.u.bf16.f32 v1;
	v1 =	vunpack.i.l.bf16.f32 v1  }
0x8cb: {  	v23 =	vor.u32 $0x2, v3;
	[tilespmem:s28+$0x70] =	vst v2;
	v1 =	vadd.f32 v1, v22  }
0x8cc: {  	v24 =	vor.u32 $0x2, v20;
	v2 =	vld.idx.msk [tilespmem:v3+s20+$0x0], $0xffff  }
0x8cd: {  	v25 =	vor.u32 $0x3, v3;
	v5 =	vld.idx.msk [tilespmem:v17+s20+$0x0], $0xffff;
	[tilespmem:s17+$0x70] =	vst v1  }
0x8ce: {  	v26 =	vor.u32 $0x3, v20;
	v1 =	vld.idx.msk [tilespmem:v20+s20+$0x0], $0xffff  }
0x8cf: {  	v27 =	vor.u32 $0x4, v3;
	v6 =	vld.idx.msk [tilespmem:v21+s20+$0x0], $0xffff  }
0x8d0: {  	v28 =	vor.u32 $0x4, v20;
	v8 =	vld.idx.msk [tilespmem:v23+s20+$0x0], $0xffff  }
0x8d1: {  	v29 =	vor.u32 $0x5, v3;
	v7 =	vld.idx.msk [tilespmem:v24+s20+$0x0], $0xffff  }
0x8d2: {  	v14 =	vor.u32 $0x5, v20;
	v9 =	vld.idx.msk [tilespmem:v25+s20+$0x0], $0xffff  }
0x8d3: {  	v15 =	vor.u32 $0x6, v3;
	v2 =	vadd.f32 v5, v2;
	v30 =	vld.idx.msk [tilespmem:v26+s20+$0x0], $0xffff  }
0x8d4: {  	v32 =	vor.u32 $0x6, v20;
	v31 =	vld.idx.msk [tilespmem:v27+s20+$0x0], $0xffff;
	v1 =	vadd.f32 v6, v1  }
0x8d5: {  	v33 =	vor.u32 $0x7, v3;
	v34 =	vld.idx.msk [tilespmem:v28+s20+$0x0], $0xffff;
	v2 =	vadd.f32 v8, v2  }
0x8d6: {  	v36 =	vor.u32 $0x7, v20;
	v35 =	vld.idx.msk [tilespmem:v29+s20+$0x0], $0xffff;
	v1 =	vadd.f32 v7, v1  }
0x8d7: {  	v37 =	vor.u32 $0x8, v3;
	v38 =	vld.idx.msk [tilespmem:v14+s20+$0x0], $0xffff;
	v2 =	vadd.f32 v9, v2  }
0x8d8: {  	v40 =	vor.u32 $0x8, v20;
	v39 =	vld.idx.msk [tilespmem:v15+s20+$0x0], $0xffff;
	v1 =	vadd.f32 v30, v1  }
0x8d9: {  	v41 =	vor.u32 $0x9, v3;
	v42 =	vld.idx.msk [tilespmem:v32+s20+$0x0], $0xffff;
	v2 =	vadd.f32 v31, v2  }
0x8da: {  	v43 =	vor.u32 $0x9, v20;
	v6 =	vld.idx.msk [tilespmem:v33+s20+$0x0], $0xffff;
	v1 =	vadd.f32 v34, v1  }
0x8db: {  	v44 =	vor.u32 $0xA, v3;
	v45 =	vld.idx.msk [tilespmem:v36+s20+$0x0], $0xffff;
	v2 =	vadd.f32 v35, v2  }
0x8dc: {  	v46 =	vor.u32 $0xA, v20;
	v7 =	vld.idx.msk [tilespmem:v37+s20+$0x0], $0xffff;
	v1 =	vadd.f32 v38, v1  }
0x8dd: {  	v47 =	vor.u32 $0xB, v3;
	v48 =	vld.idx.msk [tilespmem:v40+s20+$0x0], $0xffff;
	v2 =	vadd.f32 v39, v2  }
0x8de: {  	v49 =	vor.u32 $0xB, v20;
	v5 =	vld.idx.msk [tilespmem:v41+s20+$0x0], $0xffff;
	v1 =	vadd.f32 v42, v1  }
0x8df: {  	v50 =	vor.u32 $0xC, v3;
	v51 =	vld.idx.msk [tilespmem:v43+s20+$0x0], $0xffff;
	v2 =	vadd.f32 v6, v2  }
0x8e0: {  	v52 =	vor.u32 $0xC, v20;
	v8 =	vld.idx.msk [tilespmem:v44+s20+$0x0], $0xffff;
	v1 =	vadd.f32 v45, v1  }
0x8e1: {  	v53 =	vor.u32 $0xD, v3;
	v54 =	vld.idx.msk [tilespmem:v46+s20+$0x0], $0xffff;
	v2 =	vadd.f32 v7, v2  }
0x8e2: {  	v55 =	vor.u32 $0xD, v20;
	v9 =	vld.idx.msk [tilespmem:v47+s20+$0x0], $0xffff;
	v1 =	vadd.f32 v48, v1  }
0x8e3: {  	v56 =	vor.u32 $0xE, v3;
	v57 =	vld.idx.msk [tilespmem:v49+s20+$0x0], $0xffff;
	v2 =	vadd.f32 v5, v2  }
0x8e4: {  	v58 =	vor.u32 $0xE, v20;
	v10 =	vld.idx.msk [tilespmem:v50+s20+$0x0], $0xffff;
	v1 =	vadd.f32 v51, v1  }
0x8e5: {  	v3 =	vor.u32 $0xF, v3;
	v59 =	vld.idx.msk [tilespmem:v52+s20+$0x0], $0xffff;
	v2 =	vadd.f32 v8, v2  }
0x8e6: {  	v4 =	vor.u32 $0xF, v20;
	v60 =	vld.idx.msk [tilespmem:v53+s20+$0x0], $0xffff;
	v1 =	vadd.f32 v54, v1  }
0x8e7: {  	v61 =	vld.idx.msk [tilespmem:v55+s20+$0x0], $0xffff;
	v2 =	vadd.f32 v9, v2  }
0x8e8: {  	v62 =	vld.idx.msk [tilespmem:v56+s20+$0x0], $0xffff;
	v1 =	vadd.f32 v57, v1  }
0x8e9: {  	v63 =	vld.idx.msk [tilespmem:v58+s20+$0x0], $0xffff;
	v2 =	vadd.f32 v10, v2  }
0x8ea: {  	v3 =	vld.idx.msk [tilespmem:v3+s20+$0x0], $0xffff;
	v1 =	vadd.f32 v59, v1  }
0x8eb: {  	v4 =	vld.idx.msk [tilespmem:v4+s20+$0x0], $0xffff;
	v2 =	vadd.f32 v60, v2  }
0x8ec: {  	v1 =	vadd.f32 v61, v1  }
0x8ed: {  	v2 =	vadd.f32 v62, v2  }
0x8ee: {  	v1 =	vadd.f32 v63, v1  }
0x8ef: {  	v2 =	vadd.f32 v3, v2  }
0x8f0: {  	s0 =	sadd.s32 $0x10, s0;
	v1 =	vadd.f32 v4, v1  }
0x8f1: {  	[tilespmem:s0+$0x0] =	vst v2;
	s0 =	sadd.s32 $0x10, s0  }
0x8f2: {  	[tilespmem:s0+$0x0] =	vst v1  }
0x8f3: {  	s29 =	simm.s32 $0x4;
	s0 =	rddreg [dreg:$0x5]  }
0x8f4: {  	[hbm4b:s0+s4] =	stream.linear.scatter [tilespmem:s21], [sflag:$0x3], $0x190, $0x38;
	[tilespmem:$0x1FA40] =	vst v63  }
0x8f5: {  	_ =	swait.ge [sflag:s29], $0x190  }
0x8f6: {  	[sflag:s29] =	ssyncset.done $0x0  }
0x8f7: {  	[sflag:s29] =	ssyncadd.s32 $0xFFFFFE70  }
0x8f8: {  	_ =	swait.ge [sflag:s30], $0x190  }
0x8f9: {  	s26 =	sadd.s32 $0x1, s26;
	s31 =	rddreg [dreg:$0x6]  }
0x8fa: {  	p0 =	sne.s32 s26, s31  }
.Ltmp5:
0x8fb: {  	_ = 	snop;
	(pc) =	sbr.rel @p0 .LBB2_1-.Ltmp5, $3  }
0x8fc: {  	_ =	sdelay $0x1  }
0x8fd: {  	[sflag:s30] =	ssyncset.done $0x0  }
0x8fe: {  	[sflag:s30] =	ssyncadd.s32 $0xFFFFFE70  }
0x8ff: {  	_ =	sfence.sel $0x180000  }
0x900: {  	[bflag:$0x0] =	sbarrier.arrive $0xFFFF  }
0x901: {  	_ =	strace $0x90000047  }
0x902: {  	s0 =	stileid.u32;
	[bflag:$0x2] =	sbarrier.arrive $0xFFFF  }
0x903: {  	p0 =	sne.s32 s0, $0x0;
	s0 =	rddreg [dreg:$0x2]  }
0x904: {  	s0 =	sadd.s32 @!p0 $0x100000, s0  }
0x905: {  	[sflag:s0] =	ssyncadd.tile.s32 @!p0 $0x1;
	_ =	shalt  }
.Lfunc_end2:
_tile_overlayer_lowered:
.L_overlay_start_2:
0x906: {  	(tag) =	ssettag $0x2  }
0x907: {  	s0 =	rddreg [dreg:$0x0];
	s2 =	stileid.u32  }
0x908: {  	s1 =	rddreg [dreg:$0x1];
	p0 =	sne.s32 s2, $0x0  }
0x909: {  	s3 =	rddreg [dreg:$0x2];
	[bflag:$0x3] =	sbarrier.arrive $0xFFFF;
	s2 =	simm.s32 @!p0 $0x1C05  }
0x90a: {  	[timem:s3], [sflag:s2] =	dma.local @!p0 [hbm:s0], s1  }
0x90b: {  	s0 =	simm.s32 @!p0 $0x5  }
0x90c: {  	_ =	swait.ge @!p0 [sflag:s0], s1  }
0x90d: {  	s1 =	ssub.s32 @!p0 $0x0, s1;
	[sflag:s0] =	ssyncset.done @!p0 $0x0  }
0x90e: {  	[sflag:s0] =	ssyncadd.s32 @!p0 s1  }
0x90f: {  	[bflag:$0x3] =	sbarrier.arrive $0xFFFF  }
0x910: {  	_ =	shalt  }

</sc_bundles>
